<compile_context>
chip_gen: v7x
topology: tpu7x:2x2x1
jax: 0.10.2.dev20260603
libtpu: 0.0.44.dev20260713+nightly
codegen_flags: <defaults>
</compile_context>

<pallas_src>
import jax
import jax.numpy as jnp
import numpy as np
from jax import lax
from jax.experimental import pallas as pl
from jax.experimental.pallas import tpu as pltpu
from jax.experimental.pallas import tpu_sc as plsc

B = 128
N = 32768
L = 16
NG = N // L
NBINS = 4096
NBG = NBINS // L
PITCH = 257
R_B = 3276
R_A = 3277
NC, NS = 2, 16
NW = NC * NS
RPW = B // NW

_HW = np.float32(np.float32(0.9) * np.float32(N - 1)) - np.float32(29490.0)
HW = float(_HW)
LW = float(np.float32(1.0) - _HW)

SIGN = np.uint32(0x80000000)


def _keys(x):
  bu = lax.bitcast_convert_type(x, jnp.uint32)
  return jnp.where(bu >= SIGN, ~bu, bu | SIGN)


def _vals(k):
  bits = jnp.where(k >= SIGN, k & jnp.uint32(0x7FFFFFFF), ~k)
  return lax.bitcast_convert_type(bits, jnp.float32)


def _body(x_hbm, out_hbm, row_a, row_b, cand_v, cnt_h, res_v, sem_a, sem_b):
  wid = lax.axis_index("c") * NS + lax.axis_index("s")
  ones_i = jnp.ones((L,), jnp.int32)
  zeros_i = jnp.zeros((L,), jnp.int32)
  zeros_f = jnp.zeros((L,), jnp.float32)
  lane = lax.iota(jnp.int32, L)
  res_s = zeros_f
  res_n = jnp.ones((L,), jnp.float32)

  bufs = [row_a, row_b]
  sems = [sem_a, sem_b]
  base = wid * RPW
  pending = pltpu.async_copy(x_hbm.at[base], bufs[0], sems[0])

  for j in range(RPW):
    row_v = bufs[j % 2]
    pending.wait()
    if j + 1 < RPW:
      pending = pltpu.async_copy(
          x_hbm.at[base + j + 1], bufs[(j + 1) % 2], sems[(j + 1) % 2])

    if j == 0:
      def clear(i, _):
        for u in range(8):
          cnt_h[pl.ds((i * 8 + u) * L, L)] = zeros_i
        return 0

      lax.fori_loop(0, (L * PITCH) // (8 * L), clear, 0)
      cnt_h[pl.ds((L * PITCH) - L, L)] = zeros_i

    def hist(g, _):
      xs = [row_v[pl.ds((g * 8 + u) * L, L)] for u in range(8)]
      idxs = []
      for u in range(8):
        d = lax.bitcast_convert_type(xs[u], jnp.uint32) >> 20
        idxs.append(lax.convert_element_type(d + (d >> 8), jnp.int32))
      for u in range(8):
        plsc.addupdate_scatter(cnt_h, [idxs[u]], ones_i)
      return 0

    lax.fori_loop(0, NG // 8, hist, 0)

    sgn = jnp.where(lane <= 7, -ones_i, ones_i)
    rb0 = jnp.where(lane <= 7, 2047 - lane * 256, lane * 256)
    addr0 = rb0 + lax.shift_right_logical(rb0, 8)

    def w1(g, carry):
      acc, addr = carry
      for u in range(8):
        acc = acc + plsc.load_gather(cnt_h, [addr])
        addr = addr + sgn
      return acc, addr

    lanetot, _ = lax.fori_loop(0, 256 // 8, w1, (zeros_i, addr0))
    lane_excl = plsc.cumsum(lanetot) - lanetot

    def w2(g, carry):
      acc, nb, na, addr = carry
      for u in range(4):
        c = plsc.load_gather(cnt_h, [addr])
        plsc.store_scatter(cnt_h, [addr], zeros_i)
        addr = addr + sgn
        acc = acc + c
        pref = lane_excl + acc
        nb = nb + jnp.where(pref <= R_B, ones_i, zeros_i)
        na = na + jnp.where(pref <= R_A, ones_i, zeros_i)
      return acc, nb, na, addr

    _, nb_vec, na_vec, _ = lax.fori_loop(
        0, 256 // 4, w2, (zeros_i, zeros_i, zeros_i, addr0))
    o_b = jnp.sum(nb_vec)
    o_a = jnp.sum(na_vec)

    rb_b = lax.convert_element_type(
        jnp.where(o_b <= 2047, 2047 - o_b, o_b), jnp.uint32)
    rb_a = lax.convert_element_type(
        jnp.where(o_a <= 2047, 2047 - o_a, o_a), jnp.uint32)
    bits_hi = jnp.where(o_b <= 2047,
                        (rb_b << 20) | jnp.uint32(0xFFFFF), rb_b << 20)
    bits_lo = jnp.where(o_a <= 2047,
                        rb_a << 20, (rb_a << 20) | jnp.uint32(0xFFFFF))
    vhi = lax.bitcast_convert_type(bits_hi, jnp.float32)
    vlo = lax.bitcast_convert_type(bits_lo, jnp.float32)
    klo = _keys(vlo)
    khi = _keys(vhi)

    def collect(g, carry):
      off, cab, sab = carry
      xs = [row_v[pl.ds((g * 8 + u) * L, L)] for u in range(8)]
      mhs = [x > vhi for x in xs]
      mms = [(x >= vlo) & (x <= vhi) for x in xs]
      pcs = [plsc.all_reduce_population_count(m) for m in mms]
      for u in range(8):
        cab = cab + plsc.all_reduce_population_count(mhs[u])
        sab = sab + jnp.where(mhs[u], xs[u], zeros_f)
      offs = []
      for u in range(8):
        offs.append(off)
        off = off + pcs[u][0]
      for u in range(8):
        plsc.store_compressed(cand_v.at[pl.ds(offs[u], L)], xs[u],
                              mask=mms[u])
      return off, cab, sab

    ncand, cab_vec, sab_vec = lax.fori_loop(
        0, NG // 8, collect, (jnp.int32(0), zeros_i, zeros_f))
    cnt_ab = cab_vec[0]
    sum_ab = jnp.sum(sab_vec)
    for u in range(4):
      cand_v[pl.ds(ncand + u * L, L)] = jnp.full((L,), -np.inf, jnp.float32)
    n_g = (ncand + (L - 1)) // L
    n_g4 = (ncand + (4 * L - 1)) // (4 * L)

    r_local = R_A - cnt_ab
    r_vec = zeros_i + r_local

    wf = lax.convert_element_type(khi - klo, jnp.float32)
    trips = lax.convert_element_type(
        (lax.bitcast_convert_type(wf, jnp.uint32) >> 23) & jnp.uint32(0xFF),
        jnp.int32) - 126

    lo_vec = jnp.zeros((L,), jnp.uint32) + klo
    hi_vec = jnp.zeros((L,), jnp.uint32) + khi

    def bis(_, lohi):
      lo, hi = lohi
      mid = lo + ((hi - lo) >> 1)
      vmid = _vals(mid)

      def cbody(g, cv):
        xs = [cand_v[pl.ds((g * 4 + u) * L, L)] for u in range(4)]
        ms = [x > vmid for x in xs]
        for u in range(4):
          cv = cv + plsc.all_reduce_population_count(ms[u])
        return cv

      cv = lax.fori_loop(0, n_g4, cbody, zeros_i)
      le = cv <= r_vec
      return (jnp.where(le, lo, mid + jnp.uint32(1)),
              jnp.where(le, mid, hi))

    lo_vec, _ = lax.fori_loop(0, trips, bis, (lo_vec, hi_vec))
    a_v = _vals(lo_vec)

    def bpass(g, carry):
      cgt, minv = carry
      x = cand_v[pl.ds(g * L, L)]
      m = x > a_v
      cgt = cgt + plsc.all_reduce_population_count(m)
      minv = jnp.minimum(minv, jnp.where(m, x, jnp.float32(np.inf)))
      return cgt, minv

    cgt_vec, minv_vec = lax.fori_loop(
        0, n_g, bpass, (zeros_i, jnp.full((L,), np.inf, jnp.float32)))
    have_b = (cnt_ab + cgt_vec[0]) >= R_A
    b_v = jnp.where(have_b, jnp.min(minv_vec), a_v)

    t = a_v * jnp.float32(LW) + b_v * jnp.float32(HW)

    def fpass(g, carry):
      cnt_t, sum_t = carry
      x = cand_v[pl.ds(g * L, L)]
      m = x > t
      cnt_t = cnt_t + plsc.all_reduce_population_count(m)
      sum_t = sum_t + jnp.where(m, x, zeros_f)
      return cnt_t, sum_t

    cnt_t_vec, sum_t_vec = lax.fori_loop(0, n_g, fpass, (zeros_i, zeros_f))
    ntot = lax.convert_element_type(
        jnp.maximum(cnt_ab + cnt_t_vec[0], 1), jnp.float32)
    stot = sum_ab + jnp.sum(sum_t_vec)
    res_s = jnp.where(lane == j, stot, res_s)
    res_n = jnp.where(lane == j, ntot, res_n)

  res_v[...] = res_s / res_n
  pltpu.sync_copy(res_v, out_hbm.at[wid])


_mesh = plsc.VectorSubcoreMesh(
    core_axis_name="c", subcore_axis_name="s", num_cores=NC, num_subcores=NS)


@jax.jit
def kernel(patch_logits):
  out = pl.kernel(
      _body,
      out_type=jax.ShapeDtypeStruct((NW, L), jnp.float32),
      mesh=_mesh,
      compiler_params=pltpu.CompilerParams(needs_layout_passes=False),
      scratch_types=[
          pltpu.VMEM((N,), jnp.float32),
          pltpu.VMEM((N,), jnp.float32),
          pltpu.VMEM((N + 4 * L,), jnp.float32),
          pltpu.VMEM((L * PITCH,), jnp.int32),
          pltpu.VMEM((L,), jnp.float32),
          pltpu.SemaphoreType.DMA,
          pltpu.SemaphoreType.DMA,
      ],
  )(patch_logits)
  return out[:, :RPW].reshape(B, 1)

# --- scband reference (transcript-rebuilt; emitter-appended) ---
"""Pipeline reference for scband-dynamic-threshold-pooling-50637664420180 (READ-ONLY COPY).

The authoritative reference and input builder live on the scoring server;
editing this copy changes nothing except your own understanding.
"""

import jax, jax.numpy as jnp
import numpy as np


def setup_inputs(seed: int = 0) -> dict:
    key = jax.random.key(seed)
    patch_logits = jax.random.normal(key, (128, 32768), dtype=jnp.float32)
    return {"patch_logits": patch_logits}


def reference(patch_logits):
    # Flatten to (B, H*W) if 4D; here input is already 2D but keep the logic faithful.
    if patch_logits.ndim == 4:
        batch_size = patch_logits.shape[0]
        patch_logits_flat = patch_logits.reshape(batch_size, -1)
    else:
        patch_logits_flat = patch_logits
    # percentile = 90 -> quantile 0.9 with linear interpolation (matches torch.quantile default)
    thresholds = jnp.quantile(patch_logits_flat, 90 / 100.0, axis=1, keepdims=True)
    mask = patch_logits_flat > thresholds
    selected = jnp.where(mask, patch_logits_flat, jnp.zeros_like(patch_logits_flat))
    denom = jnp.maximum(jnp.sum(mask, axis=1, keepdims=True), 1).astype(patch_logits_flat.dtype)
    image_logits = jnp.sum(selected, axis=1, keepdims=True) / denom
    return image_logits

if __name__ == "__main__":
    import jax
    _d = setup_inputs()
    print(jax.jit(kernel)(*tuple(_d.values())))

</pallas_src>

<mosaic_0001>
#map = affine_map<(d0, d1) -> (0, 0)>
module attributes {stable_mosaic.version = 14 : i64} {
  func.func @_body(%arg0: i32, %arg1: i32, %arg2: memref<128x32768xf32, #tpu.memory_space<hbm>>, %arg3: memref<32x16xf32, #tpu.memory_space<hbm>>, %arg4: memref<32768xf32, #tpu.memory_space<vmem>>, %arg5: memref<32768xf32, #tpu.memory_space<vmem>>, %arg6: memref<32832xf32, #tpu.memory_space<vmem>>, %arg7: memref<4112xi32, #tpu.memory_space<vmem>>, %arg8: memref<16xf32, #tpu.memory_space<vmem>>, %arg9: memref<!tpu.dma_semaphore, #tpu.memory_space<semaphore_mem>>, %arg10: memref<!tpu.dma_semaphore, #tpu.memory_space<semaphore_mem>>) attributes {dimension_semantics = [#tpu.dimension_semantics<core_parallel>, #tpu.dimension_semantics<subcore_parallel>], iteration_bounds = array<i64: 2, 16>, scalar_prefetch = 0 : i64, scratch_operands = 7 : i64, tpu.core_type = #tpu.core_type<sc_vector_subcore>, window_params = [{transform_indices = #map}, {transform_indices = #map}]} {
    %mul3A = arith.constant 16 : i32
    %mul3A_0 = arith.muli %arg0, %mul3A : i32
    %add3A = arith.addi %mul3A_0, %arg1 : i32
    %broadcast_in_dim3A = arith.constant 1 : i32
    %broadcast_in_dim3A_1 = vector.broadcast %broadcast_in_dim3A : i32 to vector<16xi32>
    %broadcast_in_dim3A_2 = arith.constant 0 : i32
    %broadcast_in_dim3A_3 = vector.broadcast %broadcast_in_dim3A_2 : i32 to vector<16xi32>
    %broadcast_in_dim3A_4 = arith.constant 0.000000e+00 : f32
    %broadcast_in_dim3A_5 = vector.broadcast %broadcast_in_dim3A_4 : f32 to vector<16xf32>
    %iota3A = tpu.iota {dimensions = array<i32: 0>} : vector<16xi32>
    %broadcast_in_dim3A_6 = arith.constant 1.000000e+00 : f32
    %broadcast_in_dim3A_7 = vector.broadcast %broadcast_in_dim3A_6 : f32 to vector<16xf32>
    %mul3A_8 = arith.constant 4 : i32
    %mul3A_9 = arith.muli %add3A, %mul3A_8 : i32
    %dma_start3A = arith.constant 0 : i32
    %dma_start3A_10 = tpu.memref_slice %arg2[%mul3A_9, %dma_start3A] : memref<128x32768xf32, #tpu.memory_space<hbm>> -> memref<1x32768xf32, #tpu.memory_space<hbm>>
    %dma_start3A_11 = tpu.memref_squeeze %dma_start3A_10 : memref<1x32768xf32, #tpu.memory_space<hbm>> -> memref<32768xf32, #tpu.memory_space<hbm>>
    %dma_start3A_12 = arith.constant 0 : i32
    %dma_start3A_13 = tpu.memref_slice %arg2[%mul3A_9, %dma_start3A_12] : memref<128x32768xf32, #tpu.memory_space<hbm>> -> memref<1x32768xf32, #tpu.memory_space<hbm>>
    %dma_start3A_14 = tpu.memref_squeeze %dma_start3A_13 : memref<1x32768xf32, #tpu.memory_space<hbm>> -> memref<32768xf32, #tpu.memory_space<hbm>>
    tpu.enqueue_dma source(%dma_start3A_14 : memref<32768xf32, #tpu.memory_space<hbm>>) target(%arg4 : memref<32768xf32, #tpu.memory_space<vmem>>) target_semaphore(%arg9 : memref<!tpu.dma_semaphore, #tpu.memory_space<semaphore_mem>>)
    %dma_wait3A = arith.constant 0 : i32
    %dma_wait3A_15 = tpu.memref_slice %arg2[%mul3A_9, %dma_wait3A] : memref<128x32768xf32, #tpu.memory_space<hbm>> -> memref<1x32768xf32, #tpu.memory_space<hbm>>
    %dma_wait3A_16 = tpu.memref_squeeze %dma_wait3A_15 : memref<1x32768xf32, #tpu.memory_space<hbm>> -> memref<32768xf32, #tpu.memory_space<hbm>>
    %dma_wait3A_17 = arith.constant 0 : i32
    %dma_wait3A_18 = tpu.memref_slice %arg2[%mul3A_9, %dma_wait3A_17] : memref<128x32768xf32, #tpu.memory_space<hbm>> -> memref<1x32768xf32, #tpu.memory_space<hbm>>
    %dma_wait3A_19 = tpu.memref_squeeze %dma_wait3A_18 : memref<1x32768xf32, #tpu.memory_space<hbm>> -> memref<32768xf32, #tpu.memory_space<hbm>>
    tpu.wait_dma2 semaphore(%arg9 : memref<!tpu.dma_semaphore, #tpu.memory_space<semaphore_mem>>) src(%dma_wait3A_19 : memref<32768xf32, #tpu.memory_space<hbm>>) dst(%arg4 : memref<32768xf32, #tpu.memory_space<vmem>>)
    %add3A_20 = arith.constant 0 : i32
    %add3A_21 = arith.addi %mul3A_9, %add3A_20 : i32
    %add3A_22 = arith.constant 1 : i32
    %add3A_23 = arith.addi %add3A_21, %add3A_22 : i32
    %dma_start3A_24 = arith.constant 0 : i32
    %dma_start3A_25 = tpu.memref_slice %arg2[%add3A_23, %dma_start3A_24] : memref<128x32768xf32, #tpu.memory_space<hbm>> -> memref<1x32768xf32, #tpu.memory_space<hbm>>
    %dma_start3A_26 = tpu.memref_squeeze %dma_start3A_25 : memref<1x32768xf32, #tpu.memory_space<hbm>> -> memref<32768xf32, #tpu.memory_space<hbm>>
    %dma_start3A_27 = arith.constant 0 : i32
    %dma_start3A_28 = tpu.memref_slice %arg2[%add3A_23, %dma_start3A_27] : memref<128x32768xf32, #tpu.memory_space<hbm>> -> memref<1x32768xf32, #tpu.memory_space<hbm>>
    %dma_start3A_29 = tpu.memref_squeeze %dma_start3A_28 : memref<1x32768xf32, #tpu.memory_space<hbm>> -> memref<32768xf32, #tpu.memory_space<hbm>>
    tpu.enqueue_dma source(%dma_start3A_29 : memref<32768xf32, #tpu.memory_space<hbm>>) target(%arg5 : memref<32768xf32, #tpu.memory_space<vmem>>) target_semaphore(%arg10 : memref<!tpu.dma_semaphore, #tpu.memory_space<semaphore_mem>>)
    %scan3A = arith.constant 0 : i32
    %scan3A_30 = arith.constant 0 : i32
    %scan3A_31 = arith.constant 32 : i32
    %scan3A_32 = arith.addi %scan3A_30, %scan3A_31 : i32
    %scan3A_33 = arith.constant 1 : i32
    %scan3A_34 = scf.for %scan3A_1233 = %scan3A_30 to %scan3A_32 step %scan3A_33 iter_args(%scan3A_1234 = %scan3A) -> (i32)  : i32 {
      %mul3A_1235 = arith.constant 8 : i32
      %mul3A_1236 = arith.muli %scan3A_1233, %mul3A_1235 : i32
      %add3A_1237 = arith.constant 0 : i32
      %add3A_1238 = arith.addi %mul3A_1236, %add3A_1237 : i32
      %mul3A_1239 = arith.constant 16 : i32
      %mul3A_1240 = arith.muli %add3A_1238, %mul3A_1239 : i32
      %swap3A_1241 = arith.index_cast %mul3A_1240 : i32 to index
      %swap3A_1242 = tpu.vector_load %arg7[%swap3A_1241] {strides = array<i32>} : memref<4112xi32, #tpu.memory_space<vmem>>, vector<16xi32>,
      tpu.vector_store %arg7[%swap3A_1241], %broadcast_in_dim3A_3 {strides = array<i32>} : memref<4112xi32, #tpu.memory_space<vmem>>, vector<16xi32>,
      %mul3A_1243 = arith.constant 8 : i32
      %mul3A_1244 = arith.muli %scan3A_1233, %mul3A_1243 : i32
      %add3A_1245 = arith.constant 1 : i32
      %add3A_1246 = arith.addi %mul3A_1244, %add3A_1245 : i32
      %mul3A_1247 = arith.constant 16 : i32
      %mul3A_1248 = arith.muli %add3A_1246, %mul3A_1247 : i32
      %swap3A_1249 = arith.index_cast %mul3A_1248 : i32 to index
      %swap3A_1250 = tpu.vector_load %arg7[%swap3A_1249] {strides = array<i32>} : memref<4112xi32, #tpu.memory_space<vmem>>, vector<16xi32>,
      tpu.vector_store %arg7[%swap3A_1249], %broadcast_in_dim3A_3 {strides = array<i32>} : memref<4112xi32, #tpu.memory_space<vmem>>, vector<16xi32>,
      %mul3A_1251 = arith.constant 8 : i32
      %mul3A_1252 = arith.muli %scan3A_1233, %mul3A_1251 : i32
      %add3A_1253 = arith.constant 2 : i32
      %add3A_1254 = arith.addi %mul3A_1252, %add3A_1253 : i32
      %mul3A_1255 = arith.constant 16 : i32
      %mul3A_1256 = arith.muli %add3A_1254, %mul3A_1255 : i32
      %swap3A_1257 = arith.index_cast %mul3A_1256 : i32 to index
      %swap3A_1258 = tpu.vector_load %arg7[%swap3A_1257] {strides = array<i32>} : memref<4112xi32, #tpu.memory_space<vmem>>, vector<16xi32>,
      tpu.vector_store %arg7[%swap3A_1257], %broadcast_in_dim3A_3 {strides = array<i32>} : memref<4112xi32, #tpu.memory_space<vmem>>, vector<16xi32>,
      %mul3A_1259 = arith.constant 8 : i32
      %mul3A_1260 = arith.muli %scan3A_1233, %mul3A_1259 : i32
      %add3A_1261 = arith.constant 3 : i32
      %add3A_1262 = arith.addi %mul3A_1260, %add3A_1261 : i32
      %mul3A_1263 = arith.constant 16 : i32
      %mul3A_1264 = arith.muli %add3A_1262, %mul3A_1263 : i32
      %swap3A_1265 = arith.index_cast %mul3A_1264 : i32 to index
      %swap3A_1266 = tpu.vector_load %arg7[%swap3A_1265] {strides = array<i32>} : memref<4112xi32, #tpu.memory_space<vmem>>, vector<16xi32>,
      tpu.vector_store %arg7[%swap3A_1265], %broadcast_in_dim3A_3 {strides = array<i32>} : memref<4112xi32, #tpu.memory_space<vmem>>, vector<16xi32>,
      %mul3A_1267 = arith.constant 8 : i32
      %mul3A_1268 = arith.muli %scan3A_1233, %mul3A_1267 : i32
      %add3A_1269 = arith.constant 4 : i32
      %add3A_1270 = arith.addi %mul3A_1268, %add3A_1269 : i32
      %mul3A_1271 = arith.constant 16 : i32
      %mul3A_1272 = arith.muli %add3A_1270, %mul3A_1271 : i32
      %swap3A_1273 = arith.index_cast %mul3A_1272 : i32 to index
      %swap3A_1274 = tpu.vector_load %arg7[%swap3A_1273] {strides = array<i32>} : memref<4112xi32, #tpu.memory_space<vmem>>, vector<16xi32>,
      tpu.vector_store %arg7[%swap3A_1273], %broadcast_in_dim3A_3 {strides = array<i32>} : memref<4112xi32, #tpu.memory_space<vmem>>, vector<16xi32>,
      %mul3A_1275 = arith.constant 8 : i32
      %mul3A_1276 = arith.muli %scan3A_1233, %mul3A_1275 : i32
      %add3A_1277 = arith.constant 5 : i32
      %add3A_1278 = arith.addi %mul3A_1276, %add3A_1277 : i32
      %mul3A_1279 = arith.constant 16 : i32
      %mul3A_1280 = arith.muli %add3A_1278, %mul3A_1279 : i32
      %swap3A_1281 = arith.index_cast %mul3A_1280 : i32 to index
      %swap3A_1282 = tpu.vector_load %arg7[%swap3A_1281] {strides = array<i32>} : memref<4112xi32, #tpu.memory_space<vmem>>, vector<16xi32>,
      tpu.vector_store %arg7[%swap3A_1281], %broadcast_in_dim3A_3 {strides = array<i32>} : memref<4112xi32, #tpu.memory_space<vmem>>, vector<16xi32>,
      %mul3A_1283 = arith.constant 8 : i32
      %mul3A_1284 = arith.muli %scan3A_1233, %mul3A_1283 : i32
      %add3A_1285 = arith.constant 6 : i32
      %add3A_1286 = arith.addi %mul3A_1284, %add3A_1285 : i32
      %mul3A_1287 = arith.constant 16 : i32
      %mul3A_1288 = arith.muli %add3A_1286, %mul3A_1287 : i32
      %swap3A_1289 = arith.index_cast %mul3A_1288 : i32 to index
      %swap3A_1290 = tpu.vector_load %arg7[%swap3A_1289] {strides = array<i32>} : memref<4112xi32, #tpu.memory_space<vmem>>, vector<16xi32>,
      tpu.vector_store %arg7[%swap3A_1289], %broadcast_in_dim3A_3 {strides = array<i32>} : memref<4112xi32, #tpu.memory_space<vmem>>, vector<16xi32>,
      %mul3A_1291 = arith.constant 8 : i32
      %mul3A_1292 = arith.muli %scan3A_1233, %mul3A_1291 : i32
      %add3A_1293 = arith.constant 7 : i32
      %add3A_1294 = arith.addi %mul3A_1292, %add3A_1293 : i32
      %mul3A_1295 = arith.constant 16 : i32
      %mul3A_1296 = arith.muli %add3A_1294, %mul3A_1295 : i32
      %swap3A_1297 = arith.index_cast %mul3A_1296 : i32 to index
      %swap3A_1298 = tpu.vector_load %arg7[%swap3A_1297] {strides = array<i32>} : memref<4112xi32, #tpu.memory_space<vmem>>, vector<16xi32>,
      tpu.vector_store %arg7[%swap3A_1297], %broadcast_in_dim3A_3 {strides = array<i32>} : memref<4112xi32, #tpu.memory_space<vmem>>, vector<16xi32>,
      %scan3A_1299 = arith.constant 0 : i32
      scf.yield %scan3A_1299 : i32
    }
    %scan3A_35 = arith.constant 32 : i32
    %swap3A = arith.constant 4096 : index
    %swap3A_36 = tpu.vector_load %arg7[%swap3A] {strides = array<i32>} : memref<4112xi32, #tpu.memory_space<vmem>>, vector<16xi32>,
    tpu.vector_store %arg7[%swap3A], %broadcast_in_dim3A_3 {strides = array<i32>} : memref<4112xi32, #tpu.memory_space<vmem>>, vector<16xi32>,
    %scan3A_37 = arith.constant 0 : i32
    %scan3A_38 = arith.constant 0 : i32
    %scan3A_39 = arith.constant 256 : i32
    %scan3A_40 = arith.addi %scan3A_38, %scan3A_39 : i32
    %scan3A_41 = arith.constant 1 : i32
    %scan3A_42 = scf.for %scan3A_1233 = %scan3A_38 to %scan3A_40 step %scan3A_41 iter_args(%scan3A_1234 = %scan3A_37) -> (i32)  : i32 {
      %mul3A_1235 = arith.constant 8 : i32
      %mul3A_1236 = arith.muli %scan3A_1233, %mul3A_1235 : i32
      %add3A_1237 = arith.constant 0 : i32
      %add3A_1238 = arith.addi %mul3A_1236, %add3A_1237 : i32
      %mul3A_1239 = arith.constant 16 : i32
      %mul3A_1240 = arith.muli %add3A_1238, %mul3A_1239 : i32
      %get3A = arith.index_cast %mul3A_1240 : i32 to index
      %get3A_1241 = tpu.vector_load %arg4[%get3A] {strides = array<i32>} : memref<32768xf32, #tpu.memory_space<vmem>>, vector<16xf32>,
      %mul3A_1242 = arith.constant 8 : i32
      %mul3A_1243 = arith.muli %scan3A_1233, %mul3A_1242 : i32
      %add3A_1244 = arith.constant 1 : i32
      %add3A_1245 = arith.addi %mul3A_1243, %add3A_1244 : i32
      %mul3A_1246 = arith.constant 16 : i32
      %mul3A_1247 = arith.muli %add3A_1245, %mul3A_1246 : i32
      %get3A_1248 = arith.index_cast %mul3A_1247 : i32 to index
      %get3A_1249 = tpu.vector_load %arg4[%get3A_1248] {strides = array<i32>} : memref<32768xf32, #tpu.memory_space<vmem>>, vector<16xf32>,
      %mul3A_1250 = arith.constant 8 : i32
      %mul3A_1251 = arith.muli %scan3A_1233, %mul3A_1250 : i32
      %add3A_1252 = arith.constant 2 : i32
      %add3A_1253 = arith.addi %mul3A_1251, %add3A_1252 : i32
      %mul3A_1254 = arith.constant 16 : i32
      %mul3A_1255 = arith.muli %add3A_1253, %mul3A_1254 : i32
      %get3A_1256 = arith.index_cast %mul3A_1255 : i32 to index
      %get3A_1257 = tpu.vector_load %arg4[%get3A_1256] {strides = array<i32>} : memref<32768xf32, #tpu.memory_space<vmem>>, vector<16xf32>,
      %mul3A_1258 = arith.constant 8 : i32
      %mul3A_1259 = arith.muli %scan3A_1233, %mul3A_1258 : i32
      %add3A_1260 = arith.constant 3 : i32
      %add3A_1261 = arith.addi %mul3A_1259, %add3A_1260 : i32
      %mul3A_1262 = arith.constant 16 : i32
      %mul3A_1263 = arith.muli %add3A_1261, %mul3A_1262 : i32
      %get3A_1264 = arith.index_cast %mul3A_1263 : i32 to index
      %get3A_1265 = tpu.vector_load %arg4[%get3A_1264] {strides = array<i32>} : memref<32768xf32, #tpu.memory_space<vmem>>, vector<16xf32>,
      %mul3A_1266 = arith.constant 8 : i32
      %mul3A_1267 = arith.muli %scan3A_1233, %mul3A_1266 : i32
      %add3A_1268 = arith.constant 4 : i32
      %add3A_1269 = arith.addi %mul3A_1267, %add3A_1268 : i32
      %mul3A_1270 = arith.constant 16 : i32
      %mul3A_1271 = arith.muli %add3A_1269, %mul3A_1270 : i32
      %get3A_1272 = arith.index_cast %mul3A_1271 : i32 to index
      %get3A_1273 = tpu.vector_load %arg4[%get3A_1272] {strides = array<i32>} : memref<32768xf32, #tpu.memory_space<vmem>>, vector<16xf32>,
      %mul3A_1274 = arith.constant 8 : i32
      %mul3A_1275 = arith.muli %scan3A_1233, %mul3A_1274 : i32
      %add3A_1276 = arith.constant 5 : i32
      %add3A_1277 = arith.addi %mul3A_1275, %add3A_1276 : i32
      %mul3A_1278 = arith.constant 16 : i32
      %mul3A_1279 = arith.muli %add3A_1277, %mul3A_1278 : i32
      %get3A_1280 = arith.index_cast %mul3A_1279 : i32 to index
      %get3A_1281 = tpu.vector_load %arg4[%get3A_1280] {strides = array<i32>} : memref<32768xf32, #tpu.memory_space<vmem>>, vector<16xf32>,
      %mul3A_1282 = arith.constant 8 : i32
      %mul3A_1283 = arith.muli %scan3A_1233, %mul3A_1282 : i32
      %add3A_1284 = arith.constant 6 : i32
      %add3A_1285 = arith.addi %mul3A_1283, %add3A_1284 : i32
      %mul3A_1286 = arith.constant 16 : i32
      %mul3A_1287 = arith.muli %add3A_1285, %mul3A_1286 : i32
      %get3A_1288 = arith.index_cast %mul3A_1287 : i32 to index
      %get3A_1289 = tpu.vector_load %arg4[%get3A_1288] {strides = array<i32>} : memref<32768xf32, #tpu.memory_space<vmem>>, vector<16xf32>,
      %mul3A_1290 = arith.constant 8 : i32
      %mul3A_1291 = arith.muli %scan3A_1233, %mul3A_1290 : i32
      %add3A_1292 = arith.constant 7 : i32
      %add3A_1293 = arith.addi %mul3A_1291, %add3A_1292 : i32
      %mul3A_1294 = arith.constant 16 : i32
      %mul3A_1295 = arith.muli %add3A_1293, %mul3A_1294 : i32
      %get3A_1296 = arith.index_cast %mul3A_1295 : i32 to index
      %get3A_1297 = tpu.vector_load %arg4[%get3A_1296] {strides = array<i32>} : memref<32768xf32, #tpu.memory_space<vmem>>, vector<16xf32>,
      %bitcast_convert_type3A_1298 = tpu.bitcast %get3A_1241 : vector<16xf32> -> vector<16xi32>
      %shift_right_logical3A_1299 = arith.constant 20 : i32
      %shift_right_logical3A_1300 = vector.broadcast %shift_right_logical3A_1299 : i32 to vector<16xi32>
      %shift_right_logical3A_1301 = arith.shrui %bitcast_convert_type3A_1298, %shift_right_logical3A_1300 : vector<16xi32>
      %shift_right_logical3A_1302 = arith.constant 8 : i32
      %shift_right_logical3A_1303 = vector.broadcast %shift_right_logical3A_1302 : i32 to vector<16xi32>
      %shift_right_logical3A_1304 = arith.shrui %shift_right_logical3A_1301, %shift_right_logical3A_1303 : vector<16xi32>
      %add3A_1305 = arith.addi %shift_right_logical3A_1301, %shift_right_logical3A_1304 : vector<16xi32>
      %bitcast_convert_type3A_1306 = tpu.bitcast %get3A_1249 : vector<16xf32> -> vector<16xi32>
      %shift_right_logical3A_1307 = arith.constant 20 : i32
      %shift_right_logical3A_1308 = vector.broadcast %shift_right_logical3A_1307 : i32 to vector<16xi32>
      %shift_right_logical3A_1309 = arith.shrui %bitcast_convert_type3A_1306, %shift_right_logical3A_1308 : vector<16xi32>
      %shift_right_logical3A_1310 = arith.constant 8 : i32
      %shift_right_logical3A_1311 = vector.broadcast %shift_right_logical3A_1310 : i32 to vector<16xi32>
      %shift_right_logical3A_1312 = arith.shrui %shift_right_logical3A_1309, %shift_right_logical3A_1311 : vector<16xi32>
      %add3A_1313 = arith.addi %shift_right_logical3A_1309, %shift_right_logical3A_1312 : vector<16xi32>
      %bitcast_convert_type3A_1314 = tpu.bitcast %get3A_1257 : vector<16xf32> -> vector<16xi32>
      %shift_right_logical3A_1315 = arith.constant 20 : i32
      %shift_right_logical3A_1316 = vector.broadcast %shift_right_logical3A_1315 : i32 to vector<16xi32>
      %shift_right_logical3A_1317 = arith.shrui %bitcast_convert_type3A_1314, %shift_right_logical3A_1316 : vector<16xi32>
      %shift_right_logical3A_1318 = arith.constant 8 : i32
      %shift_right_logical3A_1319 = vector.broadcast %shift_right_logical3A_1318 : i32 to vector<16xi32>
      %shift_right_logical3A_1320 = arith.shrui %shift_right_logical3A_1317, %shift_right_logical3A_1319 : vector<16xi32>
      %add3A_1321 = arith.addi %shift_right_logical3A_1317, %shift_right_logical3A_1320 : vector<16xi32>
      %bitcast_convert_type3A_1322 = tpu.bitcast %get3A_1265 : vector<16xf32> -> vector<16xi32>
      %shift_right_logical3A_1323 = arith.constant 20 : i32
      %shift_right_logical3A_1324 = vector.broadcast %shift_right_logical3A_1323 : i32 to vector<16xi32>
      %shift_right_logical3A_1325 = arith.shrui %bitcast_convert_type3A_1322, %shift_right_logical3A_1324 : vector<16xi32>
      %shift_right_logical3A_1326 = arith.constant 8 : i32
      %shift_right_logical3A_1327 = vector.broadcast %shift_right_logical3A_1326 : i32 to vector<16xi32>
      %shift_right_logical3A_1328 = arith.shrui %shift_right_logical3A_1325, %shift_right_logical3A_1327 : vector<16xi32>
      %add3A_1329 = arith.addi %shift_right_logical3A_1325, %shift_right_logical3A_1328 : vector<16xi32>
      %bitcast_convert_type3A_1330 = tpu.bitcast %get3A_1273 : vector<16xf32> -> vector<16xi32>
      %shift_right_logical3A_1331 = arith.constant 20 : i32
      %shift_right_logical3A_1332 = vector.broadcast %shift_right_logical3A_1331 : i32 to vector<16xi32>
      %shift_right_logical3A_1333 = arith.shrui %bitcast_convert_type3A_1330, %shift_right_logical3A_1332 : vector<16xi32>
      %shift_right_logical3A_1334 = arith.constant 8 : i32
      %shift_right_logical3A_1335 = vector.broadcast %shift_right_logical3A_1334 : i32 to vector<16xi32>
      %shift_right_logical3A_1336 = arith.shrui %shift_right_logical3A_1333, %shift_right_logical3A_1335 : vector<16xi32>
      %add3A_1337 = arith.addi %shift_right_logical3A_1333, %shift_right_logical3A_1336 : vector<16xi32>
      %bitcast_convert_type3A_1338 = tpu.bitcast %get3A_1281 : vector<16xf32> -> vector<16xi32>
      %shift_right_logical3A_1339 = arith.constant 20 : i32
      %shift_right_logical3A_1340 = vector.broadcast %shift_right_logical3A_1339 : i32 to vector<16xi32>
      %shift_right_logical3A_1341 = arith.shrui %bitcast_convert_type3A_1338, %shift_right_logical3A_1340 : vector<16xi32>
      %shift_right_logical3A_1342 = arith.constant 8 : i32
      %shift_right_logical3A_1343 = vector.broadcast %shift_right_logical3A_1342 : i32 to vector<16xi32>
      %shift_right_logical3A_1344 = arith.shrui %shift_right_logical3A_1341, %shift_right_logical3A_1343 : vector<16xi32>
      %add3A_1345 = arith.addi %shift_right_logical3A_1341, %shift_right_logical3A_1344 : vector<16xi32>
      %bitcast_convert_type3A_1346 = tpu.bitcast %get3A_1289 : vector<16xf32> -> vector<16xi32>
      %shift_right_logical3A_1347 = arith.constant 20 : i32
      %shift_right_logical3A_1348 = vector.broadcast %shift_right_logical3A_1347 : i32 to vector<16xi32>
      %shift_right_logical3A_1349 = arith.shrui %bitcast_convert_type3A_1346, %shift_right_logical3A_1348 : vector<16xi32>
      %shift_right_logical3A_1350 = arith.constant 8 : i32
      %shift_right_logical3A_1351 = vector.broadcast %shift_right_logical3A_1350 : i32 to vector<16xi32>
      %shift_right_logical3A_1352 = arith.shrui %shift_right_logical3A_1349, %shift_right_logical3A_1351 : vector<16xi32>
      %add3A_1353 = arith.addi %shift_right_logical3A_1349, %shift_right_logical3A_1352 : vector<16xi32>
      %bitcast_convert_type3A_1354 = tpu.bitcast %get3A_1297 : vector<16xf32> -> vector<16xi32>
      %shift_right_logical3A_1355 = arith.constant 20 : i32
      %shift_right_logical3A_1356 = vector.broadcast %shift_right_logical3A_1355 : i32 to vector<16xi32>
      %shift_right_logical3A_1357 = arith.shrui %bitcast_convert_type3A_1354, %shift_right_logical3A_1356 : vector<16xi32>
      %shift_right_logical3A_1358 = arith.constant 8 : i32
      %shift_right_logical3A_1359 = vector.broadcast %shift_right_logical3A_1358 : i32 to vector<16xi32>
      %shift_right_logical3A_1360 = arith.shrui %shift_right_logical3A_1357, %shift_right_logical3A_1359 : vector<16xi32>
      %add3A_1361 = arith.addi %shift_right_logical3A_1357, %shift_right_logical3A_1360 : vector<16xi32>
      tpu.vector_store_idx %arg7[%add3A_1305], %broadcast_in_dim3A_1 {add = true} : memref<4112xi32, #tpu.memory_space<vmem>>[vector<16xi32>], vector<16xi32>,
      tpu.vector_store_idx %arg7[%add3A_1313], %broadcast_in_dim3A_1 {add = true} : memref<4112xi32, #tpu.memory_space<vmem>>[vector<16xi32>], vector<16xi32>,
      tpu.vector_store_idx %arg7[%add3A_1321], %broadcast_in_dim3A_1 {add = true} : memref<4112xi32, #tpu.memory_space<vmem>>[vector<16xi32>], vector<16xi32>,
      tpu.vector_store_idx %arg7[%add3A_1329], %broadcast_in_dim3A_1 {add = true} : memref<4112xi32, #tpu.memory_space<vmem>>[vector<16xi32>], vector<16xi32>,
      tpu.vector_store_idx %arg7[%add3A_1337], %broadcast_in_dim3A_1 {add = true} : memref<4112xi32, #tpu.memory_space<vmem>>[vector<16xi32>], vector<16xi32>,
      tpu.vector_store_idx %arg7[%add3A_1345], %broadcast_in_dim3A_1 {add = true} : memref<4112xi32, #tpu.memory_space<vmem>>[vector<16xi32>], vector<16xi32>,
      tpu.vector_store_idx %arg7[%add3A_1353], %broadcast_in_dim3A_1 {add = true} : memref<4112xi32, #tpu.memory_space<vmem>>[vector<16xi32>], vector<16xi32>,
      tpu.vector_store_idx %arg7[%add3A_1361], %broadcast_in_dim3A_1 {add = true} : memref<4112xi32, #tpu.memory_space<vmem>>[vector<16xi32>], vector<16xi32>,
      %scan3A_1362 = arith.constant 0 : i32
      scf.yield %scan3A_1362 : i32
    }
    %scan3A_43 = arith.constant 256 : i32
    %le3A = arith.constant 7 : i32
    %le3A_44 = vector.broadcast %le3A : i32 to vector<16xi32>
    %le3A_45 = arith.cmpi sle, %iota3A, %le3A_44 : vector<16xi32>
    %neg3A = arith.constant 0 : i32
    %neg3A_46 = vector.broadcast %neg3A : i32 to vector<16xi32>
    %neg3A_47 = arith.subi %neg3A_46, %broadcast_in_dim3A_1 : vector<16xi32>
    %select_n3A = arith.select %le3A_45, %neg3A_47, %broadcast_in_dim3A_1 : vector<16xi1>, vector<16xi32>
    %le3A_48 = arith.constant 7 : i32
    %le3A_49 = vector.broadcast %le3A_48 : i32 to vector<16xi32>
    %le3A_50 = arith.cmpi sle, %iota3A, %le3A_49 : vector<16xi32>
    %mul3A_51 = arith.constant 256 : i32
    %mul3A_52 = vector.broadcast %mul3A_51 : i32 to vector<16xi32>
    %mul3A_53 = arith.muli %iota3A, %mul3A_52 : vector<16xi32>
    %sub3A = arith.constant 2047 : i32
    %sub3A_54 = vector.broadcast %sub3A : i32 to vector<16xi32>
    %sub3A_55 = arith.subi %sub3A_54, %mul3A_53 : vector<16xi32>
    %mul3A_56 = arith.constant 256 : i32
    %mul3A_57 = vector.broadcast %mul3A_56 : i32 to vector<16xi32>
    %mul3A_58 = arith.muli %iota3A, %mul3A_57 : vector<16xi32>
    %select_n3A_59 = arith.select %le3A_50, %sub3A_55, %mul3A_58 : vector<16xi1>, vector<16xi32>
    %shift_right_logical3A = arith.constant 8 : i32
    %shift_right_logical3A_60 = vector.broadcast %shift_right_logical3A : i32 to vector<16xi32>
    %shift_right_logical3A_61 = arith.shrui %select_n3A_59, %shift_right_logical3A_60 : vector<16xi32>
    %add3A_62 = arith.addi %select_n3A_59, %shift_right_logical3A_61 : vector<16xi32>
    %scan3A_63 = arith.constant 0 : i32
    %scan3A_64 = arith.constant 32 : i32
    %scan3A_65 = arith.addi %scan3A_63, %scan3A_64 : i32
    %scan3A_66 = arith.constant 1 : i32
    %scan3A_67:2 = scf.for %scan3A_1233 = %scan3A_63 to %scan3A_65 step %scan3A_66 iter_args(%scan3A_1234 = %broadcast_in_dim3A_3, %scan3A_1235 = %add3A_62) -> (vector<16xi32>, vector<16xi32>)  : i32 {
      %gather3A = tpu.vector_load_idx %arg7[%scan3A_1235] : memref<4112xi32, #tpu.memory_space<vmem>>[vector<16xi32>], vector<16xi32>,
      %add3A_1236 = arith.addi %scan3A_1234, %gather3A : vector<16xi32>
      %add3A_1237 = arith.addi %scan3A_1235, %select_n3A : vector<16xi32>
      %gather3A_1238 = tpu.vector_load_idx %arg7[%add3A_1237] : memref<4112xi32, #tpu.memory_space<vmem>>[vector<16xi32>], vector<16xi32>,
      %add3A_1239 = arith.addi %add3A_1236, %gather3A_1238 : vector<16xi32>
      %add3A_1240 = arith.addi %add3A_1237, %select_n3A : vector<16xi32>
      %gather3A_1241 = tpu.vector_load_idx %arg7[%add3A_1240] : memref<4112xi32, #tpu.memory_space<vmem>>[vector<16xi32>], vector<16xi32>,
      %add3A_1242 = arith.addi %add3A_1239, %gather3A_1241 : vector<16xi32>
      %add3A_1243 = arith.addi %add3A_1240, %select_n3A : vector<16xi32>
      %gather3A_1244 = tpu.vector_load_idx %arg7[%add3A_1243] : memref<4112xi32, #tpu.memory_space<vmem>>[vector<16xi32>], vector<16xi32>,
      %add3A_1245 = arith.addi %add3A_1242, %gather3A_1244 : vector<16xi32>
      %add3A_1246 = arith.addi %add3A_1243, %select_n3A : vector<16xi32>
      %gather3A_1247 = tpu.vector_load_idx %arg7[%add3A_1246] : memref<4112xi32, #tpu.memory_space<vmem>>[vector<16xi32>], vector<16xi32>,
      %add3A_1248 = arith.addi %add3A_1245, %gather3A_1247 : vector<16xi32>
      %add3A_1249 = arith.addi %add3A_1246, %select_n3A : vector<16xi32>
      %gather3A_1250 = tpu.vector_load_idx %arg7[%add3A_1249] : memref<4112xi32, #tpu.memory_space<vmem>>[vector<16xi32>], vector<16xi32>,
      %add3A_1251 = arith.addi %add3A_1248, %gather3A_1250 : vector<16xi32>
      %add3A_1252 = arith.addi %add3A_1249, %select_n3A : vector<16xi32>
      %gather3A_1253 = tpu.vector_load_idx %arg7[%add3A_1252] : memref<4112xi32, #tpu.memory_space<vmem>>[vector<16xi32>], vector<16xi32>,
      %add3A_1254 = arith.addi %add3A_1251, %gather3A_1253 : vector<16xi32>
      %add3A_1255 = arith.addi %add3A_1252, %select_n3A : vector<16xi32>
      %gather3A_1256 = tpu.vector_load_idx %arg7[%add3A_1255] : memref<4112xi32, #tpu.memory_space<vmem>>[vector<16xi32>], vector<16xi32>,
      %add3A_1257 = arith.addi %add3A_1254, %gather3A_1256 : vector<16xi32>
      %add3A_1258 = arith.addi %add3A_1255, %select_n3A : vector<16xi32>
      scf.yield %add3A_1257, %add3A_1258 : vector<16xi32>, vector<16xi32>
    }
    %scan3A_68 = arith.constant 32 : i32
    %broadcast_in_dim3A_69 = arith.constant true
    %broadcast_in_dim3A_70 = vector.broadcast %broadcast_in_dim3A_69 : i1 to vector<16xi1>
    %masked_cumsum3A = tpu.scan <sum>, %scan3A_67#0 masked %broadcast_in_dim3A_70 : vector<16xi32>, vector<16xi1> -> vector<16xi32>
    %sub3A_71 = arith.subi %masked_cumsum3A, %scan3A_67#0 : vector<16xi32>
    %scan3A_72 = arith.constant 0 : i32
    %scan3A_73 = arith.constant 64 : i32
    %scan3A_74 = arith.addi %scan3A_72, %scan3A_73 : i32
    %scan3A_75 = arith.constant 1 : i32
    %scan3A_76:4 = scf.for %scan3A_1233 = %scan3A_72 to %scan3A_74 step %scan3A_75 iter_args(%scan3A_1234 = %broadcast_in_dim3A_3, %scan3A_1235 = %broadcast_in_dim3A_3, %scan3A_1236 = %broadcast_in_dim3A_3, %scan3A_1237 = %add3A_62) -> (vector<16xi32>, vector<16xi32>, vector<16xi32>, vector<16xi32>)  : i32 {
      %gather3A = tpu.vector_load_idx %arg7[%scan3A_1237] : memref<4112xi32, #tpu.memory_space<vmem>>[vector<16xi32>], vector<16xi32>,
      tpu.vector_store_idx %arg7[%scan3A_1237], %broadcast_in_dim3A_3 : memref<4112xi32, #tpu.memory_space<vmem>>[vector<16xi32>], vector<16xi32>,
      %add3A_1238 = arith.addi %scan3A_1237, %select_n3A : vector<16xi32>
      %add3A_1239 = arith.addi %scan3A_1234, %gather3A : vector<16xi32>
      %add3A_1240 = arith.addi %sub3A_71, %add3A_1239 : vector<16xi32>
      %le3A_1241 = arith.constant 3276 : i32
      %le3A_1242 = vector.broadcast %le3A_1241 : i32 to vector<16xi32>
      %le3A_1243 = arith.cmpi sle, %add3A_1240, %le3A_1242 : vector<16xi32>
      %select_n3A_1244 = arith.select %le3A_1243, %broadcast_in_dim3A_1, %broadcast_in_dim3A_3 : vector<16xi1>, vector<16xi32>
      %add3A_1245 = arith.addi %scan3A_1235, %select_n3A_1244 : vector<16xi32>
      %le3A_1246 = arith.constant 3277 : i32
      %le3A_1247 = vector.broadcast %le3A_1246 : i32 to vector<16xi32>
      %le3A_1248 = arith.cmpi sle, %add3A_1240, %le3A_1247 : vector<16xi32>
      %select_n3A_1249 = arith.select %le3A_1248, %broadcast_in_dim3A_1, %broadcast_in_dim3A_3 : vector<16xi1>, vector<16xi32>
      %add3A_1250 = arith.addi %scan3A_1236, %select_n3A_1249 : vector<16xi32>
      %gather3A_1251 = tpu.vector_load_idx %arg7[%add3A_1238] : memref<4112xi32, #tpu.memory_space<vmem>>[vector<16xi32>], vector<16xi32>,
      tpu.vector_store_idx %arg7[%add3A_1238], %broadcast_in_dim3A_3 : memref<4112xi32, #tpu.memory_space<vmem>>[vector<16xi32>], vector<16xi32>,
      %add3A_1252 = arith.addi %add3A_1238, %select_n3A : vector<16xi32>
      %add3A_1253 = arith.addi %add3A_1239, %gather3A_1251 : vector<16xi32>
      %add3A_1254 = arith.addi %sub3A_71, %add3A_1253 : vector<16xi32>
      %le3A_1255 = arith.constant 3276 : i32
      %le3A_1256 = vector.broadcast %le3A_1255 : i32 to vector<16xi32>
      %le3A_1257 = arith.cmpi sle, %add3A_1254, %le3A_1256 : vector<16xi32>
      %select_n3A_1258 = arith.select %le3A_1257, %broadcast_in_dim3A_1, %broadcast_in_dim3A_3 : vector<16xi1>, vector<16xi32>
      %add3A_1259 = arith.addi %add3A_1245, %select_n3A_1258 : vector<16xi32>
      %le3A_1260 = arith.constant 3277 : i32
      %le3A_1261 = vector.broadcast %le3A_1260 : i32 to vector<16xi32>
      %le3A_1262 = arith.cmpi sle, %add3A_1254, %le3A_1261 : vector<16xi32>
      %select_n3A_1263 = arith.select %le3A_1262, %broadcast_in_dim3A_1, %broadcast_in_dim3A_3 : vector<16xi1>, vector<16xi32>
      %add3A_1264 = arith.addi %add3A_1250, %select_n3A_1263 : vector<16xi32>
      %gather3A_1265 = tpu.vector_load_idx %arg7[%add3A_1252] : memref<4112xi32, #tpu.memory_space<vmem>>[vector<16xi32>], vector<16xi32>,
      tpu.vector_store_idx %arg7[%add3A_1252], %broadcast_in_dim3A_3 : memref<4112xi32, #tpu.memory_space<vmem>>[vector<16xi32>], vector<16xi32>,
      %add3A_1266 = arith.addi %add3A_1252, %select_n3A : vector<16xi32>
      %add3A_1267 = arith.addi %add3A_1253, %gather3A_1265 : vector<16xi32>
      %add3A_1268 = arith.addi %sub3A_71, %add3A_1267 : vector<16xi32>
      %le3A_1269 = arith.constant 3276 : i32
      %le3A_1270 = vector.broadcast %le3A_1269 : i32 to vector<16xi32>
      %le3A_1271 = arith.cmpi sle, %add3A_1268, %le3A_1270 : vector<16xi32>
      %select_n3A_1272 = arith.select %le3A_1271, %broadcast_in_dim3A_1, %broadcast_in_dim3A_3 : vector<16xi1>, vector<16xi32>
      %add3A_1273 = arith.addi %add3A_1259, %select_n3A_1272 : vector<16xi32>
      %le3A_1274 = arith.constant 3277 : i32
      %le3A_1275 = vector.broadcast %le3A_1274 : i32 to vector<16xi32>
      %le3A_1276 = arith.cmpi sle, %add3A_1268, %le3A_1275 : vector<16xi32>
      %select_n3A_1277 = arith.select %le3A_1276, %broadcast_in_dim3A_1, %broadcast_in_dim3A_3 : vector<16xi1>, vector<16xi32>
      %add3A_1278 = arith.addi %add3A_1264, %select_n3A_1277 : vector<16xi32>
      %gather3A_1279 = tpu.vector_load_idx %arg7[%add3A_1266] : memref<4112xi32, #tpu.memory_space<vmem>>[vector<16xi32>], vector<16xi32>,
      tpu.vector_store_idx %arg7[%add3A_1266], %broadcast_in_dim3A_3 : memref<4112xi32, #tpu.memory_space<vmem>>[vector<16xi32>], vector<16xi32>,
      %add3A_1280 = arith.addi %add3A_1266, %select_n3A : vector<16xi32>
      %add3A_1281 = arith.addi %add3A_1267, %gather3A_1279 : vector<16xi32>
      %add3A_1282 = arith.addi %sub3A_71, %add3A_1281 : vector<16xi32>
      %le3A_1283 = arith.constant 3276 : i32
      %le3A_1284 = vector.broadcast %le3A_1283 : i32 to vector<16xi32>
      %le3A_1285 = arith.cmpi sle, %add3A_1282, %le3A_1284 : vector<16xi32>
      %select_n3A_1286 = arith.select %le3A_1285, %broadcast_in_dim3A_1, %broadcast_in_dim3A_3 : vector<16xi1>, vector<16xi32>
      %add3A_1287 = arith.addi %add3A_1273, %select_n3A_1286 : vector<16xi32>
      %le3A_1288 = arith.constant 3277 : i32
      %le3A_1289 = vector.broadcast %le3A_1288 : i32 to vector<16xi32>
      %le3A_1290 = arith.cmpi sle, %add3A_1282, %le3A_1289 : vector<16xi32>
      %select_n3A_1291 = arith.select %le3A_1290, %broadcast_in_dim3A_1, %broadcast_in_dim3A_3 : vector<16xi1>, vector<16xi32>
      %add3A_1292 = arith.addi %add3A_1278, %select_n3A_1291 : vector<16xi32>
      scf.yield %add3A_1281, %add3A_1287, %add3A_1292, %add3A_1280 : vector<16xi32>, vector<16xi32>, vector<16xi32>, vector<16xi32>
    }
    %scan3A_77 = arith.constant 64 : i32
    %reduce_sum3A = arith.constant true
    %reduce_sum3A_78 = vector.broadcast %reduce_sum3A : i1 to vector<16xi1>
    %reduce_sum3A_79 = tpu.scan <sum>, %scan3A_76#1 masked %reduce_sum3A_78 : vector<16xi32>, vector<16xi1> -> vector<16xi32>
    %reduce_sum3A_80 = vector.extract %reduce_sum3A_79[15] : i32 from vector<16xi32>
    %reduce_sum3A_81 = arith.constant true
    %reduce_sum3A_82 = vector.broadcast %reduce_sum3A_81 : i1 to vector<16xi1>
    %reduce_sum3A_83 = tpu.scan <sum>, %scan3A_76#2 masked %reduce_sum3A_82 : vector<16xi32>, vector<16xi1> -> vector<16xi32>
    %reduce_sum3A_84 = vector.extract %reduce_sum3A_83[15] : i32 from vector<16xi32>
    %le3A_85 = arith.constant 2047 : i32
    %le3A_86 = arith.cmpi sle, %reduce_sum3A_80, %le3A_85 : i32
    %sub3A_87 = arith.constant 2047 : i32
    %sub3A_88 = arith.subi %sub3A_87, %reduce_sum3A_80 : i32
    %select_n3A_89 = arith.select %le3A_86, %sub3A_88, %reduce_sum3A_80 : i32
    %le3A_90 = arith.constant 2047 : i32
    %le3A_91 = arith.cmpi sle, %reduce_sum3A_84, %le3A_90 : i32
    %sub3A_92 = arith.constant 2047 : i32
    %sub3A_93 = arith.subi %sub3A_92, %reduce_sum3A_84 : i32
    %select_n3A_94 = arith.select %le3A_91, %sub3A_93, %reduce_sum3A_84 : i32
    %le3A_95 = arith.constant 2047 : i32
    %le3A_96 = arith.cmpi sle, %reduce_sum3A_80, %le3A_95 : i32
    %shift_left3A = arith.constant 20 : i32
    %shift_left3A_97 = arith.shli %select_n3A_89, %shift_left3A : i32
    %or3A = arith.constant 1048575 : i32
    %or3A_98 = arith.ori %shift_left3A_97, %or3A : i32
    %shift_left3A_99 = arith.constant 20 : i32
    %shift_left3A_100 = arith.shli %select_n3A_89, %shift_left3A_99 : i32
    %select_n3A_101 = arith.select %le3A_96, %or3A_98, %shift_left3A_100 : i32
    %le3A_102 = arith.constant 2047 : i32
    %le3A_103 = arith.cmpi sle, %reduce_sum3A_84, %le3A_102 : i32
    %shift_left3A_104 = arith.constant 20 : i32
    %shift_left3A_105 = arith.shli %select_n3A_94, %shift_left3A_104 : i32
    %shift_left3A_106 = arith.constant 20 : i32
    %shift_left3A_107 = arith.shli %select_n3A_94, %shift_left3A_106 : i32
    %or3A_108 = arith.constant 1048575 : i32
    %or3A_109 = arith.ori %shift_left3A_107, %or3A_108 : i32
    %select_n3A_110 = arith.select %le3A_103, %shift_left3A_105, %or3A_109 : i32
    %bitcast_convert_type3A = arith.bitcast %select_n3A_101 : i32 to f32
    %bitcast_convert_type3A_111 = arith.bitcast %select_n3A_110 : i32 to f32
    %bitcast_convert_type3A_112 = arith.bitcast %bitcast_convert_type3A_111 : f32 to i32
    %ge3A = arith.constant -2147483648 : i32
    %ge3A_113 = arith.cmpi uge, %bitcast_convert_type3A_112, %ge3A : i32
    %not3A = arith.constant -1 : i32
    %not3A_114 = arith.xori %bitcast_convert_type3A_112, %not3A : i32
    %or3A_115 = arith.constant -2147483648 : i32
    %or3A_116 = arith.ori %bitcast_convert_type3A_112, %or3A_115 : i32
    %select_n3A_117 = arith.select %ge3A_113, %not3A_114, %or3A_116 : i32
    %bitcast_convert_type3A_118 = arith.bitcast %bitcast_convert_type3A : f32 to i32
    %ge3A_119 = arith.constant -2147483648 : i32
    %ge3A_120 = arith.cmpi uge, %bitcast_convert_type3A_118, %ge3A_119 : i32
    %not3A_121 = arith.constant -1 : i32
    %not3A_122 = arith.xori %bitcast_convert_type3A_118, %not3A_121 : i32
    %or3A_123 = arith.constant -2147483648 : i32
    %or3A_124 = arith.ori %bitcast_convert_type3A_118, %or3A_123 : i32
    %select_n3A_125 = arith.select %ge3A_120, %not3A_122, %or3A_124 : i32
    %scan3A_126 = arith.constant 0 : i32
    %scan3A_127 = arith.constant 0 : i32
    %scan3A_128 = arith.constant 256 : i32
    %scan3A_129 = arith.addi %scan3A_127, %scan3A_128 : i32
    %scan3A_130 = arith.constant 1 : i32
    %scan3A_131:3 = scf.for %scan3A_1233 = %scan3A_127 to %scan3A_129 step %scan3A_130 iter_args(%scan3A_1234 = %scan3A_126, %scan3A_1235 = %broadcast_in_dim3A_3, %scan3A_1236 = %broadcast_in_dim3A_5) -> (i32, vector<16xi32>, vector<16xf32>)  : i32 {
      %mul3A_1237 = arith.constant 8 : i32
      %mul3A_1238 = arith.muli %scan3A_1233, %mul3A_1237 : i32
      %add3A_1239 = arith.constant 0 : i32
      %add3A_1240 = arith.addi %mul3A_1238, %add3A_1239 : i32
      %mul3A_1241 = arith.constant 16 : i32
      %mul3A_1242 = arith.muli %add3A_1240, %mul3A_1241 : i32
      %get3A = arith.index_cast %mul3A_1242 : i32 to index
      %get3A_1243 = tpu.vector_load %arg4[%get3A] {strides = array<i32>} : memref<32768xf32, #tpu.memory_space<vmem>>, vector<16xf32>,
      %mul3A_1244 = arith.constant 8 : i32
      %mul3A_1245 = arith.muli %scan3A_1233, %mul3A_1244 : i32
      %add3A_1246 = arith.constant 1 : i32
      %add3A_1247 = arith.addi %mul3A_1245, %add3A_1246 : i32
      %mul3A_1248 = arith.constant 16 : i32
      %mul3A_1249 = arith.muli %add3A_1247, %mul3A_1248 : i32
      %get3A_1250 = arith.index_cast %mul3A_1249 : i32 to index
      %get3A_1251 = tpu.vector_load %arg4[%get3A_1250] {strides = array<i32>} : memref<32768xf32, #tpu.memory_space<vmem>>, vector<16xf32>,
      %mul3A_1252 = arith.constant 8 : i32
      %mul3A_1253 = arith.muli %scan3A_1233, %mul3A_1252 : i32
      %add3A_1254 = arith.constant 2 : i32
      %add3A_1255 = arith.addi %mul3A_1253, %add3A_1254 : i32
      %mul3A_1256 = arith.constant 16 : i32
      %mul3A_1257 = arith.muli %add3A_1255, %mul3A_1256 : i32
      %get3A_1258 = arith.index_cast %mul3A_1257 : i32 to index
      %get3A_1259 = tpu.vector_load %arg4[%get3A_1258] {strides = array<i32>} : memref<32768xf32, #tpu.memory_space<vmem>>, vector<16xf32>,
      %mul3A_1260 = arith.constant 8 : i32
      %mul3A_1261 = arith.muli %scan3A_1233, %mul3A_1260 : i32
      %add3A_1262 = arith.constant 3 : i32
      %add3A_1263 = arith.addi %mul3A_1261, %add3A_1262 : i32
      %mul3A_1264 = arith.constant 16 : i32
      %mul3A_1265 = arith.muli %add3A_1263, %mul3A_1264 : i32
      %get3A_1266 = arith.index_cast %mul3A_1265 : i32 to index
      %get3A_1267 = tpu.vector_load %arg4[%get3A_1266] {strides = array<i32>} : memref<32768xf32, #tpu.memory_space<vmem>>, vector<16xf32>,
      %mul3A_1268 = arith.constant 8 : i32
      %mul3A_1269 = arith.muli %scan3A_1233, %mul3A_1268 : i32
      %add3A_1270 = arith.constant 4 : i32
      %add3A_1271 = arith.addi %mul3A_1269, %add3A_1270 : i32
      %mul3A_1272 = arith.constant 16 : i32
      %mul3A_1273 = arith.muli %add3A_1271, %mul3A_1272 : i32
      %get3A_1274 = arith.index_cast %mul3A_1273 : i32 to index
      %get3A_1275 = tpu.vector_load %arg4[%get3A_1274] {strides = array<i32>} : memref<32768xf32, #tpu.memory_space<vmem>>, vector<16xf32>,
      %mul3A_1276 = arith.constant 8 : i32
      %mul3A_1277 = arith.muli %scan3A_1233, %mul3A_1276 : i32
      %add3A_1278 = arith.constant 5 : i32
      %add3A_1279 = arith.addi %mul3A_1277, %add3A_1278 : i32
      %mul3A_1280 = arith.constant 16 : i32
      %mul3A_1281 = arith.muli %add3A_1279, %mul3A_1280 : i32
      %get3A_1282 = arith.index_cast %mul3A_1281 : i32 to index
      %get3A_1283 = tpu.vector_load %arg4[%get3A_1282] {strides = array<i32>} : memref<32768xf32, #tpu.memory_space<vmem>>, vector<16xf32>,
      %mul3A_1284 = arith.constant 8 : i32
      %mul3A_1285 = arith.muli %scan3A_1233, %mul3A_1284 : i32
      %add3A_1286 = arith.constant 6 : i32
      %add3A_1287 = arith.addi %mul3A_1285, %add3A_1286 : i32
      %mul3A_1288 = arith.constant 16 : i32
      %mul3A_1289 = arith.muli %add3A_1287, %mul3A_1288 : i32
      %get3A_1290 = arith.index_cast %mul3A_1289 : i32 to index
      %get3A_1291 = tpu.vector_load %arg4[%get3A_1290] {strides = array<i32>} : memref<32768xf32, #tpu.memory_space<vmem>>, vector<16xf32>,
      %mul3A_1292 = arith.constant 8 : i32
      %mul3A_1293 = arith.muli %scan3A_1233, %mul3A_1292 : i32
      %add3A_1294 = arith.constant 7 : i32
      %add3A_1295 = arith.addi %mul3A_1293, %add3A_1294 : i32
      %mul3A_1296 = arith.constant 16 : i32
      %mul3A_1297 = arith.muli %add3A_1295, %mul3A_1296 : i32
      %get3A_1298 = arith.index_cast %mul3A_1297 : i32 to index
      %get3A_1299 = tpu.vector_load %arg4[%get3A_1298] {strides = array<i32>} : memref<32768xf32, #tpu.memory_space<vmem>>, vector<16xf32>,
      %gt3A = vector.broadcast %bitcast_convert_type3A : f32 to vector<16xf32>
      %gt3A_1300 = arith.cmpf ogt, %get3A_1243, %gt3A : vector<16xf32>
      %gt3A_1301 = vector.broadcast %bitcast_convert_type3A : f32 to vector<16xf32>
      %gt3A_1302 = arith.cmpf ogt, %get3A_1251, %gt3A_1301 : vector<16xf32>
      %gt3A_1303 = vector.broadcast %bitcast_convert_type3A : f32 to vector<16xf32>
      %gt3A_1304 = arith.cmpf ogt, %get3A_1259, %gt3A_1303 : vector<16xf32>
      %gt3A_1305 = vector.broadcast %bitcast_convert_type3A : f32 to vector<16xf32>
      %gt3A_1306 = arith.cmpf ogt, %get3A_1267, %gt3A_1305 : vector<16xf32>
      %gt3A_1307 = vector.broadcast %bitcast_convert_type3A : f32 to vector<16xf32>
      %gt3A_1308 = arith.cmpf ogt, %get3A_1275, %gt3A_1307 : vector<16xf32>
      %gt3A_1309 = vector.broadcast %bitcast_convert_type3A : f32 to vector<16xf32>
      %gt3A_1310 = arith.cmpf ogt, %get3A_1283, %gt3A_1309 : vector<16xf32>
      %gt3A_1311 = vector.broadcast %bitcast_convert_type3A : f32 to vector<16xf32>
      %gt3A_1312 = arith.cmpf ogt, %get3A_1291, %gt3A_1311 : vector<16xf32>
      %gt3A_1313 = vector.broadcast %bitcast_convert_type3A : f32 to vector<16xf32>
      %gt3A_1314 = arith.cmpf ogt, %get3A_1299, %gt3A_1313 : vector<16xf32>
      %ge3A_1315 = vector.broadcast %bitcast_convert_type3A_111 : f32 to vector<16xf32>
      %ge3A_1316 = arith.cmpf oge, %get3A_1243, %ge3A_1315 : vector<16xf32>
      %le3A_1317 = vector.broadcast %bitcast_convert_type3A : f32 to vector<16xf32>
      %le3A_1318 = arith.cmpf ole, %get3A_1243, %le3A_1317 : vector<16xf32>
      %and3A_1319 = arith.andi %ge3A_1316, %le3A_1318 : vector<16xi1>
      %ge3A_1320 = vector.broadcast %bitcast_convert_type3A_111 : f32 to vector<16xf32>
      %ge3A_1321 = arith.cmpf oge, %get3A_1251, %ge3A_1320 : vector<16xf32>
      %le3A_1322 = vector.broadcast %bitcast_convert_type3A : f32 to vector<16xf32>
      %le3A_1323 = arith.cmpf ole, %get3A_1251, %le3A_1322 : vector<16xf32>
      %and3A_1324 = arith.andi %ge3A_1321, %le3A_1323 : vector<16xi1>
      %ge3A_1325 = vector.broadcast %bitcast_convert_type3A_111 : f32 to vector<16xf32>
      %ge3A_1326 = arith.cmpf oge, %get3A_1259, %ge3A_1325 : vector<16xf32>
      %le3A_1327 = vector.broadcast %bitcast_convert_type3A : f32 to vector<16xf32>
      %le3A_1328 = arith.cmpf ole, %get3A_1259, %le3A_1327 : vector<16xf32>
      %and3A_1329 = arith.andi %ge3A_1326, %le3A_1328 : vector<16xi1>
      %ge3A_1330 = vector.broadcast %bitcast_convert_type3A_111 : f32 to vector<16xf32>
      %ge3A_1331 = arith.cmpf oge, %get3A_1267, %ge3A_1330 : vector<16xf32>
      %le3A_1332 = vector.broadcast %bitcast_convert_type3A : f32 to vector<16xf32>
      %le3A_1333 = arith.cmpf ole, %get3A_1267, %le3A_1332 : vector<16xf32>
      %and3A_1334 = arith.andi %ge3A_1331, %le3A_1333 : vector<16xi1>
      %ge3A_1335 = vector.broadcast %bitcast_convert_type3A_111 : f32 to vector<16xf32>
      %ge3A_1336 = arith.cmpf oge, %get3A_1275, %ge3A_1335 : vector<16xf32>
      %le3A_1337 = vector.broadcast %bitcast_convert_type3A : f32 to vector<16xf32>
      %le3A_1338 = arith.cmpf ole, %get3A_1275, %le3A_1337 : vector<16xf32>
      %and3A_1339 = arith.andi %ge3A_1336, %le3A_1338 : vector<16xi1>
      %ge3A_1340 = vector.broadcast %bitcast_convert_type3A_111 : f32 to vector<16xf32>
      %ge3A_1341 = arith.cmpf oge, %get3A_1283, %ge3A_1340 : vector<16xf32>
      %le3A_1342 = vector.broadcast %bitcast_convert_type3A : f32 to vector<16xf32>
      %le3A_1343 = arith.cmpf ole, %get3A_1283, %le3A_1342 : vector<16xf32>
      %and3A_1344 = arith.andi %ge3A_1341, %le3A_1343 : vector<16xi1>
      %ge3A_1345 = vector.broadcast %bitcast_convert_type3A_111 : f32 to vector<16xf32>
      %ge3A_1346 = arith.cmpf oge, %get3A_1291, %ge3A_1345 : vector<16xf32>
      %le3A_1347 = vector.broadcast %bitcast_convert_type3A : f32 to vector<16xf32>
      %le3A_1348 = arith.cmpf ole, %get3A_1291, %le3A_1347 : vector<16xf32>
      %and3A_1349 = arith.andi %ge3A_1346, %le3A_1348 : vector<16xi1>
      %ge3A_1350 = vector.broadcast %bitcast_convert_type3A_111 : f32 to vector<16xf32>
      %ge3A_1351 = arith.cmpf oge, %get3A_1299, %ge3A_1350 : vector<16xf32>
      %le3A_1352 = vector.broadcast %bitcast_convert_type3A : f32 to vector<16xf32>
      %le3A_1353 = arith.cmpf ole, %get3A_1299, %le3A_1352 : vector<16xf32>
      %and3A_1354 = arith.andi %ge3A_1351, %le3A_1353 : vector<16xi1>
      %all_reduce_population_count3A = tpu.all_reduce %and3A_1319 {dim = 0 : i64, kind = #tpu.reduction_kind<sum>} : vector<16xi1> -> vector<16xi32>
      %all_reduce_population_count3A_1355 = tpu.all_reduce %and3A_1324 {dim = 0 : i64, kind = #tpu.reduction_kind<sum>} : vector<16xi1> -> vector<16xi32>
      %all_reduce_population_count3A_1356 = tpu.all_reduce %and3A_1329 {dim = 0 : i64, kind = #tpu.reduction_kind<sum>} : vector<16xi1> -> vector<16xi32>
      %all_reduce_population_count3A_1357 = tpu.all_reduce %and3A_1334 {dim = 0 : i64, kind = #tpu.reduction_kind<sum>} : vector<16xi1> -> vector<16xi32>
      %all_reduce_population_count3A_1358 = tpu.all_reduce %and3A_1339 {dim = 0 : i64, kind = #tpu.reduction_kind<sum>} : vector<16xi1> -> vector<16xi32>
      %all_reduce_population_count3A_1359 = tpu.all_reduce %and3A_1344 {dim = 0 : i64, kind = #tpu.reduction_kind<sum>} : vector<16xi1> -> vector<16xi32>
      %all_reduce_population_count3A_1360 = tpu.all_reduce %and3A_1349 {dim = 0 : i64, kind = #tpu.reduction_kind<sum>} : vector<16xi1> -> vector<16xi32>
      %all_reduce_population_count3A_1361 = tpu.all_reduce %and3A_1354 {dim = 0 : i64, kind = #tpu.reduction_kind<sum>} : vector<16xi1> -> vector<16xi32>
      %all_reduce_population_count3A_1362 = tpu.all_reduce %gt3A_1300 {dim = 0 : i64, kind = #tpu.reduction_kind<sum>} : vector<16xi1> -> vector<16xi32>
      %add3A_1363 = arith.addi %scan3A_1235, %all_reduce_population_count3A_1362 : vector<16xi32>
      %select_n3A_1364 = arith.select %gt3A_1300, %get3A_1243, %broadcast_in_dim3A_5 : vector<16xi1>, vector<16xf32>
      %add3A_1365 = arith.addf %scan3A_1236, %select_n3A_1364 : vector<16xf32>
      %all_reduce_population_count3A_1366 = tpu.all_reduce %gt3A_1302 {dim = 0 : i64, kind = #tpu.reduction_kind<sum>} : vector<16xi1> -> vector<16xi32>
      %add3A_1367 = arith.addi %add3A_1363, %all_reduce_population_count3A_1366 : vector<16xi32>
      %select_n3A_1368 = arith.select %gt3A_1302, %get3A_1251, %broadcast_in_dim3A_5 : vector<16xi1>, vector<16xf32>
      %add3A_1369 = arith.addf %add3A_1365, %select_n3A_1368 : vector<16xf32>
      %all_reduce_population_count3A_1370 = tpu.all_reduce %gt3A_1304 {dim = 0 : i64, kind = #tpu.reduction_kind<sum>} : vector<16xi1> -> vector<16xi32>
      %add3A_1371 = arith.addi %add3A_1367, %all_reduce_population_count3A_1370 : vector<16xi32>
      %select_n3A_1372 = arith.select %gt3A_1304, %get3A_1259, %broadcast_in_dim3A_5 : vector<16xi1>, vector<16xf32>
      %add3A_1373 = arith.addf %add3A_1369, %select_n3A_1372 : vector<16xf32>
      %all_reduce_population_count3A_1374 = tpu.all_reduce %gt3A_1306 {dim = 0 : i64, kind = #tpu.reduction_kind<sum>} : vector<16xi1> -> vector<16xi32>
      %add3A_1375 = arith.addi %add3A_1371, %all_reduce_population_count3A_1374 : vector<16xi32>
      %select_n3A_1376 = arith.select %gt3A_1306, %get3A_1267, %broadcast_in_dim3A_5 : vector<16xi1>, vector<16xf32>
      %add3A_1377 = arith.addf %add3A_1373, %select_n3A_1376 : vector<16xf32>
      %all_reduce_population_count3A_1378 = tpu.all_reduce %gt3A_1308 {dim = 0 : i64, kind = #tpu.reduction_kind<sum>} : vector<16xi1> -> vector<16xi32>
      %add3A_1379 = arith.addi %add3A_1375, %all_reduce_population_count3A_1378 : vector<16xi32>
      %select_n3A_1380 = arith.select %gt3A_1308, %get3A_1275, %broadcast_in_dim3A_5 : vector<16xi1>, vector<16xf32>
      %add3A_1381 = arith.addf %add3A_1377, %select_n3A_1380 : vector<16xf32>
      %all_reduce_population_count3A_1382 = tpu.all_reduce %gt3A_1310 {dim = 0 : i64, kind = #tpu.reduction_kind<sum>} : vector<16xi1> -> vector<16xi32>
      %add3A_1383 = arith.addi %add3A_1379, %all_reduce_population_count3A_1382 : vector<16xi32>
      %select_n3A_1384 = arith.select %gt3A_1310, %get3A_1283, %broadcast_in_dim3A_5 : vector<16xi1>, vector<16xf32>
      %add3A_1385 = arith.addf %add3A_1381, %select_n3A_1384 : vector<16xf32>
      %all_reduce_population_count3A_1386 = tpu.all_reduce %gt3A_1312 {dim = 0 : i64, kind = #tpu.reduction_kind<sum>} : vector<16xi1> -> vector<16xi32>
      %add3A_1387 = arith.addi %add3A_1383, %all_reduce_population_count3A_1386 : vector<16xi32>
      %select_n3A_1388 = arith.select %gt3A_1312, %get3A_1291, %broadcast_in_dim3A_5 : vector<16xi1>, vector<16xf32>
      %add3A_1389 = arith.addf %add3A_1385, %select_n3A_1388 : vector<16xf32>
      %all_reduce_population_count3A_1390 = tpu.all_reduce %gt3A_1314 {dim = 0 : i64, kind = #tpu.reduction_kind<sum>} : vector<16xi1> -> vector<16xi32>
      %add3A_1391 = arith.addi %add3A_1387, %all_reduce_population_count3A_1390 : vector<16xi32>
      %select_n3A_1392 = arith.select %gt3A_1314, %get3A_1299, %broadcast_in_dim3A_5 : vector<16xi1>, vector<16xf32>
      %add3A_1393 = arith.addf %add3A_1389, %select_n3A_1392 : vector<16xf32>
      %slice3A_1394 = vector.extract_strided_slice %all_reduce_population_count3A {offsets = [0], sizes = [1], strides = [1]} : vector<16xi32> to vector<1xi32>
      %squeeze3A_1395 = vector.extract %slice3A_1394[0] : i32 from vector<1xi32>
      %add3A_1396 = arith.addi %scan3A_1234, %squeeze3A_1395 : i32
      %slice3A_1397 = vector.extract_strided_slice %all_reduce_population_count3A_1355 {offsets = [0], sizes = [1], strides = [1]} : vector<16xi32> to vector<1xi32>
      %squeeze3A_1398 = vector.extract %slice3A_1397[0] : i32 from vector<1xi32>
      %add3A_1399 = arith.addi %add3A_1396, %squeeze3A_1398 : i32
      %slice3A_1400 = vector.extract_strided_slice %all_reduce_population_count3A_1356 {offsets = [0], sizes = [1], strides = [1]} : vector<16xi32> to vector<1xi32>
      %squeeze3A_1401 = vector.extract %slice3A_1400[0] : i32 from vector<1xi32>
      %add3A_1402 = arith.addi %add3A_1399, %squeeze3A_1401 : i32
      %slice3A_1403 = vector.extract_strided_slice %all_reduce_population_count3A_1357 {offsets = [0], sizes = [1], strides = [1]} : vector<16xi32> to vector<1xi32>
      %squeeze3A_1404 = vector.extract %slice3A_1403[0] : i32 from vector<1xi32>
      %add3A_1405 = arith.addi %add3A_1402, %squeeze3A_1404 : i32
      %slice3A_1406 = vector.extract_strided_slice %all_reduce_population_count3A_1358 {offsets = [0], sizes = [1], strides = [1]} : vector<16xi32> to vector<1xi32>
      %squeeze3A_1407 = vector.extract %slice3A_1406[0] : i32 from vector<1xi32>
      %add3A_1408 = arith.addi %add3A_1405, %squeeze3A_1407 : i32
      %slice3A_1409 = vector.extract_strided_slice %all_reduce_population_count3A_1359 {offsets = [0], sizes = [1], strides = [1]} : vector<16xi32> to vector<1xi32>
      %squeeze3A_1410 = vector.extract %slice3A_1409[0] : i32 from vector<1xi32>
      %add3A_1411 = arith.addi %add3A_1408, %squeeze3A_1410 : i32
      %slice3A_1412 = vector.extract_strided_slice %all_reduce_population_count3A_1360 {offsets = [0], sizes = [1], strides = [1]} : vector<16xi32> to vector<1xi32>
      %squeeze3A_1413 = vector.extract %slice3A_1412[0] : i32 from vector<1xi32>
      %add3A_1414 = arith.addi %add3A_1411, %squeeze3A_1413 : i32
      %slice3A_1415 = vector.extract_strided_slice %all_reduce_population_count3A_1361 {offsets = [0], sizes = [1], strides = [1]} : vector<16xi32> to vector<1xi32>
      %squeeze3A_1416 = vector.extract %slice3A_1415[0] : i32 from vector<1xi32>
      %add3A_1417 = arith.addi %add3A_1414, %squeeze3A_1416 : i32
      %swap3A_1418 = arith.index_cast %scan3A_1234 : i32 to index
      %swap3A_1419 = tpu.vector_load %arg6[%swap3A_1418] masked %and3A_1319 {strides = array<i32>} : memref<32832xf32, #tpu.memory_space<vmem>>, vector<16xf32>, vector<16xi1>
      tpu.vector_store %arg6[%swap3A_1418], %get3A_1243 masked %and3A_1319 {strides = array<i32>} : memref<32832xf32, #tpu.memory_space<vmem>>, vector<16xf32>, vector<16xi1>
      %swap3A_1420 = arith.index_cast %add3A_1396 : i32 to index
      %swap3A_1421 = tpu.vector_load %arg6[%swap3A_1420] masked %and3A_1324 {strides = array<i32>} : memref<32832xf32, #tpu.memory_space<vmem>>, vector<16xf32>, vector<16xi1>
      tpu.vector_store %arg6[%swap3A_1420], %get3A_1251 masked %and3A_1324 {strides = array<i32>} : memref<32832xf32, #tpu.memory_space<vmem>>, vector<16xf32>, vector<16xi1>
      %swap3A_1422 = arith.index_cast %add3A_1399 : i32 to index
      %swap3A_1423 = tpu.vector_load %arg6[%swap3A_1422] masked %and3A_1329 {strides = array<i32>} : memref<32832xf32, #tpu.memory_space<vmem>>, vector<16xf32>, vector<16xi1>
      tpu.vector_store %arg6[%swap3A_1422], %get3A_1259 masked %and3A_1329 {strides = array<i32>} : memref<32832xf32, #tpu.memory_space<vmem>>, vector<16xf32>, vector<16xi1>
      %swap3A_1424 = arith.index_cast %add3A_1402 : i32 to index
      %swap3A_1425 = tpu.vector_load %arg6[%swap3A_1424] masked %and3A_1334 {strides = array<i32>} : memref<32832xf32, #tpu.memory_space<vmem>>, vector<16xf32>, vector<16xi1>
      tpu.vector_store %arg6[%swap3A_1424], %get3A_1267 masked %and3A_1334 {strides = array<i32>} : memref<32832xf32, #tpu.memory_space<vmem>>, vector<16xf32>, vector<16xi1>
      %swap3A_1426 = arith.index_cast %add3A_1405 : i32 to index
      %swap3A_1427 = tpu.vector_load %arg6[%swap3A_1426] masked %and3A_1339 {strides = array<i32>} : memref<32832xf32, #tpu.memory_space<vmem>>, vector<16xf32>, vector<16xi1>
      tpu.vector_store %arg6[%swap3A_1426], %get3A_1275 masked %and3A_1339 {strides = array<i32>} : memref<32832xf32, #tpu.memory_space<vmem>>, vector<16xf32>, vector<16xi1>
      %swap3A_1428 = arith.index_cast %add3A_1408 : i32 to index
      %swap3A_1429 = tpu.vector_load %arg6[%swap3A_1428] masked %and3A_1344 {strides = array<i32>} : memref<32832xf32, #tpu.memory_space<vmem>>, vector<16xf32>, vector<16xi1>
      tpu.vector_store %arg6[%swap3A_1428], %get3A_1283 masked %and3A_1344 {strides = array<i32>} : memref<32832xf32, #tpu.memory_space<vmem>>, vector<16xf32>, vector<16xi1>
      %swap3A_1430 = arith.index_cast %add3A_1411 : i32 to index
      %swap3A_1431 = tpu.vector_load %arg6[%swap3A_1430] masked %and3A_1349 {strides = array<i32>} : memref<32832xf32, #tpu.memory_space<vmem>>, vector<16xf32>, vector<16xi1>
      tpu.vector_store %arg6[%swap3A_1430], %get3A_1291 masked %and3A_1349 {strides = array<i32>} : memref<32832xf32, #tpu.memory_space<vmem>>, vector<16xf32>, vector<16xi1>
      %swap3A_1432 = arith.index_cast %add3A_1414 : i32 to index
      %swap3A_1433 = tpu.vector_load %arg6[%swap3A_1432] masked %and3A_1354 {strides = array<i32>} : memref<32832xf32, #tpu.memory_space<vmem>>, vector<16xf32>, vector<16xi1>
      tpu.vector_store %arg6[%swap3A_1432], %get3A_1299 masked %and3A_1354 {strides = array<i32>} : memref<32832xf32, #tpu.memory_space<vmem>>, vector<16xf32>, vector<16xi1>
      scf.yield %add3A_1417, %add3A_1391, %add3A_1393 : i32, vector<16xi32>, vector<16xf32>
    }
    %scan3A_132 = arith.constant 256 : i32
    %slice3A = vector.extract_strided_slice %scan3A_131#1 {offsets = [0], sizes = [1], strides = [1]} : vector<16xi32> to vector<1xi32>
    %squeeze3A = vector.extract %slice3A[0] : i32 from vector<1xi32>
    %reduce_sum3A_133 = arith.constant true
    %reduce_sum3A_134 = vector.broadcast %reduce_sum3A_133 : i1 to vector<16xi1>
    %reduce_sum3A_135 = tpu.scan <sum>, %scan3A_131#2 masked %reduce_sum3A_134 : vector<16xf32>, vector<16xi1> -> vector<16xf32>
    %reduce_sum3A_136 = vector.extract %reduce_sum3A_135[15] : f32 from vector<16xf32>
    %broadcast_in_dim3A_137 = arith.constant 0xFF800000 : f32
    %broadcast_in_dim3A_138 = vector.broadcast %broadcast_in_dim3A_137 : f32 to vector<16xf32>
    %add3A_139 = arith.constant 0 : i32
    %add3A_140 = arith.addi %scan3A_131#0, %add3A_139 : i32
    %swap3A_141 = arith.index_cast %add3A_140 : i32 to index
    %swap3A_142 = tpu.vector_load %arg6[%swap3A_141] {strides = array<i32>} : memref<32832xf32, #tpu.memory_space<vmem>>, vector<16xf32>,
    tpu.vector_store %arg6[%swap3A_141], %broadcast_in_dim3A_138 {strides = array<i32>} : memref<32832xf32, #tpu.memory_space<vmem>>, vector<16xf32>,
    %broadcast_in_dim3A_143 = arith.constant 0xFF800000 : f32
    %broadcast_in_dim3A_144 = vector.broadcast %broadcast_in_dim3A_143 : f32 to vector<16xf32>
    %add3A_145 = arith.constant 16 : i32
    %add3A_146 = arith.addi %scan3A_131#0, %add3A_145 : i32
    %swap3A_147 = arith.index_cast %add3A_146 : i32 to index
    %swap3A_148 = tpu.vector_load %arg6[%swap3A_147] {strides = array<i32>} : memref<32832xf32, #tpu.memory_space<vmem>>, vector<16xf32>,
    tpu.vector_store %arg6[%swap3A_147], %broadcast_in_dim3A_144 {strides = array<i32>} : memref<32832xf32, #tpu.memory_space<vmem>>, vector<16xf32>,
    %broadcast_in_dim3A_149 = arith.constant 0xFF800000 : f32
    %broadcast_in_dim3A_150 = vector.broadcast %broadcast_in_dim3A_149 : f32 to vector<16xf32>
    %add3A_151 = arith.constant 32 : i32
    %add3A_152 = arith.addi %scan3A_131#0, %add3A_151 : i32
    %swap3A_153 = arith.index_cast %add3A_152 : i32 to index
    %swap3A_154 = tpu.vector_load %arg6[%swap3A_153] {strides = array<i32>} : memref<32832xf32, #tpu.memory_space<vmem>>, vector<16xf32>,
    tpu.vector_store %arg6[%swap3A_153], %broadcast_in_dim3A_150 {strides = array<i32>} : memref<32832xf32, #tpu.memory_space<vmem>>, vector<16xf32>,
    %broadcast_in_dim3A_155 = arith.constant 0xFF800000 : f32
    %broadcast_in_dim3A_156 = vector.broadcast %broadcast_in_dim3A_155 : f32 to vector<16xf32>
    %add3A_157 = arith.constant 48 : i32
    %add3A_158 = arith.addi %scan3A_131#0, %add3A_157 : i32
    %swap3A_159 = arith.index_cast %add3A_158 : i32 to index
    %swap3A_160 = tpu.vector_load %arg6[%swap3A_159] {strides = array<i32>} : memref<32832xf32, #tpu.memory_space<vmem>>, vector<16xf32>,
    tpu.vector_store %arg6[%swap3A_159], %broadcast_in_dim3A_156 {strides = array<i32>} : memref<32832xf32, #tpu.memory_space<vmem>>, vector<16xf32>,
    %add3A_161 = arith.constant 15 : i32
    %add3A_162 = arith.addi %scan3A_131#0, %add3A_161 : i32
    %jit3A = arith.constant 16 : i32
    %div3A = arith.divsi %add3A_162, %jit3A : i32
    %sign3A = arith.constant 0 : i32
    %sign3A_163 = arith.cmpi sgt, %add3A_162, %sign3A : i32
    %sign3A_164 = arith.extui %sign3A_163 : i1 to i32
    %sign3A_165 = arith.constant 0 : i32
    %sign3A_166 = arith.cmpi slt, %add3A_162, %sign3A_165 : i32
    %sign3A_167 = arith.extui %sign3A_166 : i1 to i32
    %sign3A_168 = arith.subi %sign3A_164, %sign3A_167 : i32
    %sign3A_169 = arith.constant 0 : i32
    %sign3A_170 = arith.cmpi sgt, %jit3A, %sign3A_169 : i32
    %sign3A_171 = arith.extui %sign3A_170 : i1 to i32
    %sign3A_172 = arith.constant 0 : i32
    %sign3A_173 = arith.cmpi slt, %jit3A, %sign3A_172 : i32
    %sign3A_174 = arith.extui %sign3A_173 : i1 to i32
    %sign3A_175 = arith.subi %sign3A_171, %sign3A_174 : i32
    %ne3A = arith.cmpi ne, %sign3A_168, %sign3A_175 : i32
    %rem3A = arith.remsi %add3A_162, %jit3A : i32
    %ne3A_176 = arith.constant 0 : i32
    %ne3A_177 = arith.cmpi ne, %rem3A, %ne3A_176 : i32
    %and3A = arith.andi %ne3A, %ne3A_177 : i1
    %sub3A_178 = arith.constant 1 : i32
    %sub3A_179 = arith.subi %div3A, %sub3A_178 : i32
    %select_n3A_180 = arith.select %and3A, %sub3A_179, %div3A : i32
    %add3A_181 = arith.constant 63 : i32
    %add3A_182 = arith.addi %scan3A_131#0, %add3A_181 : i32
    %jit3A_183 = arith.constant 64 : i32
    %div3A_184 = arith.divsi %add3A_182, %jit3A_183 : i32
    %sign3A_185 = arith.constant 0 : i32
    %sign3A_186 = arith.cmpi sgt, %add3A_182, %sign3A_185 : i32
    %sign3A_187 = arith.extui %sign3A_186 : i1 to i32
    %sign3A_188 = arith.constant 0 : i32
    %sign3A_189 = arith.cmpi slt, %add3A_182, %sign3A_188 : i32
    %sign3A_190 = arith.extui %sign3A_189 : i1 to i32
    %sign3A_191 = arith.subi %sign3A_187, %sign3A_190 : i32
    %sign3A_192 = arith.constant 0 : i32
    %sign3A_193 = arith.cmpi sgt, %jit3A_183, %sign3A_192 : i32
    %sign3A_194 = arith.extui %sign3A_193 : i1 to i32
    %sign3A_195 = arith.constant 0 : i32
    %sign3A_196 = arith.cmpi slt, %jit3A_183, %sign3A_195 : i32
    %sign3A_197 = arith.extui %sign3A_196 : i1 to i32
    %sign3A_198 = arith.subi %sign3A_194, %sign3A_197 : i32
    %ne3A_199 = arith.cmpi ne, %sign3A_191, %sign3A_198 : i32
    %rem3A_200 = arith.remsi %add3A_182, %jit3A_183 : i32
    %ne3A_201 = arith.constant 0 : i32
    %ne3A_202 = arith.cmpi ne, %rem3A_200, %ne3A_201 : i32
    %and3A_203 = arith.andi %ne3A_199, %ne3A_202 : i1
    %sub3A_204 = arith.constant 1 : i32
    %sub3A_205 = arith.subi %div3A_184, %sub3A_204 : i32
    %select_n3A_206 = arith.select %and3A_203, %sub3A_205, %div3A_184 : i32
    %sub3A_207 = arith.constant 3277 : i32
    %sub3A_208 = arith.subi %sub3A_207, %squeeze3A : i32
    %add3A_209 = vector.broadcast %sub3A_208 : i32 to vector<16xi32>
    %add3A_210 = arith.addi %broadcast_in_dim3A_3, %add3A_209 : vector<16xi32>
    %sub3A_211 = arith.subi %select_n3A_125, %select_n3A_117 : i32
    %convert_element_type3A = arith.uitofp %sub3A_211 : i32 to f32
    %bitcast_convert_type3A_212 = arith.bitcast %convert_element_type3A : f32 to i32
    %shift_right_logical3A_213 = arith.constant 23 : i32
    %shift_right_logical3A_214 = arith.shrui %bitcast_convert_type3A_212, %shift_right_logical3A_213 : i32
    %and3A_215 = arith.constant 255 : i32
    %and3A_216 = arith.andi %shift_right_logical3A_214, %and3A_215 : i32
    %sub3A_217 = arith.constant 126 : i32
    %sub3A_218 = arith.subi %and3A_216, %sub3A_217 : i32
    %broadcast_in_dim3A_219 = arith.constant 0 : i32
    %broadcast_in_dim3A_220 = vector.broadcast %broadcast_in_dim3A_219 : i32 to vector<16xi32>
    %add3A_221 = vector.broadcast %select_n3A_117 : i32 to vector<16xi32>
    %add3A_222 = arith.addi %broadcast_in_dim3A_220, %add3A_221 : vector<16xi32>
    %broadcast_in_dim3A_223 = arith.constant 0 : i32
    %broadcast_in_dim3A_224 = vector.broadcast %broadcast_in_dim3A_223 : i32 to vector<16xi32>
    %add3A_225 = vector.broadcast %select_n3A_125 : i32 to vector<16xi32>
    %add3A_226 = arith.addi %broadcast_in_dim3A_224, %add3A_225 : vector<16xi32>
    %while3A = arith.constant 0 : i32
    %while3A_227 = arith.subi %sub3A_218, %while3A : i32
    %while3A_228 = arith.addi %while3A, %while3A_227 : i32
    %while3A_229 = arith.constant 1 : i32
    %while3A_230 = arith.divsi %while3A_227, %while3A_229 : i32
    %while3A_231 = arith.muli %while3A_230, %while3A_229 : i32
    %while3A_232 = arith.addi %while3A, %while3A_231 : i32
    %while3A_233 = arith.constant 1 : i32
    %while3A_234:2 = scf.for %while3A_1233 = %while3A to %while3A_232 step %while3A_233 iter_args(%while3A_1234 = %add3A_222, %while3A_1235 = %add3A_226) -> (vector<16xi32>, vector<16xi32>)  : i32 {
      %sub3A_1236 = arith.subi %while3A_1235, %while3A_1234 : vector<16xi32>
      %shift_right_logical3A_1237 = arith.constant 1 : i32
      %shift_right_logical3A_1238 = vector.broadcast %shift_right_logical3A_1237 : i32 to vector<16xi32>
      %shift_right_logical3A_1239 = arith.shrui %sub3A_1236, %shift_right_logical3A_1238 : vector<16xi32>
      %add3A_1240 = arith.addi %while3A_1234, %shift_right_logical3A_1239 : vector<16xi32>
      %ge3A_1241 = arith.constant -2147483648 : i32
      %ge3A_1242 = vector.broadcast %ge3A_1241 : i32 to vector<16xi32>
      %ge3A_1243 = arith.cmpi uge, %add3A_1240, %ge3A_1242 : vector<16xi32>
      %and3A_1244 = arith.constant 2147483647 : i32
      %and3A_1245 = vector.broadcast %and3A_1244 : i32 to vector<16xi32>
      %and3A_1246 = arith.andi %add3A_1240, %and3A_1245 : vector<16xi32>
      %not3A_1247 = arith.constant dense<-1> : vector<16xi32>
      %not3A_1248 = arith.xori %add3A_1240, %not3A_1247 : vector<16xi32>
      %select_n3A_1249 = arith.select %ge3A_1243, %and3A_1246, %not3A_1248 : vector<16xi1>, vector<16xi32>
      %bitcast_convert_type3A_1250 = tpu.bitcast %select_n3A_1249 : vector<16xi32> -> vector<16xf32>
      %while3A_1251 = arith.constant 0 : i32
      %while3A_1252 = arith.subi %select_n3A_206, %while3A_1251 : i32
      %while3A_1253 = arith.addi %while3A_1251, %while3A_1252 : i32
      %while3A_1254 = arith.constant 1 : i32
      %while3A_1255 = arith.divsi %while3A_1252, %while3A_1254 : i32
      %while3A_1256 = arith.muli %while3A_1255, %while3A_1254 : i32
      %while3A_1257 = arith.addi %while3A_1251, %while3A_1256 : i32
      %while3A_1258 = arith.constant 1 : i32
      %while3A_1259 = scf.for %while3A_1268 = %while3A_1251 to %while3A_1257 step %while3A_1258 iter_args(%while3A_1269 = %broadcast_in_dim3A_3) -> (vector<16xi32>)  : i32 {
        %mul3A_1270 = arith.constant 4 : i32
        %mul3A_1271 = arith.muli %while3A_1268, %mul3A_1270 : i32
        %add3A_1272 = arith.constant 0 : i32
        %add3A_1273 = arith.addi %mul3A_1271, %add3A_1272 : i32
        %mul3A_1274 = arith.constant 16 : i32
        %mul3A_1275 = arith.muli %add3A_1273, %mul3A_1274 : i32
        %get3A = arith.index_cast %mul3A_1275 : i32 to index
        %get3A_1276 = tpu.vector_load %arg6[%get3A] {strides = array<i32>} : memref<32832xf32, #tpu.memory_space<vmem>>, vector<16xf32>,
        %mul3A_1277 = arith.constant 4 : i32
        %mul3A_1278 = arith.muli %while3A_1268, %mul3A_1277 : i32
        %add3A_1279 = arith.constant 1 : i32
        %add3A_1280 = arith.addi %mul3A_1278, %add3A_1279 : i32
        %mul3A_1281 = arith.constant 16 : i32
        %mul3A_1282 = arith.muli %add3A_1280, %mul3A_1281 : i32
        %get3A_1283 = arith.index_cast %mul3A_1282 : i32 to index
        %get3A_1284 = tpu.vector_load %arg6[%get3A_1283] {strides = array<i32>} : memref<32832xf32, #tpu.memory_space<vmem>>, vector<16xf32>,
        %mul3A_1285 = arith.constant 4 : i32
        %mul3A_1286 = arith.muli %while3A_1268, %mul3A_1285 : i32
        %add3A_1287 = arith.constant 2 : i32
        %add3A_1288 = arith.addi %mul3A_1286, %add3A_1287 : i32
        %mul3A_1289 = arith.constant 16 : i32
        %mul3A_1290 = arith.muli %add3A_1288, %mul3A_1289 : i32
        %get3A_1291 = arith.index_cast %mul3A_1290 : i32 to index
        %get3A_1292 = tpu.vector_load %arg6[%get3A_1291] {strides = array<i32>} : memref<32832xf32, #tpu.memory_space<vmem>>, vector<16xf32>,
        %mul3A_1293 = arith.constant 4 : i32
        %mul3A_1294 = arith.muli %while3A_1268, %mul3A_1293 : i32
        %add3A_1295 = arith.constant 3 : i32
        %add3A_1296 = arith.addi %mul3A_1294, %add3A_1295 : i32
        %mul3A_1297 = arith.constant 16 : i32
        %mul3A_1298 = arith.muli %add3A_1296, %mul3A_1297 : i32
        %get3A_1299 = arith.index_cast %mul3A_1298 : i32 to index
        %get3A_1300 = tpu.vector_load %arg6[%get3A_1299] {strides = array<i32>} : memref<32832xf32, #tpu.memory_space<vmem>>, vector<16xf32>,
        %gt3A = arith.cmpf ogt, %get3A_1276, %bitcast_convert_type3A_1250 : vector<16xf32>
        %gt3A_1301 = arith.cmpf ogt, %get3A_1284, %bitcast_convert_type3A_1250 : vector<16xf32>
        %gt3A_1302 = arith.cmpf ogt, %get3A_1292, %bitcast_convert_type3A_1250 : vector<16xf32>
        %gt3A_1303 = arith.cmpf ogt, %get3A_1300, %bitcast_convert_type3A_1250 : vector<16xf32>
        %all_reduce_population_count3A = tpu.all_reduce %gt3A {dim = 0 : i64, kind = #tpu.reduction_kind<sum>} : vector<16xi1> -> vector<16xi32>
        %add3A_1304 = arith.addi %while3A_1269, %all_reduce_population_count3A : vector<16xi32>
        %all_reduce_population_count3A_1305 = tpu.all_reduce %gt3A_1301 {dim = 0 : i64, kind = #tpu.reduction_kind<sum>} : vector<16xi1> -> vector<16xi32>
        %add3A_1306 = arith.addi %add3A_1304, %all_reduce_population_count3A_1305 : vector<16xi32>
        %all_reduce_population_count3A_1307 = tpu.all_reduce %gt3A_1302 {dim = 0 : i64, kind = #tpu.reduction_kind<sum>} : vector<16xi1> -> vector<16xi32>
        %add3A_1308 = arith.addi %add3A_1306, %all_reduce_population_count3A_1307 : vector<16xi32>
        %all_reduce_population_count3A_1309 = tpu.all_reduce %gt3A_1303 {dim = 0 : i64, kind = #tpu.reduction_kind<sum>} : vector<16xi1> -> vector<16xi32>
        %add3A_1310 = arith.addi %add3A_1308, %all_reduce_population_count3A_1309 : vector<16xi32>
        scf.yield %add3A_1310 : vector<16xi32>
      }
      %while3A_1260 = arith.constant 1 : i32
      %while3A_1261 = scf.for %while3A_1268 = %while3A_1257 to %while3A_1253 step %while3A_1260 iter_args(%while3A_1269 = %while3A_1259) -> (vector<16xi32>)  : i32 {
        %mul3A_1270 = arith.constant 4 : i32
        %mul3A_1271 = arith.muli %while3A_1268, %mul3A_1270 : i32
        %add3A_1272 = arith.constant 0 : i32
        %add3A_1273 = arith.addi %mul3A_1271, %add3A_1272 : i32
        %mul3A_1274 = arith.constant 16 : i32
        %mul3A_1275 = arith.muli %add3A_1273, %mul3A_1274 : i32
        %get3A = arith.index_cast %mul3A_1275 : i32 to index
        %get3A_1276 = tpu.vector_load %arg6[%get3A] {strides = array<i32>} : memref<32832xf32, #tpu.memory_space<vmem>>, vector<16xf32>,
        %mul3A_1277 = arith.constant 4 : i32
        %mul3A_1278 = arith.muli %while3A_1268, %mul3A_1277 : i32
        %add3A_1279 = arith.constant 1 : i32
        %add3A_1280 = arith.addi %mul3A_1278, %add3A_1279 : i32
        %mul3A_1281 = arith.constant 16 : i32
        %mul3A_1282 = arith.muli %add3A_1280, %mul3A_1281 : i32
        %get3A_1283 = arith.index_cast %mul3A_1282 : i32 to index
        %get3A_1284 = tpu.vector_load %arg6[%get3A_1283] {strides = array<i32>} : memref<32832xf32, #tpu.memory_space<vmem>>, vector<16xf32>,
        %mul3A_1285 = arith.constant 4 : i32
        %mul3A_1286 = arith.muli %while3A_1268, %mul3A_1285 : i32
        %add3A_1287 = arith.constant 2 : i32
        %add3A_1288 = arith.addi %mul3A_1286, %add3A_1287 : i32
        %mul3A_1289 = arith.constant 16 : i32
        %mul3A_1290 = arith.muli %add3A_1288, %mul3A_1289 : i32
        %get3A_1291 = arith.index_cast %mul3A_1290 : i32 to index
        %get3A_1292 = tpu.vector_load %arg6[%get3A_1291] {strides = array<i32>} : memref<32832xf32, #tpu.memory_space<vmem>>, vector<16xf32>,
        %mul3A_1293 = arith.constant 4 : i32
        %mul3A_1294 = arith.muli %while3A_1268, %mul3A_1293 : i32
        %add3A_1295 = arith.constant 3 : i32
        %add3A_1296 = arith.addi %mul3A_1294, %add3A_1295 : i32
        %mul3A_1297 = arith.constant 16 : i32
        %mul3A_1298 = arith.muli %add3A_1296, %mul3A_1297 : i32
        %get3A_1299 = arith.index_cast %mul3A_1298 : i32 to index
        %get3A_1300 = tpu.vector_load %arg6[%get3A_1299] {strides = array<i32>} : memref<32832xf32, #tpu.memory_space<vmem>>, vector<16xf32>,
        %gt3A = arith.cmpf ogt, %get3A_1276, %bitcast_convert_type3A_1250 : vector<16xf32>
        %gt3A_1301 = arith.cmpf ogt, %get3A_1284, %bitcast_convert_type3A_1250 : vector<16xf32>
        %gt3A_1302 = arith.cmpf ogt, %get3A_1292, %bitcast_convert_type3A_1250 : vector<16xf32>
        %gt3A_1303 = arith.cmpf ogt, %get3A_1300, %bitcast_convert_type3A_1250 : vector<16xf32>
        %all_reduce_population_count3A = tpu.all_reduce %gt3A {dim = 0 : i64, kind = #tpu.reduction_kind<sum>} : vector<16xi1> -> vector<16xi32>
        %add3A_1304 = arith.addi %while3A_1269, %all_reduce_population_count3A : vector<16xi32>
        %all_reduce_population_count3A_1305 = tpu.all_reduce %gt3A_1301 {dim = 0 : i64, kind = #tpu.reduction_kind<sum>} : vector<16xi1> -> vector<16xi32>
        %add3A_1306 = arith.addi %add3A_1304, %all_reduce_population_count3A_1305 : vector<16xi32>
        %all_reduce_population_count3A_1307 = tpu.all_reduce %gt3A_1302 {dim = 0 : i64, kind = #tpu.reduction_kind<sum>} : vector<16xi1> -> vector<16xi32>
        %add3A_1308 = arith.addi %add3A_1306, %all_reduce_population_count3A_1307 : vector<16xi32>
        %all_reduce_population_count3A_1309 = tpu.all_reduce %gt3A_1303 {dim = 0 : i64, kind = #tpu.reduction_kind<sum>} : vector<16xi1> -> vector<16xi32>
        %add3A_1310 = arith.addi %add3A_1308, %all_reduce_population_count3A_1309 : vector<16xi32>
        scf.yield %add3A_1310 : vector<16xi32>
      }
      %le3A_1262 = arith.cmpi sle, %while3A_1261, %add3A_210 : vector<16xi32>
      %add3A_1263 = arith.constant 1 : i32
      %add3A_1264 = vector.broadcast %add3A_1263 : i32 to vector<16xi32>
      %add3A_1265 = arith.addi %add3A_1240, %add3A_1264 : vector<16xi32>
      %select_n3A_1266 = arith.select %le3A_1262, %while3A_1234, %add3A_1265 : vector<16xi1>, vector<16xi32>
      %select_n3A_1267 = arith.select %le3A_1262, %add3A_1240, %while3A_1235 : vector<16xi1>, vector<16xi32>
      scf.yield %select_n3A_1266, %select_n3A_1267 : vector<16xi32>, vector<16xi32>
    }
    %while3A_235 = arith.constant 1 : i32
    %while3A_236:2 = scf.for %while3A_1233 = %while3A_232 to %while3A_228 step %while3A_235 iter_args(%while3A_1234 = %while3A_234#0, %while3A_1235 = %while3A_234#1) -> (vector<16xi32>, vector<16xi32>)  : i32 {
      %sub3A_1236 = arith.subi %while3A_1235, %while3A_1234 : vector<16xi32>
      %shift_right_logical3A_1237 = arith.constant 1 : i32
      %shift_right_logical3A_1238 = vector.broadcast %shift_right_logical3A_1237 : i32 to vector<16xi32>
      %shift_right_logical3A_1239 = arith.shrui %sub3A_1236, %shift_right_logical3A_1238 : vector<16xi32>
      %add3A_1240 = arith.addi %while3A_1234, %shift_right_logical3A_1239 : vector<16xi32>
      %ge3A_1241 = arith.constant -2147483648 : i32
      %ge3A_1242 = vector.broadcast %ge3A_1241 : i32 to vector<16xi32>
      %ge3A_1243 = arith.cmpi uge, %add3A_1240, %ge3A_1242 : vector<16xi32>
      %and3A_1244 = arith.constant 2147483647 : i32
      %and3A_1245 = vector.broadcast %and3A_1244 : i32 to vector<16xi32>
      %and3A_1246 = arith.andi %add3A_1240, %and3A_1245 : vector<16xi32>
      %not3A_1247 = arith.constant dense<-1> : vector<16xi32>
      %not3A_1248 = arith.xori %add3A_1240, %not3A_1247 : vector<16xi32>
      %select_n3A_1249 = arith.select %ge3A_1243, %and3A_1246, %not3A_1248 : vector<16xi1>, vector<16xi32>
      %bitcast_convert_type3A_1250 = tpu.bitcast %select_n3A_1249 : vector<16xi32> -> vector<16xf32>
      %while3A_1251 = arith.constant 0 : i32
      %while3A_1252 = arith.subi %select_n3A_206, %while3A_1251 : i32
      %while3A_1253 = arith.addi %while3A_1251, %while3A_1252 : i32
      %while3A_1254 = arith.constant 1 : i32
      %while3A_1255 = arith.divsi %while3A_1252, %while3A_1254 : i32
      %while3A_1256 = arith.muli %while3A_1255, %while3A_1254 : i32
      %while3A_1257 = arith.addi %while3A_1251, %while3A_1256 : i32
      %while3A_1258 = arith.constant 1 : i32
      %while3A_1259 = scf.for %while3A_1268 = %while3A_1251 to %while3A_1257 step %while3A_1258 iter_args(%while3A_1269 = %broadcast_in_dim3A_3) -> (vector<16xi32>)  : i32 {
        %mul3A_1270 = arith.constant 4 : i32
        %mul3A_1271 = arith.muli %while3A_1268, %mul3A_1270 : i32
        %add3A_1272 = arith.constant 0 : i32
        %add3A_1273 = arith.addi %mul3A_1271, %add3A_1272 : i32
        %mul3A_1274 = arith.constant 16 : i32
        %mul3A_1275 = arith.muli %add3A_1273, %mul3A_1274 : i32
        %get3A = arith.index_cast %mul3A_1275 : i32 to index
        %get3A_1276 = tpu.vector_load %arg6[%get3A] {strides = array<i32>} : memref<32832xf32, #tpu.memory_space<vmem>>, vector<16xf32>,
        %mul3A_1277 = arith.constant 4 : i32
        %mul3A_1278 = arith.muli %while3A_1268, %mul3A_1277 : i32
        %add3A_1279 = arith.constant 1 : i32
        %add3A_1280 = arith.addi %mul3A_1278, %add3A_1279 : i32
        %mul3A_1281 = arith.constant 16 : i32
        %mul3A_1282 = arith.muli %add3A_1280, %mul3A_1281 : i32
        %get3A_1283 = arith.index_cast %mul3A_1282 : i32 to index
        %get3A_1284 = tpu.vector_load %arg6[%get3A_1283] {strides = array<i32>} : memref<32832xf32, #tpu.memory_space<vmem>>, vector<16xf32>,
        %mul3A_1285 = arith.constant 4 : i32
        %mul3A_1286 = arith.muli %while3A_1268, %mul3A_1285 : i32
        %add3A_1287 = arith.constant 2 : i32
        %add3A_1288 = arith.addi %mul3A_1286, %add3A_1287 : i32
        %mul3A_1289 = arith.constant 16 : i32
        %mul3A_1290 = arith.muli %add3A_1288, %mul3A_1289 : i32
        %get3A_1291 = arith.index_cast %mul3A_1290 : i32 to index
        %get3A_1292 = tpu.vector_load %arg6[%get3A_1291] {strides = array<i32>} : memref<32832xf32, #tpu.memory_space<vmem>>, vector<16xf32>,
        %mul3A_1293 = arith.constant 4 : i32
        %mul3A_1294 = arith.muli %while3A_1268, %mul3A_1293 : i32
        %add3A_1295 = arith.constant 3 : i32
        %add3A_1296 = arith.addi %mul3A_1294, %add3A_1295 : i32
        %mul3A_1297 = arith.constant 16 : i32
        %mul3A_1298 = arith.muli %add3A_1296, %mul3A_1297 : i32
        %get3A_1299 = arith.index_cast %mul3A_1298 : i32 to index
        %get3A_1300 = tpu.vector_load %arg6[%get3A_1299] {strides = array<i32>} : memref<32832xf32, #tpu.memory_space<vmem>>, vector<16xf32>,
        %gt3A = arith.cmpf ogt, %get3A_1276, %bitcast_convert_type3A_1250 : vector<16xf32>
        %gt3A_1301 = arith.cmpf ogt, %get3A_1284, %bitcast_convert_type3A_1250 : vector<16xf32>
        %gt3A_1302 = arith.cmpf ogt, %get3A_1292, %bitcast_convert_type3A_1250 : vector<16xf32>
        %gt3A_1303 = arith.cmpf ogt, %get3A_1300, %bitcast_convert_type3A_1250 : vector<16xf32>
        %all_reduce_population_count3A = tpu.all_reduce %gt3A {dim = 0 : i64, kind = #tpu.reduction_kind<sum>} : vector<16xi1> -> vector<16xi32>
        %add3A_1304 = arith.addi %while3A_1269, %all_reduce_population_count3A : vector<16xi32>
        %all_reduce_population_count3A_1305 = tpu.all_reduce %gt3A_1301 {dim = 0 : i64, kind = #tpu.reduction_kind<sum>} : vector<16xi1> -> vector<16xi32>
        %add3A_1306 = arith.addi %add3A_1304, %all_reduce_population_count3A_1305 : vector<16xi32>
        %all_reduce_population_count3A_1307 = tpu.all_reduce %gt3A_1302 {dim = 0 : i64, kind = #tpu.reduction_kind<sum>} : vector<16xi1> -> vector<16xi32>
        %add3A_1308 = arith.addi %add3A_1306, %all_reduce_population_count3A_1307 : vector<16xi32>
        %all_reduce_population_count3A_1309 = tpu.all_reduce %gt3A_1303 {dim = 0 : i64, kind = #tpu.reduction_kind<sum>} : vector<16xi1> -> vector<16xi32>
        %add3A_1310 = arith.addi %add3A_1308, %all_reduce_population_count3A_1309 : vector<16xi32>
        scf.yield %add3A_1310 : vector<16xi32>
      }
      %while3A_1260 = arith.constant 1 : i32
      %while3A_1261 = scf.for %while3A_1268 = %while3A_1257 to %while3A_1253 step %while3A_1260 iter_args(%while3A_1269 = %while3A_1259) -> (vector<16xi32>)  : i32 {
        %mul3A_1270 = arith.constant 4 : i32
        %mul3A_1271 = arith.muli %while3A_1268, %mul3A_1270 : i32
        %add3A_1272 = arith.constant 0 : i32
        %add3A_1273 = arith.addi %mul3A_1271, %add3A_1272 : i32
        %mul3A_1274 = arith.constant 16 : i32
        %mul3A_1275 = arith.muli %add3A_1273, %mul3A_1274 : i32
        %get3A = arith.index_cast %mul3A_1275 : i32 to index
        %get3A_1276 = tpu.vector_load %arg6[%get3A] {strides = array<i32>} : memref<32832xf32, #tpu.memory_space<vmem>>, vector<16xf32>,
        %mul3A_1277 = arith.constant 4 : i32
        %mul3A_1278 = arith.muli %while3A_1268, %mul3A_1277 : i32
        %add3A_1279 = arith.constant 1 : i32
        %add3A_1280 = arith.addi %mul3A_1278, %add3A_1279 : i32
        %mul3A_1281 = arith.constant 16 : i32
        %mul3A_1282 = arith.muli %add3A_1280, %mul3A_1281 : i32
        %get3A_1283 = arith.index_cast %mul3A_1282 : i32 to index
        %get3A_1284 = tpu.vector_load %arg6[%get3A_1283] {strides = array<i32>} : memref<32832xf32, #tpu.memory_space<vmem>>, vector<16xf32>,
        %mul3A_1285 = arith.constant 4 : i32
        %mul3A_1286 = arith.muli %while3A_1268, %mul3A_1285 : i32
        %add3A_1287 = arith.constant 2 : i32
        %add3A_1288 = arith.addi %mul3A_1286, %add3A_1287 : i32
        %mul3A_1289 = arith.constant 16 : i32
        %mul3A_1290 = arith.muli %add3A_1288, %mul3A_1289 : i32
        %get3A_1291 = arith.index_cast %mul3A_1290 : i32 to index
        %get3A_1292 = tpu.vector_load %arg6[%get3A_1291] {strides = array<i32>} : memref<32832xf32, #tpu.memory_space<vmem>>, vector<16xf32>,
        %mul3A_1293 = arith.constant 4 : i32
        %mul3A_1294 = arith.muli %while3A_1268, %mul3A_1293 : i32
        %add3A_1295 = arith.constant 3 : i32
        %add3A_1296 = arith.addi %mul3A_1294, %add3A_1295 : i32
        %mul3A_1297 = arith.constant 16 : i32
        %mul3A_1298 = arith.muli %add3A_1296, %mul3A_1297 : i32
        %get3A_1299 = arith.index_cast %mul3A_1298 : i32 to index
        %get3A_1300 = tpu.vector_load %arg6[%get3A_1299] {strides = array<i32>} : memref<32832xf32, #tpu.memory_space<vmem>>, vector<16xf32>,
        %gt3A = arith.cmpf ogt, %get3A_1276, %bitcast_convert_type3A_1250 : vector<16xf32>
        %gt3A_1301 = arith.cmpf ogt, %get3A_1284, %bitcast_convert_type3A_1250 : vector<16xf32>
        %gt3A_1302 = arith.cmpf ogt, %get3A_1292, %bitcast_convert_type3A_1250 : vector<16xf32>
        %gt3A_1303 = arith.cmpf ogt, %get3A_1300, %bitcast_convert_type3A_1250 : vector<16xf32>
        %all_reduce_population_count3A = tpu.all_reduce %gt3A {dim = 0 : i64, kind = #tpu.reduction_kind<sum>} : vector<16xi1> -> vector<16xi32>
        %add3A_1304 = arith.addi %while3A_1269, %all_reduce_population_count3A : vector<16xi32>
        %all_reduce_population_count3A_1305 = tpu.all_reduce %gt3A_1301 {dim = 0 : i64, kind = #tpu.reduction_kind<sum>} : vector<16xi1> -> vector<16xi32>
        %add3A_1306 = arith.addi %add3A_1304, %all_reduce_population_count3A_1305 : vector<16xi32>
        %all_reduce_population_count3A_1307 = tpu.all_reduce %gt3A_1302 {dim = 0 : i64, kind = #tpu.reduction_kind<sum>} : vector<16xi1> -> vector<16xi32>
        %add3A_1308 = arith.addi %add3A_1306, %all_reduce_population_count3A_1307 : vector<16xi32>
        %all_reduce_population_count3A_1309 = tpu.all_reduce %gt3A_1303 {dim = 0 : i64, kind = #tpu.reduction_kind<sum>} : vector<16xi1> -> vector<16xi32>
        %add3A_1310 = arith.addi %add3A_1308, %all_reduce_population_count3A_1309 : vector<16xi32>
        scf.yield %add3A_1310 : vector<16xi32>
      }
      %le3A_1262 = arith.cmpi sle, %while3A_1261, %add3A_210 : vector<16xi32>
      %add3A_1263 = arith.constant 1 : i32
      %add3A_1264 = vector.broadcast %add3A_1263 : i32 to vector<16xi32>
      %add3A_1265 = arith.addi %add3A_1240, %add3A_1264 : vector<16xi32>
      %select_n3A_1266 = arith.select %le3A_1262, %while3A_1234, %add3A_1265 : vector<16xi1>, vector<16xi32>
      %select_n3A_1267 = arith.select %le3A_1262, %add3A_1240, %while3A_1235 : vector<16xi1>, vector<16xi32>
      scf.yield %select_n3A_1266, %select_n3A_1267 : vector<16xi32>, vector<16xi32>
    }
    %ge3A_237 = arith.constant -2147483648 : i32
    %ge3A_238 = vector.broadcast %ge3A_237 : i32 to vector<16xi32>
    %ge3A_239 = arith.cmpi uge, %while3A_236#0, %ge3A_238 : vector<16xi32>
    %and3A_240 = arith.constant 2147483647 : i32
    %and3A_241 = vector.broadcast %and3A_240 : i32 to vector<16xi32>
    %and3A_242 = arith.andi %while3A_236#0, %and3A_241 : vector<16xi32>
    %not3A_243 = arith.constant dense<-1> : vector<16xi32>
    %not3A_244 = arith.xori %while3A_236#0, %not3A_243 : vector<16xi32>
    %select_n3A_245 = arith.select %ge3A_239, %and3A_242, %not3A_244 : vector<16xi1>, vector<16xi32>
    %bitcast_convert_type3A_246 = tpu.bitcast %select_n3A_245 : vector<16xi32> -> vector<16xf32>
    %broadcast_in_dim3A_247 = arith.constant 0x7F800000 : f32
    %broadcast_in_dim3A_248 = vector.broadcast %broadcast_in_dim3A_247 : f32 to vector<16xf32>
    %while3A_249 = arith.constant 0 : i32
    %while3A_250 = arith.subi %select_n3A_180, %while3A_249 : i32
    %while3A_251 = arith.addi %while3A_249, %while3A_250 : i32
    %while3A_252 = arith.constant 1 : i32
    %while3A_253 = arith.divsi %while3A_250, %while3A_252 : i32
    %while3A_254 = arith.muli %while3A_253, %while3A_252 : i32
    %while3A_255 = arith.addi %while3A_249, %while3A_254 : i32
    %while3A_256 = arith.constant 1 : i32
    %while3A_257:2 = scf.for %while3A_1233 = %while3A_249 to %while3A_255 step %while3A_256 iter_args(%while3A_1234 = %broadcast_in_dim3A_3, %while3A_1235 = %broadcast_in_dim3A_248) -> (vector<16xi32>, vector<16xf32>)  : i32 {
      %mul3A_1236 = arith.constant 16 : i32
      %mul3A_1237 = arith.muli %while3A_1233, %mul3A_1236 : i32
      %get3A = arith.index_cast %mul3A_1237 : i32 to index
      %get3A_1238 = tpu.vector_load %arg6[%get3A] {strides = array<i32>} : memref<32832xf32, #tpu.memory_space<vmem>>, vector<16xf32>,
      %gt3A = arith.cmpf ogt, %get3A_1238, %bitcast_convert_type3A_246 : vector<16xf32>
      %all_reduce_population_count3A = tpu.all_reduce %gt3A {dim = 0 : i64, kind = #tpu.reduction_kind<sum>} : vector<16xi1> -> vector<16xi32>
      %add3A_1239 = arith.addi %while3A_1234, %all_reduce_population_count3A : vector<16xi32>
      %jit3A_1240 = arith.constant 0x7F800000 : f32
      %broadcast_in_dim3A_1241 = vector.broadcast %jit3A_1240 : f32 to vector<16xf32>
      %select_n3A_1242 = arith.select %gt3A, %get3A_1238, %broadcast_in_dim3A_1241 : vector<16xi1>, vector<16xf32>
      %min3A = arith.minimumf %while3A_1235, %select_n3A_1242 : vector<16xf32>
      scf.yield %add3A_1239, %min3A : vector<16xi32>, vector<16xf32>
    }
    %while3A_258 = arith.constant 1 : i32
    %while3A_259:2 = scf.for %while3A_1233 = %while3A_255 to %while3A_251 step %while3A_258 iter_args(%while3A_1234 = %while3A_257#0, %while3A_1235 = %while3A_257#1) -> (vector<16xi32>, vector<16xf32>)  : i32 {
      %mul3A_1236 = arith.constant 16 : i32
      %mul3A_1237 = arith.muli %while3A_1233, %mul3A_1236 : i32
      %get3A = arith.index_cast %mul3A_1237 : i32 to index
      %get3A_1238 = tpu.vector_load %arg6[%get3A] {strides = array<i32>} : memref<32832xf32, #tpu.memory_space<vmem>>, vector<16xf32>,
      %gt3A = arith.cmpf ogt, %get3A_1238, %bitcast_convert_type3A_246 : vector<16xf32>
      %all_reduce_population_count3A = tpu.all_reduce %gt3A {dim = 0 : i64, kind = #tpu.reduction_kind<sum>} : vector<16xi1> -> vector<16xi32>
      %add3A_1239 = arith.addi %while3A_1234, %all_reduce_population_count3A : vector<16xi32>
      %jit3A_1240 = arith.constant 0x7F800000 : f32
      %broadcast_in_dim3A_1241 = vector.broadcast %jit3A_1240 : f32 to vector<16xf32>
      %select_n3A_1242 = arith.select %gt3A, %get3A_1238, %broadcast_in_dim3A_1241 : vector<16xi1>, vector<16xf32>
      %min3A = arith.minimumf %while3A_1235, %select_n3A_1242 : vector<16xf32>
      scf.yield %add3A_1239, %min3A : vector<16xi32>, vector<16xf32>
    }
    %slice3A_260 = vector.extract_strided_slice %while3A_259#0 {offsets = [0], sizes = [1], strides = [1]} : vector<16xi32> to vector<1xi32>
    %squeeze3A_261 = vector.extract %slice3A_260[0] : i32 from vector<1xi32>
    %add3A_262 = arith.addi %squeeze3A, %squeeze3A_261 : i32
    %ge3A_263 = arith.constant 3277 : i32
    %ge3A_264 = arith.cmpi sge, %add3A_262, %ge3A_263 : i32
    %reduce_min3A = arith.constant true
    %reduce_min3A_265 = vector.broadcast %reduce_min3A : i1 to vector<16xi1>
    %reduce_min3A_266 = tpu.scan <min>, %while3A_259#1 masked %reduce_min3A_265 : vector<16xf32>, vector<16xi1> -> vector<16xf32>
    %reduce_min3A_267 = vector.extract %reduce_min3A_266[15] : f32 from vector<16xf32>
    %broadcast_in_dim3A_268 = vector.broadcast %reduce_min3A_267 : f32 to vector<16xf32>
    %select_n3A_269 = arith.select %ge3A_264, %broadcast_in_dim3A_268, %bitcast_convert_type3A_246 : vector<16xf32>
    %mul3A_270 = arith.constant 0.701171875 : f32
    %mul3A_271 = vector.broadcast %mul3A_270 : f32 to vector<16xf32>
    %mul3A_272 = arith.mulf %bitcast_convert_type3A_246, %mul3A_271 : vector<16xf32>
    %mul3A_273 = arith.constant 0.298828125 : f32
    %mul3A_274 = vector.broadcast %mul3A_273 : f32 to vector<16xf32>
    %mul3A_275 = arith.mulf %select_n3A_269, %mul3A_274 : vector<16xf32>
    %add3A_276 = arith.addf %mul3A_272, %mul3A_275 : vector<16xf32>
    %while3A_277 = arith.constant 0 : i32
    %while3A_278 = arith.subi %select_n3A_180, %while3A_277 : i32
    %while3A_279 = arith.addi %while3A_277, %while3A_278 : i32
    %while3A_280 = arith.constant 1 : i32
    %while3A_281 = arith.divsi %while3A_278, %while3A_280 : i32
    %while3A_282 = arith.muli %while3A_281, %while3A_280 : i32
    %while3A_283 = arith.addi %while3A_277, %while3A_282 : i32
    %while3A_284 = arith.constant 1 : i32
    %while3A_285:2 = scf.for %while3A_1233 = %while3A_277 to %while3A_283 step %while3A_284 iter_args(%while3A_1234 = %broadcast_in_dim3A_3, %while3A_1235 = %broadcast_in_dim3A_5) -> (vector<16xi32>, vector<16xf32>)  : i32 {
      %mul3A_1236 = arith.constant 16 : i32
      %mul3A_1237 = arith.muli %while3A_1233, %mul3A_1236 : i32
      %get3A = arith.index_cast %mul3A_1237 : i32 to index
      %get3A_1238 = tpu.vector_load %arg6[%get3A] {strides = array<i32>} : memref<32832xf32, #tpu.memory_space<vmem>>, vector<16xf32>,
      %gt3A = arith.cmpf ogt, %get3A_1238, %add3A_276 : vector<16xf32>
      %all_reduce_population_count3A = tpu.all_reduce %gt3A {dim = 0 : i64, kind = #tpu.reduction_kind<sum>} : vector<16xi1> -> vector<16xi32>
      %add3A_1239 = arith.addi %while3A_1234, %all_reduce_population_count3A : vector<16xi32>
      %select_n3A_1240 = arith.select %gt3A, %get3A_1238, %broadcast_in_dim3A_5 : vector<16xi1>, vector<16xf32>
      %add3A_1241 = arith.addf %while3A_1235, %select_n3A_1240 : vector<16xf32>
      scf.yield %add3A_1239, %add3A_1241 : vector<16xi32>, vector<16xf32>
    }
    %while3A_286 = arith.constant 1 : i32
    %while3A_287:2 = scf.for %while3A_1233 = %while3A_283 to %while3A_279 step %while3A_286 iter_args(%while3A_1234 = %while3A_285#0, %while3A_1235 = %while3A_285#1) -> (vector<16xi32>, vector<16xf32>)  : i32 {
      %mul3A_1236 = arith.constant 16 : i32
      %mul3A_1237 = arith.muli %while3A_1233, %mul3A_1236 : i32
      %get3A = arith.index_cast %mul3A_1237 : i32 to index
      %get3A_1238 = tpu.vector_load %arg6[%get3A] {strides = array<i32>} : memref<32832xf32, #tpu.memory_space<vmem>>, vector<16xf32>,
      %gt3A = arith.cmpf ogt, %get3A_1238, %add3A_276 : vector<16xf32>
      %all_reduce_population_count3A = tpu.all_reduce %gt3A {dim = 0 : i64, kind = #tpu.reduction_kind<sum>} : vector<16xi1> -> vector<16xi32>
      %add3A_1239 = arith.addi %while3A_1234, %all_reduce_population_count3A : vector<16xi32>
      %select_n3A_1240 = arith.select %gt3A, %get3A_1238, %broadcast_in_dim3A_5 : vector<16xi1>, vector<16xf32>
      %add3A_1241 = arith.addf %while3A_1235, %select_n3A_1240 : vector<16xf32>
      scf.yield %add3A_1239, %add3A_1241 : vector<16xi32>, vector<16xf32>
    }
    %slice3A_288 = vector.extract_strided_slice %while3A_287#0 {offsets = [0], sizes = [1], strides = [1]} : vector<16xi32> to vector<1xi32>
    %squeeze3A_289 = vector.extract %slice3A_288[0] : i32 from vector<1xi32>
    %add3A_290 = arith.addi %squeeze3A, %squeeze3A_289 : i32
    %max3A = arith.constant 1 : i32
    %max3A_291 = arith.maxsi %add3A_290, %max3A : i32
    %convert_element_type3A_292 = arith.sitofp %max3A_291 : i32 to f32
    %reduce_sum3A_293 = arith.constant true
    %reduce_sum3A_294 = vector.broadcast %reduce_sum3A_293 : i1 to vector<16xi1>
    %reduce_sum3A_295 = tpu.scan <sum>, %while3A_287#1 masked %reduce_sum3A_294 : vector<16xf32>, vector<16xi1> -> vector<16xf32>
    %reduce_sum3A_296 = vector.extract %reduce_sum3A_295[15] : f32 from vector<16xf32>
    %add3A_297 = arith.addf %reduce_sum3A_136, %reduce_sum3A_296 : f32
    %eq3A = arith.constant 0 : i32
    %eq3A_298 = vector.broadcast %eq3A : i32 to vector<16xi32>
    %eq3A_299 = arith.cmpi eq, %iota3A, %eq3A_298 : vector<16xi32>
    %broadcast_in_dim3A_300 = vector.broadcast %add3A_297 : f32 to vector<16xf32>
    %select_n3A_301 = arith.select %eq3A_299, %broadcast_in_dim3A_300, %broadcast_in_dim3A_5 : vector<16xi1>, vector<16xf32>
    %eq3A_302 = arith.constant 0 : i32
    %eq3A_303 = vector.broadcast %eq3A_302 : i32 to vector<16xi32>
    %eq3A_304 = arith.cmpi eq, %iota3A, %eq3A_303 : vector<16xi32>
    %broadcast_in_dim3A_305 = vector.broadcast %convert_element_type3A_292 : f32 to vector<16xf32>
    %select_n3A_306 = arith.select %eq3A_304, %broadcast_in_dim3A_305, %broadcast_in_dim3A_7 : vector<16xi1>, vector<16xf32>
    %dma_wait3A_307 = arith.constant 0 : i32
    %dma_wait3A_308 = tpu.memref_slice %arg2[%add3A_23, %dma_wait3A_307] : memref<128x32768xf32, #tpu.memory_space<hbm>> -> memref<1x32768xf32, #tpu.memory_space<hbm>>
    %dma_wait3A_309 = tpu.memref_squeeze %dma_wait3A_308 : memref<1x32768xf32, #tpu.memory_space<hbm>> -> memref<32768xf32, #tpu.memory_space<hbm>>
    %dma_wait3A_310 = arith.constant 0 : i32
    %dma_wait3A_311 = tpu.memref_slice %arg2[%add3A_23, %dma_wait3A_310] : memref<128x32768xf32, #tpu.memory_space<hbm>> -> memref<1x32768xf32, #tpu.memory_space<hbm>>
    %dma_wait3A_312 = tpu.memref_squeeze %dma_wait3A_311 : memref<1x32768xf32, #tpu.memory_space<hbm>> -> memref<32768xf32, #tpu.memory_space<hbm>>
    tpu.wait_dma2 semaphore(%arg10 : memref<!tpu.dma_semaphore, #tpu.memory_space<semaphore_mem>>) src(%dma_wait3A_312 : memref<32768xf32, #tpu.memory_space<hbm>>) dst(%arg5 : memref<32768xf32, #tpu.memory_space<vmem>>)
    %add3A_313 = arith.constant 1 : i32
    %add3A_314 = arith.addi %mul3A_9, %add3A_313 : i32
    %add3A_315 = arith.constant 1 : i32
    %add3A_316 = arith.addi %add3A_314, %add3A_315 : i32
    %dma_start3A_317 = arith.constant 0 : i32
    %dma_start3A_318 = tpu.memref_slice %arg2[%add3A_316, %dma_start3A_317] : memref<128x32768xf32, #tpu.memory_space<hbm>> -> memref<1x32768xf32, #tpu.memory_space<hbm>>
    %dma_start3A_319 = tpu.memref_squeeze %dma_start3A_318 : memref<1x32768xf32, #tpu.memory_space<hbm>> -> memref<32768xf32, #tpu.memory_space<hbm>>
    %dma_start3A_320 = arith.constant 0 : i32
    %dma_start3A_321 = tpu.memref_slice %arg2[%add3A_316, %dma_start3A_320] : memref<128x32768xf32, #tpu.memory_space<hbm>> -> memref<1x32768xf32, #tpu.memory_space<hbm>>
    %dma_start3A_322 = tpu.memref_squeeze %dma_start3A_321 : memref<1x32768xf32, #tpu.memory_space<hbm>> -> memref<32768xf32, #tpu.memory_space<hbm>>
    tpu.enqueue_dma source(%dma_start3A_322 : memref<32768xf32, #tpu.memory_space<hbm>>) target(%arg4 : memref<32768xf32, #tpu.memory_space<vmem>>) target_semaphore(%arg9 : memref<!tpu.dma_semaphore, #tpu.memory_space<semaphore_mem>>)
    %scan3A_323 = arith.constant 0 : i32
    %scan3A_324 = arith.constant 0 : i32
    %scan3A_325 = arith.constant 256 : i32
    %scan3A_326 = arith.addi %scan3A_324, %scan3A_325 : i32
    %scan3A_327 = arith.constant 1 : i32
    %scan3A_328 = scf.for %scan3A_1233 = %scan3A_324 to %scan3A_326 step %scan3A_327 iter_args(%scan3A_1234 = %scan3A_323) -> (i32)  : i32 {
      %mul3A_1235 = arith.constant 8 : i32
      %mul3A_1236 = arith.muli %scan3A_1233, %mul3A_1235 : i32
      %add3A_1237 = arith.constant 0 : i32
      %add3A_1238 = arith.addi %mul3A_1236, %add3A_1237 : i32
      %mul3A_1239 = arith.constant 16 : i32
      %mul3A_1240 = arith.muli %add3A_1238, %mul3A_1239 : i32
      %get3A = arith.index_cast %mul3A_1240 : i32 to index
      %get3A_1241 = tpu.vector_load %arg5[%get3A] {strides = array<i32>} : memref<32768xf32, #tpu.memory_space<vmem>>, vector<16xf32>,
      %mul3A_1242 = arith.constant 8 : i32
      %mul3A_1243 = arith.muli %scan3A_1233, %mul3A_1242 : i32
      %add3A_1244 = arith.constant 1 : i32
      %add3A_1245 = arith.addi %mul3A_1243, %add3A_1244 : i32
      %mul3A_1246 = arith.constant 16 : i32
      %mul3A_1247 = arith.muli %add3A_1245, %mul3A_1246 : i32
      %get3A_1248 = arith.index_cast %mul3A_1247 : i32 to index
      %get3A_1249 = tpu.vector_load %arg5[%get3A_1248] {strides = array<i32>} : memref<32768xf32, #tpu.memory_space<vmem>>, vector<16xf32>,
      %mul3A_1250 = arith.constant 8 : i32
      %mul3A_1251 = arith.muli %scan3A_1233, %mul3A_1250 : i32
      %add3A_1252 = arith.constant 2 : i32
      %add3A_1253 = arith.addi %mul3A_1251, %add3A_1252 : i32
      %mul3A_1254 = arith.constant 16 : i32
      %mul3A_1255 = arith.muli %add3A_1253, %mul3A_1254 : i32
      %get3A_1256 = arith.index_cast %mul3A_1255 : i32 to index
      %get3A_1257 = tpu.vector_load %arg5[%get3A_1256] {strides = array<i32>} : memref<32768xf32, #tpu.memory_space<vmem>>, vector<16xf32>,
      %mul3A_1258 = arith.constant 8 : i32
      %mul3A_1259 = arith.muli %scan3A_1233, %mul3A_1258 : i32
      %add3A_1260 = arith.constant 3 : i32
      %add3A_1261 = arith.addi %mul3A_1259, %add3A_1260 : i32
      %mul3A_1262 = arith.constant 16 : i32
      %mul3A_1263 = arith.muli %add3A_1261, %mul3A_1262 : i32
      %get3A_1264 = arith.index_cast %mul3A_1263 : i32 to index
      %get3A_1265 = tpu.vector_load %arg5[%get3A_1264] {strides = array<i32>} : memref<32768xf32, #tpu.memory_space<vmem>>, vector<16xf32>,
      %mul3A_1266 = arith.constant 8 : i32
      %mul3A_1267 = arith.muli %scan3A_1233, %mul3A_1266 : i32
      %add3A_1268 = arith.constant 4 : i32
      %add3A_1269 = arith.addi %mul3A_1267, %add3A_1268 : i32
      %mul3A_1270 = arith.constant 16 : i32
      %mul3A_1271 = arith.muli %add3A_1269, %mul3A_1270 : i32
      %get3A_1272 = arith.index_cast %mul3A_1271 : i32 to index
      %get3A_1273 = tpu.vector_load %arg5[%get3A_1272] {strides = array<i32>} : memref<32768xf32, #tpu.memory_space<vmem>>, vector<16xf32>,
      %mul3A_1274 = arith.constant 8 : i32
      %mul3A_1275 = arith.muli %scan3A_1233, %mul3A_1274 : i32
      %add3A_1276 = arith.constant 5 : i32
      %add3A_1277 = arith.addi %mul3A_1275, %add3A_1276 : i32
      %mul3A_1278 = arith.constant 16 : i32
      %mul3A_1279 = arith.muli %add3A_1277, %mul3A_1278 : i32
      %get3A_1280 = arith.index_cast %mul3A_1279 : i32 to index
      %get3A_1281 = tpu.vector_load %arg5[%get3A_1280] {strides = array<i32>} : memref<32768xf32, #tpu.memory_space<vmem>>, vector<16xf32>,
      %mul3A_1282 = arith.constant 8 : i32
      %mul3A_1283 = arith.muli %scan3A_1233, %mul3A_1282 : i32
      %add3A_1284 = arith.constant 6 : i32
      %add3A_1285 = arith.addi %mul3A_1283, %add3A_1284 : i32
      %mul3A_1286 = arith.constant 16 : i32
      %mul3A_1287 = arith.muli %add3A_1285, %mul3A_1286 : i32
      %get3A_1288 = arith.index_cast %mul3A_1287 : i32 to index
      %get3A_1289 = tpu.vector_load %arg5[%get3A_1288] {strides = array<i32>} : memref<32768xf32, #tpu.memory_space<vmem>>, vector<16xf32>,
      %mul3A_1290 = arith.constant 8 : i32
      %mul3A_1291 = arith.muli %scan3A_1233, %mul3A_1290 : i32
      %add3A_1292 = arith.constant 7 : i32
      %add3A_1293 = arith.addi %mul3A_1291, %add3A_1292 : i32
      %mul3A_1294 = arith.constant 16 : i32
      %mul3A_1295 = arith.muli %add3A_1293, %mul3A_1294 : i32
      %get3A_1296 = arith.index_cast %mul3A_1295 : i32 to index
      %get3A_1297 = tpu.vector_load %arg5[%get3A_1296] {strides = array<i32>} : memref<32768xf32, #tpu.memory_space<vmem>>, vector<16xf32>,
      %bitcast_convert_type3A_1298 = tpu.bitcast %get3A_1241 : vector<16xf32> -> vector<16xi32>
      %shift_right_logical3A_1299 = arith.constant 20 : i32
      %shift_right_logical3A_1300 = vector.broadcast %shift_right_logical3A_1299 : i32 to vector<16xi32>
      %shift_right_logical3A_1301 = arith.shrui %bitcast_convert_type3A_1298, %shift_right_logical3A_1300 : vector<16xi32>
      %shift_right_logical3A_1302 = arith.constant 8 : i32
      %shift_right_logical3A_1303 = vector.broadcast %shift_right_logical3A_1302 : i32 to vector<16xi32>
      %shift_right_logical3A_1304 = arith.shrui %shift_right_logical3A_1301, %shift_right_logical3A_1303 : vector<16xi32>
      %add3A_1305 = arith.addi %shift_right_logical3A_1301, %shift_right_logical3A_1304 : vector<16xi32>
      %bitcast_convert_type3A_1306 = tpu.bitcast %get3A_1249 : vector<16xf32> -> vector<16xi32>
      %shift_right_logical3A_1307 = arith.constant 20 : i32
      %shift_right_logical3A_1308 = vector.broadcast %shift_right_logical3A_1307 : i32 to vector<16xi32>
      %shift_right_logical3A_1309 = arith.shrui %bitcast_convert_type3A_1306, %shift_right_logical3A_1308 : vector<16xi32>
      %shift_right_logical3A_1310 = arith.constant 8 : i32
      %shift_right_logical3A_1311 = vector.broadcast %shift_right_logical3A_1310 : i32 to vector<16xi32>
      %shift_right_logical3A_1312 = arith.shrui %shift_right_logical3A_1309, %shift_right_logical3A_1311 : vector<16xi32>
      %add3A_1313 = arith.addi %shift_right_logical3A_1309, %shift_right_logical3A_1312 : vector<16xi32>
      %bitcast_convert_type3A_1314 = tpu.bitcast %get3A_1257 : vector<16xf32> -> vector<16xi32>
      %shift_right_logical3A_1315 = arith.constant 20 : i32
      %shift_right_logical3A_1316 = vector.broadcast %shift_right_logical3A_1315 : i32 to vector<16xi32>
      %shift_right_logical3A_1317 = arith.shrui %bitcast_convert_type3A_1314, %shift_right_logical3A_1316 : vector<16xi32>
      %shift_right_logical3A_1318 = arith.constant 8 : i32
      %shift_right_logical3A_1319 = vector.broadcast %shift_right_logical3A_1318 : i32 to vector<16xi32>
      %shift_right_logical3A_1320 = arith.shrui %shift_right_logical3A_1317, %shift_right_logical3A_1319 : vector<16xi32>
      %add3A_1321 = arith.addi %shift_right_logical3A_1317, %shift_right_logical3A_1320 : vector<16xi32>
      %bitcast_convert_type3A_1322 = tpu.bitcast %get3A_1265 : vector<16xf32> -> vector<16xi32>
      %shift_right_logical3A_1323 = arith.constant 20 : i32
      %shift_right_logical3A_1324 = vector.broadcast %shift_right_logical3A_1323 : i32 to vector<16xi32>
      %shift_right_logical3A_1325 = arith.shrui %bitcast_convert_type3A_1322, %shift_right_logical3A_1324 : vector<16xi32>
      %shift_right_logical3A_1326 = arith.constant 8 : i32
      %shift_right_logical3A_1327 = vector.broadcast %shift_right_logical3A_1326 : i32 to vector<16xi32>
      %shift_right_logical3A_1328 = arith.shrui %shift_right_logical3A_1325, %shift_right_logical3A_1327 : vector<16xi32>
      %add3A_1329 = arith.addi %shift_right_logical3A_1325, %shift_right_logical3A_1328 : vector<16xi32>
      %bitcast_convert_type3A_1330 = tpu.bitcast %get3A_1273 : vector<16xf32> -> vector<16xi32>
      %shift_right_logical3A_1331 = arith.constant 20 : i32
      %shift_right_logical3A_1332 = vector.broadcast %shift_right_logical3A_1331 : i32 to vector<16xi32>
      %shift_right_logical3A_1333 = arith.shrui %bitcast_convert_type3A_1330, %shift_right_logical3A_1332 : vector<16xi32>
      %shift_right_logical3A_1334 = arith.constant 8 : i32
      %shift_right_logical3A_1335 = vector.broadcast %shift_right_logical3A_1334 : i32 to vector<16xi32>
      %shift_right_logical3A_1336 = arith.shrui %shift_right_logical3A_1333, %shift_right_logical3A_1335 : vector<16xi32>
      %add3A_1337 = arith.addi %shift_right_logical3A_1333, %shift_right_logical3A_1336 : vector<16xi32>
      %bitcast_convert_type3A_1338 = tpu.bitcast %get3A_1281 : vector<16xf32> -> vector<16xi32>
      %shift_right_logical3A_1339 = arith.constant 20 : i32
      %shift_right_logical3A_1340 = vector.broadcast %shift_right_logical3A_1339 : i32 to vector<16xi32>
      %shift_right_logical3A_1341 = arith.shrui %bitcast_convert_type3A_1338, %shift_right_logical3A_1340 : vector<16xi32>
      %shift_right_logical3A_1342 = arith.constant 8 : i32
      %shift_right_logical3A_1343 = vector.broadcast %shift_right_logical3A_1342 : i32 to vector<16xi32>
      %shift_right_logical3A_1344 = arith.shrui %shift_right_logical3A_1341, %shift_right_logical3A_1343 : vector<16xi32>
      %add3A_1345 = arith.addi %shift_right_logical3A_1341, %shift_right_logical3A_1344 : vector<16xi32>
      %bitcast_convert_type3A_1346 = tpu.bitcast %get3A_1289 : vector<16xf32> -> vector<16xi32>
      %shift_right_logical3A_1347 = arith.constant 20 : i32
      %shift_right_logical3A_1348 = vector.broadcast %shift_right_logical3A_1347 : i32 to vector<16xi32>
      %shift_right_logical3A_1349 = arith.shrui %bitcast_convert_type3A_1346, %shift_right_logical3A_1348 : vector<16xi32>
      %shift_right_logical3A_1350 = arith.constant 8 : i32
      %shift_right_logical3A_1351 = vector.broadcast %shift_right_logical3A_1350 : i32 to vector<16xi32>
      %shift_right_logical3A_1352 = arith.shrui %shift_right_logical3A_1349, %shift_right_logical3A_1351 : vector<16xi32>
      %add3A_1353 = arith.addi %shift_right_logical3A_1349, %shift_right_logical3A_1352 : vector<16xi32>
      %bitcast_convert_type3A_1354 = tpu.bitcast %get3A_1297 : vector<16xf32> -> vector<16xi32>
      %shift_right_logical3A_1355 = arith.constant 20 : i32
      %shift_right_logical3A_1356 = vector.broadcast %shift_right_logical3A_1355 : i32 to vector<16xi32>
      %shift_right_logical3A_1357 = arith.shrui %bitcast_convert_type3A_1354, %shift_right_logical3A_1356 : vector<16xi32>
      %shift_right_logical3A_1358 = arith.constant 8 : i32
      %shift_right_logical3A_1359 = vector.broadcast %shift_right_logical3A_1358 : i32 to vector<16xi32>
      %shift_right_logical3A_1360 = arith.shrui %shift_right_logical3A_1357, %shift_right_logical3A_1359 : vector<16xi32>
      %add3A_1361 = arith.addi %shift_right_logical3A_1357, %shift_right_logical3A_1360 : vector<16xi32>
      tpu.vector_store_idx %arg7[%add3A_1305], %broadcast_in_dim3A_1 {add = true} : memref<4112xi32, #tpu.memory_space<vmem>>[vector<16xi32>], vector<16xi32>,
      tpu.vector_store_idx %arg7[%add3A_1313], %broadcast_in_dim3A_1 {add = true} : memref<4112xi32, #tpu.memory_space<vmem>>[vector<16xi32>], vector<16xi32>,
      tpu.vector_store_idx %arg7[%add3A_1321], %broadcast_in_dim3A_1 {add = true} : memref<4112xi32, #tpu.memory_space<vmem>>[vector<16xi32>], vector<16xi32>,
      tpu.vector_store_idx %arg7[%add3A_1329], %broadcast_in_dim3A_1 {add = true} : memref<4112xi32, #tpu.memory_space<vmem>>[vector<16xi32>], vector<16xi32>,
      tpu.vector_store_idx %arg7[%add3A_1337], %broadcast_in_dim3A_1 {add = true} : memref<4112xi32, #tpu.memory_space<vmem>>[vector<16xi32>], vector<16xi32>,
      tpu.vector_store_idx %arg7[%add3A_1345], %broadcast_in_dim3A_1 {add = true} : memref<4112xi32, #tpu.memory_space<vmem>>[vector<16xi32>], vector<16xi32>,
      tpu.vector_store_idx %arg7[%add3A_1353], %broadcast_in_dim3A_1 {add = true} : memref<4112xi32, #tpu.memory_space<vmem>>[vector<16xi32>], vector<16xi32>,
      tpu.vector_store_idx %arg7[%add3A_1361], %broadcast_in_dim3A_1 {add = true} : memref<4112xi32, #tpu.memory_space<vmem>>[vector<16xi32>], vector<16xi32>,
      %scan3A_1362 = arith.constant 0 : i32
      scf.yield %scan3A_1362 : i32
    }
    %scan3A_329 = arith.constant 256 : i32
    %le3A_330 = arith.constant 7 : i32
    %le3A_331 = vector.broadcast %le3A_330 : i32 to vector<16xi32>
    %le3A_332 = arith.cmpi sle, %iota3A, %le3A_331 : vector<16xi32>
    %neg3A_333 = arith.constant 0 : i32
    %neg3A_334 = vector.broadcast %neg3A_333 : i32 to vector<16xi32>
    %neg3A_335 = arith.subi %neg3A_334, %broadcast_in_dim3A_1 : vector<16xi32>
    %select_n3A_336 = arith.select %le3A_332, %neg3A_335, %broadcast_in_dim3A_1 : vector<16xi1>, vector<16xi32>
    %le3A_337 = arith.constant 7 : i32
    %le3A_338 = vector.broadcast %le3A_337 : i32 to vector<16xi32>
    %le3A_339 = arith.cmpi sle, %iota3A, %le3A_338 : vector<16xi32>
    %mul3A_340 = arith.constant 256 : i32
    %mul3A_341 = vector.broadcast %mul3A_340 : i32 to vector<16xi32>
    %mul3A_342 = arith.muli %iota3A, %mul3A_341 : vector<16xi32>
    %sub3A_343 = arith.constant 2047 : i32
    %sub3A_344 = vector.broadcast %sub3A_343 : i32 to vector<16xi32>
    %sub3A_345 = arith.subi %sub3A_344, %mul3A_342 : vector<16xi32>
    %mul3A_346 = arith.constant 256 : i32
    %mul3A_347 = vector.broadcast %mul3A_346 : i32 to vector<16xi32>
    %mul3A_348 = arith.muli %iota3A, %mul3A_347 : vector<16xi32>
    %select_n3A_349 = arith.select %le3A_339, %sub3A_345, %mul3A_348 : vector<16xi1>, vector<16xi32>
    %shift_right_logical3A_350 = arith.constant 8 : i32
    %shift_right_logical3A_351 = vector.broadcast %shift_right_logical3A_350 : i32 to vector<16xi32>
    %shift_right_logical3A_352 = arith.shrui %select_n3A_349, %shift_right_logical3A_351 : vector<16xi32>
    %add3A_353 = arith.addi %select_n3A_349, %shift_right_logical3A_352 : vector<16xi32>
    %scan3A_354 = arith.constant 0 : i32
    %scan3A_355 = arith.constant 32 : i32
    %scan3A_356 = arith.addi %scan3A_354, %scan3A_355 : i32
    %scan3A_357 = arith.constant 1 : i32
    %scan3A_358:2 = scf.for %scan3A_1233 = %scan3A_354 to %scan3A_356 step %scan3A_357 iter_args(%scan3A_1234 = %broadcast_in_dim3A_3, %scan3A_1235 = %add3A_353) -> (vector<16xi32>, vector<16xi32>)  : i32 {
      %gather3A = tpu.vector_load_idx %arg7[%scan3A_1235] : memref<4112xi32, #tpu.memory_space<vmem>>[vector<16xi32>], vector<16xi32>,
      %add3A_1236 = arith.addi %scan3A_1234, %gather3A : vector<16xi32>
      %add3A_1237 = arith.addi %scan3A_1235, %select_n3A_336 : vector<16xi32>
      %gather3A_1238 = tpu.vector_load_idx %arg7[%add3A_1237] : memref<4112xi32, #tpu.memory_space<vmem>>[vector<16xi32>], vector<16xi32>,
      %add3A_1239 = arith.addi %add3A_1236, %gather3A_1238 : vector<16xi32>
      %add3A_1240 = arith.addi %add3A_1237, %select_n3A_336 : vector<16xi32>
      %gather3A_1241 = tpu.vector_load_idx %arg7[%add3A_1240] : memref<4112xi32, #tpu.memory_space<vmem>>[vector<16xi32>], vector<16xi32>,
      %add3A_1242 = arith.addi %add3A_1239, %gather3A_1241 : vector<16xi32>
      %add3A_1243 = arith.addi %add3A_1240, %select_n3A_336 : vector<16xi32>
      %gather3A_1244 = tpu.vector_load_idx %arg7[%add3A_1243] : memref<4112xi32, #tpu.memory_space<vmem>>[vector<16xi32>], vector<16xi32>,
      %add3A_1245 = arith.addi %add3A_1242, %gather3A_1244 : vector<16xi32>
      %add3A_1246 = arith.addi %add3A_1243, %select_n3A_336 : vector<16xi32>
      %gather3A_1247 = tpu.vector_load_idx %arg7[%add3A_1246] : memref<4112xi32, #tpu.memory_space<vmem>>[vector<16xi32>], vector<16xi32>,
      %add3A_1248 = arith.addi %add3A_1245, %gather3A_1247 : vector<16xi32>
      %add3A_1249 = arith.addi %add3A_1246, %select_n3A_336 : vector<16xi32>
      %gather3A_1250 = tpu.vector_load_idx %arg7[%add3A_1249] : memref<4112xi32, #tpu.memory_space<vmem>>[vector<16xi32>], vector<16xi32>,
      %add3A_1251 = arith.addi %add3A_1248, %gather3A_1250 : vector<16xi32>
      %add3A_1252 = arith.addi %add3A_1249, %select_n3A_336 : vector<16xi32>
      %gather3A_1253 = tpu.vector_load_idx %arg7[%add3A_1252] : memref<4112xi32, #tpu.memory_space<vmem>>[vector<16xi32>], vector<16xi32>,
      %add3A_1254 = arith.addi %add3A_1251, %gather3A_1253 : vector<16xi32>
      %add3A_1255 = arith.addi %add3A_1252, %select_n3A_336 : vector<16xi32>
      %gather3A_1256 = tpu.vector_load_idx %arg7[%add3A_1255] : memref<4112xi32, #tpu.memory_space<vmem>>[vector<16xi32>], vector<16xi32>,
      %add3A_1257 = arith.addi %add3A_1254, %gather3A_1256 : vector<16xi32>
      %add3A_1258 = arith.addi %add3A_1255, %select_n3A_336 : vector<16xi32>
      scf.yield %add3A_1257, %add3A_1258 : vector<16xi32>, vector<16xi32>
    }
    %scan3A_359 = arith.constant 32 : i32
    %broadcast_in_dim3A_360 = arith.constant true
    %broadcast_in_dim3A_361 = vector.broadcast %broadcast_in_dim3A_360 : i1 to vector<16xi1>
    %masked_cumsum3A_362 = tpu.scan <sum>, %scan3A_358#0 masked %broadcast_in_dim3A_361 : vector<16xi32>, vector<16xi1> -> vector<16xi32>
    %sub3A_363 = arith.subi %masked_cumsum3A_362, %scan3A_358#0 : vector<16xi32>
    %scan3A_364 = arith.constant 0 : i32
    %scan3A_365 = arith.constant 64 : i32
    %scan3A_366 = arith.addi %scan3A_364, %scan3A_365 : i32
    %scan3A_367 = arith.constant 1 : i32
    %scan3A_368:4 = scf.for %scan3A_1233 = %scan3A_364 to %scan3A_366 step %scan3A_367 iter_args(%scan3A_1234 = %broadcast_in_dim3A_3, %scan3A_1235 = %broadcast_in_dim3A_3, %scan3A_1236 = %broadcast_in_dim3A_3, %scan3A_1237 = %add3A_353) -> (vector<16xi32>, vector<16xi32>, vector<16xi32>, vector<16xi32>)  : i32 {
      %gather3A = tpu.vector_load_idx %arg7[%scan3A_1237] : memref<4112xi32, #tpu.memory_space<vmem>>[vector<16xi32>], vector<16xi32>,
      tpu.vector_store_idx %arg7[%scan3A_1237], %broadcast_in_dim3A_3 : memref<4112xi32, #tpu.memory_space<vmem>>[vector<16xi32>], vector<16xi32>,
      %add3A_1238 = arith.addi %scan3A_1237, %select_n3A_336 : vector<16xi32>
      %add3A_1239 = arith.addi %scan3A_1234, %gather3A : vector<16xi32>
      %add3A_1240 = arith.addi %sub3A_363, %add3A_1239 : vector<16xi32>
      %le3A_1241 = arith.constant 3276 : i32
      %le3A_1242 = vector.broadcast %le3A_1241 : i32 to vector<16xi32>
      %le3A_1243 = arith.cmpi sle, %add3A_1240, %le3A_1242 : vector<16xi32>
      %select_n3A_1244 = arith.select %le3A_1243, %broadcast_in_dim3A_1, %broadcast_in_dim3A_3 : vector<16xi1>, vector<16xi32>
      %add3A_1245 = arith.addi %scan3A_1235, %select_n3A_1244 : vector<16xi32>
      %le3A_1246 = arith.constant 3277 : i32
      %le3A_1247 = vector.broadcast %le3A_1246 : i32 to vector<16xi32>
      %le3A_1248 = arith.cmpi sle, %add3A_1240, %le3A_1247 : vector<16xi32>
      %select_n3A_1249 = arith.select %le3A_1248, %broadcast_in_dim3A_1, %broadcast_in_dim3A_3 : vector<16xi1>, vector<16xi32>
      %add3A_1250 = arith.addi %scan3A_1236, %select_n3A_1249 : vector<16xi32>
      %gather3A_1251 = tpu.vector_load_idx %arg7[%add3A_1238] : memref<4112xi32, #tpu.memory_space<vmem>>[vector<16xi32>], vector<16xi32>,
      tpu.vector_store_idx %arg7[%add3A_1238], %broadcast_in_dim3A_3 : memref<4112xi32, #tpu.memory_space<vmem>>[vector<16xi32>], vector<16xi32>,
      %add3A_1252 = arith.addi %add3A_1238, %select_n3A_336 : vector<16xi32>
      %add3A_1253 = arith.addi %add3A_1239, %gather3A_1251 : vector<16xi32>
      %add3A_1254 = arith.addi %sub3A_363, %add3A_1253 : vector<16xi32>
      %le3A_1255 = arith.constant 3276 : i32
      %le3A_1256 = vector.broadcast %le3A_1255 : i32 to vector<16xi32>
      %le3A_1257 = arith.cmpi sle, %add3A_1254, %le3A_1256 : vector<16xi32>
      %select_n3A_1258 = arith.select %le3A_1257, %broadcast_in_dim3A_1, %broadcast_in_dim3A_3 : vector<16xi1>, vector<16xi32>
      %add3A_1259 = arith.addi %add3A_1245, %select_n3A_1258 : vector<16xi32>
      %le3A_1260 = arith.constant 3277 : i32
      %le3A_1261 = vector.broadcast %le3A_1260 : i32 to vector<16xi32>
      %le3A_1262 = arith.cmpi sle, %add3A_1254, %le3A_1261 : vector<16xi32>
      %select_n3A_1263 = arith.select %le3A_1262, %broadcast_in_dim3A_1, %broadcast_in_dim3A_3 : vector<16xi1>, vector<16xi32>
      %add3A_1264 = arith.addi %add3A_1250, %select_n3A_1263 : vector<16xi32>
      %gather3A_1265 = tpu.vector_load_idx %arg7[%add3A_1252] : memref<4112xi32, #tpu.memory_space<vmem>>[vector<16xi32>], vector<16xi32>,
      tpu.vector_store_idx %arg7[%add3A_1252], %broadcast_in_dim3A_3 : memref<4112xi32, #tpu.memory_space<vmem>>[vector<16xi32>], vector<16xi32>,
      %add3A_1266 = arith.addi %add3A_1252, %select_n3A_336 : vector<16xi32>
      %add3A_1267 = arith.addi %add3A_1253, %gather3A_1265 : vector<16xi32>
      %add3A_1268 = arith.addi %sub3A_363, %add3A_1267 : vector<16xi32>
      %le3A_1269 = arith.constant 3276 : i32
      %le3A_1270 = vector.broadcast %le3A_1269 : i32 to vector<16xi32>
      %le3A_1271 = arith.cmpi sle, %add3A_1268, %le3A_1270 : vector<16xi32>
      %select_n3A_1272 = arith.select %le3A_1271, %broadcast_in_dim3A_1, %broadcast_in_dim3A_3 : vector<16xi1>, vector<16xi32>
      %add3A_1273 = arith.addi %add3A_1259, %select_n3A_1272 : vector<16xi32>
      %le3A_1274 = arith.constant 3277 : i32
      %le3A_1275 = vector.broadcast %le3A_1274 : i32 to vector<16xi32>
      %le3A_1276 = arith.cmpi sle, %add3A_1268, %le3A_1275 : vector<16xi32>
      %select_n3A_1277 = arith.select %le3A_1276, %broadcast_in_dim3A_1, %broadcast_in_dim3A_3 : vector<16xi1>, vector<16xi32>
      %add3A_1278 = arith.addi %add3A_1264, %select_n3A_1277 : vector<16xi32>
      %gather3A_1279 = tpu.vector_load_idx %arg7[%add3A_1266] : memref<4112xi32, #tpu.memory_space<vmem>>[vector<16xi32>], vector<16xi32>,
      tpu.vector_store_idx %arg7[%add3A_1266], %broadcast_in_dim3A_3 : memref<4112xi32, #tpu.memory_space<vmem>>[vector<16xi32>], vector<16xi32>,
      %add3A_1280 = arith.addi %add3A_1266, %select_n3A_336 : vector<16xi32>
      %add3A_1281 = arith.addi %add3A_1267, %gather3A_1279 : vector<16xi32>
      %add3A_1282 = arith.addi %sub3A_363, %add3A_1281 : vector<16xi32>
      %le3A_1283 = arith.constant 3276 : i32
      %le3A_1284 = vector.broadcast %le3A_1283 : i32 to vector<16xi32>
      %le3A_1285 = arith.cmpi sle, %add3A_1282, %le3A_1284 : vector<16xi32>
      %select_n3A_1286 = arith.select %le3A_1285, %broadcast_in_dim3A_1, %broadcast_in_dim3A_3 : vector<16xi1>, vector<16xi32>
      %add3A_1287 = arith.addi %add3A_1273, %select_n3A_1286 : vector<16xi32>
      %le3A_1288 = arith.constant 3277 : i32
      %le3A_1289 = vector.broadcast %le3A_1288 : i32 to vector<16xi32>
      %le3A_1290 = arith.cmpi sle, %add3A_1282, %le3A_1289 : vector<16xi32>
      %select_n3A_1291 = arith.select %le3A_1290, %broadcast_in_dim3A_1, %broadcast_in_dim3A_3 : vector<16xi1>, vector<16xi32>
      %add3A_1292 = arith.addi %add3A_1278, %select_n3A_1291 : vector<16xi32>
      scf.yield %add3A_1281, %add3A_1287, %add3A_1292, %add3A_1280 : vector<16xi32>, vector<16xi32>, vector<16xi32>, vector<16xi32>
    }
    %scan3A_369 = arith.constant 64 : i32
    %reduce_sum3A_370 = arith.constant true
    %reduce_sum3A_371 = vector.broadcast %reduce_sum3A_370 : i1 to vector<16xi1>
    %reduce_sum3A_372 = tpu.scan <sum>, %scan3A_368#1 masked %reduce_sum3A_371 : vector<16xi32>, vector<16xi1> -> vector<16xi32>
    %reduce_sum3A_373 = vector.extract %reduce_sum3A_372[15] : i32 from vector<16xi32>
    %reduce_sum3A_374 = arith.constant true
    %reduce_sum3A_375 = vector.broadcast %reduce_sum3A_374 : i1 to vector<16xi1>
    %reduce_sum3A_376 = tpu.scan <sum>, %scan3A_368#2 masked %reduce_sum3A_375 : vector<16xi32>, vector<16xi1> -> vector<16xi32>
    %reduce_sum3A_377 = vector.extract %reduce_sum3A_376[15] : i32 from vector<16xi32>
    %le3A_378 = arith.constant 2047 : i32
    %le3A_379 = arith.cmpi sle, %reduce_sum3A_373, %le3A_378 : i32
    %sub3A_380 = arith.constant 2047 : i32
    %sub3A_381 = arith.subi %sub3A_380, %reduce_sum3A_373 : i32
    %select_n3A_382 = arith.select %le3A_379, %sub3A_381, %reduce_sum3A_373 : i32
    %le3A_383 = arith.constant 2047 : i32
    %le3A_384 = arith.cmpi sle, %reduce_sum3A_377, %le3A_383 : i32
    %sub3A_385 = arith.constant 2047 : i32
    %sub3A_386 = arith.subi %sub3A_385, %reduce_sum3A_377 : i32
    %select_n3A_387 = arith.select %le3A_384, %sub3A_386, %reduce_sum3A_377 : i32
    %le3A_388 = arith.constant 2047 : i32
    %le3A_389 = arith.cmpi sle, %reduce_sum3A_373, %le3A_388 : i32
    %shift_left3A_390 = arith.constant 20 : i32
    %shift_left3A_391 = arith.shli %select_n3A_382, %shift_left3A_390 : i32
    %or3A_392 = arith.constant 1048575 : i32
    %or3A_393 = arith.ori %shift_left3A_391, %or3A_392 : i32
    %shift_left3A_394 = arith.constant 20 : i32
    %shift_left3A_395 = arith.shli %select_n3A_382, %shift_left3A_394 : i32
    %select_n3A_396 = arith.select %le3A_389, %or3A_393, %shift_left3A_395 : i32
    %le3A_397 = arith.constant 2047 : i32
    %le3A_398 = arith.cmpi sle, %reduce_sum3A_377, %le3A_397 : i32
    %shift_left3A_399 = arith.constant 20 : i32
    %shift_left3A_400 = arith.shli %select_n3A_387, %shift_left3A_399 : i32
    %shift_left3A_401 = arith.constant 20 : i32
    %shift_left3A_402 = arith.shli %select_n3A_387, %shift_left3A_401 : i32
    %or3A_403 = arith.constant 1048575 : i32
    %or3A_404 = arith.ori %shift_left3A_402, %or3A_403 : i32
    %select_n3A_405 = arith.select %le3A_398, %shift_left3A_400, %or3A_404 : i32
    %bitcast_convert_type3A_406 = arith.bitcast %select_n3A_396 : i32 to f32
    %bitcast_convert_type3A_407 = arith.bitcast %select_n3A_405 : i32 to f32
    %bitcast_convert_type3A_408 = arith.bitcast %bitcast_convert_type3A_407 : f32 to i32
    %ge3A_409 = arith.constant -2147483648 : i32
    %ge3A_410 = arith.cmpi uge, %bitcast_convert_type3A_408, %ge3A_409 : i32
    %not3A_411 = arith.constant -1 : i32
    %not3A_412 = arith.xori %bitcast_convert_type3A_408, %not3A_411 : i32
    %or3A_413 = arith.constant -2147483648 : i32
    %or3A_414 = arith.ori %bitcast_convert_type3A_408, %or3A_413 : i32
    %select_n3A_415 = arith.select %ge3A_410, %not3A_412, %or3A_414 : i32
    %bitcast_convert_type3A_416 = arith.bitcast %bitcast_convert_type3A_406 : f32 to i32
    %ge3A_417 = arith.constant -2147483648 : i32
    %ge3A_418 = arith.cmpi uge, %bitcast_convert_type3A_416, %ge3A_417 : i32
    %not3A_419 = arith.constant -1 : i32
    %not3A_420 = arith.xori %bitcast_convert_type3A_416, %not3A_419 : i32
    %or3A_421 = arith.constant -2147483648 : i32
    %or3A_422 = arith.ori %bitcast_convert_type3A_416, %or3A_421 : i32
    %select_n3A_423 = arith.select %ge3A_418, %not3A_420, %or3A_422 : i32
    %scan3A_424 = arith.constant 0 : i32
    %scan3A_425 = arith.constant 0 : i32
    %scan3A_426 = arith.constant 256 : i32
    %scan3A_427 = arith.addi %scan3A_425, %scan3A_426 : i32
    %scan3A_428 = arith.constant 1 : i32
    %scan3A_429:3 = scf.for %scan3A_1233 = %scan3A_425 to %scan3A_427 step %scan3A_428 iter_args(%scan3A_1234 = %scan3A_424, %scan3A_1235 = %broadcast_in_dim3A_3, %scan3A_1236 = %broadcast_in_dim3A_5) -> (i32, vector<16xi32>, vector<16xf32>)  : i32 {
      %mul3A_1237 = arith.constant 8 : i32
      %mul3A_1238 = arith.muli %scan3A_1233, %mul3A_1237 : i32
      %add3A_1239 = arith.constant 0 : i32
      %add3A_1240 = arith.addi %mul3A_1238, %add3A_1239 : i32
      %mul3A_1241 = arith.constant 16 : i32
      %mul3A_1242 = arith.muli %add3A_1240, %mul3A_1241 : i32
      %get3A = arith.index_cast %mul3A_1242 : i32 to index
      %get3A_1243 = tpu.vector_load %arg5[%get3A] {strides = array<i32>} : memref<32768xf32, #tpu.memory_space<vmem>>, vector<16xf32>,
      %mul3A_1244 = arith.constant 8 : i32
      %mul3A_1245 = arith.muli %scan3A_1233, %mul3A_1244 : i32
      %add3A_1246 = arith.constant 1 : i32
      %add3A_1247 = arith.addi %mul3A_1245, %add3A_1246 : i32
      %mul3A_1248 = arith.constant 16 : i32
      %mul3A_1249 = arith.muli %add3A_1247, %mul3A_1248 : i32
      %get3A_1250 = arith.index_cast %mul3A_1249 : i32 to index
      %get3A_1251 = tpu.vector_load %arg5[%get3A_1250] {strides = array<i32>} : memref<32768xf32, #tpu.memory_space<vmem>>, vector<16xf32>,
      %mul3A_1252 = arith.constant 8 : i32
      %mul3A_1253 = arith.muli %scan3A_1233, %mul3A_1252 : i32
      %add3A_1254 = arith.constant 2 : i32
      %add3A_1255 = arith.addi %mul3A_1253, %add3A_1254 : i32
      %mul3A_1256 = arith.constant 16 : i32
      %mul3A_1257 = arith.muli %add3A_1255, %mul3A_1256 : i32
      %get3A_1258 = arith.index_cast %mul3A_1257 : i32 to index
      %get3A_1259 = tpu.vector_load %arg5[%get3A_1258] {strides = array<i32>} : memref<32768xf32, #tpu.memory_space<vmem>>, vector<16xf32>,
      %mul3A_1260 = arith.constant 8 : i32
      %mul3A_1261 = arith.muli %scan3A_1233, %mul3A_1260 : i32
      %add3A_1262 = arith.constant 3 : i32
      %add3A_1263 = arith.addi %mul3A_1261, %add3A_1262 : i32
      %mul3A_1264 = arith.constant 16 : i32
      %mul3A_1265 = arith.muli %add3A_1263, %mul3A_1264 : i32
      %get3A_1266 = arith.index_cast %mul3A_1265 : i32 to index
      %get3A_1267 = tpu.vector_load %arg5[%get3A_1266] {strides = array<i32>} : memref<32768xf32, #tpu.memory_space<vmem>>, vector<16xf32>,
      %mul3A_1268 = arith.constant 8 : i32
      %mul3A_1269 = arith.muli %scan3A_1233, %mul3A_1268 : i32
      %add3A_1270 = arith.constant 4 : i32
      %add3A_1271 = arith.addi %mul3A_1269, %add3A_1270 : i32
      %mul3A_1272 = arith.constant 16 : i32
      %mul3A_1273 = arith.muli %add3A_1271, %mul3A_1272 : i32
      %get3A_1274 = arith.index_cast %mul3A_1273 : i32 to index
      %get3A_1275 = tpu.vector_load %arg5[%get3A_1274] {strides = array<i32>} : memref<32768xf32, #tpu.memory_space<vmem>>, vector<16xf32>,
      %mul3A_1276 = arith.constant 8 : i32
      %mul3A_1277 = arith.muli %scan3A_1233, %mul3A_1276 : i32
      %add3A_1278 = arith.constant 5 : i32
      %add3A_1279 = arith.addi %mul3A_1277, %add3A_1278 : i32
      %mul3A_1280 = arith.constant 16 : i32
      %mul3A_1281 = arith.muli %add3A_1279, %mul3A_1280 : i32
      %get3A_1282 = arith.index_cast %mul3A_1281 : i32 to index
      %get3A_1283 = tpu.vector_load %arg5[%get3A_1282] {strides = array<i32>} : memref<32768xf32, #tpu.memory_space<vmem>>, vector<16xf32>,
      %mul3A_1284 = arith.constant 8 : i32
      %mul3A_1285 = arith.muli %scan3A_1233, %mul3A_1284 : i32
      %add3A_1286 = arith.constant 6 : i32
      %add3A_1287 = arith.addi %mul3A_1285, %add3A_1286 : i32
      %mul3A_1288 = arith.constant 16 : i32
      %mul3A_1289 = arith.muli %add3A_1287, %mul3A_1288 : i32
      %get3A_1290 = arith.index_cast %mul3A_1289 : i32 to index
      %get3A_1291 = tpu.vector_load %arg5[%get3A_1290] {strides = array<i32>} : memref<32768xf32, #tpu.memory_space<vmem>>, vector<16xf32>,
      %mul3A_1292 = arith.constant 8 : i32
      %mul3A_1293 = arith.muli %scan3A_1233, %mul3A_1292 : i32
      %add3A_1294 = arith.constant 7 : i32
      %add3A_1295 = arith.addi %mul3A_1293, %add3A_1294 : i32
      %mul3A_1296 = arith.constant 16 : i32
      %mul3A_1297 = arith.muli %add3A_1295, %mul3A_1296 : i32
      %get3A_1298 = arith.index_cast %mul3A_1297 : i32 to index
      %get3A_1299 = tpu.vector_load %arg5[%get3A_1298] {strides = array<i32>} : memref<32768xf32, #tpu.memory_space<vmem>>, vector<16xf32>,
      %gt3A = vector.broadcast %bitcast_convert_type3A_406 : f32 to vector<16xf32>
      %gt3A_1300 = arith.cmpf ogt, %get3A_1243, %gt3A : vector<16xf32>
      %gt3A_1301 = vector.broadcast %bitcast_convert_type3A_406 : f32 to vector<16xf32>
      %gt3A_1302 = arith.cmpf ogt, %get3A_1251, %gt3A_1301 : vector<16xf32>
      %gt3A_1303 = vector.broadcast %bitcast_convert_type3A_406 : f32 to vector<16xf32>
      %gt3A_1304 = arith.cmpf ogt, %get3A_1259, %gt3A_1303 : vector<16xf32>
      %gt3A_1305 = vector.broadcast %bitcast_convert_type3A_406 : f32 to vector<16xf32>
      %gt3A_1306 = arith.cmpf ogt, %get3A_1267, %gt3A_1305 : vector<16xf32>
      %gt3A_1307 = vector.broadcast %bitcast_convert_type3A_406 : f32 to vector<16xf32>
      %gt3A_1308 = arith.cmpf ogt, %get3A_1275, %gt3A_1307 : vector<16xf32>
      %gt3A_1309 = vector.broadcast %bitcast_convert_type3A_406 : f32 to vector<16xf32>
      %gt3A_1310 = arith.cmpf ogt, %get3A_1283, %gt3A_1309 : vector<16xf32>
      %gt3A_1311 = vector.broadcast %bitcast_convert_type3A_406 : f32 to vector<16xf32>
      %gt3A_1312 = arith.cmpf ogt, %get3A_1291, %gt3A_1311 : vector<16xf32>
      %gt3A_1313 = vector.broadcast %bitcast_convert_type3A_406 : f32 to vector<16xf32>
      %gt3A_1314 = arith.cmpf ogt, %get3A_1299, %gt3A_1313 : vector<16xf32>
      %ge3A_1315 = vector.broadcast %bitcast_convert_type3A_407 : f32 to vector<16xf32>
      %ge3A_1316 = arith.cmpf oge, %get3A_1243, %ge3A_1315 : vector<16xf32>
      %le3A_1317 = vector.broadcast %bitcast_convert_type3A_406 : f32 to vector<16xf32>
      %le3A_1318 = arith.cmpf ole, %get3A_1243, %le3A_1317 : vector<16xf32>
      %and3A_1319 = arith.andi %ge3A_1316, %le3A_1318 : vector<16xi1>
      %ge3A_1320 = vector.broadcast %bitcast_convert_type3A_407 : f32 to vector<16xf32>
      %ge3A_1321 = arith.cmpf oge, %get3A_1251, %ge3A_1320 : vector<16xf32>
      %le3A_1322 = vector.broadcast %bitcast_convert_type3A_406 : f32 to vector<16xf32>
      %le3A_1323 = arith.cmpf ole, %get3A_1251, %le3A_1322 : vector<16xf32>
      %and3A_1324 = arith.andi %ge3A_1321, %le3A_1323 : vector<16xi1>
      %ge3A_1325 = vector.broadcast %bitcast_convert_type3A_407 : f32 to vector<16xf32>
      %ge3A_1326 = arith.cmpf oge, %get3A_1259, %ge3A_1325 : vector<16xf32>
      %le3A_1327 = vector.broadcast %bitcast_convert_type3A_406 : f32 to vector<16xf32>
      %le3A_1328 = arith.cmpf ole, %get3A_1259, %le3A_1327 : vector<16xf32>
      %and3A_1329 = arith.andi %ge3A_1326, %le3A_1328 : vector<16xi1>
      %ge3A_1330 = vector.broadcast %bitcast_convert_type3A_407 : f32 to vector<16xf32>
      %ge3A_1331 = arith.cmpf oge, %get3A_1267, %ge3A_1330 : vector<16xf32>
      %le3A_1332 = vector.broadcast %bitcast_convert_type3A_406 : f32 to vector<16xf32>
      %le3A_1333 = arith.cmpf ole, %get3A_1267, %le3A_1332 : vector<16xf32>
      %and3A_1334 = arith.andi %ge3A_1331, %le3A_1333 : vector<16xi1>
      %ge3A_1335 = vector.broadcast %bitcast_convert_type3A_407 : f32 to vector<16xf32>
      %ge3A_1336 = arith.cmpf oge, %get3A_1275, %ge3A_1335 : vector<16xf32>
      %le3A_1337 = vector.broadcast %bitcast_convert_type3A_406 : f32 to vector<16xf32>
      %le3A_1338 = arith.cmpf ole, %get3A_1275, %le3A_1337 : vector<16xf32>
      %and3A_1339 = arith.andi %ge3A_1336, %le3A_1338 : vector<16xi1>
      %ge3A_1340 = vector.broadcast %bitcast_convert_type3A_407 : f32 to vector<16xf32>
      %ge3A_1341 = arith.cmpf oge, %get3A_1283, %ge3A_1340 : vector<16xf32>
      %le3A_1342 = vector.broadcast %bitcast_convert_type3A_406 : f32 to vector<16xf32>
      %le3A_1343 = arith.cmpf ole, %get3A_1283, %le3A_1342 : vector<16xf32>
      %and3A_1344 = arith.andi %ge3A_1341, %le3A_1343 : vector<16xi1>
      %ge3A_1345 = vector.broadcast %bitcast_convert_type3A_407 : f32 to vector<16xf32>
      %ge3A_1346 = arith.cmpf oge, %get3A_1291, %ge3A_1345 : vector<16xf32>
      %le3A_1347 = vector.broadcast %bitcast_convert_type3A_406 : f32 to vector<16xf32>
      %le3A_1348 = arith.cmpf ole, %get3A_1291, %le3A_1347 : vector<16xf32>
      %and3A_1349 = arith.andi %ge3A_1346, %le3A_1348 : vector<16xi1>
      %ge3A_1350 = vector.broadcast %bitcast_convert_type3A_407 : f32 to vector<16xf32>
      %ge3A_1351 = arith.cmpf oge, %get3A_1299, %ge3A_1350 : vector<16xf32>
      %le3A_1352 = vector.broadcast %bitcast_convert_type3A_406 : f32 to vector<16xf32>
      %le3A_1353 = arith.cmpf ole, %get3A_1299, %le3A_1352 : vector<16xf32>
      %and3A_1354 = arith.andi %ge3A_1351, %le3A_1353 : vector<16xi1>
      %all_reduce_population_count3A = tpu.all_reduce %and3A_1319 {dim = 0 : i64, kind = #tpu.reduction_kind<sum>} : vector<16xi1> -> vector<16xi32>
      %all_reduce_population_count3A_1355 = tpu.all_reduce %and3A_1324 {dim = 0 : i64, kind = #tpu.reduction_kind<sum>} : vector<16xi1> -> vector<16xi32>
      %all_reduce_population_count3A_1356 = tpu.all_reduce %and3A_1329 {dim = 0 : i64, kind = #tpu.reduction_kind<sum>} : vector<16xi1> -> vector<16xi32>
      %all_reduce_population_count3A_1357 = tpu.all_reduce %and3A_1334 {dim = 0 : i64, kind = #tpu.reduction_kind<sum>} : vector<16xi1> -> vector<16xi32>
      %all_reduce_population_count3A_1358 = tpu.all_reduce %and3A_1339 {dim = 0 : i64, kind = #tpu.reduction_kind<sum>} : vector<16xi1> -> vector<16xi32>
      %all_reduce_population_count3A_1359 = tpu.all_reduce %and3A_1344 {dim = 0 : i64, kind = #tpu.reduction_kind<sum>} : vector<16xi1> -> vector<16xi32>
      %all_reduce_population_count3A_1360 = tpu.all_reduce %and3A_1349 {dim = 0 : i64, kind = #tpu.reduction_kind<sum>} : vector<16xi1> -> vector<16xi32>
      %all_reduce_population_count3A_1361 = tpu.all_reduce %and3A_1354 {dim = 0 : i64, kind = #tpu.reduction_kind<sum>} : vector<16xi1> -> vector<16xi32>
      %all_reduce_population_count3A_1362 = tpu.all_reduce %gt3A_1300 {dim = 0 : i64, kind = #tpu.reduction_kind<sum>} : vector<16xi1> -> vector<16xi32>
      %add3A_1363 = arith.addi %scan3A_1235, %all_reduce_population_count3A_1362 : vector<16xi32>
      %select_n3A_1364 = arith.select %gt3A_1300, %get3A_1243, %broadcast_in_dim3A_5 : vector<16xi1>, vector<16xf32>
      %add3A_1365 = arith.addf %scan3A_1236, %select_n3A_1364 : vector<16xf32>
      %all_reduce_population_count3A_1366 = tpu.all_reduce %gt3A_1302 {dim = 0 : i64, kind = #tpu.reduction_kind<sum>} : vector<16xi1> -> vector<16xi32>
      %add3A_1367 = arith.addi %add3A_1363, %all_reduce_population_count3A_1366 : vector<16xi32>
      %select_n3A_1368 = arith.select %gt3A_1302, %get3A_1251, %broadcast_in_dim3A_5 : vector<16xi1>, vector<16xf32>
      %add3A_1369 = arith.addf %add3A_1365, %select_n3A_1368 : vector<16xf32>
      %all_reduce_population_count3A_1370 = tpu.all_reduce %gt3A_1304 {dim = 0 : i64, kind = #tpu.reduction_kind<sum>} : vector<16xi1> -> vector<16xi32>
      %add3A_1371 = arith.addi %add3A_1367, %all_reduce_population_count3A_1370 : vector<16xi32>
      %select_n3A_1372 = arith.select %gt3A_1304, %get3A_1259, %broadcast_in_dim3A_5 : vector<16xi1>, vector<16xf32>
      %add3A_1373 = arith.addf %add3A_1369, %select_n3A_1372 : vector<16xf32>
      %all_reduce_population_count3A_1374 = tpu.all_reduce %gt3A_1306 {dim = 0 : i64, kind = #tpu.reduction_kind<sum>} : vector<16xi1> -> vector<16xi32>
      %add3A_1375 = arith.addi %add3A_1371, %all_reduce_population_count3A_1374 : vector<16xi32>
      %select_n3A_1376 = arith.select %gt3A_1306, %get3A_1267, %broadcast_in_dim3A_5 : vector<16xi1>, vector<16xf32>
      %add3A_1377 = arith.addf %add3A_1373, %select_n3A_1376 : vector<16xf32>
      %all_reduce_population_count3A_1378 = tpu.all_reduce %gt3A_1308 {dim = 0 : i64, kind = #tpu.reduction_kind<sum>} : vector<16xi1> -> vector<16xi32>
      %add3A_1379 = arith.addi %add3A_1375, %all_reduce_population_count3A_1378 : vector<16xi32>
      %select_n3A_1380 = arith.select %gt3A_1308, %get3A_1275, %broadcast_in_dim3A_5 : vector<16xi1>, vector<16xf32>
      %add3A_1381 = arith.addf %add3A_1377, %select_n3A_1380 : vector<16xf32>
      %all_reduce_population_count3A_1382 = tpu.all_reduce %gt3A_1310 {dim = 0 : i64, kind = #tpu.reduction_kind<sum>} : vector<16xi1> -> vector<16xi32>
      %add3A_1383 = arith.addi %add3A_1379, %all_reduce_population_count3A_1382 : vector<16xi32>
      %select_n3A_1384 = arith.select %gt3A_1310, %get3A_1283, %broadcast_in_dim3A_5 : vector<16xi1>, vector<16xf32>
      %add3A_1385 = arith.addf %add3A_1381, %select_n3A_1384 : vector<16xf32>
      %all_reduce_population_count3A_1386 = tpu.all_reduce %gt3A_1312 {dim = 0 : i64, kind = #tpu.reduction_kind<sum>} : vector<16xi1> -> vector<16xi32>
      %add3A_1387 = arith.addi %add3A_1383, %all_reduce_population_count3A_1386 : vector<16xi32>
      %select_n3A_1388 = arith.select %gt3A_1312, %get3A_1291, %broadcast_in_dim3A_5 : vector<16xi1>, vector<16xf32>
      %add3A_1389 = arith.addf %add3A_1385, %select_n3A_1388 : vector<16xf32>
      %all_reduce_population_count3A_1390 = tpu.all_reduce %gt3A_1314 {dim = 0 : i64, kind = #tpu.reduction_kind<sum>} : vector<16xi1> -> vector<16xi32>
      %add3A_1391 = arith.addi %add3A_1387, %all_reduce_population_count3A_1390 : vector<16xi32>
      %select_n3A_1392 = arith.select %gt3A_1314, %get3A_1299, %broadcast_in_dim3A_5 : vector<16xi1>, vector<16xf32>
      %add3A_1393 = arith.addf %add3A_1389, %select_n3A_1392 : vector<16xf32>
      %slice3A_1394 = vector.extract_strided_slice %all_reduce_population_count3A {offsets = [0], sizes = [1], strides = [1]} : vector<16xi32> to vector<1xi32>
      %squeeze3A_1395 = vector.extract %slice3A_1394[0] : i32 from vector<1xi32>
      %add3A_1396 = arith.addi %scan3A_1234, %squeeze3A_1395 : i32
      %slice3A_1397 = vector.extract_strided_slice %all_reduce_population_count3A_1355 {offsets = [0], sizes = [1], strides = [1]} : vector<16xi32> to vector<1xi32>
      %squeeze3A_1398 = vector.extract %slice3A_1397[0] : i32 from vector<1xi32>
      %add3A_1399 = arith.addi %add3A_1396, %squeeze3A_1398 : i32
      %slice3A_1400 = vector.extract_strided_slice %all_reduce_population_count3A_1356 {offsets = [0], sizes = [1], strides = [1]} : vector<16xi32> to vector<1xi32>
      %squeeze3A_1401 = vector.extract %slice3A_1400[0] : i32 from vector<1xi32>
      %add3A_1402 = arith.addi %add3A_1399, %squeeze3A_1401 : i32
      %slice3A_1403 = vector.extract_strided_slice %all_reduce_population_count3A_1357 {offsets = [0], sizes = [1], strides = [1]} : vector<16xi32> to vector<1xi32>
      %squeeze3A_1404 = vector.extract %slice3A_1403[0] : i32 from vector<1xi32>
      %add3A_1405 = arith.addi %add3A_1402, %squeeze3A_1404 : i32
      %slice3A_1406 = vector.extract_strided_slice %all_reduce_population_count3A_1358 {offsets = [0], sizes = [1], strides = [1]} : vector<16xi32> to vector<1xi32>
      %squeeze3A_1407 = vector.extract %slice3A_1406[0] : i32 from vector<1xi32>
      %add3A_1408 = arith.addi %add3A_1405, %squeeze3A_1407 : i32
      %slice3A_1409 = vector.extract_strided_slice %all_reduce_population_count3A_1359 {offsets = [0], sizes = [1], strides = [1]} : vector<16xi32> to vector<1xi32>
      %squeeze3A_1410 = vector.extract %slice3A_1409[0] : i32 from vector<1xi32>
      %add3A_1411 = arith.addi %add3A_1408, %squeeze3A_1410 : i32
      %slice3A_1412 = vector.extract_strided_slice %all_reduce_population_count3A_1360 {offsets = [0], sizes = [1], strides = [1]} : vector<16xi32> to vector<1xi32>
      %squeeze3A_1413 = vector.extract %slice3A_1412[0] : i32 from vector<1xi32>
      %add3A_1414 = arith.addi %add3A_1411, %squeeze3A_1413 : i32
      %slice3A_1415 = vector.extract_strided_slice %all_reduce_population_count3A_1361 {offsets = [0], sizes = [1], strides = [1]} : vector<16xi32> to vector<1xi32>
      %squeeze3A_1416 = vector.extract %slice3A_1415[0] : i32 from vector<1xi32>
      %add3A_1417 = arith.addi %add3A_1414, %squeeze3A_1416 : i32
      %swap3A_1418 = arith.index_cast %scan3A_1234 : i32 to index
      %swap3A_1419 = tpu.vector_load %arg6[%swap3A_1418] masked %and3A_1319 {strides = array<i32>} : memref<32832xf32, #tpu.memory_space<vmem>>, vector<16xf32>, vector<16xi1>
      tpu.vector_store %arg6[%swap3A_1418], %get3A_1243 masked %and3A_1319 {strides = array<i32>} : memref<32832xf32, #tpu.memory_space<vmem>>, vector<16xf32>, vector<16xi1>
      %swap3A_1420 = arith.index_cast %add3A_1396 : i32 to index
      %swap3A_1421 = tpu.vector_load %arg6[%swap3A_1420] masked %and3A_1324 {strides = array<i32>} : memref<32832xf32, #tpu.memory_space<vmem>>, vector<16xf32>, vector<16xi1>
      tpu.vector_store %arg6[%swap3A_1420], %get3A_1251 masked %and3A_1324 {strides = array<i32>} : memref<32832xf32, #tpu.memory_space<vmem>>, vector<16xf32>, vector<16xi1>
      %swap3A_1422 = arith.index_cast %add3A_1399 : i32 to index
      %swap3A_1423 = tpu.vector_load %arg6[%swap3A_1422] masked %and3A_1329 {strides = array<i32>} : memref<32832xf32, #tpu.memory_space<vmem>>, vector<16xf32>, vector<16xi1>
      tpu.vector_store %arg6[%swap3A_1422], %get3A_1259 masked %and3A_1329 {strides = array<i32>} : memref<32832xf32, #tpu.memory_space<vmem>>, vector<16xf32>, vector<16xi1>
      %swap3A_1424 = arith.index_cast %add3A_1402 : i32 to index
      %swap3A_1425 = tpu.vector_load %arg6[%swap3A_1424] masked %and3A_1334 {strides = array<i32>} : memref<32832xf32, #tpu.memory_space<vmem>>, vector<16xf32>, vector<16xi1>
      tpu.vector_store %arg6[%swap3A_1424], %get3A_1267 masked %and3A_1334 {strides = array<i32>} : memref<32832xf32, #tpu.memory_space<vmem>>, vector<16xf32>, vector<16xi1>
      %swap3A_1426 = arith.index_cast %add3A_1405 : i32 to index
      %swap3A_1427 = tpu.vector_load %arg6[%swap3A_1426] masked %and3A_1339 {strides = array<i32>} : memref<32832xf32, #tpu.memory_space<vmem>>, vector<16xf32>, vector<16xi1>
      tpu.vector_store %arg6[%swap3A_1426], %get3A_1275 masked %and3A_1339 {strides = array<i32>} : memref<32832xf32, #tpu.memory_space<vmem>>, vector<16xf32>, vector<16xi1>
      %swap3A_1428 = arith.index_cast %add3A_1408 : i32 to index
      %swap3A_1429 = tpu.vector_load %arg6[%swap3A_1428] masked %and3A_1344 {strides = array<i32>} : memref<32832xf32, #tpu.memory_space<vmem>>, vector<16xf32>, vector<16xi1>
      tpu.vector_store %arg6[%swap3A_1428], %get3A_1283 masked %and3A_1344 {strides = array<i32>} : memref<32832xf32, #tpu.memory_space<vmem>>, vector<16xf32>, vector<16xi1>
      %swap3A_1430 = arith.index_cast %add3A_1411 : i32 to index
      %swap3A_1431 = tpu.vector_load %arg6[%swap3A_1430] masked %and3A_1349 {strides = array<i32>} : memref<32832xf32, #tpu.memory_space<vmem>>, vector<16xf32>, vector<16xi1>
      tpu.vector_store %arg6[%swap3A_1430], %get3A_1291 masked %and3A_1349 {strides = array<i32>} : memref<32832xf32, #tpu.memory_space<vmem>>, vector<16xf32>, vector<16xi1>
      %swap3A_1432 = arith.index_cast %add3A_1414 : i32 to index
      %swap3A_1433 = tpu.vector_load %arg6[%swap3A_1432] masked %and3A_1354 {strides = array<i32>} : memref<32832xf32, #tpu.memory_space<vmem>>, vector<16xf32>, vector<16xi1>
      tpu.vector_store %arg6[%swap3A_1432], %get3A_1299 masked %and3A_1354 {strides = array<i32>} : memref<32832xf32, #tpu.memory_space<vmem>>, vector<16xf32>, vector<16xi1>
      scf.yield %add3A_1417, %add3A_1391, %add3A_1393 : i32, vector<16xi32>, vector<16xf32>
    }
    %scan3A_430 = arith.constant 256 : i32
    %slice3A_431 = vector.extract_strided_slice %scan3A_429#1 {offsets = [0], sizes = [1], strides = [1]} : vector<16xi32> to vector<1xi32>
    %squeeze3A_432 = vector.extract %slice3A_431[0] : i32 from vector<1xi32>
    %reduce_sum3A_433 = arith.constant true
    %reduce_sum3A_434 = vector.broadcast %reduce_sum3A_433 : i1 to vector<16xi1>
    %reduce_sum3A_435 = tpu.scan <sum>, %scan3A_429#2 masked %reduce_sum3A_434 : vector<16xf32>, vector<16xi1> -> vector<16xf32>
    %reduce_sum3A_436 = vector.extract %reduce_sum3A_435[15] : f32 from vector<16xf32>
    %broadcast_in_dim3A_437 = arith.constant 0xFF800000 : f32
    %broadcast_in_dim3A_438 = vector.broadcast %broadcast_in_dim3A_437 : f32 to vector<16xf32>
    %add3A_439 = arith.constant 0 : i32
    %add3A_440 = arith.addi %scan3A_429#0, %add3A_439 : i32
    %swap3A_441 = arith.index_cast %add3A_440 : i32 to index
    %swap3A_442 = tpu.vector_load %arg6[%swap3A_441] {strides = array<i32>} : memref<32832xf32, #tpu.memory_space<vmem>>, vector<16xf32>,
    tpu.vector_store %arg6[%swap3A_441], %broadcast_in_dim3A_438 {strides = array<i32>} : memref<32832xf32, #tpu.memory_space<vmem>>, vector<16xf32>,
    %broadcast_in_dim3A_443 = arith.constant 0xFF800000 : f32
    %broadcast_in_dim3A_444 = vector.broadcast %broadcast_in_dim3A_443 : f32 to vector<16xf32>
    %add3A_445 = arith.constant 16 : i32
    %add3A_446 = arith.addi %scan3A_429#0, %add3A_445 : i32
    %swap3A_447 = arith.index_cast %add3A_446 : i32 to index
    %swap3A_448 = tpu.vector_load %arg6[%swap3A_447] {strides = array<i32>} : memref<32832xf32, #tpu.memory_space<vmem>>, vector<16xf32>,
    tpu.vector_store %arg6[%swap3A_447], %broadcast_in_dim3A_444 {strides = array<i32>} : memref<32832xf32, #tpu.memory_space<vmem>>, vector<16xf32>,
    %broadcast_in_dim3A_449 = arith.constant 0xFF800000 : f32
    %broadcast_in_dim3A_450 = vector.broadcast %broadcast_in_dim3A_449 : f32 to vector<16xf32>
    %add3A_451 = arith.constant 32 : i32
    %add3A_452 = arith.addi %scan3A_429#0, %add3A_451 : i32
    %swap3A_453 = arith.index_cast %add3A_452 : i32 to index
    %swap3A_454 = tpu.vector_load %arg6[%swap3A_453] {strides = array<i32>} : memref<32832xf32, #tpu.memory_space<vmem>>, vector<16xf32>,
    tpu.vector_store %arg6[%swap3A_453], %broadcast_in_dim3A_450 {strides = array<i32>} : memref<32832xf32, #tpu.memory_space<vmem>>, vector<16xf32>,
    %broadcast_in_dim3A_455 = arith.constant 0xFF800000 : f32
    %broadcast_in_dim3A_456 = vector.broadcast %broadcast_in_dim3A_455 : f32 to vector<16xf32>
    %add3A_457 = arith.constant 48 : i32
    %add3A_458 = arith.addi %scan3A_429#0, %add3A_457 : i32
    %swap3A_459 = arith.index_cast %add3A_458 : i32 to index
    %swap3A_460 = tpu.vector_load %arg6[%swap3A_459] {strides = array<i32>} : memref<32832xf32, #tpu.memory_space<vmem>>, vector<16xf32>,
    tpu.vector_store %arg6[%swap3A_459], %broadcast_in_dim3A_456 {strides = array<i32>} : memref<32832xf32, #tpu.memory_space<vmem>>, vector<16xf32>,
    %add3A_461 = arith.constant 15 : i32
    %add3A_462 = arith.addi %scan3A_429#0, %add3A_461 : i32
    %jit3A_463 = arith.constant 16 : i32
    %div3A_464 = arith.divsi %add3A_462, %jit3A_463 : i32
    %sign3A_465 = arith.constant 0 : i32
    %sign3A_466 = arith.cmpi sgt, %add3A_462, %sign3A_465 : i32
    %sign3A_467 = arith.extui %sign3A_466 : i1 to i32
    %sign3A_468 = arith.constant 0 : i32
    %sign3A_469 = arith.cmpi slt, %add3A_462, %sign3A_468 : i32
    %sign3A_470 = arith.extui %sign3A_469 : i1 to i32
    %sign3A_471 = arith.subi %sign3A_467, %sign3A_470 : i32
    %sign3A_472 = arith.constant 0 : i32
    %sign3A_473 = arith.cmpi sgt, %jit3A_463, %sign3A_472 : i32
    %sign3A_474 = arith.extui %sign3A_473 : i1 to i32
    %sign3A_475 = arith.constant 0 : i32
    %sign3A_476 = arith.cmpi slt, %jit3A_463, %sign3A_475 : i32
    %sign3A_477 = arith.extui %sign3A_476 : i1 to i32
    %sign3A_478 = arith.subi %sign3A_474, %sign3A_477 : i32
    %ne3A_479 = arith.cmpi ne, %sign3A_471, %sign3A_478 : i32
    %rem3A_480 = arith.remsi %add3A_462, %jit3A_463 : i32
    %ne3A_481 = arith.constant 0 : i32
    %ne3A_482 = arith.cmpi ne, %rem3A_480, %ne3A_481 : i32
    %and3A_483 = arith.andi %ne3A_479, %ne3A_482 : i1
    %sub3A_484 = arith.constant 1 : i32
    %sub3A_485 = arith.subi %div3A_464, %sub3A_484 : i32
    %select_n3A_486 = arith.select %and3A_483, %sub3A_485, %div3A_464 : i32
    %add3A_487 = arith.constant 63 : i32
    %add3A_488 = arith.addi %scan3A_429#0, %add3A_487 : i32
    %jit3A_489 = arith.constant 64 : i32
    %div3A_490 = arith.divsi %add3A_488, %jit3A_489 : i32
    %sign3A_491 = arith.constant 0 : i32
    %sign3A_492 = arith.cmpi sgt, %add3A_488, %sign3A_491 : i32
    %sign3A_493 = arith.extui %sign3A_492 : i1 to i32
    %sign3A_494 = arith.constant 0 : i32
    %sign3A_495 = arith.cmpi slt, %add3A_488, %sign3A_494 : i32
    %sign3A_496 = arith.extui %sign3A_495 : i1 to i32
    %sign3A_497 = arith.subi %sign3A_493, %sign3A_496 : i32
    %sign3A_498 = arith.constant 0 : i32
    %sign3A_499 = arith.cmpi sgt, %jit3A_489, %sign3A_498 : i32
    %sign3A_500 = arith.extui %sign3A_499 : i1 to i32
    %sign3A_501 = arith.constant 0 : i32
    %sign3A_502 = arith.cmpi slt, %jit3A_489, %sign3A_501 : i32
    %sign3A_503 = arith.extui %sign3A_502 : i1 to i32
    %sign3A_504 = arith.subi %sign3A_500, %sign3A_503 : i32
    %ne3A_505 = arith.cmpi ne, %sign3A_497, %sign3A_504 : i32
    %rem3A_506 = arith.remsi %add3A_488, %jit3A_489 : i32
    %ne3A_507 = arith.constant 0 : i32
    %ne3A_508 = arith.cmpi ne, %rem3A_506, %ne3A_507 : i32
    %and3A_509 = arith.andi %ne3A_505, %ne3A_508 : i1
    %sub3A_510 = arith.constant 1 : i32
    %sub3A_511 = arith.subi %div3A_490, %sub3A_510 : i32
    %select_n3A_512 = arith.select %and3A_509, %sub3A_511, %div3A_490 : i32
    %sub3A_513 = arith.constant 3277 : i32
    %sub3A_514 = arith.subi %sub3A_513, %squeeze3A_432 : i32
    %add3A_515 = vector.broadcast %sub3A_514 : i32 to vector<16xi32>
    %add3A_516 = arith.addi %broadcast_in_dim3A_3, %add3A_515 : vector<16xi32>
    %sub3A_517 = arith.subi %select_n3A_423, %select_n3A_415 : i32
    %convert_element_type3A_518 = arith.uitofp %sub3A_517 : i32 to f32
    %bitcast_convert_type3A_519 = arith.bitcast %convert_element_type3A_518 : f32 to i32
    %shift_right_logical3A_520 = arith.constant 23 : i32
    %shift_right_logical3A_521 = arith.shrui %bitcast_convert_type3A_519, %shift_right_logical3A_520 : i32
    %and3A_522 = arith.constant 255 : i32
    %and3A_523 = arith.andi %shift_right_logical3A_521, %and3A_522 : i32
    %sub3A_524 = arith.constant 126 : i32
    %sub3A_525 = arith.subi %and3A_523, %sub3A_524 : i32
    %broadcast_in_dim3A_526 = arith.constant 0 : i32
    %broadcast_in_dim3A_527 = vector.broadcast %broadcast_in_dim3A_526 : i32 to vector<16xi32>
    %add3A_528 = vector.broadcast %select_n3A_415 : i32 to vector<16xi32>
    %add3A_529 = arith.addi %broadcast_in_dim3A_527, %add3A_528 : vector<16xi32>
    %broadcast_in_dim3A_530 = arith.constant 0 : i32
    %broadcast_in_dim3A_531 = vector.broadcast %broadcast_in_dim3A_530 : i32 to vector<16xi32>
    %add3A_532 = vector.broadcast %select_n3A_423 : i32 to vector<16xi32>
    %add3A_533 = arith.addi %broadcast_in_dim3A_531, %add3A_532 : vector<16xi32>
    %while3A_534 = arith.constant 0 : i32
    %while3A_535 = arith.subi %sub3A_525, %while3A_534 : i32
    %while3A_536 = arith.addi %while3A_534, %while3A_535 : i32
    %while3A_537 = arith.constant 1 : i32
    %while3A_538 = arith.divsi %while3A_535, %while3A_537 : i32
    %while3A_539 = arith.muli %while3A_538, %while3A_537 : i32
    %while3A_540 = arith.addi %while3A_534, %while3A_539 : i32
    %while3A_541 = arith.constant 1 : i32
    %while3A_542:2 = scf.for %while3A_1233 = %while3A_534 to %while3A_540 step %while3A_541 iter_args(%while3A_1234 = %add3A_529, %while3A_1235 = %add3A_533) -> (vector<16xi32>, vector<16xi32>)  : i32 {
      %sub3A_1236 = arith.subi %while3A_1235, %while3A_1234 : vector<16xi32>
      %shift_right_logical3A_1237 = arith.constant 1 : i32
      %shift_right_logical3A_1238 = vector.broadcast %shift_right_logical3A_1237 : i32 to vector<16xi32>
      %shift_right_logical3A_1239 = arith.shrui %sub3A_1236, %shift_right_logical3A_1238 : vector<16xi32>
      %add3A_1240 = arith.addi %while3A_1234, %shift_right_logical3A_1239 : vector<16xi32>
      %ge3A_1241 = arith.constant -2147483648 : i32
      %ge3A_1242 = vector.broadcast %ge3A_1241 : i32 to vector<16xi32>
      %ge3A_1243 = arith.cmpi uge, %add3A_1240, %ge3A_1242 : vector<16xi32>
      %and3A_1244 = arith.constant 2147483647 : i32
      %and3A_1245 = vector.broadcast %and3A_1244 : i32 to vector<16xi32>
      %and3A_1246 = arith.andi %add3A_1240, %and3A_1245 : vector<16xi32>
      %not3A_1247 = arith.constant dense<-1> : vector<16xi32>
      %not3A_1248 = arith.xori %add3A_1240, %not3A_1247 : vector<16xi32>
      %select_n3A_1249 = arith.select %ge3A_1243, %and3A_1246, %not3A_1248 : vector<16xi1>, vector<16xi32>
      %bitcast_convert_type3A_1250 = tpu.bitcast %select_n3A_1249 : vector<16xi32> -> vector<16xf32>
      %while3A_1251 = arith.constant 0 : i32
      %while3A_1252 = arith.subi %select_n3A_512, %while3A_1251 : i32
      %while3A_1253 = arith.addi %while3A_1251, %while3A_1252 : i32
      %while3A_1254 = arith.constant 1 : i32
      %while3A_1255 = arith.divsi %while3A_1252, %while3A_1254 : i32
      %while3A_1256 = arith.muli %while3A_1255, %while3A_1254 : i32
      %while3A_1257 = arith.addi %while3A_1251, %while3A_1256 : i32
      %while3A_1258 = arith.constant 1 : i32
      %while3A_1259 = scf.for %while3A_1268 = %while3A_1251 to %while3A_1257 step %while3A_1258 iter_args(%while3A_1269 = %broadcast_in_dim3A_3) -> (vector<16xi32>)  : i32 {
        %mul3A_1270 = arith.constant 4 : i32
        %mul3A_1271 = arith.muli %while3A_1268, %mul3A_1270 : i32
        %add3A_1272 = arith.constant 0 : i32
        %add3A_1273 = arith.addi %mul3A_1271, %add3A_1272 : i32
        %mul3A_1274 = arith.constant 16 : i32
        %mul3A_1275 = arith.muli %add3A_1273, %mul3A_1274 : i32
        %get3A = arith.index_cast %mul3A_1275 : i32 to index
        %get3A_1276 = tpu.vector_load %arg6[%get3A] {strides = array<i32>} : memref<32832xf32, #tpu.memory_space<vmem>>, vector<16xf32>,
        %mul3A_1277 = arith.constant 4 : i32
        %mul3A_1278 = arith.muli %while3A_1268, %mul3A_1277 : i32
        %add3A_1279 = arith.constant 1 : i32
        %add3A_1280 = arith.addi %mul3A_1278, %add3A_1279 : i32
        %mul3A_1281 = arith.constant 16 : i32
        %mul3A_1282 = arith.muli %add3A_1280, %mul3A_1281 : i32
        %get3A_1283 = arith.index_cast %mul3A_1282 : i32 to index
        %get3A_1284 = tpu.vector_load %arg6[%get3A_1283] {strides = array<i32>} : memref<32832xf32, #tpu.memory_space<vmem>>, vector<16xf32>,
        %mul3A_1285 = arith.constant 4 : i32
        %mul3A_1286 = arith.muli %while3A_1268, %mul3A_1285 : i32
        %add3A_1287 = arith.constant 2 : i32
        %add3A_1288 = arith.addi %mul3A_1286, %add3A_1287 : i32
        %mul3A_1289 = arith.constant 16 : i32
        %mul3A_1290 = arith.muli %add3A_1288, %mul3A_1289 : i32
        %get3A_1291 = arith.index_cast %mul3A_1290 : i32 to index
        %get3A_1292 = tpu.vector_load %arg6[%get3A_1291] {strides = array<i32>} : memref<32832xf32, #tpu.memory_space<vmem>>, vector<16xf32>,
        %mul3A_1293 = arith.constant 4 : i32
        %mul3A_1294 = arith.muli %while3A_1268, %mul3A_1293 : i32
        %add3A_1295 = arith.constant 3 : i32
        %add3A_1296 = arith.addi %mul3A_1294, %add3A_1295 : i32
        %mul3A_1297 = arith.constant 16 : i32
        %mul3A_1298 = arith.muli %add3A_1296, %mul3A_1297 : i32
        %get3A_1299 = arith.index_cast %mul3A_1298 : i32 to index
        %get3A_1300 = tpu.vector_load %arg6[%get3A_1299] {strides = array<i32>} : memref<32832xf32, #tpu.memory_space<vmem>>, vector<16xf32>,
        %gt3A = arith.cmpf ogt, %get3A_1276, %bitcast_convert_type3A_1250 : vector<16xf32>
        %gt3A_1301 = arith.cmpf ogt, %get3A_1284, %bitcast_convert_type3A_1250 : vector<16xf32>
        %gt3A_1302 = arith.cmpf ogt, %get3A_1292, %bitcast_convert_type3A_1250 : vector<16xf32>
        %gt3A_1303 = arith.cmpf ogt, %get3A_1300, %bitcast_convert_type3A_1250 : vector<16xf32>
        %all_reduce_population_count3A = tpu.all_reduce %gt3A {dim = 0 : i64, kind = #tpu.reduction_kind<sum>} : vector<16xi1> -> vector<16xi32>
        %add3A_1304 = arith.addi %while3A_1269, %all_reduce_population_count3A : vector<16xi32>
        %all_reduce_population_count3A_1305 = tpu.all_reduce %gt3A_1301 {dim = 0 : i64, kind = #tpu.reduction_kind<sum>} : vector<16xi1> -> vector<16xi32>
        %add3A_1306 = arith.addi %add3A_1304, %all_reduce_population_count3A_1305 : vector<16xi32>
        %all_reduce_population_count3A_1307 = tpu.all_reduce %gt3A_1302 {dim = 0 : i64, kind = #tpu.reduction_kind<sum>} : vector<16xi1> -> vector<16xi32>
        %add3A_1308 = arith.addi %add3A_1306, %all_reduce_population_count3A_1307 : vector<16xi32>
        %all_reduce_population_count3A_1309 = tpu.all_reduce %gt3A_1303 {dim = 0 : i64, kind = #tpu.reduction_kind<sum>} : vector<16xi1> -> vector<16xi32>
        %add3A_1310 = arith.addi %add3A_1308, %all_reduce_population_count3A_1309 : vector<16xi32>
        scf.yield %add3A_1310 : vector<16xi32>
      }
      %while3A_1260 = arith.constant 1 : i32
      %while3A_1261 = scf.for %while3A_1268 = %while3A_1257 to %while3A_1253 step %while3A_1260 iter_args(%while3A_1269 = %while3A_1259) -> (vector<16xi32>)  : i32 {
        %mul3A_1270 = arith.constant 4 : i32
        %mul3A_1271 = arith.muli %while3A_1268, %mul3A_1270 : i32
        %add3A_1272 = arith.constant 0 : i32
        %add3A_1273 = arith.addi %mul3A_1271, %add3A_1272 : i32
        %mul3A_1274 = arith.constant 16 : i32
        %mul3A_1275 = arith.muli %add3A_1273, %mul3A_1274 : i32
        %get3A = arith.index_cast %mul3A_1275 : i32 to index
        %get3A_1276 = tpu.vector_load %arg6[%get3A] {strides = array<i32>} : memref<32832xf32, #tpu.memory_space<vmem>>, vector<16xf32>,
        %mul3A_1277 = arith.constant 4 : i32
        %mul3A_1278 = arith.muli %while3A_1268, %mul3A_1277 : i32
        %add3A_1279 = arith.constant 1 : i32
        %add3A_1280 = arith.addi %mul3A_1278, %add3A_1279 : i32
        %mul3A_1281 = arith.constant 16 : i32
        %mul3A_1282 = arith.muli %add3A_1280, %mul3A_1281 : i32
        %get3A_1283 = arith.index_cast %mul3A_1282 : i32 to index
        %get3A_1284 = tpu.vector_load %arg6[%get3A_1283] {strides = array<i32>} : memref<32832xf32, #tpu.memory_space<vmem>>, vector<16xf32>,
        %mul3A_1285 = arith.constant 4 : i32
        %mul3A_1286 = arith.muli %while3A_1268, %mul3A_1285 : i32
        %add3A_1287 = arith.constant 2 : i32
        %add3A_1288 = arith.addi %mul3A_1286, %add3A_1287 : i32
        %mul3A_1289 = arith.constant 16 : i32
        %mul3A_1290 = arith.muli %add3A_1288, %mul3A_1289 : i32
        %get3A_1291 = arith.index_cast %mul3A_1290 : i32 to index
        %get3A_1292 = tpu.vector_load %arg6[%get3A_1291] {strides = array<i32>} : memref<32832xf32, #tpu.memory_space<vmem>>, vector<16xf32>,
        %mul3A_1293 = arith.constant 4 : i32
        %mul3A_1294 = arith.muli %while3A_1268, %mul3A_1293 : i32
        %add3A_1295 = arith.constant 3 : i32
        %add3A_1296 = arith.addi %mul3A_1294, %add3A_1295 : i32
        %mul3A_1297 = arith.constant 16 : i32
        %mul3A_1298 = arith.muli %add3A_1296, %mul3A_1297 : i32
        %get3A_1299 = arith.index_cast %mul3A_1298 : i32 to index
        %get3A_1300 = tpu.vector_load %arg6[%get3A_1299] {strides = array<i32>} : memref<32832xf32, #tpu.memory_space<vmem>>, vector<16xf32>,
        %gt3A = arith.cmpf ogt, %get3A_1276, %bitcast_convert_type3A_1250 : vector<16xf32>
        %gt3A_1301 = arith.cmpf ogt, %get3A_1284, %bitcast_convert_type3A_1250 : vector<16xf32>
        %gt3A_1302 = arith.cmpf ogt, %get3A_1292, %bitcast_convert_type3A_1250 : vector<16xf32>
        %gt3A_1303 = arith.cmpf ogt, %get3A_1300, %bitcast_convert_type3A_1250 : vector<16xf32>
        %all_reduce_population_count3A = tpu.all_reduce %gt3A {dim = 0 : i64, kind = #tpu.reduction_kind<sum>} : vector<16xi1> -> vector<16xi32>
        %add3A_1304 = arith.addi %while3A_1269, %all_reduce_population_count3A : vector<16xi32>
        %all_reduce_population_count3A_1305 = tpu.all_reduce %gt3A_1301 {dim = 0 : i64, kind = #tpu.reduction_kind<sum>} : vector<16xi1> -> vector<16xi32>
        %add3A_1306 = arith.addi %add3A_1304, %all_reduce_population_count3A_1305 : vector<16xi32>
        %all_reduce_population_count3A_1307 = tpu.all_reduce %gt3A_1302 {dim = 0 : i64, kind = #tpu.reduction_kind<sum>} : vector<16xi1> -> vector<16xi32>
        %add3A_1308 = arith.addi %add3A_1306, %all_reduce_population_count3A_1307 : vector<16xi32>
        %all_reduce_population_count3A_1309 = tpu.all_reduce %gt3A_1303 {dim = 0 : i64, kind = #tpu.reduction_kind<sum>} : vector<16xi1> -> vector<16xi32>
        %add3A_1310 = arith.addi %add3A_1308, %all_reduce_population_count3A_1309 : vector<16xi32>
        scf.yield %add3A_1310 : vector<16xi32>
      }
      %le3A_1262 = arith.cmpi sle, %while3A_1261, %add3A_516 : vector<16xi32>
      %add3A_1263 = arith.constant 1 : i32
      %add3A_1264 = vector.broadcast %add3A_1263 : i32 to vector<16xi32>
      %add3A_1265 = arith.addi %add3A_1240, %add3A_1264 : vector<16xi32>
      %select_n3A_1266 = arith.select %le3A_1262, %while3A_1234, %add3A_1265 : vector<16xi1>, vector<16xi32>
      %select_n3A_1267 = arith.select %le3A_1262, %add3A_1240, %while3A_1235 : vector<16xi1>, vector<16xi32>
      scf.yield %select_n3A_1266, %select_n3A_1267 : vector<16xi32>, vector<16xi32>
    }
    %while3A_543 = arith.constant 1 : i32
    %while3A_544:2 = scf.for %while3A_1233 = %while3A_540 to %while3A_536 step %while3A_543 iter_args(%while3A_1234 = %while3A_542#0, %while3A_1235 = %while3A_542#1) -> (vector<16xi32>, vector<16xi32>)  : i32 {
      %sub3A_1236 = arith.subi %while3A_1235, %while3A_1234 : vector<16xi32>
      %shift_right_logical3A_1237 = arith.constant 1 : i32
      %shift_right_logical3A_1238 = vector.broadcast %shift_right_logical3A_1237 : i32 to vector<16xi32>
      %shift_right_logical3A_1239 = arith.shrui %sub3A_1236, %shift_right_logical3A_1238 : vector<16xi32>
      %add3A_1240 = arith.addi %while3A_1234, %shift_right_logical3A_1239 : vector<16xi32>
      %ge3A_1241 = arith.constant -2147483648 : i32
      %ge3A_1242 = vector.broadcast %ge3A_1241 : i32 to vector<16xi32>
      %ge3A_1243 = arith.cmpi uge, %add3A_1240, %ge3A_1242 : vector<16xi32>
      %and3A_1244 = arith.constant 2147483647 : i32
      %and3A_1245 = vector.broadcast %and3A_1244 : i32 to vector<16xi32>
      %and3A_1246 = arith.andi %add3A_1240, %and3A_1245 : vector<16xi32>
      %not3A_1247 = arith.constant dense<-1> : vector<16xi32>
      %not3A_1248 = arith.xori %add3A_1240, %not3A_1247 : vector<16xi32>
      %select_n3A_1249 = arith.select %ge3A_1243, %and3A_1246, %not3A_1248 : vector<16xi1>, vector<16xi32>
      %bitcast_convert_type3A_1250 = tpu.bitcast %select_n3A_1249 : vector<16xi32> -> vector<16xf32>
      %while3A_1251 = arith.constant 0 : i32
      %while3A_1252 = arith.subi %select_n3A_512, %while3A_1251 : i32
      %while3A_1253 = arith.addi %while3A_1251, %while3A_1252 : i32
      %while3A_1254 = arith.constant 1 : i32
      %while3A_1255 = arith.divsi %while3A_1252, %while3A_1254 : i32
      %while3A_1256 = arith.muli %while3A_1255, %while3A_1254 : i32
      %while3A_1257 = arith.addi %while3A_1251, %while3A_1256 : i32
      %while3A_1258 = arith.constant 1 : i32
      %while3A_1259 = scf.for %while3A_1268 = %while3A_1251 to %while3A_1257 step %while3A_1258 iter_args(%while3A_1269 = %broadcast_in_dim3A_3) -> (vector<16xi32>)  : i32 {
        %mul3A_1270 = arith.constant 4 : i32
        %mul3A_1271 = arith.muli %while3A_1268, %mul3A_1270 : i32
        %add3A_1272 = arith.constant 0 : i32
        %add3A_1273 = arith.addi %mul3A_1271, %add3A_1272 : i32
        %mul3A_1274 = arith.constant 16 : i32
        %mul3A_1275 = arith.muli %add3A_1273, %mul3A_1274 : i32
        %get3A = arith.index_cast %mul3A_1275 : i32 to index
        %get3A_1276 = tpu.vector_load %arg6[%get3A] {strides = array<i32>} : memref<32832xf32, #tpu.memory_space<vmem>>, vector<16xf32>,
        %mul3A_1277 = arith.constant 4 : i32
        %mul3A_1278 = arith.muli %while3A_1268, %mul3A_1277 : i32
        %add3A_1279 = arith.constant 1 : i32
        %add3A_1280 = arith.addi %mul3A_1278, %add3A_1279 : i32
        %mul3A_1281 = arith.constant 16 : i32
        %mul3A_1282 = arith.muli %add3A_1280, %mul3A_1281 : i32
        %get3A_1283 = arith.index_cast %mul3A_1282 : i32 to index
        %get3A_1284 = tpu.vector_load %arg6[%get3A_1283] {strides = array<i32>} : memref<32832xf32, #tpu.memory_space<vmem>>, vector<16xf32>,
        %mul3A_1285 = arith.constant 4 : i32
        %mul3A_1286 = arith.muli %while3A_1268, %mul3A_1285 : i32
        %add3A_1287 = arith.constant 2 : i32
        %add3A_1288 = arith.addi %mul3A_1286, %add3A_1287 : i32
        %mul3A_1289 = arith.constant 16 : i32
        %mul3A_1290 = arith.muli %add3A_1288, %mul3A_1289 : i32
        %get3A_1291 = arith.index_cast %mul3A_1290 : i32 to index
        %get3A_1292 = tpu.vector_load %arg6[%get3A_1291] {strides = array<i32>} : memref<32832xf32, #tpu.memory_space<vmem>>, vector<16xf32>,
        %mul3A_1293 = arith.constant 4 : i32
        %mul3A_1294 = arith.muli %while3A_1268, %mul3A_1293 : i32
        %add3A_1295 = arith.constant 3 : i32
        %add3A_1296 = arith.addi %mul3A_1294, %add3A_1295 : i32
        %mul3A_1297 = arith.constant 16 : i32
        %mul3A_1298 = arith.muli %add3A_1296, %mul3A_1297 : i32
        %get3A_1299 = arith.index_cast %mul3A_1298 : i32 to index
        %get3A_1300 = tpu.vector_load %arg6[%get3A_1299] {strides = array<i32>} : memref<32832xf32, #tpu.memory_space<vmem>>, vector<16xf32>,
        %gt3A = arith.cmpf ogt, %get3A_1276, %bitcast_convert_type3A_1250 : vector<16xf32>
        %gt3A_1301 = arith.cmpf ogt, %get3A_1284, %bitcast_convert_type3A_1250 : vector<16xf32>
        %gt3A_1302 = arith.cmpf ogt, %get3A_1292, %bitcast_convert_type3A_1250 : vector<16xf32>
        %gt3A_1303 = arith.cmpf ogt, %get3A_1300, %bitcast_convert_type3A_1250 : vector<16xf32>
        %all_reduce_population_count3A = tpu.all_reduce %gt3A {dim = 0 : i64, kind = #tpu.reduction_kind<sum>} : vector<16xi1> -> vector<16xi32>
        %add3A_1304 = arith.addi %while3A_1269, %all_reduce_population_count3A : vector<16xi32>
        %all_reduce_population_count3A_1305 = tpu.all_reduce %gt3A_1301 {dim = 0 : i64, kind = #tpu.reduction_kind<sum>} : vector<16xi1> -> vector<16xi32>
        %add3A_1306 = arith.addi %add3A_1304, %all_reduce_population_count3A_1305 : vector<16xi32>
        %all_reduce_population_count3A_1307 = tpu.all_reduce %gt3A_1302 {dim = 0 : i64, kind = #tpu.reduction_kind<sum>} : vector<16xi1> -> vector<16xi32>
        %add3A_1308 = arith.addi %add3A_1306, %all_reduce_population_count3A_1307 : vector<16xi32>
        %all_reduce_population_count3A_1309 = tpu.all_reduce %gt3A_1303 {dim = 0 : i64, kind = #tpu.reduction_kind<sum>} : vector<16xi1> -> vector<16xi32>
        %add3A_1310 = arith.addi %add3A_1308, %all_reduce_population_count3A_1309 : vector<16xi32>
        scf.yield %add3A_1310 : vector<16xi32>
      }
      %while3A_1260 = arith.constant 1 : i32
      %while3A_1261 = scf.for %while3A_1268 = %while3A_1257 to %while3A_1253 step %while3A_1260 iter_args(%while3A_1269 = %while3A_1259) -> (vector<16xi32>)  : i32 {
        %mul3A_1270 = arith.constant 4 : i32
        %mul3A_1271 = arith.muli %while3A_1268, %mul3A_1270 : i32
        %add3A_1272 = arith.constant 0 : i32
        %add3A_1273 = arith.addi %mul3A_1271, %add3A_1272 : i32
        %mul3A_1274 = arith.constant 16 : i32
        %mul3A_1275 = arith.muli %add3A_1273, %mul3A_1274 : i32
        %get3A = arith.index_cast %mul3A_1275 : i32 to index
        %get3A_1276 = tpu.vector_load %arg6[%get3A] {strides = array<i32>} : memref<32832xf32, #tpu.memory_space<vmem>>, vector<16xf32>,
        %mul3A_1277 = arith.constant 4 : i32
        %mul3A_1278 = arith.muli %while3A_1268, %mul3A_1277 : i32
        %add3A_1279 = arith.constant 1 : i32
        %add3A_1280 = arith.addi %mul3A_1278, %add3A_1279 : i32
        %mul3A_1281 = arith.constant 16 : i32
        %mul3A_1282 = arith.muli %add3A_1280, %mul3A_1281 : i32
        %get3A_1283 = arith.index_cast %mul3A_1282 : i32 to index
        %get3A_1284 = tpu.vector_load %arg6[%get3A_1283] {strides = array<i32>} : memref<32832xf32, #tpu.memory_space<vmem>>, vector<16xf32>,
        %mul3A_1285 = arith.constant 4 : i32
        %mul3A_1286 = arith.muli %while3A_1268, %mul3A_1285 : i32
        %add3A_1287 = arith.constant 2 : i32
        %add3A_1288 = arith.addi %mul3A_1286, %add3A_1287 : i32
        %mul3A_1289 = arith.constant 16 : i32
        %mul3A_1290 = arith.muli %add3A_1288, %mul3A_1289 : i32
        %get3A_1291 = arith.index_cast %mul3A_1290 : i32 to index
        %get3A_1292 = tpu.vector_load %arg6[%get3A_1291] {strides = array<i32>} : memref<32832xf32, #tpu.memory_space<vmem>>, vector<16xf32>,
        %mul3A_1293 = arith.constant 4 : i32
        %mul3A_1294 = arith.muli %while3A_1268, %mul3A_1293 : i32
        %add3A_1295 = arith.constant 3 : i32
        %add3A_1296 = arith.addi %mul3A_1294, %add3A_1295 : i32
        %mul3A_1297 = arith.constant 16 : i32
        %mul3A_1298 = arith.muli %add3A_1296, %mul3A_1297 : i32
        %get3A_1299 = arith.index_cast %mul3A_1298 : i32 to index
        %get3A_1300 = tpu.vector_load %arg6[%get3A_1299] {strides = array<i32>} : memref<32832xf32, #tpu.memory_space<vmem>>, vector<16xf32>,
        %gt3A = arith.cmpf ogt, %get3A_1276, %bitcast_convert_type3A_1250 : vector<16xf32>
        %gt3A_1301 = arith.cmpf ogt, %get3A_1284, %bitcast_convert_type3A_1250 : vector<16xf32>
        %gt3A_1302 = arith.cmpf ogt, %get3A_1292, %bitcast_convert_type3A_1250 : vector<16xf32>
        %gt3A_1303 = arith.cmpf ogt, %get3A_1300, %bitcast_convert_type3A_1250 : vector<16xf32>
        %all_reduce_population_count3A = tpu.all_reduce %gt3A {dim = 0 : i64, kind = #tpu.reduction_kind<sum>} : vector<16xi1> -> vector<16xi32>
        %add3A_1304 = arith.addi %while3A_1269, %all_reduce_population_count3A : vector<16xi32>
        %all_reduce_population_count3A_1305 = tpu.all_reduce %gt3A_1301 {dim = 0 : i64, kind = #tpu.reduction_kind<sum>} : vector<16xi1> -> vector<16xi32>
        %add3A_1306 = arith.addi %add3A_1304, %all_reduce_population_count3A_1305 : vector<16xi32>
        %all_reduce_population_count3A_1307 = tpu.all_reduce %gt3A_1302 {dim = 0 : i64, kind = #tpu.reduction_kind<sum>} : vector<16xi1> -> vector<16xi32>
        %add3A_1308 = arith.addi %add3A_1306, %all_reduce_population_count3A_1307 : vector<16xi32>
        %all_reduce_population_count3A_1309 = tpu.all_reduce %gt3A_1303 {dim = 0 : i64, kind = #tpu.reduction_kind<sum>} : vector<16xi1> -> vector<16xi32>
        %add3A_1310 = arith.addi %add3A_1308, %all_reduce_population_count3A_1309 : vector<16xi32>
        scf.yield %add3A_1310 : vector<16xi32>
      }
      %le3A_1262 = arith.cmpi sle, %while3A_1261, %add3A_516 : vector<16xi32>
      %add3A_1263 = arith.constant 1 : i32
      %add3A_1264 = vector.broadcast %add3A_1263 : i32 to vector<16xi32>
      %add3A_1265 = arith.addi %add3A_1240, %add3A_1264 : vector<16xi32>
      %select_n3A_1266 = arith.select %le3A_1262, %while3A_1234, %add3A_1265 : vector<16xi1>, vector<16xi32>
      %select_n3A_1267 = arith.select %le3A_1262, %add3A_1240, %while3A_1235 : vector<16xi1>, vector<16xi32>
      scf.yield %select_n3A_1266, %select_n3A_1267 : vector<16xi32>, vector<16xi32>
    }
    %ge3A_545 = arith.constant -2147483648 : i32
    %ge3A_546 = vector.broadcast %ge3A_545 : i32 to vector<16xi32>
    %ge3A_547 = arith.cmpi uge, %while3A_544#0, %ge3A_546 : vector<16xi32>
    %and3A_548 = arith.constant 2147483647 : i32
    %and3A_549 = vector.broadcast %and3A_548 : i32 to vector<16xi32>
    %and3A_550 = arith.andi %while3A_544#0, %and3A_549 : vector<16xi32>
    %not3A_551 = arith.constant dense<-1> : vector<16xi32>
    %not3A_552 = arith.xori %while3A_544#0, %not3A_551 : vector<16xi32>
    %select_n3A_553 = arith.select %ge3A_547, %and3A_550, %not3A_552 : vector<16xi1>, vector<16xi32>
    %bitcast_convert_type3A_554 = tpu.bitcast %select_n3A_553 : vector<16xi32> -> vector<16xf32>
    %broadcast_in_dim3A_555 = arith.constant 0x7F800000 : f32
    %broadcast_in_dim3A_556 = vector.broadcast %broadcast_in_dim3A_555 : f32 to vector<16xf32>
    %while3A_557 = arith.constant 0 : i32
    %while3A_558 = arith.subi %select_n3A_486, %while3A_557 : i32
    %while3A_559 = arith.addi %while3A_557, %while3A_558 : i32
    %while3A_560 = arith.constant 1 : i32
    %while3A_561 = arith.divsi %while3A_558, %while3A_560 : i32
    %while3A_562 = arith.muli %while3A_561, %while3A_560 : i32
    %while3A_563 = arith.addi %while3A_557, %while3A_562 : i32
    %while3A_564 = arith.constant 1 : i32
    %while3A_565:2 = scf.for %while3A_1233 = %while3A_557 to %while3A_563 step %while3A_564 iter_args(%while3A_1234 = %broadcast_in_dim3A_3, %while3A_1235 = %broadcast_in_dim3A_556) -> (vector<16xi32>, vector<16xf32>)  : i32 {
      %mul3A_1236 = arith.constant 16 : i32
      %mul3A_1237 = arith.muli %while3A_1233, %mul3A_1236 : i32
      %get3A = arith.index_cast %mul3A_1237 : i32 to index
      %get3A_1238 = tpu.vector_load %arg6[%get3A] {strides = array<i32>} : memref<32832xf32, #tpu.memory_space<vmem>>, vector<16xf32>,
      %gt3A = arith.cmpf ogt, %get3A_1238, %bitcast_convert_type3A_554 : vector<16xf32>
      %all_reduce_population_count3A = tpu.all_reduce %gt3A {dim = 0 : i64, kind = #tpu.reduction_kind<sum>} : vector<16xi1> -> vector<16xi32>
      %add3A_1239 = arith.addi %while3A_1234, %all_reduce_population_count3A : vector<16xi32>
      %jit3A_1240 = arith.constant 0x7F800000 : f32
      %broadcast_in_dim3A_1241 = vector.broadcast %jit3A_1240 : f32 to vector<16xf32>
      %select_n3A_1242 = arith.select %gt3A, %get3A_1238, %broadcast_in_dim3A_1241 : vector<16xi1>, vector<16xf32>
      %min3A = arith.minimumf %while3A_1235, %select_n3A_1242 : vector<16xf32>
      scf.yield %add3A_1239, %min3A : vector<16xi32>, vector<16xf32>
    }
    %while3A_566 = arith.constant 1 : i32
    %while3A_567:2 = scf.for %while3A_1233 = %while3A_563 to %while3A_559 step %while3A_566 iter_args(%while3A_1234 = %while3A_565#0, %while3A_1235 = %while3A_565#1) -> (vector<16xi32>, vector<16xf32>)  : i32 {
      %mul3A_1236 = arith.constant 16 : i32
      %mul3A_1237 = arith.muli %while3A_1233, %mul3A_1236 : i32
      %get3A = arith.index_cast %mul3A_1237 : i32 to index
      %get3A_1238 = tpu.vector_load %arg6[%get3A] {strides = array<i32>} : memref<32832xf32, #tpu.memory_space<vmem>>, vector<16xf32>,
      %gt3A = arith.cmpf ogt, %get3A_1238, %bitcast_convert_type3A_554 : vector<16xf32>
      %all_reduce_population_count3A = tpu.all_reduce %gt3A {dim = 0 : i64, kind = #tpu.reduction_kind<sum>} : vector<16xi1> -> vector<16xi32>
      %add3A_1239 = arith.addi %while3A_1234, %all_reduce_population_count3A : vector<16xi32>
      %jit3A_1240 = arith.constant 0x7F800000 : f32
      %broadcast_in_dim3A_1241 = vector.broadcast %jit3A_1240 : f32 to vector<16xf32>
      %select_n3A_1242 = arith.select %gt3A, %get3A_1238, %broadcast_in_dim3A_1241 : vector<16xi1>, vector<16xf32>
      %min3A = arith.minimumf %while3A_1235, %select_n3A_1242 : vector<16xf32>
      scf.yield %add3A_1239, %min3A : vector<16xi32>, vector<16xf32>
    }
    %slice3A_568 = vector.extract_strided_slice %while3A_567#0 {offsets = [0], sizes = [1], strides = [1]} : vector<16xi32> to vector<1xi32>
    %squeeze3A_569 = vector.extract %slice3A_568[0] : i32 from vector<1xi32>
    %add3A_570 = arith.addi %squeeze3A_432, %squeeze3A_569 : i32
    %ge3A_571 = arith.constant 3277 : i32
    %ge3A_572 = arith.cmpi sge, %add3A_570, %ge3A_571 : i32
    %reduce_min3A_573 = arith.constant true
    %reduce_min3A_574 = vector.broadcast %reduce_min3A_573 : i1 to vector<16xi1>
    %reduce_min3A_575 = tpu.scan <min>, %while3A_567#1 masked %reduce_min3A_574 : vector<16xf32>, vector<16xi1> -> vector<16xf32>
    %reduce_min3A_576 = vector.extract %reduce_min3A_575[15] : f32 from vector<16xf32>
    %broadcast_in_dim3A_577 = vector.broadcast %reduce_min3A_576 : f32 to vector<16xf32>
    %select_n3A_578 = arith.select %ge3A_572, %broadcast_in_dim3A_577, %bitcast_convert_type3A_554 : vector<16xf32>
    %mul3A_579 = arith.constant 0.701171875 : f32
    %mul3A_580 = vector.broadcast %mul3A_579 : f32 to vector<16xf32>
    %mul3A_581 = arith.mulf %bitcast_convert_type3A_554, %mul3A_580 : vector<16xf32>
    %mul3A_582 = arith.constant 0.298828125 : f32
    %mul3A_583 = vector.broadcast %mul3A_582 : f32 to vector<16xf32>
    %mul3A_584 = arith.mulf %select_n3A_578, %mul3A_583 : vector<16xf32>
    %add3A_585 = arith.addf %mul3A_581, %mul3A_584 : vector<16xf32>
    %while3A_586 = arith.constant 0 : i32
    %while3A_587 = arith.subi %select_n3A_486, %while3A_586 : i32
    %while3A_588 = arith.addi %while3A_586, %while3A_587 : i32
    %while3A_589 = arith.constant 1 : i32
    %while3A_590 = arith.divsi %while3A_587, %while3A_589 : i32
    %while3A_591 = arith.muli %while3A_590, %while3A_589 : i32
    %while3A_592 = arith.addi %while3A_586, %while3A_591 : i32
    %while3A_593 = arith.constant 1 : i32
    %while3A_594:2 = scf.for %while3A_1233 = %while3A_586 to %while3A_592 step %while3A_593 iter_args(%while3A_1234 = %broadcast_in_dim3A_3, %while3A_1235 = %broadcast_in_dim3A_5) -> (vector<16xi32>, vector<16xf32>)  : i32 {
      %mul3A_1236 = arith.constant 16 : i32
      %mul3A_1237 = arith.muli %while3A_1233, %mul3A_1236 : i32
      %get3A = arith.index_cast %mul3A_1237 : i32 to index
      %get3A_1238 = tpu.vector_load %arg6[%get3A] {strides = array<i32>} : memref<32832xf32, #tpu.memory_space<vmem>>, vector<16xf32>,
      %gt3A = arith.cmpf ogt, %get3A_1238, %add3A_585 : vector<16xf32>
      %all_reduce_population_count3A = tpu.all_reduce %gt3A {dim = 0 : i64, kind = #tpu.reduction_kind<sum>} : vector<16xi1> -> vector<16xi32>
      %add3A_1239 = arith.addi %while3A_1234, %all_reduce_population_count3A : vector<16xi32>
      %select_n3A_1240 = arith.select %gt3A, %get3A_1238, %broadcast_in_dim3A_5 : vector<16xi1>, vector<16xf32>
      %add3A_1241 = arith.addf %while3A_1235, %select_n3A_1240 : vector<16xf32>
      scf.yield %add3A_1239, %add3A_1241 : vector<16xi32>, vector<16xf32>
    }
    %while3A_595 = arith.constant 1 : i32
    %while3A_596:2 = scf.for %while3A_1233 = %while3A_592 to %while3A_588 step %while3A_595 iter_args(%while3A_1234 = %while3A_594#0, %while3A_1235 = %while3A_594#1) -> (vector<16xi32>, vector<16xf32>)  : i32 {
      %mul3A_1236 = arith.constant 16 : i32
      %mul3A_1237 = arith.muli %while3A_1233, %mul3A_1236 : i32
      %get3A = arith.index_cast %mul3A_1237 : i32 to index
      %get3A_1238 = tpu.vector_load %arg6[%get3A] {strides = array<i32>} : memref<32832xf32, #tpu.memory_space<vmem>>, vector<16xf32>,
      %gt3A = arith.cmpf ogt, %get3A_1238, %add3A_585 : vector<16xf32>
      %all_reduce_population_count3A = tpu.all_reduce %gt3A {dim = 0 : i64, kind = #tpu.reduction_kind<sum>} : vector<16xi1> -> vector<16xi32>
      %add3A_1239 = arith.addi %while3A_1234, %all_reduce_population_count3A : vector<16xi32>
      %select_n3A_1240 = arith.select %gt3A, %get3A_1238, %broadcast_in_dim3A_5 : vector<16xi1>, vector<16xf32>
      %add3A_1241 = arith.addf %while3A_1235, %select_n3A_1240 : vector<16xf32>
      scf.yield %add3A_1239, %add3A_1241 : vector<16xi32>, vector<16xf32>
    }
    %slice3A_597 = vector.extract_strided_slice %while3A_596#0 {offsets = [0], sizes = [1], strides = [1]} : vector<16xi32> to vector<1xi32>
    %squeeze3A_598 = vector.extract %slice3A_597[0] : i32 from vector<1xi32>
    %add3A_599 = arith.addi %squeeze3A_432, %squeeze3A_598 : i32
    %max3A_600 = arith.constant 1 : i32
    %max3A_601 = arith.maxsi %add3A_599, %max3A_600 : i32
    %convert_element_type3A_602 = arith.sitofp %max3A_601 : i32 to f32
    %reduce_sum3A_603 = arith.constant true
    %reduce_sum3A_604 = vector.broadcast %reduce_sum3A_603 : i1 to vector<16xi1>
    %reduce_sum3A_605 = tpu.scan <sum>, %while3A_596#1 masked %reduce_sum3A_604 : vector<16xf32>, vector<16xi1> -> vector<16xf32>
    %reduce_sum3A_606 = vector.extract %reduce_sum3A_605[15] : f32 from vector<16xf32>
    %add3A_607 = arith.addf %reduce_sum3A_436, %reduce_sum3A_606 : f32
    %eq3A_608 = arith.constant 1 : i32
    %eq3A_609 = vector.broadcast %eq3A_608 : i32 to vector<16xi32>
    %eq3A_610 = arith.cmpi eq, %iota3A, %eq3A_609 : vector<16xi32>
    %broadcast_in_dim3A_611 = vector.broadcast %add3A_607 : f32 to vector<16xf32>
    %select_n3A_612 = arith.select %eq3A_610, %broadcast_in_dim3A_611, %select_n3A_301 : vector<16xi1>, vector<16xf32>
    %eq3A_613 = arith.constant 1 : i32
    %eq3A_614 = vector.broadcast %eq3A_613 : i32 to vector<16xi32>
    %eq3A_615 = arith.cmpi eq, %iota3A, %eq3A_614 : vector<16xi32>
    %broadcast_in_dim3A_616 = vector.broadcast %convert_element_type3A_602 : f32 to vector<16xf32>
    %select_n3A_617 = arith.select %eq3A_615, %broadcast_in_dim3A_616, %select_n3A_306 : vector<16xi1>, vector<16xf32>
    %dma_wait3A_618 = arith.constant 0 : i32
    %dma_wait3A_619 = tpu.memref_slice %arg2[%add3A_316, %dma_wait3A_618] : memref<128x32768xf32, #tpu.memory_space<hbm>> -> memref<1x32768xf32, #tpu.memory_space<hbm>>
    %dma_wait3A_620 = tpu.memref_squeeze %dma_wait3A_619 : memref<1x32768xf32, #tpu.memory_space<hbm>> -> memref<32768xf32, #tpu.memory_space<hbm>>
    %dma_wait3A_621 = arith.constant 0 : i32
    %dma_wait3A_622 = tpu.memref_slice %arg2[%add3A_316, %dma_wait3A_621] : memref<128x32768xf32, #tpu.memory_space<hbm>> -> memref<1x32768xf32, #tpu.memory_space<hbm>>
    %dma_wait3A_623 = tpu.memref_squeeze %dma_wait3A_622 : memref<1x32768xf32, #tpu.memory_space<hbm>> -> memref<32768xf32, #tpu.memory_space<hbm>>
    tpu.wait_dma2 semaphore(%arg9 : memref<!tpu.dma_semaphore, #tpu.memory_space<semaphore_mem>>) src(%dma_wait3A_623 : memref<32768xf32, #tpu.memory_space<hbm>>) dst(%arg4 : memref<32768xf32, #tpu.memory_space<vmem>>)
    %add3A_624 = arith.constant 2 : i32
    %add3A_625 = arith.addi %mul3A_9, %add3A_624 : i32
    %add3A_626 = arith.constant 1 : i32
    %add3A_627 = arith.addi %add3A_625, %add3A_626 : i32
    %dma_start3A_628 = arith.constant 0 : i32
    %dma_start3A_629 = tpu.memref_slice %arg2[%add3A_627, %dma_start3A_628] : memref<128x32768xf32, #tpu.memory_space<hbm>> -> memref<1x32768xf32, #tpu.memory_space<hbm>>
    %dma_start3A_630 = tpu.memref_squeeze %dma_start3A_629 : memref<1x32768xf32, #tpu.memory_space<hbm>> -> memref<32768xf32, #tpu.memory_space<hbm>>
    %dma_start3A_631 = arith.constant 0 : i32
    %dma_start3A_632 = tpu.memref_slice %arg2[%add3A_627, %dma_start3A_631] : memref<128x32768xf32, #tpu.memory_space<hbm>> -> memref<1x32768xf32, #tpu.memory_space<hbm>>
    %dma_start3A_633 = tpu.memref_squeeze %dma_start3A_632 : memref<1x32768xf32, #tpu.memory_space<hbm>> -> memref<32768xf32, #tpu.memory_space<hbm>>
    tpu.enqueue_dma source(%dma_start3A_633 : memref<32768xf32, #tpu.memory_space<hbm>>) target(%arg5 : memref<32768xf32, #tpu.memory_space<vmem>>) target_semaphore(%arg10 : memref<!tpu.dma_semaphore, #tpu.memory_space<semaphore_mem>>)
    %scan3A_634 = arith.constant 0 : i32
    %scan3A_635 = arith.constant 0 : i32
    %scan3A_636 = arith.constant 256 : i32
    %scan3A_637 = arith.addi %scan3A_635, %scan3A_636 : i32
    %scan3A_638 = arith.constant 1 : i32
    %scan3A_639 = scf.for %scan3A_1233 = %scan3A_635 to %scan3A_637 step %scan3A_638 iter_args(%scan3A_1234 = %scan3A_634) -> (i32)  : i32 {
      %mul3A_1235 = arith.constant 8 : i32
      %mul3A_1236 = arith.muli %scan3A_1233, %mul3A_1235 : i32
      %add3A_1237 = arith.constant 0 : i32
      %add3A_1238 = arith.addi %mul3A_1236, %add3A_1237 : i32
      %mul3A_1239 = arith.constant 16 : i32
      %mul3A_1240 = arith.muli %add3A_1238, %mul3A_1239 : i32
      %get3A = arith.index_cast %mul3A_1240 : i32 to index
      %get3A_1241 = tpu.vector_load %arg4[%get3A] {strides = array<i32>} : memref<32768xf32, #tpu.memory_space<vmem>>, vector<16xf32>,
      %mul3A_1242 = arith.constant 8 : i32
      %mul3A_1243 = arith.muli %scan3A_1233, %mul3A_1242 : i32
      %add3A_1244 = arith.constant 1 : i32
      %add3A_1245 = arith.addi %mul3A_1243, %add3A_1244 : i32
      %mul3A_1246 = arith.constant 16 : i32
      %mul3A_1247 = arith.muli %add3A_1245, %mul3A_1246 : i32
      %get3A_1248 = arith.index_cast %mul3A_1247 : i32 to index
      %get3A_1249 = tpu.vector_load %arg4[%get3A_1248] {strides = array<i32>} : memref<32768xf32, #tpu.memory_space<vmem>>, vector<16xf32>,
      %mul3A_1250 = arith.constant 8 : i32
      %mul3A_1251 = arith.muli %scan3A_1233, %mul3A_1250 : i32
      %add3A_1252 = arith.constant 2 : i32
      %add3A_1253 = arith.addi %mul3A_1251, %add3A_1252 : i32
      %mul3A_1254 = arith.constant 16 : i32
      %mul3A_1255 = arith.muli %add3A_1253, %mul3A_1254 : i32
      %get3A_1256 = arith.index_cast %mul3A_1255 : i32 to index
      %get3A_1257 = tpu.vector_load %arg4[%get3A_1256] {strides = array<i32>} : memref<32768xf32, #tpu.memory_space<vmem>>, vector<16xf32>,
      %mul3A_1258 = arith.constant 8 : i32
      %mul3A_1259 = arith.muli %scan3A_1233, %mul3A_1258 : i32
      %add3A_1260 = arith.constant 3 : i32
      %add3A_1261 = arith.addi %mul3A_1259, %add3A_1260 : i32
      %mul3A_1262 = arith.constant 16 : i32
      %mul3A_1263 = arith.muli %add3A_1261, %mul3A_1262 : i32
      %get3A_1264 = arith.index_cast %mul3A_1263 : i32 to index
      %get3A_1265 = tpu.vector_load %arg4[%get3A_1264] {strides = array<i32>} : memref<32768xf32, #tpu.memory_space<vmem>>, vector<16xf32>,
      %mul3A_1266 = arith.constant 8 : i32
      %mul3A_1267 = arith.muli %scan3A_1233, %mul3A_1266 : i32
      %add3A_1268 = arith.constant 4 : i32
      %add3A_1269 = arith.addi %mul3A_1267, %add3A_1268 : i32
      %mul3A_1270 = arith.constant 16 : i32
      %mul3A_1271 = arith.muli %add3A_1269, %mul3A_1270 : i32
      %get3A_1272 = arith.index_cast %mul3A_1271 : i32 to index
      %get3A_1273 = tpu.vector_load %arg4[%get3A_1272] {strides = array<i32>} : memref<32768xf32, #tpu.memory_space<vmem>>, vector<16xf32>,
      %mul3A_1274 = arith.constant 8 : i32
      %mul3A_1275 = arith.muli %scan3A_1233, %mul3A_1274 : i32
      %add3A_1276 = arith.constant 5 : i32
      %add3A_1277 = arith.addi %mul3A_1275, %add3A_1276 : i32
      %mul3A_1278 = arith.constant 16 : i32
      %mul3A_1279 = arith.muli %add3A_1277, %mul3A_1278 : i32
      %get3A_1280 = arith.index_cast %mul3A_1279 : i32 to index
      %get3A_1281 = tpu.vector_load %arg4[%get3A_1280] {strides = array<i32>} : memref<32768xf32, #tpu.memory_space<vmem>>, vector<16xf32>,
      %mul3A_1282 = arith.constant 8 : i32
      %mul3A_1283 = arith.muli %scan3A_1233, %mul3A_1282 : i32
      %add3A_1284 = arith.constant 6 : i32
      %add3A_1285 = arith.addi %mul3A_1283, %add3A_1284 : i32
      %mul3A_1286 = arith.constant 16 : i32
      %mul3A_1287 = arith.muli %add3A_1285, %mul3A_1286 : i32
      %get3A_1288 = arith.index_cast %mul3A_1287 : i32 to index
      %get3A_1289 = tpu.vector_load %arg4[%get3A_1288] {strides = array<i32>} : memref<32768xf32, #tpu.memory_space<vmem>>, vector<16xf32>,
      %mul3A_1290 = arith.constant 8 : i32
      %mul3A_1291 = arith.muli %scan3A_1233, %mul3A_1290 : i32
      %add3A_1292 = arith.constant 7 : i32
      %add3A_1293 = arith.addi %mul3A_1291, %add3A_1292 : i32
      %mul3A_1294 = arith.constant 16 : i32
      %mul3A_1295 = arith.muli %add3A_1293, %mul3A_1294 : i32
      %get3A_1296 = arith.index_cast %mul3A_1295 : i32 to index
      %get3A_1297 = tpu.vector_load %arg4[%get3A_1296] {strides = array<i32>} : memref<32768xf32, #tpu.memory_space<vmem>>, vector<16xf32>,
      %bitcast_convert_type3A_1298 = tpu.bitcast %get3A_1241 : vector<16xf32> -> vector<16xi32>
      %shift_right_logical3A_1299 = arith.constant 20 : i32
      %shift_right_logical3A_1300 = vector.broadcast %shift_right_logical3A_1299 : i32 to vector<16xi32>
      %shift_right_logical3A_1301 = arith.shrui %bitcast_convert_type3A_1298, %shift_right_logical3A_1300 : vector<16xi32>
      %shift_right_logical3A_1302 = arith.constant 8 : i32
      %shift_right_logical3A_1303 = vector.broadcast %shift_right_logical3A_1302 : i32 to vector<16xi32>
      %shift_right_logical3A_1304 = arith.shrui %shift_right_logical3A_1301, %shift_right_logical3A_1303 : vector<16xi32>
      %add3A_1305 = arith.addi %shift_right_logical3A_1301, %shift_right_logical3A_1304 : vector<16xi32>
      %bitcast_convert_type3A_1306 = tpu.bitcast %get3A_1249 : vector<16xf32> -> vector<16xi32>
      %shift_right_logical3A_1307 = arith.constant 20 : i32
      %shift_right_logical3A_1308 = vector.broadcast %shift_right_logical3A_1307 : i32 to vector<16xi32>
      %shift_right_logical3A_1309 = arith.shrui %bitcast_convert_type3A_1306, %shift_right_logical3A_1308 : vector<16xi32>
      %shift_right_logical3A_1310 = arith.constant 8 : i32
      %shift_right_logical3A_1311 = vector.broadcast %shift_right_logical3A_1310 : i32 to vector<16xi32>
      %shift_right_logical3A_1312 = arith.shrui %shift_right_logical3A_1309, %shift_right_logical3A_1311 : vector<16xi32>
      %add3A_1313 = arith.addi %shift_right_logical3A_1309, %shift_right_logical3A_1312 : vector<16xi32>
      %bitcast_convert_type3A_1314 = tpu.bitcast %get3A_1257 : vector<16xf32> -> vector<16xi32>
      %shift_right_logical3A_1315 = arith.constant 20 : i32
      %shift_right_logical3A_1316 = vector.broadcast %shift_right_logical3A_1315 : i32 to vector<16xi32>
      %shift_right_logical3A_1317 = arith.shrui %bitcast_convert_type3A_1314, %shift_right_logical3A_1316 : vector<16xi32>
      %shift_right_logical3A_1318 = arith.constant 8 : i32
      %shift_right_logical3A_1319 = vector.broadcast %shift_right_logical3A_1318 : i32 to vector<16xi32>
      %shift_right_logical3A_1320 = arith.shrui %shift_right_logical3A_1317, %shift_right_logical3A_1319 : vector<16xi32>
      %add3A_1321 = arith.addi %shift_right_logical3A_1317, %shift_right_logical3A_1320 : vector<16xi32>
      %bitcast_convert_type3A_1322 = tpu.bitcast %get3A_1265 : vector<16xf32> -> vector<16xi32>
      %shift_right_logical3A_1323 = arith.constant 20 : i32
      %shift_right_logical3A_1324 = vector.broadcast %shift_right_logical3A_1323 : i32 to vector<16xi32>
      %shift_right_logical3A_1325 = arith.shrui %bitcast_convert_type3A_1322, %shift_right_logical3A_1324 : vector<16xi32>
      %shift_right_logical3A_1326 = arith.constant 8 : i32
      %shift_right_logical3A_1327 = vector.broadcast %shift_right_logical3A_1326 : i32 to vector<16xi32>
      %shift_right_logical3A_1328 = arith.shrui %shift_right_logical3A_1325, %shift_right_logical3A_1327 : vector<16xi32>
      %add3A_1329 = arith.addi %shift_right_logical3A_1325, %shift_right_logical3A_1328 : vector<16xi32>
      %bitcast_convert_type3A_1330 = tpu.bitcast %get3A_1273 : vector<16xf32> -> vector<16xi32>
      %shift_right_logical3A_1331 = arith.constant 20 : i32
      %shift_right_logical3A_1332 = vector.broadcast %shift_right_logical3A_1331 : i32 to vector<16xi32>
      %shift_right_logical3A_1333 = arith.shrui %bitcast_convert_type3A_1330, %shift_right_logical3A_1332 : vector<16xi32>
      %shift_right_logical3A_1334 = arith.constant 8 : i32
      %shift_right_logical3A_1335 = vector.broadcast %shift_right_logical3A_1334 : i32 to vector<16xi32>
      %shift_right_logical3A_1336 = arith.shrui %shift_right_logical3A_1333, %shift_right_logical3A_1335 : vector<16xi32>
      %add3A_1337 = arith.addi %shift_right_logical3A_1333, %shift_right_logical3A_1336 : vector<16xi32>
      %bitcast_convert_type3A_1338 = tpu.bitcast %get3A_1281 : vector<16xf32> -> vector<16xi32>
      %shift_right_logical3A_1339 = arith.constant 20 : i32
      %shift_right_logical3A_1340 = vector.broadcast %shift_right_logical3A_1339 : i32 to vector<16xi32>
      %shift_right_logical3A_1341 = arith.shrui %bitcast_convert_type3A_1338, %shift_right_logical3A_1340 : vector<16xi32>
      %shift_right_logical3A_1342 = arith.constant 8 : i32
      %shift_right_logical3A_1343 = vector.broadcast %shift_right_logical3A_1342 : i32 to vector<16xi32>
      %shift_right_logical3A_1344 = arith.shrui %shift_right_logical3A_1341, %shift_right_logical3A_1343 : vector<16xi32>
      %add3A_1345 = arith.addi %shift_right_logical3A_1341, %shift_right_logical3A_1344 : vector<16xi32>
      %bitcast_convert_type3A_1346 = tpu.bitcast %get3A_1289 : vector<16xf32> -> vector<16xi32>
      %shift_right_logical3A_1347 = arith.constant 20 : i32
      %shift_right_logical3A_1348 = vector.broadcast %shift_right_logical3A_1347 : i32 to vector<16xi32>
      %shift_right_logical3A_1349 = arith.shrui %bitcast_convert_type3A_1346, %shift_right_logical3A_1348 : vector<16xi32>
      %shift_right_logical3A_1350 = arith.constant 8 : i32
      %shift_right_logical3A_1351 = vector.broadcast %shift_right_logical3A_1350 : i32 to vector<16xi32>
      %shift_right_logical3A_1352 = arith.shrui %shift_right_logical3A_1349, %shift_right_logical3A_1351 : vector<16xi32>
      %add3A_1353 = arith.addi %shift_right_logical3A_1349, %shift_right_logical3A_1352 : vector<16xi32>
      %bitcast_convert_type3A_1354 = tpu.bitcast %get3A_1297 : vector<16xf32> -> vector<16xi32>
      %shift_right_logical3A_1355 = arith.constant 20 : i32
      %shift_right_logical3A_1356 = vector.broadcast %shift_right_logical3A_1355 : i32 to vector<16xi32>
      %shift_right_logical3A_1357 = arith.shrui %bitcast_convert_type3A_1354, %shift_right_logical3A_1356 : vector<16xi32>
      %shift_right_logical3A_1358 = arith.constant 8 : i32
      %shift_right_logical3A_1359 = vector.broadcast %shift_right_logical3A_1358 : i32 to vector<16xi32>
      %shift_right_logical3A_1360 = arith.shrui %shift_right_logical3A_1357, %shift_right_logical3A_1359 : vector<16xi32>
      %add3A_1361 = arith.addi %shift_right_logical3A_1357, %shift_right_logical3A_1360 : vector<16xi32>
      tpu.vector_store_idx %arg7[%add3A_1305], %broadcast_in_dim3A_1 {add = true} : memref<4112xi32, #tpu.memory_space<vmem>>[vector<16xi32>], vector<16xi32>,
      tpu.vector_store_idx %arg7[%add3A_1313], %broadcast_in_dim3A_1 {add = true} : memref<4112xi32, #tpu.memory_space<vmem>>[vector<16xi32>], vector<16xi32>,
      tpu.vector_store_idx %arg7[%add3A_1321], %broadcast_in_dim3A_1 {add = true} : memref<4112xi32, #tpu.memory_space<vmem>>[vector<16xi32>], vector<16xi32>,
      tpu.vector_store_idx %arg7[%add3A_1329], %broadcast_in_dim3A_1 {add = true} : memref<4112xi32, #tpu.memory_space<vmem>>[vector<16xi32>], vector<16xi32>,
      tpu.vector_store_idx %arg7[%add3A_1337], %broadcast_in_dim3A_1 {add = true} : memref<4112xi32, #tpu.memory_space<vmem>>[vector<16xi32>], vector<16xi32>,
      tpu.vector_store_idx %arg7[%add3A_1345], %broadcast_in_dim3A_1 {add = true} : memref<4112xi32, #tpu.memory_space<vmem>>[vector<16xi32>], vector<16xi32>,
      tpu.vector_store_idx %arg7[%add3A_1353], %broadcast_in_dim3A_1 {add = true} : memref<4112xi32, #tpu.memory_space<vmem>>[vector<16xi32>], vector<16xi32>,
      tpu.vector_store_idx %arg7[%add3A_1361], %broadcast_in_dim3A_1 {add = true} : memref<4112xi32, #tpu.memory_space<vmem>>[vector<16xi32>], vector<16xi32>,
      %scan3A_1362 = arith.constant 0 : i32
      scf.yield %scan3A_1362 : i32
    }
    %scan3A_640 = arith.constant 256 : i32
    %le3A_641 = arith.constant 7 : i32
    %le3A_642 = vector.broadcast %le3A_641 : i32 to vector<16xi32>
    %le3A_643 = arith.cmpi sle, %iota3A, %le3A_642 : vector<16xi32>
    %neg3A_644 = arith.constant 0 : i32
    %neg3A_645 = vector.broadcast %neg3A_644 : i32 to vector<16xi32>
    %neg3A_646 = arith.subi %neg3A_645, %broadcast_in_dim3A_1 : vector<16xi32>
    %select_n3A_647 = arith.select %le3A_643, %neg3A_646, %broadcast_in_dim3A_1 : vector<16xi1>, vector<16xi32>
    %le3A_648 = arith.constant 7 : i32
    %le3A_649 = vector.broadcast %le3A_648 : i32 to vector<16xi32>
    %le3A_650 = arith.cmpi sle, %iota3A, %le3A_649 : vector<16xi32>
    %mul3A_651 = arith.constant 256 : i32
    %mul3A_652 = vector.broadcast %mul3A_651 : i32 to vector<16xi32>
    %mul3A_653 = arith.muli %iota3A, %mul3A_652 : vector<16xi32>
    %sub3A_654 = arith.constant 2047 : i32
    %sub3A_655 = vector.broadcast %sub3A_654 : i32 to vector<16xi32>
    %sub3A_656 = arith.subi %sub3A_655, %mul3A_653 : vector<16xi32>
    %mul3A_657 = arith.constant 256 : i32
    %mul3A_658 = vector.broadcast %mul3A_657 : i32 to vector<16xi32>
    %mul3A_659 = arith.muli %iota3A, %mul3A_658 : vector<16xi32>
    %select_n3A_660 = arith.select %le3A_650, %sub3A_656, %mul3A_659 : vector<16xi1>, vector<16xi32>
    %shift_right_logical3A_661 = arith.constant 8 : i32
    %shift_right_logical3A_662 = vector.broadcast %shift_right_logical3A_661 : i32 to vector<16xi32>
    %shift_right_logical3A_663 = arith.shrui %select_n3A_660, %shift_right_logical3A_662 : vector<16xi32>
    %add3A_664 = arith.addi %select_n3A_660, %shift_right_logical3A_663 : vector<16xi32>
    %scan3A_665 = arith.constant 0 : i32
    %scan3A_666 = arith.constant 32 : i32
    %scan3A_667 = arith.addi %scan3A_665, %scan3A_666 : i32
    %scan3A_668 = arith.constant 1 : i32
    %scan3A_669:2 = scf.for %scan3A_1233 = %scan3A_665 to %scan3A_667 step %scan3A_668 iter_args(%scan3A_1234 = %broadcast_in_dim3A_3, %scan3A_1235 = %add3A_664) -> (vector<16xi32>, vector<16xi32>)  : i32 {
      %gather3A = tpu.vector_load_idx %arg7[%scan3A_1235] : memref<4112xi32, #tpu.memory_space<vmem>>[vector<16xi32>], vector<16xi32>,
      %add3A_1236 = arith.addi %scan3A_1234, %gather3A : vector<16xi32>
      %add3A_1237 = arith.addi %scan3A_1235, %select_n3A_647 : vector<16xi32>
      %gather3A_1238 = tpu.vector_load_idx %arg7[%add3A_1237] : memref<4112xi32, #tpu.memory_space<vmem>>[vector<16xi32>], vector<16xi32>,
      %add3A_1239 = arith.addi %add3A_1236, %gather3A_1238 : vector<16xi32>
      %add3A_1240 = arith.addi %add3A_1237, %select_n3A_647 : vector<16xi32>
      %gather3A_1241 = tpu.vector_load_idx %arg7[%add3A_1240] : memref<4112xi32, #tpu.memory_space<vmem>>[vector<16xi32>], vector<16xi32>,
      %add3A_1242 = arith.addi %add3A_1239, %gather3A_1241 : vector<16xi32>
      %add3A_1243 = arith.addi %add3A_1240, %select_n3A_647 : vector<16xi32>
      %gather3A_1244 = tpu.vector_load_idx %arg7[%add3A_1243] : memref<4112xi32, #tpu.memory_space<vmem>>[vector<16xi32>], vector<16xi32>,
      %add3A_1245 = arith.addi %add3A_1242, %gather3A_1244 : vector<16xi32>
      %add3A_1246 = arith.addi %add3A_1243, %select_n3A_647 : vector<16xi32>
      %gather3A_1247 = tpu.vector_load_idx %arg7[%add3A_1246] : memref<4112xi32, #tpu.memory_space<vmem>>[vector<16xi32>], vector<16xi32>,
      %add3A_1248 = arith.addi %add3A_1245, %gather3A_1247 : vector<16xi32>
      %add3A_1249 = arith.addi %add3A_1246, %select_n3A_647 : vector<16xi32>
      %gather3A_1250 = tpu.vector_load_idx %arg7[%add3A_1249] : memref<4112xi32, #tpu.memory_space<vmem>>[vector<16xi32>], vector<16xi32>,
      %add3A_1251 = arith.addi %add3A_1248, %gather3A_1250 : vector<16xi32>
      %add3A_1252 = arith.addi %add3A_1249, %select_n3A_647 : vector<16xi32>
      %gather3A_1253 = tpu.vector_load_idx %arg7[%add3A_1252] : memref<4112xi32, #tpu.memory_space<vmem>>[vector<16xi32>], vector<16xi32>,
      %add3A_1254 = arith.addi %add3A_1251, %gather3A_1253 : vector<16xi32>
      %add3A_1255 = arith.addi %add3A_1252, %select_n3A_647 : vector<16xi32>
      %gather3A_1256 = tpu.vector_load_idx %arg7[%add3A_1255] : memref<4112xi32, #tpu.memory_space<vmem>>[vector<16xi32>], vector<16xi32>,
      %add3A_1257 = arith.addi %add3A_1254, %gather3A_1256 : vector<16xi32>
      %add3A_1258 = arith.addi %add3A_1255, %select_n3A_647 : vector<16xi32>
      scf.yield %add3A_1257, %add3A_1258 : vector<16xi32>, vector<16xi32>
    }
    %scan3A_670 = arith.constant 32 : i32
    %broadcast_in_dim3A_671 = arith.constant true
    %broadcast_in_dim3A_672 = vector.broadcast %broadcast_in_dim3A_671 : i1 to vector<16xi1>
    %masked_cumsum3A_673 = tpu.scan <sum>, %scan3A_669#0 masked %broadcast_in_dim3A_672 : vector<16xi32>, vector<16xi1> -> vector<16xi32>
    %sub3A_674 = arith.subi %masked_cumsum3A_673, %scan3A_669#0 : vector<16xi32>
    %scan3A_675 = arith.constant 0 : i32
    %scan3A_676 = arith.constant 64 : i32
    %scan3A_677 = arith.addi %scan3A_675, %scan3A_676 : i32
    %scan3A_678 = arith.constant 1 : i32
    %scan3A_679:4 = scf.for %scan3A_1233 = %scan3A_675 to %scan3A_677 step %scan3A_678 iter_args(%scan3A_1234 = %broadcast_in_dim3A_3, %scan3A_1235 = %broadcast_in_dim3A_3, %scan3A_1236 = %broadcast_in_dim3A_3, %scan3A_1237 = %add3A_664) -> (vector<16xi32>, vector<16xi32>, vector<16xi32>, vector<16xi32>)  : i32 {
      %gather3A = tpu.vector_load_idx %arg7[%scan3A_1237] : memref<4112xi32, #tpu.memory_space<vmem>>[vector<16xi32>], vector<16xi32>,
      tpu.vector_store_idx %arg7[%scan3A_1237], %broadcast_in_dim3A_3 : memref<4112xi32, #tpu.memory_space<vmem>>[vector<16xi32>], vector<16xi32>,
      %add3A_1238 = arith.addi %scan3A_1237, %select_n3A_647 : vector<16xi32>
      %add3A_1239 = arith.addi %scan3A_1234, %gather3A : vector<16xi32>
      %add3A_1240 = arith.addi %sub3A_674, %add3A_1239 : vector<16xi32>
      %le3A_1241 = arith.constant 3276 : i32
      %le3A_1242 = vector.broadcast %le3A_1241 : i32 to vector<16xi32>
      %le3A_1243 = arith.cmpi sle, %add3A_1240, %le3A_1242 : vector<16xi32>
      %select_n3A_1244 = arith.select %le3A_1243, %broadcast_in_dim3A_1, %broadcast_in_dim3A_3 : vector<16xi1>, vector<16xi32>
      %add3A_1245 = arith.addi %scan3A_1235, %select_n3A_1244 : vector<16xi32>
      %le3A_1246 = arith.constant 3277 : i32
      %le3A_1247 = vector.broadcast %le3A_1246 : i32 to vector<16xi32>
      %le3A_1248 = arith.cmpi sle, %add3A_1240, %le3A_1247 : vector<16xi32>
      %select_n3A_1249 = arith.select %le3A_1248, %broadcast_in_dim3A_1, %broadcast_in_dim3A_3 : vector<16xi1>, vector<16xi32>
      %add3A_1250 = arith.addi %scan3A_1236, %select_n3A_1249 : vector<16xi32>
      %gather3A_1251 = tpu.vector_load_idx %arg7[%add3A_1238] : memref<4112xi32, #tpu.memory_space<vmem>>[vector<16xi32>], vector<16xi32>,
      tpu.vector_store_idx %arg7[%add3A_1238], %broadcast_in_dim3A_3 : memref<4112xi32, #tpu.memory_space<vmem>>[vector<16xi32>], vector<16xi32>,
      %add3A_1252 = arith.addi %add3A_1238, %select_n3A_647 : vector<16xi32>
      %add3A_1253 = arith.addi %add3A_1239, %gather3A_1251 : vector<16xi32>
      %add3A_1254 = arith.addi %sub3A_674, %add3A_1253 : vector<16xi32>
      %le3A_1255 = arith.constant 3276 : i32
      %le3A_1256 = vector.broadcast %le3A_1255 : i32 to vector<16xi32>
      %le3A_1257 = arith.cmpi sle, %add3A_1254, %le3A_1256 : vector<16xi32>
      %select_n3A_1258 = arith.select %le3A_1257, %broadcast_in_dim3A_1, %broadcast_in_dim3A_3 : vector<16xi1>, vector<16xi32>
      %add3A_1259 = arith.addi %add3A_1245, %select_n3A_1258 : vector<16xi32>
      %le3A_1260 = arith.constant 3277 : i32
      %le3A_1261 = vector.broadcast %le3A_1260 : i32 to vector<16xi32>
      %le3A_1262 = arith.cmpi sle, %add3A_1254, %le3A_1261 : vector<16xi32>
      %select_n3A_1263 = arith.select %le3A_1262, %broadcast_in_dim3A_1, %broadcast_in_dim3A_3 : vector<16xi1>, vector<16xi32>
      %add3A_1264 = arith.addi %add3A_1250, %select_n3A_1263 : vector<16xi32>
      %gather3A_1265 = tpu.vector_load_idx %arg7[%add3A_1252] : memref<4112xi32, #tpu.memory_space<vmem>>[vector<16xi32>], vector<16xi32>,
      tpu.vector_store_idx %arg7[%add3A_1252], %broadcast_in_dim3A_3 : memref<4112xi32, #tpu.memory_space<vmem>>[vector<16xi32>], vector<16xi32>,
      %add3A_1266 = arith.addi %add3A_1252, %select_n3A_647 : vector<16xi32>
      %add3A_1267 = arith.addi %add3A_1253, %gather3A_1265 : vector<16xi32>
      %add3A_1268 = arith.addi %sub3A_674, %add3A_1267 : vector<16xi32>
      %le3A_1269 = arith.constant 3276 : i32
      %le3A_1270 = vector.broadcast %le3A_1269 : i32 to vector<16xi32>
      %le3A_1271 = arith.cmpi sle, %add3A_1268, %le3A_1270 : vector<16xi32>
      %select_n3A_1272 = arith.select %le3A_1271, %broadcast_in_dim3A_1, %broadcast_in_dim3A_3 : vector<16xi1>, vector<16xi32>
      %add3A_1273 = arith.addi %add3A_1259, %select_n3A_1272 : vector<16xi32>
      %le3A_1274 = arith.constant 3277 : i32
      %le3A_1275 = vector.broadcast %le3A_1274 : i32 to vector<16xi32>
      %le3A_1276 = arith.cmpi sle, %add3A_1268, %le3A_1275 : vector<16xi32>
      %select_n3A_1277 = arith.select %le3A_1276, %broadcast_in_dim3A_1, %broadcast_in_dim3A_3 : vector<16xi1>, vector<16xi32>
      %add3A_1278 = arith.addi %add3A_1264, %select_n3A_1277 : vector<16xi32>
      %gather3A_1279 = tpu.vector_load_idx %arg7[%add3A_1266] : memref<4112xi32, #tpu.memory_space<vmem>>[vector<16xi32>], vector<16xi32>,
      tpu.vector_store_idx %arg7[%add3A_1266], %broadcast_in_dim3A_3 : memref<4112xi32, #tpu.memory_space<vmem>>[vector<16xi32>], vector<16xi32>,
      %add3A_1280 = arith.addi %add3A_1266, %select_n3A_647 : vector<16xi32>
      %add3A_1281 = arith.addi %add3A_1267, %gather3A_1279 : vector<16xi32>
      %add3A_1282 = arith.addi %sub3A_674, %add3A_1281 : vector<16xi32>
      %le3A_1283 = arith.constant 3276 : i32
      %le3A_1284 = vector.broadcast %le3A_1283 : i32 to vector<16xi32>
      %le3A_1285 = arith.cmpi sle, %add3A_1282, %le3A_1284 : vector<16xi32>
      %select_n3A_1286 = arith.select %le3A_1285, %broadcast_in_dim3A_1, %broadcast_in_dim3A_3 : vector<16xi1>, vector<16xi32>
      %add3A_1287 = arith.addi %add3A_1273, %select_n3A_1286 : vector<16xi32>
      %le3A_1288 = arith.constant 3277 : i32
      %le3A_1289 = vector.broadcast %le3A_1288 : i32 to vector<16xi32>
      %le3A_1290 = arith.cmpi sle, %add3A_1282, %le3A_1289 : vector<16xi32>
      %select_n3A_1291 = arith.select %le3A_1290, %broadcast_in_dim3A_1, %broadcast_in_dim3A_3 : vector<16xi1>, vector<16xi32>
      %add3A_1292 = arith.addi %add3A_1278, %select_n3A_1291 : vector<16xi32>
      scf.yield %add3A_1281, %add3A_1287, %add3A_1292, %add3A_1280 : vector<16xi32>, vector<16xi32>, vector<16xi32>, vector<16xi32>
    }
    %scan3A_680 = arith.constant 64 : i32
    %reduce_sum3A_681 = arith.constant true
    %reduce_sum3A_682 = vector.broadcast %reduce_sum3A_681 : i1 to vector<16xi1>
    %reduce_sum3A_683 = tpu.scan <sum>, %scan3A_679#1 masked %reduce_sum3A_682 : vector<16xi32>, vector<16xi1> -> vector<16xi32>
    %reduce_sum3A_684 = vector.extract %reduce_sum3A_683[15] : i32 from vector<16xi32>
    %reduce_sum3A_685 = arith.constant true
    %reduce_sum3A_686 = vector.broadcast %reduce_sum3A_685 : i1 to vector<16xi1>
    %reduce_sum3A_687 = tpu.scan <sum>, %scan3A_679#2 masked %reduce_sum3A_686 : vector<16xi32>, vector<16xi1> -> vector<16xi32>
    %reduce_sum3A_688 = vector.extract %reduce_sum3A_687[15] : i32 from vector<16xi32>
    %le3A_689 = arith.constant 2047 : i32
    %le3A_690 = arith.cmpi sle, %reduce_sum3A_684, %le3A_689 : i32
    %sub3A_691 = arith.constant 2047 : i32
    %sub3A_692 = arith.subi %sub3A_691, %reduce_sum3A_684 : i32
    %select_n3A_693 = arith.select %le3A_690, %sub3A_692, %reduce_sum3A_684 : i32
    %le3A_694 = arith.constant 2047 : i32
    %le3A_695 = arith.cmpi sle, %reduce_sum3A_688, %le3A_694 : i32
    %sub3A_696 = arith.constant 2047 : i32
    %sub3A_697 = arith.subi %sub3A_696, %reduce_sum3A_688 : i32
    %select_n3A_698 = arith.select %le3A_695, %sub3A_697, %reduce_sum3A_688 : i32
    %le3A_699 = arith.constant 2047 : i32
    %le3A_700 = arith.cmpi sle, %reduce_sum3A_684, %le3A_699 : i32
    %shift_left3A_701 = arith.constant 20 : i32
    %shift_left3A_702 = arith.shli %select_n3A_693, %shift_left3A_701 : i32
    %or3A_703 = arith.constant 1048575 : i32
    %or3A_704 = arith.ori %shift_left3A_702, %or3A_703 : i32
    %shift_left3A_705 = arith.constant 20 : i32
    %shift_left3A_706 = arith.shli %select_n3A_693, %shift_left3A_705 : i32
    %select_n3A_707 = arith.select %le3A_700, %or3A_704, %shift_left3A_706 : i32
    %le3A_708 = arith.constant 2047 : i32
    %le3A_709 = arith.cmpi sle, %reduce_sum3A_688, %le3A_708 : i32
    %shift_left3A_710 = arith.constant 20 : i32
    %shift_left3A_711 = arith.shli %select_n3A_698, %shift_left3A_710 : i32
    %shift_left3A_712 = arith.constant 20 : i32
    %shift_left3A_713 = arith.shli %select_n3A_698, %shift_left3A_712 : i32
    %or3A_714 = arith.constant 1048575 : i32
    %or3A_715 = arith.ori %shift_left3A_713, %or3A_714 : i32
    %select_n3A_716 = arith.select %le3A_709, %shift_left3A_711, %or3A_715 : i32
    %bitcast_convert_type3A_717 = arith.bitcast %select_n3A_707 : i32 to f32
    %bitcast_convert_type3A_718 = arith.bitcast %select_n3A_716 : i32 to f32
    %bitcast_convert_type3A_719 = arith.bitcast %bitcast_convert_type3A_718 : f32 to i32
    %ge3A_720 = arith.constant -2147483648 : i32
    %ge3A_721 = arith.cmpi uge, %bitcast_convert_type3A_719, %ge3A_720 : i32
    %not3A_722 = arith.constant -1 : i32
    %not3A_723 = arith.xori %bitcast_convert_type3A_719, %not3A_722 : i32
    %or3A_724 = arith.constant -2147483648 : i32
    %or3A_725 = arith.ori %bitcast_convert_type3A_719, %or3A_724 : i32
    %select_n3A_726 = arith.select %ge3A_721, %not3A_723, %or3A_725 : i32
    %bitcast_convert_type3A_727 = arith.bitcast %bitcast_convert_type3A_717 : f32 to i32
    %ge3A_728 = arith.constant -2147483648 : i32
    %ge3A_729 = arith.cmpi uge, %bitcast_convert_type3A_727, %ge3A_728 : i32
    %not3A_730 = arith.constant -1 : i32
    %not3A_731 = arith.xori %bitcast_convert_type3A_727, %not3A_730 : i32
    %or3A_732 = arith.constant -2147483648 : i32
    %or3A_733 = arith.ori %bitcast_convert_type3A_727, %or3A_732 : i32
    %select_n3A_734 = arith.select %ge3A_729, %not3A_731, %or3A_733 : i32
    %scan3A_735 = arith.constant 0 : i32
    %scan3A_736 = arith.constant 0 : i32
    %scan3A_737 = arith.constant 256 : i32
    %scan3A_738 = arith.addi %scan3A_736, %scan3A_737 : i32
    %scan3A_739 = arith.constant 1 : i32
    %scan3A_740:3 = scf.for %scan3A_1233 = %scan3A_736 to %scan3A_738 step %scan3A_739 iter_args(%scan3A_1234 = %scan3A_735, %scan3A_1235 = %broadcast_in_dim3A_3, %scan3A_1236 = %broadcast_in_dim3A_5) -> (i32, vector<16xi32>, vector<16xf32>)  : i32 {
      %mul3A_1237 = arith.constant 8 : i32
      %mul3A_1238 = arith.muli %scan3A_1233, %mul3A_1237 : i32
      %add3A_1239 = arith.constant 0 : i32
      %add3A_1240 = arith.addi %mul3A_1238, %add3A_1239 : i32
      %mul3A_1241 = arith.constant 16 : i32
      %mul3A_1242 = arith.muli %add3A_1240, %mul3A_1241 : i32
      %get3A = arith.index_cast %mul3A_1242 : i32 to index
      %get3A_1243 = tpu.vector_load %arg4[%get3A] {strides = array<i32>} : memref<32768xf32, #tpu.memory_space<vmem>>, vector<16xf32>,
      %mul3A_1244 = arith.constant 8 : i32
      %mul3A_1245 = arith.muli %scan3A_1233, %mul3A_1244 : i32
      %add3A_1246 = arith.constant 1 : i32
      %add3A_1247 = arith.addi %mul3A_1245, %add3A_1246 : i32
      %mul3A_1248 = arith.constant 16 : i32
      %mul3A_1249 = arith.muli %add3A_1247, %mul3A_1248 : i32
      %get3A_1250 = arith.index_cast %mul3A_1249 : i32 to index
      %get3A_1251 = tpu.vector_load %arg4[%get3A_1250] {strides = array<i32>} : memref<32768xf32, #tpu.memory_space<vmem>>, vector<16xf32>,
      %mul3A_1252 = arith.constant 8 : i32
      %mul3A_1253 = arith.muli %scan3A_1233, %mul3A_1252 : i32
      %add3A_1254 = arith.constant 2 : i32
      %add3A_1255 = arith.addi %mul3A_1253, %add3A_1254 : i32
      %mul3A_1256 = arith.constant 16 : i32
      %mul3A_1257 = arith.muli %add3A_1255, %mul3A_1256 : i32
      %get3A_1258 = arith.index_cast %mul3A_1257 : i32 to index
      %get3A_1259 = tpu.vector_load %arg4[%get3A_1258] {strides = array<i32>} : memref<32768xf32, #tpu.memory_space<vmem>>, vector<16xf32>,
      %mul3A_1260 = arith.constant 8 : i32
      %mul3A_1261 = arith.muli %scan3A_1233, %mul3A_1260 : i32
      %add3A_1262 = arith.constant 3 : i32
      %add3A_1263 = arith.addi %mul3A_1261, %add3A_1262 : i32
      %mul3A_1264 = arith.constant 16 : i32
      %mul3A_1265 = arith.muli %add3A_1263, %mul3A_1264 : i32
      %get3A_1266 = arith.index_cast %mul3A_1265 : i32 to index
      %get3A_1267 = tpu.vector_load %arg4[%get3A_1266] {strides = array<i32>} : memref<32768xf32, #tpu.memory_space<vmem>>, vector<16xf32>,
      %mul3A_1268 = arith.constant 8 : i32
      %mul3A_1269 = arith.muli %scan3A_1233, %mul3A_1268 : i32
      %add3A_1270 = arith.constant 4 : i32
      %add3A_1271 = arith.addi %mul3A_1269, %add3A_1270 : i32
      %mul3A_1272 = arith.constant 16 : i32
      %mul3A_1273 = arith.muli %add3A_1271, %mul3A_1272 : i32
      %get3A_1274 = arith.index_cast %mul3A_1273 : i32 to index
      %get3A_1275 = tpu.vector_load %arg4[%get3A_1274] {strides = array<i32>} : memref<32768xf32, #tpu.memory_space<vmem>>, vector<16xf32>,
      %mul3A_1276 = arith.constant 8 : i32
      %mul3A_1277 = arith.muli %scan3A_1233, %mul3A_1276 : i32
      %add3A_1278 = arith.constant 5 : i32
      %add3A_1279 = arith.addi %mul3A_1277, %add3A_1278 : i32
      %mul3A_1280 = arith.constant 16 : i32
      %mul3A_1281 = arith.muli %add3A_1279, %mul3A_1280 : i32
      %get3A_1282 = arith.index_cast %mul3A_1281 : i32 to index
      %get3A_1283 = tpu.vector_load %arg4[%get3A_1282] {strides = array<i32>} : memref<32768xf32, #tpu.memory_space<vmem>>, vector<16xf32>,
      %mul3A_1284 = arith.constant 8 : i32
      %mul3A_1285 = arith.muli %scan3A_1233, %mul3A_1284 : i32
      %add3A_1286 = arith.constant 6 : i32
      %add3A_1287 = arith.addi %mul3A_1285, %add3A_1286 : i32
      %mul3A_1288 = arith.constant 16 : i32
      %mul3A_1289 = arith.muli %add3A_1287, %mul3A_1288 : i32
      %get3A_1290 = arith.index_cast %mul3A_1289 : i32 to index
      %get3A_1291 = tpu.vector_load %arg4[%get3A_1290] {strides = array<i32>} : memref<32768xf32, #tpu.memory_space<vmem>>, vector<16xf32>,
      %mul3A_1292 = arith.constant 8 : i32
      %mul3A_1293 = arith.muli %scan3A_1233, %mul3A_1292 : i32
      %add3A_1294 = arith.constant 7 : i32
      %add3A_1295 = arith.addi %mul3A_1293, %add3A_1294 : i32
      %mul3A_1296 = arith.constant 16 : i32
      %mul3A_1297 = arith.muli %add3A_1295, %mul3A_1296 : i32
      %get3A_1298 = arith.index_cast %mul3A_1297 : i32 to index
      %get3A_1299 = tpu.vector_load %arg4[%get3A_1298] {strides = array<i32>} : memref<32768xf32, #tpu.memory_space<vmem>>, vector<16xf32>,
      %gt3A = vector.broadcast %bitcast_convert_type3A_717 : f32 to vector<16xf32>
      %gt3A_1300 = arith.cmpf ogt, %get3A_1243, %gt3A : vector<16xf32>
      %gt3A_1301 = vector.broadcast %bitcast_convert_type3A_717 : f32 to vector<16xf32>
      %gt3A_1302 = arith.cmpf ogt, %get3A_1251, %gt3A_1301 : vector<16xf32>
      %gt3A_1303 = vector.broadcast %bitcast_convert_type3A_717 : f32 to vector<16xf32>
      %gt3A_1304 = arith.cmpf ogt, %get3A_1259, %gt3A_1303 : vector<16xf32>
      %gt3A_1305 = vector.broadcast %bitcast_convert_type3A_717 : f32 to vector<16xf32>
      %gt3A_1306 = arith.cmpf ogt, %get3A_1267, %gt3A_1305 : vector<16xf32>
      %gt3A_1307 = vector.broadcast %bitcast_convert_type3A_717 : f32 to vector<16xf32>
      %gt3A_1308 = arith.cmpf ogt, %get3A_1275, %gt3A_1307 : vector<16xf32>
      %gt3A_1309 = vector.broadcast %bitcast_convert_type3A_717 : f32 to vector<16xf32>
      %gt3A_1310 = arith.cmpf ogt, %get3A_1283, %gt3A_1309 : vector<16xf32>
      %gt3A_1311 = vector.broadcast %bitcast_convert_type3A_717 : f32 to vector<16xf32>
      %gt3A_1312 = arith.cmpf ogt, %get3A_1291, %gt3A_1311 : vector<16xf32>
      %gt3A_1313 = vector.broadcast %bitcast_convert_type3A_717 : f32 to vector<16xf32>
      %gt3A_1314 = arith.cmpf ogt, %get3A_1299, %gt3A_1313 : vector<16xf32>
      %ge3A_1315 = vector.broadcast %bitcast_convert_type3A_718 : f32 to vector<16xf32>
      %ge3A_1316 = arith.cmpf oge, %get3A_1243, %ge3A_1315 : vector<16xf32>
      %le3A_1317 = vector.broadcast %bitcast_convert_type3A_717 : f32 to vector<16xf32>
      %le3A_1318 = arith.cmpf ole, %get3A_1243, %le3A_1317 : vector<16xf32>
      %and3A_1319 = arith.andi %ge3A_1316, %le3A_1318 : vector<16xi1>
      %ge3A_1320 = vector.broadcast %bitcast_convert_type3A_718 : f32 to vector<16xf32>
      %ge3A_1321 = arith.cmpf oge, %get3A_1251, %ge3A_1320 : vector<16xf32>
      %le3A_1322 = vector.broadcast %bitcast_convert_type3A_717 : f32 to vector<16xf32>
      %le3A_1323 = arith.cmpf ole, %get3A_1251, %le3A_1322 : vector<16xf32>
      %and3A_1324 = arith.andi %ge3A_1321, %le3A_1323 : vector<16xi1>
      %ge3A_1325 = vector.broadcast %bitcast_convert_type3A_718 : f32 to vector<16xf32>
      %ge3A_1326 = arith.cmpf oge, %get3A_1259, %ge3A_1325 : vector<16xf32>
      %le3A_1327 = vector.broadcast %bitcast_convert_type3A_717 : f32 to vector<16xf32>
      %le3A_1328 = arith.cmpf ole, %get3A_1259, %le3A_1327 : vector<16xf32>
      %and3A_1329 = arith.andi %ge3A_1326, %le3A_1328 : vector<16xi1>
      %ge3A_1330 = vector.broadcast %bitcast_convert_type3A_718 : f32 to vector<16xf32>
      %ge3A_1331 = arith.cmpf oge, %get3A_1267, %ge3A_1330 : vector<16xf32>
      %le3A_1332 = vector.broadcast %bitcast_convert_type3A_717 : f32 to vector<16xf32>
      %le3A_1333 = arith.cmpf ole, %get3A_1267, %le3A_1332 : vector<16xf32>
      %and3A_1334 = arith.andi %ge3A_1331, %le3A_1333 : vector<16xi1>
      %ge3A_1335 = vector.broadcast %bitcast_convert_type3A_718 : f32 to vector<16xf32>
      %ge3A_1336 = arith.cmpf oge, %get3A_1275, %ge3A_1335 : vector<16xf32>
      %le3A_1337 = vector.broadcast %bitcast_convert_type3A_717 : f32 to vector<16xf32>
      %le3A_1338 = arith.cmpf ole, %get3A_1275, %le3A_1337 : vector<16xf32>
      %and3A_1339 = arith.andi %ge3A_1336, %le3A_1338 : vector<16xi1>
      %ge3A_1340 = vector.broadcast %bitcast_convert_type3A_718 : f32 to vector<16xf32>
      %ge3A_1341 = arith.cmpf oge, %get3A_1283, %ge3A_1340 : vector<16xf32>
      %le3A_1342 = vector.broadcast %bitcast_convert_type3A_717 : f32 to vector<16xf32>
      %le3A_1343 = arith.cmpf ole, %get3A_1283, %le3A_1342 : vector<16xf32>
      %and3A_1344 = arith.andi %ge3A_1341, %le3A_1343 : vector<16xi1>
      %ge3A_1345 = vector.broadcast %bitcast_convert_type3A_718 : f32 to vector<16xf32>
      %ge3A_1346 = arith.cmpf oge, %get3A_1291, %ge3A_1345 : vector<16xf32>
      %le3A_1347 = vector.broadcast %bitcast_convert_type3A_717 : f32 to vector<16xf32>
      %le3A_1348 = arith.cmpf ole, %get3A_1291, %le3A_1347 : vector<16xf32>
      %and3A_1349 = arith.andi %ge3A_1346, %le3A_1348 : vector<16xi1>
      %ge3A_1350 = vector.broadcast %bitcast_convert_type3A_718 : f32 to vector<16xf32>
      %ge3A_1351 = arith.cmpf oge, %get3A_1299, %ge3A_1350 : vector<16xf32>
      %le3A_1352 = vector.broadcast %bitcast_convert_type3A_717 : f32 to vector<16xf32>
      %le3A_1353 = arith.cmpf ole, %get3A_1299, %le3A_1352 : vector<16xf32>
      %and3A_1354 = arith.andi %ge3A_1351, %le3A_1353 : vector<16xi1>
      %all_reduce_population_count3A = tpu.all_reduce %and3A_1319 {dim = 0 : i64, kind = #tpu.reduction_kind<sum>} : vector<16xi1> -> vector<16xi32>
      %all_reduce_population_count3A_1355 = tpu.all_reduce %and3A_1324 {dim = 0 : i64, kind = #tpu.reduction_kind<sum>} : vector<16xi1> -> vector<16xi32>
      %all_reduce_population_count3A_1356 = tpu.all_reduce %and3A_1329 {dim = 0 : i64, kind = #tpu.reduction_kind<sum>} : vector<16xi1> -> vector<16xi32>
      %all_reduce_population_count3A_1357 = tpu.all_reduce %and3A_1334 {dim = 0 : i64, kind = #tpu.reduction_kind<sum>} : vector<16xi1> -> vector<16xi32>
      %all_reduce_population_count3A_1358 = tpu.all_reduce %and3A_1339 {dim = 0 : i64, kind = #tpu.reduction_kind<sum>} : vector<16xi1> -> vector<16xi32>
      %all_reduce_population_count3A_1359 = tpu.all_reduce %and3A_1344 {dim = 0 : i64, kind = #tpu.reduction_kind<sum>} : vector<16xi1> -> vector<16xi32>
      %all_reduce_population_count3A_1360 = tpu.all_reduce %and3A_1349 {dim = 0 : i64, kind = #tpu.reduction_kind<sum>} : vector<16xi1> -> vector<16xi32>
      %all_reduce_population_count3A_1361 = tpu.all_reduce %and3A_1354 {dim = 0 : i64, kind = #tpu.reduction_kind<sum>} : vector<16xi1> -> vector<16xi32>
      %all_reduce_population_count3A_1362 = tpu.all_reduce %gt3A_1300 {dim = 0 : i64, kind = #tpu.reduction_kind<sum>} : vector<16xi1> -> vector<16xi32>
      %add3A_1363 = arith.addi %scan3A_1235, %all_reduce_population_count3A_1362 : vector<16xi32>
      %select_n3A_1364 = arith.select %gt3A_1300, %get3A_1243, %broadcast_in_dim3A_5 : vector<16xi1>, vector<16xf32>
      %add3A_1365 = arith.addf %scan3A_1236, %select_n3A_1364 : vector<16xf32>
      %all_reduce_population_count3A_1366 = tpu.all_reduce %gt3A_1302 {dim = 0 : i64, kind = #tpu.reduction_kind<sum>} : vector<16xi1> -> vector<16xi32>
      %add3A_1367 = arith.addi %add3A_1363, %all_reduce_population_count3A_1366 : vector<16xi32>
      %select_n3A_1368 = arith.select %gt3A_1302, %get3A_1251, %broadcast_in_dim3A_5 : vector<16xi1>, vector<16xf32>
      %add3A_1369 = arith.addf %add3A_1365, %select_n3A_1368 : vector<16xf32>
      %all_reduce_population_count3A_1370 = tpu.all_reduce %gt3A_1304 {dim = 0 : i64, kind = #tpu.reduction_kind<sum>} : vector<16xi1> -> vector<16xi32>
      %add3A_1371 = arith.addi %add3A_1367, %all_reduce_population_count3A_1370 : vector<16xi32>
      %select_n3A_1372 = arith.select %gt3A_1304, %get3A_1259, %broadcast_in_dim3A_5 : vector<16xi1>, vector<16xf32>
      %add3A_1373 = arith.addf %add3A_1369, %select_n3A_1372 : vector<16xf32>
      %all_reduce_population_count3A_1374 = tpu.all_reduce %gt3A_1306 {dim = 0 : i64, kind = #tpu.reduction_kind<sum>} : vector<16xi1> -> vector<16xi32>
      %add3A_1375 = arith.addi %add3A_1371, %all_reduce_population_count3A_1374 : vector<16xi32>
      %select_n3A_1376 = arith.select %gt3A_1306, %get3A_1267, %broadcast_in_dim3A_5 : vector<16xi1>, vector<16xf32>
      %add3A_1377 = arith.addf %add3A_1373, %select_n3A_1376 : vector<16xf32>
      %all_reduce_population_count3A_1378 = tpu.all_reduce %gt3A_1308 {dim = 0 : i64, kind = #tpu.reduction_kind<sum>} : vector<16xi1> -> vector<16xi32>
      %add3A_1379 = arith.addi %add3A_1375, %all_reduce_population_count3A_1378 : vector<16xi32>
      %select_n3A_1380 = arith.select %gt3A_1308, %get3A_1275, %broadcast_in_dim3A_5 : vector<16xi1>, vector<16xf32>
      %add3A_1381 = arith.addf %add3A_1377, %select_n3A_1380 : vector<16xf32>
      %all_reduce_population_count3A_1382 = tpu.all_reduce %gt3A_1310 {dim = 0 : i64, kind = #tpu.reduction_kind<sum>} : vector<16xi1> -> vector<16xi32>
      %add3A_1383 = arith.addi %add3A_1379, %all_reduce_population_count3A_1382 : vector<16xi32>
      %select_n3A_1384 = arith.select %gt3A_1310, %get3A_1283, %broadcast_in_dim3A_5 : vector<16xi1>, vector<16xf32>
      %add3A_1385 = arith.addf %add3A_1381, %select_n3A_1384 : vector<16xf32>
      %all_reduce_population_count3A_1386 = tpu.all_reduce %gt3A_1312 {dim = 0 : i64, kind = #tpu.reduction_kind<sum>} : vector<16xi1> -> vector<16xi32>
      %add3A_1387 = arith.addi %add3A_1383, %all_reduce_population_count3A_1386 : vector<16xi32>
      %select_n3A_1388 = arith.select %gt3A_1312, %get3A_1291, %broadcast_in_dim3A_5 : vector<16xi1>, vector<16xf32>
      %add3A_1389 = arith.addf %add3A_1385, %select_n3A_1388 : vector<16xf32>
      %all_reduce_population_count3A_1390 = tpu.all_reduce %gt3A_1314 {dim = 0 : i64, kind = #tpu.reduction_kind<sum>} : vector<16xi1> -> vector<16xi32>
      %add3A_1391 = arith.addi %add3A_1387, %all_reduce_population_count3A_1390 : vector<16xi32>
      %select_n3A_1392 = arith.select %gt3A_1314, %get3A_1299, %broadcast_in_dim3A_5 : vector<16xi1>, vector<16xf32>
      %add3A_1393 = arith.addf %add3A_1389, %select_n3A_1392 : vector<16xf32>
      %slice3A_1394 = vector.extract_strided_slice %all_reduce_population_count3A {offsets = [0], sizes = [1], strides = [1]} : vector<16xi32> to vector<1xi32>
      %squeeze3A_1395 = vector.extract %slice3A_1394[0] : i32 from vector<1xi32>
      %add3A_1396 = arith.addi %scan3A_1234, %squeeze3A_1395 : i32
      %slice3A_1397 = vector.extract_strided_slice %all_reduce_population_count3A_1355 {offsets = [0], sizes = [1], strides = [1]} : vector<16xi32> to vector<1xi32>
      %squeeze3A_1398 = vector.extract %slice3A_1397[0] : i32 from vector<1xi32>
      %add3A_1399 = arith.addi %add3A_1396, %squeeze3A_1398 : i32
      %slice3A_1400 = vector.extract_strided_slice %all_reduce_population_count3A_1356 {offsets = [0], sizes = [1], strides = [1]} : vector<16xi32> to vector<1xi32>
      %squeeze3A_1401 = vector.extract %slice3A_1400[0] : i32 from vector<1xi32>
      %add3A_1402 = arith.addi %add3A_1399, %squeeze3A_1401 : i32
      %slice3A_1403 = vector.extract_strided_slice %all_reduce_population_count3A_1357 {offsets = [0], sizes = [1], strides = [1]} : vector<16xi32> to vector<1xi32>
      %squeeze3A_1404 = vector.extract %slice3A_1403[0] : i32 from vector<1xi32>
      %add3A_1405 = arith.addi %add3A_1402, %squeeze3A_1404 : i32
      %slice3A_1406 = vector.extract_strided_slice %all_reduce_population_count3A_1358 {offsets = [0], sizes = [1], strides = [1]} : vector<16xi32> to vector<1xi32>
      %squeeze3A_1407 = vector.extract %slice3A_1406[0] : i32 from vector<1xi32>
      %add3A_1408 = arith.addi %add3A_1405, %squeeze3A_1407 : i32
      %slice3A_1409 = vector.extract_strided_slice %all_reduce_population_count3A_1359 {offsets = [0], sizes = [1], strides = [1]} : vector<16xi32> to vector<1xi32>
      %squeeze3A_1410 = vector.extract %slice3A_1409[0] : i32 from vector<1xi32>
      %add3A_1411 = arith.addi %add3A_1408, %squeeze3A_1410 : i32
      %slice3A_1412 = vector.extract_strided_slice %all_reduce_population_count3A_1360 {offsets = [0], sizes = [1], strides = [1]} : vector<16xi32> to vector<1xi32>
      %squeeze3A_1413 = vector.extract %slice3A_1412[0] : i32 from vector<1xi32>
      %add3A_1414 = arith.addi %add3A_1411, %squeeze3A_1413 : i32
      %slice3A_1415 = vector.extract_strided_slice %all_reduce_population_count3A_1361 {offsets = [0], sizes = [1], strides = [1]} : vector<16xi32> to vector<1xi32>
      %squeeze3A_1416 = vector.extract %slice3A_1415[0] : i32 from vector<1xi32>
      %add3A_1417 = arith.addi %add3A_1414, %squeeze3A_1416 : i32
      %swap3A_1418 = arith.index_cast %scan3A_1234 : i32 to index
      %swap3A_1419 = tpu.vector_load %arg6[%swap3A_1418] masked %and3A_1319 {strides = array<i32>} : memref<32832xf32, #tpu.memory_space<vmem>>, vector<16xf32>, vector<16xi1>
      tpu.vector_store %arg6[%swap3A_1418], %get3A_1243 masked %and3A_1319 {strides = array<i32>} : memref<32832xf32, #tpu.memory_space<vmem>>, vector<16xf32>, vector<16xi1>
      %swap3A_1420 = arith.index_cast %add3A_1396 : i32 to index
      %swap3A_1421 = tpu.vector_load %arg6[%swap3A_1420] masked %and3A_1324 {strides = array<i32>} : memref<32832xf32, #tpu.memory_space<vmem>>, vector<16xf32>, vector<16xi1>
      tpu.vector_store %arg6[%swap3A_1420], %get3A_1251 masked %and3A_1324 {strides = array<i32>} : memref<32832xf32, #tpu.memory_space<vmem>>, vector<16xf32>, vector<16xi1>
      %swap3A_1422 = arith.index_cast %add3A_1399 : i32 to index
      %swap3A_1423 = tpu.vector_load %arg6[%swap3A_1422] masked %and3A_1329 {strides = array<i32>} : memref<32832xf32, #tpu.memory_space<vmem>>, vector<16xf32>, vector<16xi1>
      tpu.vector_store %arg6[%swap3A_1422], %get3A_1259 masked %and3A_1329 {strides = array<i32>} : memref<32832xf32, #tpu.memory_space<vmem>>, vector<16xf32>, vector<16xi1>
      %swap3A_1424 = arith.index_cast %add3A_1402 : i32 to index
      %swap3A_1425 = tpu.vector_load %arg6[%swap3A_1424] masked %and3A_1334 {strides = array<i32>} : memref<32832xf32, #tpu.memory_space<vmem>>, vector<16xf32>, vector<16xi1>
      tpu.vector_store %arg6[%swap3A_1424], %get3A_1267 masked %and3A_1334 {strides = array<i32>} : memref<32832xf32, #tpu.memory_space<vmem>>, vector<16xf32>, vector<16xi1>
      %swap3A_1426 = arith.index_cast %add3A_1405 : i32 to index
      %swap3A_1427 = tpu.vector_load %arg6[%swap3A_1426] masked %and3A_1339 {strides = array<i32>} : memref<32832xf32, #tpu.memory_space<vmem>>, vector<16xf32>, vector<16xi1>
      tpu.vector_store %arg6[%swap3A_1426], %get3A_1275 masked %and3A_1339 {strides = array<i32>} : memref<32832xf32, #tpu.memory_space<vmem>>, vector<16xf32>, vector<16xi1>
      %swap3A_1428 = arith.index_cast %add3A_1408 : i32 to index
      %swap3A_1429 = tpu.vector_load %arg6[%swap3A_1428] masked %and3A_1344 {strides = array<i32>} : memref<32832xf32, #tpu.memory_space<vmem>>, vector<16xf32>, vector<16xi1>
      tpu.vector_store %arg6[%swap3A_1428], %get3A_1283 masked %and3A_1344 {strides = array<i32>} : memref<32832xf32, #tpu.memory_space<vmem>>, vector<16xf32>, vector<16xi1>
      %swap3A_1430 = arith.index_cast %add3A_1411 : i32 to index
      %swap3A_1431 = tpu.vector_load %arg6[%swap3A_1430] masked %and3A_1349 {strides = array<i32>} : memref<32832xf32, #tpu.memory_space<vmem>>, vector<16xf32>, vector<16xi1>
      tpu.vector_store %arg6[%swap3A_1430], %get3A_1291 masked %and3A_1349 {strides = array<i32>} : memref<32832xf32, #tpu.memory_space<vmem>>, vector<16xf32>, vector<16xi1>
      %swap3A_1432 = arith.index_cast %add3A_1414 : i32 to index
      %swap3A_1433 = tpu.vector_load %arg6[%swap3A_1432] masked %and3A_1354 {strides = array<i32>} : memref<32832xf32, #tpu.memory_space<vmem>>, vector<16xf32>, vector<16xi1>
      tpu.vector_store %arg6[%swap3A_1432], %get3A_1299 masked %and3A_1354 {strides = array<i32>} : memref<32832xf32, #tpu.memory_space<vmem>>, vector<16xf32>, vector<16xi1>
      scf.yield %add3A_1417, %add3A_1391, %add3A_1393 : i32, vector<16xi32>, vector<16xf32>
    }
    %scan3A_741 = arith.constant 256 : i32
    %slice3A_742 = vector.extract_strided_slice %scan3A_740#1 {offsets = [0], sizes = [1], strides = [1]} : vector<16xi32> to vector<1xi32>
    %squeeze3A_743 = vector.extract %slice3A_742[0] : i32 from vector<1xi32>
    %reduce_sum3A_744 = arith.constant true
    %reduce_sum3A_745 = vector.broadcast %reduce_sum3A_744 : i1 to vector<16xi1>
    %reduce_sum3A_746 = tpu.scan <sum>, %scan3A_740#2 masked %reduce_sum3A_745 : vector<16xf32>, vector<16xi1> -> vector<16xf32>
    %reduce_sum3A_747 = vector.extract %reduce_sum3A_746[15] : f32 from vector<16xf32>
    %broadcast_in_dim3A_748 = arith.constant 0xFF800000 : f32
    %broadcast_in_dim3A_749 = vector.broadcast %broadcast_in_dim3A_748 : f32 to vector<16xf32>
    %add3A_750 = arith.constant 0 : i32
    %add3A_751 = arith.addi %scan3A_740#0, %add3A_750 : i32
    %swap3A_752 = arith.index_cast %add3A_751 : i32 to index
    %swap3A_753 = tpu.vector_load %arg6[%swap3A_752] {strides = array<i32>} : memref<32832xf32, #tpu.memory_space<vmem>>, vector<16xf32>,
    tpu.vector_store %arg6[%swap3A_752], %broadcast_in_dim3A_749 {strides = array<i32>} : memref<32832xf32, #tpu.memory_space<vmem>>, vector<16xf32>,
    %broadcast_in_dim3A_754 = arith.constant 0xFF800000 : f32
    %broadcast_in_dim3A_755 = vector.broadcast %broadcast_in_dim3A_754 : f32 to vector<16xf32>
    %add3A_756 = arith.constant 16 : i32
    %add3A_757 = arith.addi %scan3A_740#0, %add3A_756 : i32
    %swap3A_758 = arith.index_cast %add3A_757 : i32 to index
    %swap3A_759 = tpu.vector_load %arg6[%swap3A_758] {strides = array<i32>} : memref<32832xf32, #tpu.memory_space<vmem>>, vector<16xf32>,
    tpu.vector_store %arg6[%swap3A_758], %broadcast_in_dim3A_755 {strides = array<i32>} : memref<32832xf32, #tpu.memory_space<vmem>>, vector<16xf32>,
    %broadcast_in_dim3A_760 = arith.constant 0xFF800000 : f32
    %broadcast_in_dim3A_761 = vector.broadcast %broadcast_in_dim3A_760 : f32 to vector<16xf32>
    %add3A_762 = arith.constant 32 : i32
    %add3A_763 = arith.addi %scan3A_740#0, %add3A_762 : i32
    %swap3A_764 = arith.index_cast %add3A_763 : i32 to index
    %swap3A_765 = tpu.vector_load %arg6[%swap3A_764] {strides = array<i32>} : memref<32832xf32, #tpu.memory_space<vmem>>, vector<16xf32>,
    tpu.vector_store %arg6[%swap3A_764], %broadcast_in_dim3A_761 {strides = array<i32>} : memref<32832xf32, #tpu.memory_space<vmem>>, vector<16xf32>,
    %broadcast_in_dim3A_766 = arith.constant 0xFF800000 : f32
    %broadcast_in_dim3A_767 = vector.broadcast %broadcast_in_dim3A_766 : f32 to vector<16xf32>
    %add3A_768 = arith.constant 48 : i32
    %add3A_769 = arith.addi %scan3A_740#0, %add3A_768 : i32
    %swap3A_770 = arith.index_cast %add3A_769 : i32 to index
    %swap3A_771 = tpu.vector_load %arg6[%swap3A_770] {strides = array<i32>} : memref<32832xf32, #tpu.memory_space<vmem>>, vector<16xf32>,
    tpu.vector_store %arg6[%swap3A_770], %broadcast_in_dim3A_767 {strides = array<i32>} : memref<32832xf32, #tpu.memory_space<vmem>>, vector<16xf32>,
    %add3A_772 = arith.constant 15 : i32
    %add3A_773 = arith.addi %scan3A_740#0, %add3A_772 : i32
    %jit3A_774 = arith.constant 16 : i32
    %div3A_775 = arith.divsi %add3A_773, %jit3A_774 : i32
    %sign3A_776 = arith.constant 0 : i32
    %sign3A_777 = arith.cmpi sgt, %add3A_773, %sign3A_776 : i32
    %sign3A_778 = arith.extui %sign3A_777 : i1 to i32
    %sign3A_779 = arith.constant 0 : i32
    %sign3A_780 = arith.cmpi slt, %add3A_773, %sign3A_779 : i32
    %sign3A_781 = arith.extui %sign3A_780 : i1 to i32
    %sign3A_782 = arith.subi %sign3A_778, %sign3A_781 : i32
    %sign3A_783 = arith.constant 0 : i32
    %sign3A_784 = arith.cmpi sgt, %jit3A_774, %sign3A_783 : i32
    %sign3A_785 = arith.extui %sign3A_784 : i1 to i32
    %sign3A_786 = arith.constant 0 : i32
    %sign3A_787 = arith.cmpi slt, %jit3A_774, %sign3A_786 : i32
    %sign3A_788 = arith.extui %sign3A_787 : i1 to i32
    %sign3A_789 = arith.subi %sign3A_785, %sign3A_788 : i32
    %ne3A_790 = arith.cmpi ne, %sign3A_782, %sign3A_789 : i32
    %rem3A_791 = arith.remsi %add3A_773, %jit3A_774 : i32
    %ne3A_792 = arith.constant 0 : i32
    %ne3A_793 = arith.cmpi ne, %rem3A_791, %ne3A_792 : i32
    %and3A_794 = arith.andi %ne3A_790, %ne3A_793 : i1
    %sub3A_795 = arith.constant 1 : i32
    %sub3A_796 = arith.subi %div3A_775, %sub3A_795 : i32
    %select_n3A_797 = arith.select %and3A_794, %sub3A_796, %div3A_775 : i32
    %add3A_798 = arith.constant 63 : i32
    %add3A_799 = arith.addi %scan3A_740#0, %add3A_798 : i32
    %jit3A_800 = arith.constant 64 : i32
    %div3A_801 = arith.divsi %add3A_799, %jit3A_800 : i32
    %sign3A_802 = arith.constant 0 : i32
    %sign3A_803 = arith.cmpi sgt, %add3A_799, %sign3A_802 : i32
    %sign3A_804 = arith.extui %sign3A_803 : i1 to i32
    %sign3A_805 = arith.constant 0 : i32
    %sign3A_806 = arith.cmpi slt, %add3A_799, %sign3A_805 : i32
    %sign3A_807 = arith.extui %sign3A_806 : i1 to i32
    %sign3A_808 = arith.subi %sign3A_804, %sign3A_807 : i32
    %sign3A_809 = arith.constant 0 : i32
    %sign3A_810 = arith.cmpi sgt, %jit3A_800, %sign3A_809 : i32
    %sign3A_811 = arith.extui %sign3A_810 : i1 to i32
    %sign3A_812 = arith.constant 0 : i32
    %sign3A_813 = arith.cmpi slt, %jit3A_800, %sign3A_812 : i32
    %sign3A_814 = arith.extui %sign3A_813 : i1 to i32
    %sign3A_815 = arith.subi %sign3A_811, %sign3A_814 : i32
    %ne3A_816 = arith.cmpi ne, %sign3A_808, %sign3A_815 : i32
    %rem3A_817 = arith.remsi %add3A_799, %jit3A_800 : i32
    %ne3A_818 = arith.constant 0 : i32
    %ne3A_819 = arith.cmpi ne, %rem3A_817, %ne3A_818 : i32
    %and3A_820 = arith.andi %ne3A_816, %ne3A_819 : i1
    %sub3A_821 = arith.constant 1 : i32
    %sub3A_822 = arith.subi %div3A_801, %sub3A_821 : i32
    %select_n3A_823 = arith.select %and3A_820, %sub3A_822, %div3A_801 : i32
    %sub3A_824 = arith.constant 3277 : i32
    %sub3A_825 = arith.subi %sub3A_824, %squeeze3A_743 : i32
    %add3A_826 = vector.broadcast %sub3A_825 : i32 to vector<16xi32>
    %add3A_827 = arith.addi %broadcast_in_dim3A_3, %add3A_826 : vector<16xi32>
    %sub3A_828 = arith.subi %select_n3A_734, %select_n3A_726 : i32
    %convert_element_type3A_829 = arith.uitofp %sub3A_828 : i32 to f32
    %bitcast_convert_type3A_830 = arith.bitcast %convert_element_type3A_829 : f32 to i32
    %shift_right_logical3A_831 = arith.constant 23 : i32
    %shift_right_logical3A_832 = arith.shrui %bitcast_convert_type3A_830, %shift_right_logical3A_831 : i32
    %and3A_833 = arith.constant 255 : i32
    %and3A_834 = arith.andi %shift_right_logical3A_832, %and3A_833 : i32
    %sub3A_835 = arith.constant 126 : i32
    %sub3A_836 = arith.subi %and3A_834, %sub3A_835 : i32
    %broadcast_in_dim3A_837 = arith.constant 0 : i32
    %broadcast_in_dim3A_838 = vector.broadcast %broadcast_in_dim3A_837 : i32 to vector<16xi32>
    %add3A_839 = vector.broadcast %select_n3A_726 : i32 to vector<16xi32>
    %add3A_840 = arith.addi %broadcast_in_dim3A_838, %add3A_839 : vector<16xi32>
    %broadcast_in_dim3A_841 = arith.constant 0 : i32
    %broadcast_in_dim3A_842 = vector.broadcast %broadcast_in_dim3A_841 : i32 to vector<16xi32>
    %add3A_843 = vector.broadcast %select_n3A_734 : i32 to vector<16xi32>
    %add3A_844 = arith.addi %broadcast_in_dim3A_842, %add3A_843 : vector<16xi32>
    %while3A_845 = arith.constant 0 : i32
    %while3A_846 = arith.subi %sub3A_836, %while3A_845 : i32
    %while3A_847 = arith.addi %while3A_845, %while3A_846 : i32
    %while3A_848 = arith.constant 1 : i32
    %while3A_849 = arith.divsi %while3A_846, %while3A_848 : i32
    %while3A_850 = arith.muli %while3A_849, %while3A_848 : i32
    %while3A_851 = arith.addi %while3A_845, %while3A_850 : i32
    %while3A_852 = arith.constant 1 : i32
    %while3A_853:2 = scf.for %while3A_1233 = %while3A_845 to %while3A_851 step %while3A_852 iter_args(%while3A_1234 = %add3A_840, %while3A_1235 = %add3A_844) -> (vector<16xi32>, vector<16xi32>)  : i32 {
      %sub3A_1236 = arith.subi %while3A_1235, %while3A_1234 : vector<16xi32>
      %shift_right_logical3A_1237 = arith.constant 1 : i32
      %shift_right_logical3A_1238 = vector.broadcast %shift_right_logical3A_1237 : i32 to vector<16xi32>
      %shift_right_logical3A_1239 = arith.shrui %sub3A_1236, %shift_right_logical3A_1238 : vector<16xi32>
      %add3A_1240 = arith.addi %while3A_1234, %shift_right_logical3A_1239 : vector<16xi32>
      %ge3A_1241 = arith.constant -2147483648 : i32
      %ge3A_1242 = vector.broadcast %ge3A_1241 : i32 to vector<16xi32>
      %ge3A_1243 = arith.cmpi uge, %add3A_1240, %ge3A_1242 : vector<16xi32>
      %and3A_1244 = arith.constant 2147483647 : i32
      %and3A_1245 = vector.broadcast %and3A_1244 : i32 to vector<16xi32>
      %and3A_1246 = arith.andi %add3A_1240, %and3A_1245 : vector<16xi32>
      %not3A_1247 = arith.constant dense<-1> : vector<16xi32>
      %not3A_1248 = arith.xori %add3A_1240, %not3A_1247 : vector<16xi32>
      %select_n3A_1249 = arith.select %ge3A_1243, %and3A_1246, %not3A_1248 : vector<16xi1>, vector<16xi32>
      %bitcast_convert_type3A_1250 = tpu.bitcast %select_n3A_1249 : vector<16xi32> -> vector<16xf32>
      %while3A_1251 = arith.constant 0 : i32
      %while3A_1252 = arith.subi %select_n3A_823, %while3A_1251 : i32
      %while3A_1253 = arith.addi %while3A_1251, %while3A_1252 : i32
      %while3A_1254 = arith.constant 1 : i32
      %while3A_1255 = arith.divsi %while3A_1252, %while3A_1254 : i32
      %while3A_1256 = arith.muli %while3A_1255, %while3A_1254 : i32
      %while3A_1257 = arith.addi %while3A_1251, %while3A_1256 : i32
      %while3A_1258 = arith.constant 1 : i32
      %while3A_1259 = scf.for %while3A_1268 = %while3A_1251 to %while3A_1257 step %while3A_1258 iter_args(%while3A_1269 = %broadcast_in_dim3A_3) -> (vector<16xi32>)  : i32 {
        %mul3A_1270 = arith.constant 4 : i32
        %mul3A_1271 = arith.muli %while3A_1268, %mul3A_1270 : i32
        %add3A_1272 = arith.constant 0 : i32
        %add3A_1273 = arith.addi %mul3A_1271, %add3A_1272 : i32
        %mul3A_1274 = arith.constant 16 : i32
        %mul3A_1275 = arith.muli %add3A_1273, %mul3A_1274 : i32
        %get3A = arith.index_cast %mul3A_1275 : i32 to index
        %get3A_1276 = tpu.vector_load %arg6[%get3A] {strides = array<i32>} : memref<32832xf32, #tpu.memory_space<vmem>>, vector<16xf32>,
        %mul3A_1277 = arith.constant 4 : i32
        %mul3A_1278 = arith.muli %while3A_1268, %mul3A_1277 : i32
        %add3A_1279 = arith.constant 1 : i32
        %add3A_1280 = arith.addi %mul3A_1278, %add3A_1279 : i32
        %mul3A_1281 = arith.constant 16 : i32
        %mul3A_1282 = arith.muli %add3A_1280, %mul3A_1281 : i32
        %get3A_1283 = arith.index_cast %mul3A_1282 : i32 to index
        %get3A_1284 = tpu.vector_load %arg6[%get3A_1283] {strides = array<i32>} : memref<32832xf32, #tpu.memory_space<vmem>>, vector<16xf32>,
        %mul3A_1285 = arith.constant 4 : i32
        %mul3A_1286 = arith.muli %while3A_1268, %mul3A_1285 : i32
        %add3A_1287 = arith.constant 2 : i32
        %add3A_1288 = arith.addi %mul3A_1286, %add3A_1287 : i32
        %mul3A_1289 = arith.constant 16 : i32
        %mul3A_1290 = arith.muli %add3A_1288, %mul3A_1289 : i32
        %get3A_1291 = arith.index_cast %mul3A_1290 : i32 to index
        %get3A_1292 = tpu.vector_load %arg6[%get3A_1291] {strides = array<i32>} : memref<32832xf32, #tpu.memory_space<vmem>>, vector<16xf32>,
        %mul3A_1293 = arith.constant 4 : i32
        %mul3A_1294 = arith.muli %while3A_1268, %mul3A_1293 : i32
        %add3A_1295 = arith.constant 3 : i32
        %add3A_1296 = arith.addi %mul3A_1294, %add3A_1295 : i32
        %mul3A_1297 = arith.constant 16 : i32
        %mul3A_1298 = arith.muli %add3A_1296, %mul3A_1297 : i32
        %get3A_1299 = arith.index_cast %mul3A_1298 : i32 to index
        %get3A_1300 = tpu.vector_load %arg6[%get3A_1299] {strides = array<i32>} : memref<32832xf32, #tpu.memory_space<vmem>>, vector<16xf32>,
        %gt3A = arith.cmpf ogt, %get3A_1276, %bitcast_convert_type3A_1250 : vector<16xf32>
        %gt3A_1301 = arith.cmpf ogt, %get3A_1284, %bitcast_convert_type3A_1250 : vector<16xf32>
        %gt3A_1302 = arith.cmpf ogt, %get3A_1292, %bitcast_convert_type3A_1250 : vector<16xf32>
        %gt3A_1303 = arith.cmpf ogt, %get3A_1300, %bitcast_convert_type3A_1250 : vector<16xf32>
        %all_reduce_population_count3A = tpu.all_reduce %gt3A {dim = 0 : i64, kind = #tpu.reduction_kind<sum>} : vector<16xi1> -> vector<16xi32>
        %add3A_1304 = arith.addi %while3A_1269, %all_reduce_population_count3A : vector<16xi32>
        %all_reduce_population_count3A_1305 = tpu.all_reduce %gt3A_1301 {dim = 0 : i64, kind = #tpu.reduction_kind<sum>} : vector<16xi1> -> vector<16xi32>
        %add3A_1306 = arith.addi %add3A_1304, %all_reduce_population_count3A_1305 : vector<16xi32>
        %all_reduce_population_count3A_1307 = tpu.all_reduce %gt3A_1302 {dim = 0 : i64, kind = #tpu.reduction_kind<sum>} : vector<16xi1> -> vector<16xi32>
        %add3A_1308 = arith.addi %add3A_1306, %all_reduce_population_count3A_1307 : vector<16xi32>
        %all_reduce_population_count3A_1309 = tpu.all_reduce %gt3A_1303 {dim = 0 : i64, kind = #tpu.reduction_kind<sum>} : vector<16xi1> -> vector<16xi32>
        %add3A_1310 = arith.addi %add3A_1308, %all_reduce_population_count3A_1309 : vector<16xi32>
        scf.yield %add3A_1310 : vector<16xi32>
      }
      %while3A_1260 = arith.constant 1 : i32
      %while3A_1261 = scf.for %while3A_1268 = %while3A_1257 to %while3A_1253 step %while3A_1260 iter_args(%while3A_1269 = %while3A_1259) -> (vector<16xi32>)  : i32 {
        %mul3A_1270 = arith.constant 4 : i32
        %mul3A_1271 = arith.muli %while3A_1268, %mul3A_1270 : i32
        %add3A_1272 = arith.constant 0 : i32
        %add3A_1273 = arith.addi %mul3A_1271, %add3A_1272 : i32
        %mul3A_1274 = arith.constant 16 : i32
        %mul3A_1275 = arith.muli %add3A_1273, %mul3A_1274 : i32
        %get3A = arith.index_cast %mul3A_1275 : i32 to index
        %get3A_1276 = tpu.vector_load %arg6[%get3A] {strides = array<i32>} : memref<32832xf32, #tpu.memory_space<vmem>>, vector<16xf32>,
        %mul3A_1277 = arith.constant 4 : i32
        %mul3A_1278 = arith.muli %while3A_1268, %mul3A_1277 : i32
        %add3A_1279 = arith.constant 1 : i32
        %add3A_1280 = arith.addi %mul3A_1278, %add3A_1279 : i32
        %mul3A_1281 = arith.constant 16 : i32
        %mul3A_1282 = arith.muli %add3A_1280, %mul3A_1281 : i32
        %get3A_1283 = arith.index_cast %mul3A_1282 : i32 to index
        %get3A_1284 = tpu.vector_load %arg6[%get3A_1283] {strides = array<i32>} : memref<32832xf32, #tpu.memory_space<vmem>>, vector<16xf32>,
        %mul3A_1285 = arith.constant 4 : i32
        %mul3A_1286 = arith.muli %while3A_1268, %mul3A_1285 : i32
        %add3A_1287 = arith.constant 2 : i32
        %add3A_1288 = arith.addi %mul3A_1286, %add3A_1287 : i32
        %mul3A_1289 = arith.constant 16 : i32
        %mul3A_1290 = arith.muli %add3A_1288, %mul3A_1289 : i32
        %get3A_1291 = arith.index_cast %mul3A_1290 : i32 to index
        %get3A_1292 = tpu.vector_load %arg6[%get3A_1291] {strides = array<i32>} : memref<32832xf32, #tpu.memory_space<vmem>>, vector<16xf32>,
        %mul3A_1293 = arith.constant 4 : i32
        %mul3A_1294 = arith.muli %while3A_1268, %mul3A_1293 : i32
        %add3A_1295 = arith.constant 3 : i32
        %add3A_1296 = arith.addi %mul3A_1294, %add3A_1295 : i32
        %mul3A_1297 = arith.constant 16 : i32
        %mul3A_1298 = arith.muli %add3A_1296, %mul3A_1297 : i32
        %get3A_1299 = arith.index_cast %mul3A_1298 : i32 to index
        %get3A_1300 = tpu.vector_load %arg6[%get3A_1299] {strides = array<i32>} : memref<32832xf32, #tpu.memory_space<vmem>>, vector<16xf32>,
        %gt3A = arith.cmpf ogt, %get3A_1276, %bitcast_convert_type3A_1250 : vector<16xf32>
        %gt3A_1301 = arith.cmpf ogt, %get3A_1284, %bitcast_convert_type3A_1250 : vector<16xf32>
        %gt3A_1302 = arith.cmpf ogt, %get3A_1292, %bitcast_convert_type3A_1250 : vector<16xf32>
        %gt3A_1303 = arith.cmpf ogt, %get3A_1300, %bitcast_convert_type3A_1250 : vector<16xf32>
        %all_reduce_population_count3A = tpu.all_reduce %gt3A {dim = 0 : i64, kind = #tpu.reduction_kind<sum>} : vector<16xi1> -> vector<16xi32>
        %add3A_1304 = arith.addi %while3A_1269, %all_reduce_population_count3A : vector<16xi32>
        %all_reduce_population_count3A_1305 = tpu.all_reduce %gt3A_1301 {dim = 0 : i64, kind = #tpu.reduction_kind<sum>} : vector<16xi1> -> vector<16xi32>
        %add3A_1306 = arith.addi %add3A_1304, %all_reduce_population_count3A_1305 : vector<16xi32>
        %all_reduce_population_count3A_1307 = tpu.all_reduce %gt3A_1302 {dim = 0 : i64, kind = #tpu.reduction_kind<sum>} : vector<16xi1> -> vector<16xi32>
        %add3A_1308 = arith.addi %add3A_1306, %all_reduce_population_count3A_1307 : vector<16xi32>
        %all_reduce_population_count3A_1309 = tpu.all_reduce %gt3A_1303 {dim = 0 : i64, kind = #tpu.reduction_kind<sum>} : vector<16xi1> -> vector<16xi32>
        %add3A_1310 = arith.addi %add3A_1308, %all_reduce_population_count3A_1309 : vector<16xi32>
        scf.yield %add3A_1310 : vector<16xi32>
      }
      %le3A_1262 = arith.cmpi sle, %while3A_1261, %add3A_827 : vector<16xi32>
      %add3A_1263 = arith.constant 1 : i32
      %add3A_1264 = vector.broadcast %add3A_1263 : i32 to vector<16xi32>
      %add3A_1265 = arith.addi %add3A_1240, %add3A_1264 : vector<16xi32>
      %select_n3A_1266 = arith.select %le3A_1262, %while3A_1234, %add3A_1265 : vector<16xi1>, vector<16xi32>
      %select_n3A_1267 = arith.select %le3A_1262, %add3A_1240, %while3A_1235 : vector<16xi1>, vector<16xi32>
      scf.yield %select_n3A_1266, %select_n3A_1267 : vector<16xi32>, vector<16xi32>
    }
    %while3A_854 = arith.constant 1 : i32
    %while3A_855:2 = scf.for %while3A_1233 = %while3A_851 to %while3A_847 step %while3A_854 iter_args(%while3A_1234 = %while3A_853#0, %while3A_1235 = %while3A_853#1) -> (vector<16xi32>, vector<16xi32>)  : i32 {
      %sub3A_1236 = arith.subi %while3A_1235, %while3A_1234 : vector<16xi32>
      %shift_right_logical3A_1237 = arith.constant 1 : i32
      %shift_right_logical3A_1238 = vector.broadcast %shift_right_logical3A_1237 : i32 to vector<16xi32>
      %shift_right_logical3A_1239 = arith.shrui %sub3A_1236, %shift_right_logical3A_1238 : vector<16xi32>
      %add3A_1240 = arith.addi %while3A_1234, %shift_right_logical3A_1239 : vector<16xi32>
      %ge3A_1241 = arith.constant -2147483648 : i32
      %ge3A_1242 = vector.broadcast %ge3A_1241 : i32 to vector<16xi32>
      %ge3A_1243 = arith.cmpi uge, %add3A_1240, %ge3A_1242 : vector<16xi32>
      %and3A_1244 = arith.constant 2147483647 : i32
      %and3A_1245 = vector.broadcast %and3A_1244 : i32 to vector<16xi32>
      %and3A_1246 = arith.andi %add3A_1240, %and3A_1245 : vector<16xi32>
      %not3A_1247 = arith.constant dense<-1> : vector<16xi32>
      %not3A_1248 = arith.xori %add3A_1240, %not3A_1247 : vector<16xi32>
      %select_n3A_1249 = arith.select %ge3A_1243, %and3A_1246, %not3A_1248 : vector<16xi1>, vector<16xi32>
      %bitcast_convert_type3A_1250 = tpu.bitcast %select_n3A_1249 : vector<16xi32> -> vector<16xf32>
      %while3A_1251 = arith.constant 0 : i32
      %while3A_1252 = arith.subi %select_n3A_823, %while3A_1251 : i32
      %while3A_1253 = arith.addi %while3A_1251, %while3A_1252 : i32
      %while3A_1254 = arith.constant 1 : i32
      %while3A_1255 = arith.divsi %while3A_1252, %while3A_1254 : i32
      %while3A_1256 = arith.muli %while3A_1255, %while3A_1254 : i32
      %while3A_1257 = arith.addi %while3A_1251, %while3A_1256 : i32
      %while3A_1258 = arith.constant 1 : i32
      %while3A_1259 = scf.for %while3A_1268 = %while3A_1251 to %while3A_1257 step %while3A_1258 iter_args(%while3A_1269 = %broadcast_in_dim3A_3) -> (vector<16xi32>)  : i32 {
        %mul3A_1270 = arith.constant 4 : i32
        %mul3A_1271 = arith.muli %while3A_1268, %mul3A_1270 : i32
        %add3A_1272 = arith.constant 0 : i32
        %add3A_1273 = arith.addi %mul3A_1271, %add3A_1272 : i32
        %mul3A_1274 = arith.constant 16 : i32
        %mul3A_1275 = arith.muli %add3A_1273, %mul3A_1274 : i32
        %get3A = arith.index_cast %mul3A_1275 : i32 to index
        %get3A_1276 = tpu.vector_load %arg6[%get3A] {strides = array<i32>} : memref<32832xf32, #tpu.memory_space<vmem>>, vector<16xf32>,
        %mul3A_1277 = arith.constant 4 : i32
        %mul3A_1278 = arith.muli %while3A_1268, %mul3A_1277 : i32
        %add3A_1279 = arith.constant 1 : i32
        %add3A_1280 = arith.addi %mul3A_1278, %add3A_1279 : i32
        %mul3A_1281 = arith.constant 16 : i32
        %mul3A_1282 = arith.muli %add3A_1280, %mul3A_1281 : i32
        %get3A_1283 = arith.index_cast %mul3A_1282 : i32 to index
        %get3A_1284 = tpu.vector_load %arg6[%get3A_1283] {strides = array<i32>} : memref<32832xf32, #tpu.memory_space<vmem>>, vector<16xf32>,
        %mul3A_1285 = arith.constant 4 : i32
        %mul3A_1286 = arith.muli %while3A_1268, %mul3A_1285 : i32
        %add3A_1287 = arith.constant 2 : i32
        %add3A_1288 = arith.addi %mul3A_1286, %add3A_1287 : i32
        %mul3A_1289 = arith.constant 16 : i32
        %mul3A_1290 = arith.muli %add3A_1288, %mul3A_1289 : i32
        %get3A_1291 = arith.index_cast %mul3A_1290 : i32 to index
        %get3A_1292 = tpu.vector_load %arg6[%get3A_1291] {strides = array<i32>} : memref<32832xf32, #tpu.memory_space<vmem>>, vector<16xf32>,
        %mul3A_1293 = arith.constant 4 : i32
        %mul3A_1294 = arith.muli %while3A_1268, %mul3A_1293 : i32
        %add3A_1295 = arith.constant 3 : i32
        %add3A_1296 = arith.addi %mul3A_1294, %add3A_1295 : i32
        %mul3A_1297 = arith.constant 16 : i32
        %mul3A_1298 = arith.muli %add3A_1296, %mul3A_1297 : i32
        %get3A_1299 = arith.index_cast %mul3A_1298 : i32 to index
        %get3A_1300 = tpu.vector_load %arg6[%get3A_1299] {strides = array<i32>} : memref<32832xf32, #tpu.memory_space<vmem>>, vector<16xf32>,
        %gt3A = arith.cmpf ogt, %get3A_1276, %bitcast_convert_type3A_1250 : vector<16xf32>
        %gt3A_1301 = arith.cmpf ogt, %get3A_1284, %bitcast_convert_type3A_1250 : vector<16xf32>
        %gt3A_1302 = arith.cmpf ogt, %get3A_1292, %bitcast_convert_type3A_1250 : vector<16xf32>
        %gt3A_1303 = arith.cmpf ogt, %get3A_1300, %bitcast_convert_type3A_1250 : vector<16xf32>
        %all_reduce_population_count3A = tpu.all_reduce %gt3A {dim = 0 : i64, kind = #tpu.reduction_kind<sum>} : vector<16xi1> -> vector<16xi32>
        %add3A_1304 = arith.addi %while3A_1269, %all_reduce_population_count3A : vector<16xi32>
        %all_reduce_population_count3A_1305 = tpu.all_reduce %gt3A_1301 {dim = 0 : i64, kind = #tpu.reduction_kind<sum>} : vector<16xi1> -> vector<16xi32>
        %add3A_1306 = arith.addi %add3A_1304, %all_reduce_population_count3A_1305 : vector<16xi32>
        %all_reduce_population_count3A_1307 = tpu.all_reduce %gt3A_1302 {dim = 0 : i64, kind = #tpu.reduction_kind<sum>} : vector<16xi1> -> vector<16xi32>
        %add3A_1308 = arith.addi %add3A_1306, %all_reduce_population_count3A_1307 : vector<16xi32>
        %all_reduce_population_count3A_1309 = tpu.all_reduce %gt3A_1303 {dim = 0 : i64, kind = #tpu.reduction_kind<sum>} : vector<16xi1> -> vector<16xi32>
        %add3A_1310 = arith.addi %add3A_1308, %all_reduce_population_count3A_1309 : vector<16xi32>
        scf.yield %add3A_1310 : vector<16xi32>
      }
      %while3A_1260 = arith.constant 1 : i32
      %while3A_1261 = scf.for %while3A_1268 = %while3A_1257 to %while3A_1253 step %while3A_1260 iter_args(%while3A_1269 = %while3A_1259) -> (vector<16xi32>)  : i32 {
        %mul3A_1270 = arith.constant 4 : i32
        %mul3A_1271 = arith.muli %while3A_1268, %mul3A_1270 : i32
        %add3A_1272 = arith.constant 0 : i32
        %add3A_1273 = arith.addi %mul3A_1271, %add3A_1272 : i32
        %mul3A_1274 = arith.constant 16 : i32
        %mul3A_1275 = arith.muli %add3A_1273, %mul3A_1274 : i32
        %get3A = arith.index_cast %mul3A_1275 : i32 to index
        %get3A_1276 = tpu.vector_load %arg6[%get3A] {strides = array<i32>} : memref<32832xf32, #tpu.memory_space<vmem>>, vector<16xf32>,
        %mul3A_1277 = arith.constant 4 : i32
        %mul3A_1278 = arith.muli %while3A_1268, %mul3A_1277 : i32
        %add3A_1279 = arith.constant 1 : i32
        %add3A_1280 = arith.addi %mul3A_1278, %add3A_1279 : i32
        %mul3A_1281 = arith.constant 16 : i32
        %mul3A_1282 = arith.muli %add3A_1280, %mul3A_1281 : i32
        %get3A_1283 = arith.index_cast %mul3A_1282 : i32 to index
        %get3A_1284 = tpu.vector_load %arg6[%get3A_1283] {strides = array<i32>} : memref<32832xf32, #tpu.memory_space<vmem>>, vector<16xf32>,
        %mul3A_1285 = arith.constant 4 : i32
        %mul3A_1286 = arith.muli %while3A_1268, %mul3A_1285 : i32
        %add3A_1287 = arith.constant 2 : i32
        %add3A_1288 = arith.addi %mul3A_1286, %add3A_1287 : i32
        %mul3A_1289 = arith.constant 16 : i32
        %mul3A_1290 = arith.muli %add3A_1288, %mul3A_1289 : i32
        %get3A_1291 = arith.index_cast %mul3A_1290 : i32 to index
        %get3A_1292 = tpu.vector_load %arg6[%get3A_1291] {strides = array<i32>} : memref<32832xf32, #tpu.memory_space<vmem>>, vector<16xf32>,
        %mul3A_1293 = arith.constant 4 : i32
        %mul3A_1294 = arith.muli %while3A_1268, %mul3A_1293 : i32
        %add3A_1295 = arith.constant 3 : i32
        %add3A_1296 = arith.addi %mul3A_1294, %add3A_1295 : i32
        %mul3A_1297 = arith.constant 16 : i32
        %mul3A_1298 = arith.muli %add3A_1296, %mul3A_1297 : i32
        %get3A_1299 = arith.index_cast %mul3A_1298 : i32 to index
        %get3A_1300 = tpu.vector_load %arg6[%get3A_1299] {strides = array<i32>} : memref<32832xf32, #tpu.memory_space<vmem>>, vector<16xf32>,
        %gt3A = arith.cmpf ogt, %get3A_1276, %bitcast_convert_type3A_1250 : vector<16xf32>
        %gt3A_1301 = arith.cmpf ogt, %get3A_1284, %bitcast_convert_type3A_1250 : vector<16xf32>
        %gt3A_1302 = arith.cmpf ogt, %get3A_1292, %bitcast_convert_type3A_1250 : vector<16xf32>
        %gt3A_1303 = arith.cmpf ogt, %get3A_1300, %bitcast_convert_type3A_1250 : vector<16xf32>
        %all_reduce_population_count3A = tpu.all_reduce %gt3A {dim = 0 : i64, kind = #tpu.reduction_kind<sum>} : vector<16xi1> -> vector<16xi32>
        %add3A_1304 = arith.addi %while3A_1269, %all_reduce_population_count3A : vector<16xi32>
        %all_reduce_population_count3A_1305 = tpu.all_reduce %gt3A_1301 {dim = 0 : i64, kind = #tpu.reduction_kind<sum>} : vector<16xi1> -> vector<16xi32>
        %add3A_1306 = arith.addi %add3A_1304, %all_reduce_population_count3A_1305 : vector<16xi32>
        %all_reduce_population_count3A_1307 = tpu.all_reduce %gt3A_1302 {dim = 0 : i64, kind = #tpu.reduction_kind<sum>} : vector<16xi1> -> vector<16xi32>
        %add3A_1308 = arith.addi %add3A_1306, %all_reduce_population_count3A_1307 : vector<16xi32>
        %all_reduce_population_count3A_1309 = tpu.all_reduce %gt3A_1303 {dim = 0 : i64, kind = #tpu.reduction_kind<sum>} : vector<16xi1> -> vector<16xi32>
        %add3A_1310 = arith.addi %add3A_1308, %all_reduce_population_count3A_1309 : vector<16xi32>
        scf.yield %add3A_1310 : vector<16xi32>
      }
      %le3A_1262 = arith.cmpi sle, %while3A_1261, %add3A_827 : vector<16xi32>
      %add3A_1263 = arith.constant 1 : i32
      %add3A_1264 = vector.broadcast %add3A_1263 : i32 to vector<16xi32>
      %add3A_1265 = arith.addi %add3A_1240, %add3A_1264 : vector<16xi32>
      %select_n3A_1266 = arith.select %le3A_1262, %while3A_1234, %add3A_1265 : vector<16xi1>, vector<16xi32>
      %select_n3A_1267 = arith.select %le3A_1262, %add3A_1240, %while3A_1235 : vector<16xi1>, vector<16xi32>
      scf.yield %select_n3A_1266, %select_n3A_1267 : vector<16xi32>, vector<16xi32>
    }
    %ge3A_856 = arith.constant -2147483648 : i32
    %ge3A_857 = vector.broadcast %ge3A_856 : i32 to vector<16xi32>
    %ge3A_858 = arith.cmpi uge, %while3A_855#0, %ge3A_857 : vector<16xi32>
    %and3A_859 = arith.constant 2147483647 : i32
    %and3A_860 = vector.broadcast %and3A_859 : i32 to vector<16xi32>
    %and3A_861 = arith.andi %while3A_855#0, %and3A_860 : vector<16xi32>
    %not3A_862 = arith.constant dense<-1> : vector<16xi32>
    %not3A_863 = arith.xori %while3A_855#0, %not3A_862 : vector<16xi32>
    %select_n3A_864 = arith.select %ge3A_858, %and3A_861, %not3A_863 : vector<16xi1>, vector<16xi32>
    %bitcast_convert_type3A_865 = tpu.bitcast %select_n3A_864 : vector<16xi32> -> vector<16xf32>
    %broadcast_in_dim3A_866 = arith.constant 0x7F800000 : f32
    %broadcast_in_dim3A_867 = vector.broadcast %broadcast_in_dim3A_866 : f32 to vector<16xf32>
    %while3A_868 = arith.constant 0 : i32
    %while3A_869 = arith.subi %select_n3A_797, %while3A_868 : i32
    %while3A_870 = arith.addi %while3A_868, %while3A_869 : i32
    %while3A_871 = arith.constant 1 : i32
    %while3A_872 = arith.divsi %while3A_869, %while3A_871 : i32
    %while3A_873 = arith.muli %while3A_872, %while3A_871 : i32
    %while3A_874 = arith.addi %while3A_868, %while3A_873 : i32
    %while3A_875 = arith.constant 1 : i32
    %while3A_876:2 = scf.for %while3A_1233 = %while3A_868 to %while3A_874 step %while3A_875 iter_args(%while3A_1234 = %broadcast_in_dim3A_3, %while3A_1235 = %broadcast_in_dim3A_867) -> (vector<16xi32>, vector<16xf32>)  : i32 {
      %mul3A_1236 = arith.constant 16 : i32
      %mul3A_1237 = arith.muli %while3A_1233, %mul3A_1236 : i32
      %get3A = arith.index_cast %mul3A_1237 : i32 to index
      %get3A_1238 = tpu.vector_load %arg6[%get3A] {strides = array<i32>} : memref<32832xf32, #tpu.memory_space<vmem>>, vector<16xf32>,
      %gt3A = arith.cmpf ogt, %get3A_1238, %bitcast_convert_type3A_865 : vector<16xf32>
      %all_reduce_population_count3A = tpu.all_reduce %gt3A {dim = 0 : i64, kind = #tpu.reduction_kind<sum>} : vector<16xi1> -> vector<16xi32>
      %add3A_1239 = arith.addi %while3A_1234, %all_reduce_population_count3A : vector<16xi32>
      %jit3A_1240 = arith.constant 0x7F800000 : f32
      %broadcast_in_dim3A_1241 = vector.broadcast %jit3A_1240 : f32 to vector<16xf32>
      %select_n3A_1242 = arith.select %gt3A, %get3A_1238, %broadcast_in_dim3A_1241 : vector<16xi1>, vector<16xf32>
      %min3A = arith.minimumf %while3A_1235, %select_n3A_1242 : vector<16xf32>
      scf.yield %add3A_1239, %min3A : vector<16xi32>, vector<16xf32>
    }
    %while3A_877 = arith.constant 1 : i32
    %while3A_878:2 = scf.for %while3A_1233 = %while3A_874 to %while3A_870 step %while3A_877 iter_args(%while3A_1234 = %while3A_876#0, %while3A_1235 = %while3A_876#1) -> (vector<16xi32>, vector<16xf32>)  : i32 {
      %mul3A_1236 = arith.constant 16 : i32
      %mul3A_1237 = arith.muli %while3A_1233, %mul3A_1236 : i32
      %get3A = arith.index_cast %mul3A_1237 : i32 to index
      %get3A_1238 = tpu.vector_load %arg6[%get3A] {strides = array<i32>} : memref<32832xf32, #tpu.memory_space<vmem>>, vector<16xf32>,
      %gt3A = arith.cmpf ogt, %get3A_1238, %bitcast_convert_type3A_865 : vector<16xf32>
      %all_reduce_population_count3A = tpu.all_reduce %gt3A {dim = 0 : i64, kind = #tpu.reduction_kind<sum>} : vector<16xi1> -> vector<16xi32>
      %add3A_1239 = arith.addi %while3A_1234, %all_reduce_population_count3A : vector<16xi32>
      %jit3A_1240 = arith.constant 0x7F800000 : f32
      %broadcast_in_dim3A_1241 = vector.broadcast %jit3A_1240 : f32 to vector<16xf32>
      %select_n3A_1242 = arith.select %gt3A, %get3A_1238, %broadcast_in_dim3A_1241 : vector<16xi1>, vector<16xf32>
      %min3A = arith.minimumf %while3A_1235, %select_n3A_1242 : vector<16xf32>
      scf.yield %add3A_1239, %min3A : vector<16xi32>, vector<16xf32>
    }
    %slice3A_879 = vector.extract_strided_slice %while3A_878#0 {offsets = [0], sizes = [1], strides = [1]} : vector<16xi32> to vector<1xi32>
    %squeeze3A_880 = vector.extract %slice3A_879[0] : i32 from vector<1xi32>
    %add3A_881 = arith.addi %squeeze3A_743, %squeeze3A_880 : i32
    %ge3A_882 = arith.constant 3277 : i32
    %ge3A_883 = arith.cmpi sge, %add3A_881, %ge3A_882 : i32
    %reduce_min3A_884 = arith.constant true
    %reduce_min3A_885 = vector.broadcast %reduce_min3A_884 : i1 to vector<16xi1>
    %reduce_min3A_886 = tpu.scan <min>, %while3A_878#1 masked %reduce_min3A_885 : vector<16xf32>, vector<16xi1> -> vector<16xf32>
    %reduce_min3A_887 = vector.extract %reduce_min3A_886[15] : f32 from vector<16xf32>
    %broadcast_in_dim3A_888 = vector.broadcast %reduce_min3A_887 : f32 to vector<16xf32>
    %select_n3A_889 = arith.select %ge3A_883, %broadcast_in_dim3A_888, %bitcast_convert_type3A_865 : vector<16xf32>
    %mul3A_890 = arith.constant 0.701171875 : f32
    %mul3A_891 = vector.broadcast %mul3A_890 : f32 to vector<16xf32>
    %mul3A_892 = arith.mulf %bitcast_convert_type3A_865, %mul3A_891 : vector<16xf32>
    %mul3A_893 = arith.constant 0.298828125 : f32
    %mul3A_894 = vector.broadcast %mul3A_893 : f32 to vector<16xf32>
    %mul3A_895 = arith.mulf %select_n3A_889, %mul3A_894 : vector<16xf32>
    %add3A_896 = arith.addf %mul3A_892, %mul3A_895 : vector<16xf32>
    %while3A_897 = arith.constant 0 : i32
    %while3A_898 = arith.subi %select_n3A_797, %while3A_897 : i32
    %while3A_899 = arith.addi %while3A_897, %while3A_898 : i32
    %while3A_900 = arith.constant 1 : i32
    %while3A_901 = arith.divsi %while3A_898, %while3A_900 : i32
    %while3A_902 = arith.muli %while3A_901, %while3A_900 : i32
    %while3A_903 = arith.addi %while3A_897, %while3A_902 : i32
    %while3A_904 = arith.constant 1 : i32
    %while3A_905:2 = scf.for %while3A_1233 = %while3A_897 to %while3A_903 step %while3A_904 iter_args(%while3A_1234 = %broadcast_in_dim3A_3, %while3A_1235 = %broadcast_in_dim3A_5) -> (vector<16xi32>, vector<16xf32>)  : i32 {
      %mul3A_1236 = arith.constant 16 : i32
      %mul3A_1237 = arith.muli %while3A_1233, %mul3A_1236 : i32
      %get3A = arith.index_cast %mul3A_1237 : i32 to index
      %get3A_1238 = tpu.vector_load %arg6[%get3A] {strides = array<i32>} : memref<32832xf32, #tpu.memory_space<vmem>>, vector<16xf32>,
      %gt3A = arith.cmpf ogt, %get3A_1238, %add3A_896 : vector<16xf32>
      %all_reduce_population_count3A = tpu.all_reduce %gt3A {dim = 0 : i64, kind = #tpu.reduction_kind<sum>} : vector<16xi1> -> vector<16xi32>
      %add3A_1239 = arith.addi %while3A_1234, %all_reduce_population_count3A : vector<16xi32>
      %select_n3A_1240 = arith.select %gt3A, %get3A_1238, %broadcast_in_dim3A_5 : vector<16xi1>, vector<16xf32>
      %add3A_1241 = arith.addf %while3A_1235, %select_n3A_1240 : vector<16xf32>
      scf.yield %add3A_1239, %add3A_1241 : vector<16xi32>, vector<16xf32>
    }
    %while3A_906 = arith.constant 1 : i32
    %while3A_907:2 = scf.for %while3A_1233 = %while3A_903 to %while3A_899 step %while3A_906 iter_args(%while3A_1234 = %while3A_905#0, %while3A_1235 = %while3A_905#1) -> (vector<16xi32>, vector<16xf32>)  : i32 {
      %mul3A_1236 = arith.constant 16 : i32
      %mul3A_1237 = arith.muli %while3A_1233, %mul3A_1236 : i32
      %get3A = arith.index_cast %mul3A_1237 : i32 to index
      %get3A_1238 = tpu.vector_load %arg6[%get3A] {strides = array<i32>} : memref<32832xf32, #tpu.memory_space<vmem>>, vector<16xf32>,
      %gt3A = arith.cmpf ogt, %get3A_1238, %add3A_896 : vector<16xf32>
      %all_reduce_population_count3A = tpu.all_reduce %gt3A {dim = 0 : i64, kind = #tpu.reduction_kind<sum>} : vector<16xi1> -> vector<16xi32>
      %add3A_1239 = arith.addi %while3A_1234, %all_reduce_population_count3A : vector<16xi32>
      %select_n3A_1240 = arith.select %gt3A, %get3A_1238, %broadcast_in_dim3A_5 : vector<16xi1>, vector<16xf32>
      %add3A_1241 = arith.addf %while3A_1235, %select_n3A_1240 : vector<16xf32>
      scf.yield %add3A_1239, %add3A_1241 : vector<16xi32>, vector<16xf32>
    }
    %slice3A_908 = vector.extract_strided_slice %while3A_907#0 {offsets = [0], sizes = [1], strides = [1]} : vector<16xi32> to vector<1xi32>
    %squeeze3A_909 = vector.extract %slice3A_908[0] : i32 from vector<1xi32>
    %add3A_910 = arith.addi %squeeze3A_743, %squeeze3A_909 : i32
    %max3A_911 = arith.constant 1 : i32
    %max3A_912 = arith.maxsi %add3A_910, %max3A_911 : i32
    %convert_element_type3A_913 = arith.sitofp %max3A_912 : i32 to f32
    %reduce_sum3A_914 = arith.constant true
    %reduce_sum3A_915 = vector.broadcast %reduce_sum3A_914 : i1 to vector<16xi1>
    %reduce_sum3A_916 = tpu.scan <sum>, %while3A_907#1 masked %reduce_sum3A_915 : vector<16xf32>, vector<16xi1> -> vector<16xf32>
    %reduce_sum3A_917 = vector.extract %reduce_sum3A_916[15] : f32 from vector<16xf32>
    %add3A_918 = arith.addf %reduce_sum3A_747, %reduce_sum3A_917 : f32
    %eq3A_919 = arith.constant 2 : i32
    %eq3A_920 = vector.broadcast %eq3A_919 : i32 to vector<16xi32>
    %eq3A_921 = arith.cmpi eq, %iota3A, %eq3A_920 : vector<16xi32>
    %broadcast_in_dim3A_922 = vector.broadcast %add3A_918 : f32 to vector<16xf32>
    %select_n3A_923 = arith.select %eq3A_921, %broadcast_in_dim3A_922, %select_n3A_612 : vector<16xi1>, vector<16xf32>
    %eq3A_924 = arith.constant 2 : i32
    %eq3A_925 = vector.broadcast %eq3A_924 : i32 to vector<16xi32>
    %eq3A_926 = arith.cmpi eq, %iota3A, %eq3A_925 : vector<16xi32>
    %broadcast_in_dim3A_927 = vector.broadcast %convert_element_type3A_913 : f32 to vector<16xf32>
    %select_n3A_928 = arith.select %eq3A_926, %broadcast_in_dim3A_927, %select_n3A_617 : vector<16xi1>, vector<16xf32>
    %dma_wait3A_929 = arith.constant 0 : i32
    %dma_wait3A_930 = tpu.memref_slice %arg2[%add3A_627, %dma_wait3A_929] : memref<128x32768xf32, #tpu.memory_space<hbm>> -> memref<1x32768xf32, #tpu.memory_space<hbm>>
    %dma_wait3A_931 = tpu.memref_squeeze %dma_wait3A_930 : memref<1x32768xf32, #tpu.memory_space<hbm>> -> memref<32768xf32, #tpu.memory_space<hbm>>
    %dma_wait3A_932 = arith.constant 0 : i32
    %dma_wait3A_933 = tpu.memref_slice %arg2[%add3A_627, %dma_wait3A_932] : memref<128x32768xf32, #tpu.memory_space<hbm>> -> memref<1x32768xf32, #tpu.memory_space<hbm>>
    %dma_wait3A_934 = tpu.memref_squeeze %dma_wait3A_933 : memref<1x32768xf32, #tpu.memory_space<hbm>> -> memref<32768xf32, #tpu.memory_space<hbm>>
    tpu.wait_dma2 semaphore(%arg10 : memref<!tpu.dma_semaphore, #tpu.memory_space<semaphore_mem>>) src(%dma_wait3A_934 : memref<32768xf32, #tpu.memory_space<hbm>>) dst(%arg5 : memref<32768xf32, #tpu.memory_space<vmem>>)
    %scan3A_935 = arith.constant 0 : i32
    %scan3A_936 = arith.constant 0 : i32
    %scan3A_937 = arith.constant 256 : i32
    %scan3A_938 = arith.addi %scan3A_936, %scan3A_937 : i32
    %scan3A_939 = arith.constant 1 : i32
    %scan3A_940 = scf.for %scan3A_1233 = %scan3A_936 to %scan3A_938 step %scan3A_939 iter_args(%scan3A_1234 = %scan3A_935) -> (i32)  : i32 {
      %mul3A_1235 = arith.constant 8 : i32
      %mul3A_1236 = arith.muli %scan3A_1233, %mul3A_1235 : i32
      %add3A_1237 = arith.constant 0 : i32
      %add3A_1238 = arith.addi %mul3A_1236, %add3A_1237 : i32
      %mul3A_1239 = arith.constant 16 : i32
      %mul3A_1240 = arith.muli %add3A_1238, %mul3A_1239 : i32
      %get3A = arith.index_cast %mul3A_1240 : i32 to index
      %get3A_1241 = tpu.vector_load %arg5[%get3A] {strides = array<i32>} : memref<32768xf32, #tpu.memory_space<vmem>>, vector<16xf32>,
      %mul3A_1242 = arith.constant 8 : i32
      %mul3A_1243 = arith.muli %scan3A_1233, %mul3A_1242 : i32
      %add3A_1244 = arith.constant 1 : i32
      %add3A_1245 = arith.addi %mul3A_1243, %add3A_1244 : i32
      %mul3A_1246 = arith.constant 16 : i32
      %mul3A_1247 = arith.muli %add3A_1245, %mul3A_1246 : i32
      %get3A_1248 = arith.index_cast %mul3A_1247 : i32 to index
      %get3A_1249 = tpu.vector_load %arg5[%get3A_1248] {strides = array<i32>} : memref<32768xf32, #tpu.memory_space<vmem>>, vector<16xf32>,
      %mul3A_1250 = arith.constant 8 : i32
      %mul3A_1251 = arith.muli %scan3A_1233, %mul3A_1250 : i32
      %add3A_1252 = arith.constant 2 : i32
      %add3A_1253 = arith.addi %mul3A_1251, %add3A_1252 : i32
      %mul3A_1254 = arith.constant 16 : i32
      %mul3A_1255 = arith.muli %add3A_1253, %mul3A_1254 : i32
      %get3A_1256 = arith.index_cast %mul3A_1255 : i32 to index
      %get3A_1257 = tpu.vector_load %arg5[%get3A_1256] {strides = array<i32>} : memref<32768xf32, #tpu.memory_space<vmem>>, vector<16xf32>,
      %mul3A_1258 = arith.constant 8 : i32
      %mul3A_1259 = arith.muli %scan3A_1233, %mul3A_1258 : i32
      %add3A_1260 = arith.constant 3 : i32
      %add3A_1261 = arith.addi %mul3A_1259, %add3A_1260 : i32
      %mul3A_1262 = arith.constant 16 : i32
      %mul3A_1263 = arith.muli %add3A_1261, %mul3A_1262 : i32
      %get3A_1264 = arith.index_cast %mul3A_1263 : i32 to index
      %get3A_1265 = tpu.vector_load %arg5[%get3A_1264] {strides = array<i32>} : memref<32768xf32, #tpu.memory_space<vmem>>, vector<16xf32>,
      %mul3A_1266 = arith.constant 8 : i32
      %mul3A_1267 = arith.muli %scan3A_1233, %mul3A_1266 : i32
      %add3A_1268 = arith.constant 4 : i32
      %add3A_1269 = arith.addi %mul3A_1267, %add3A_1268 : i32
      %mul3A_1270 = arith.constant 16 : i32
      %mul3A_1271 = arith.muli %add3A_1269, %mul3A_1270 : i32
      %get3A_1272 = arith.index_cast %mul3A_1271 : i32 to index
      %get3A_1273 = tpu.vector_load %arg5[%get3A_1272] {strides = array<i32>} : memref<32768xf32, #tpu.memory_space<vmem>>, vector<16xf32>,
      %mul3A_1274 = arith.constant 8 : i32
      %mul3A_1275 = arith.muli %scan3A_1233, %mul3A_1274 : i32
      %add3A_1276 = arith.constant 5 : i32
      %add3A_1277 = arith.addi %mul3A_1275, %add3A_1276 : i32
      %mul3A_1278 = arith.constant 16 : i32
      %mul3A_1279 = arith.muli %add3A_1277, %mul3A_1278 : i32
      %get3A_1280 = arith.index_cast %mul3A_1279 : i32 to index
      %get3A_1281 = tpu.vector_load %arg5[%get3A_1280] {strides = array<i32>} : memref<32768xf32, #tpu.memory_space<vmem>>, vector<16xf32>,
      %mul3A_1282 = arith.constant 8 : i32
      %mul3A_1283 = arith.muli %scan3A_1233, %mul3A_1282 : i32
      %add3A_1284 = arith.constant 6 : i32
      %add3A_1285 = arith.addi %mul3A_1283, %add3A_1284 : i32
      %mul3A_1286 = arith.constant 16 : i32
      %mul3A_1287 = arith.muli %add3A_1285, %mul3A_1286 : i32
      %get3A_1288 = arith.index_cast %mul3A_1287 : i32 to index
      %get3A_1289 = tpu.vector_load %arg5[%get3A_1288] {strides = array<i32>} : memref<32768xf32, #tpu.memory_space<vmem>>, vector<16xf32>,
      %mul3A_1290 = arith.constant 8 : i32
      %mul3A_1291 = arith.muli %scan3A_1233, %mul3A_1290 : i32
      %add3A_1292 = arith.constant 7 : i32
      %add3A_1293 = arith.addi %mul3A_1291, %add3A_1292 : i32
      %mul3A_1294 = arith.constant 16 : i32
      %mul3A_1295 = arith.muli %add3A_1293, %mul3A_1294 : i32
      %get3A_1296 = arith.index_cast %mul3A_1295 : i32 to index
      %get3A_1297 = tpu.vector_load %arg5[%get3A_1296] {strides = array<i32>} : memref<32768xf32, #tpu.memory_space<vmem>>, vector<16xf32>,
      %bitcast_convert_type3A_1298 = tpu.bitcast %get3A_1241 : vector<16xf32> -> vector<16xi32>
      %shift_right_logical3A_1299 = arith.constant 20 : i32
      %shift_right_logical3A_1300 = vector.broadcast %shift_right_logical3A_1299 : i32 to vector<16xi32>
      %shift_right_logical3A_1301 = arith.shrui %bitcast_convert_type3A_1298, %shift_right_logical3A_1300 : vector<16xi32>
      %shift_right_logical3A_1302 = arith.constant 8 : i32
      %shift_right_logical3A_1303 = vector.broadcast %shift_right_logical3A_1302 : i32 to vector<16xi32>
      %shift_right_logical3A_1304 = arith.shrui %shift_right_logical3A_1301, %shift_right_logical3A_1303 : vector<16xi32>
      %add3A_1305 = arith.addi %shift_right_logical3A_1301, %shift_right_logical3A_1304 : vector<16xi32>
      %bitcast_convert_type3A_1306 = tpu.bitcast %get3A_1249 : vector<16xf32> -> vector<16xi32>
      %shift_right_logical3A_1307 = arith.constant 20 : i32
      %shift_right_logical3A_1308 = vector.broadcast %shift_right_logical3A_1307 : i32 to vector<16xi32>
      %shift_right_logical3A_1309 = arith.shrui %bitcast_convert_type3A_1306, %shift_right_logical3A_1308 : vector<16xi32>
      %shift_right_logical3A_1310 = arith.constant 8 : i32
      %shift_right_logical3A_1311 = vector.broadcast %shift_right_logical3A_1310 : i32 to vector<16xi32>
      %shift_right_logical3A_1312 = arith.shrui %shift_right_logical3A_1309, %shift_right_logical3A_1311 : vector<16xi32>
      %add3A_1313 = arith.addi %shift_right_logical3A_1309, %shift_right_logical3A_1312 : vector<16xi32>
      %bitcast_convert_type3A_1314 = tpu.bitcast %get3A_1257 : vector<16xf32> -> vector<16xi32>
      %shift_right_logical3A_1315 = arith.constant 20 : i32
      %shift_right_logical3A_1316 = vector.broadcast %shift_right_logical3A_1315 : i32 to vector<16xi32>
      %shift_right_logical3A_1317 = arith.shrui %bitcast_convert_type3A_1314, %shift_right_logical3A_1316 : vector<16xi32>
      %shift_right_logical3A_1318 = arith.constant 8 : i32
      %shift_right_logical3A_1319 = vector.broadcast %shift_right_logical3A_1318 : i32 to vector<16xi32>
      %shift_right_logical3A_1320 = arith.shrui %shift_right_logical3A_1317, %shift_right_logical3A_1319 : vector<16xi32>
      %add3A_1321 = arith.addi %shift_right_logical3A_1317, %shift_right_logical3A_1320 : vector<16xi32>
      %bitcast_convert_type3A_1322 = tpu.bitcast %get3A_1265 : vector<16xf32> -> vector<16xi32>
      %shift_right_logical3A_1323 = arith.constant 20 : i32
      %shift_right_logical3A_1324 = vector.broadcast %shift_right_logical3A_1323 : i32 to vector<16xi32>
      %shift_right_logical3A_1325 = arith.shrui %bitcast_convert_type3A_1322, %shift_right_logical3A_1324 : vector<16xi32>
      %shift_right_logical3A_1326 = arith.constant 8 : i32
      %shift_right_logical3A_1327 = vector.broadcast %shift_right_logical3A_1326 : i32 to vector<16xi32>
      %shift_right_logical3A_1328 = arith.shrui %shift_right_logical3A_1325, %shift_right_logical3A_1327 : vector<16xi32>
      %add3A_1329 = arith.addi %shift_right_logical3A_1325, %shift_right_logical3A_1328 : vector<16xi32>
      %bitcast_convert_type3A_1330 = tpu.bitcast %get3A_1273 : vector<16xf32> -> vector<16xi32>
      %shift_right_logical3A_1331 = arith.constant 20 : i32
      %shift_right_logical3A_1332 = vector.broadcast %shift_right_logical3A_1331 : i32 to vector<16xi32>
      %shift_right_logical3A_1333 = arith.shrui %bitcast_convert_type3A_1330, %shift_right_logical3A_1332 : vector<16xi32>
      %shift_right_logical3A_1334 = arith.constant 8 : i32
      %shift_right_logical3A_1335 = vector.broadcast %shift_right_logical3A_1334 : i32 to vector<16xi32>
      %shift_right_logical3A_1336 = arith.shrui %shift_right_logical3A_1333, %shift_right_logical3A_1335 : vector<16xi32>
      %add3A_1337 = arith.addi %shift_right_logical3A_1333, %shift_right_logical3A_1336 : vector<16xi32>
      %bitcast_convert_type3A_1338 = tpu.bitcast %get3A_1281 : vector<16xf32> -> vector<16xi32>
      %shift_right_logical3A_1339 = arith.constant 20 : i32
      %shift_right_logical3A_1340 = vector.broadcast %shift_right_logical3A_1339 : i32 to vector<16xi32>
      %shift_right_logical3A_1341 = arith.shrui %bitcast_convert_type3A_1338, %shift_right_logical3A_1340 : vector<16xi32>
      %shift_right_logical3A_1342 = arith.constant 8 : i32
      %shift_right_logical3A_1343 = vector.broadcast %shift_right_logical3A_1342 : i32 to vector<16xi32>
      %shift_right_logical3A_1344 = arith.shrui %shift_right_logical3A_1341, %shift_right_logical3A_1343 : vector<16xi32>
      %add3A_1345 = arith.addi %shift_right_logical3A_1341, %shift_right_logical3A_1344 : vector<16xi32>
      %bitcast_convert_type3A_1346 = tpu.bitcast %get3A_1289 : vector<16xf32> -> vector<16xi32>
      %shift_right_logical3A_1347 = arith.constant 20 : i32
      %shift_right_logical3A_1348 = vector.broadcast %shift_right_logical3A_1347 : i32 to vector<16xi32>
      %shift_right_logical3A_1349 = arith.shrui %bitcast_convert_type3A_1346, %shift_right_logical3A_1348 : vector<16xi32>
      %shift_right_logical3A_1350 = arith.constant 8 : i32
      %shift_right_logical3A_1351 = vector.broadcast %shift_right_logical3A_1350 : i32 to vector<16xi32>
      %shift_right_logical3A_1352 = arith.shrui %shift_right_logical3A_1349, %shift_right_logical3A_1351 : vector<16xi32>
      %add3A_1353 = arith.addi %shift_right_logical3A_1349, %shift_right_logical3A_1352 : vector<16xi32>
      %bitcast_convert_type3A_1354 = tpu.bitcast %get3A_1297 : vector<16xf32> -> vector<16xi32>
      %shift_right_logical3A_1355 = arith.constant 20 : i32
      %shift_right_logical3A_1356 = vector.broadcast %shift_right_logical3A_1355 : i32 to vector<16xi32>
      %shift_right_logical3A_1357 = arith.shrui %bitcast_convert_type3A_1354, %shift_right_logical3A_1356 : vector<16xi32>
      %shift_right_logical3A_1358 = arith.constant 8 : i32
      %shift_right_logical3A_1359 = vector.broadcast %shift_right_logical3A_1358 : i32 to vector<16xi32>
      %shift_right_logical3A_1360 = arith.shrui %shift_right_logical3A_1357, %shift_right_logical3A_1359 : vector<16xi32>
      %add3A_1361 = arith.addi %shift_right_logical3A_1357, %shift_right_logical3A_1360 : vector<16xi32>
      tpu.vector_store_idx %arg7[%add3A_1305], %broadcast_in_dim3A_1 {add = true} : memref<4112xi32, #tpu.memory_space<vmem>>[vector<16xi32>], vector<16xi32>,
      tpu.vector_store_idx %arg7[%add3A_1313], %broadcast_in_dim3A_1 {add = true} : memref<4112xi32, #tpu.memory_space<vmem>>[vector<16xi32>], vector<16xi32>,
      tpu.vector_store_idx %arg7[%add3A_1321], %broadcast_in_dim3A_1 {add = true} : memref<4112xi32, #tpu.memory_space<vmem>>[vector<16xi32>], vector<16xi32>,
      tpu.vector_store_idx %arg7[%add3A_1329], %broadcast_in_dim3A_1 {add = true} : memref<4112xi32, #tpu.memory_space<vmem>>[vector<16xi32>], vector<16xi32>,
      tpu.vector_store_idx %arg7[%add3A_1337], %broadcast_in_dim3A_1 {add = true} : memref<4112xi32, #tpu.memory_space<vmem>>[vector<16xi32>], vector<16xi32>,
      tpu.vector_store_idx %arg7[%add3A_1345], %broadcast_in_dim3A_1 {add = true} : memref<4112xi32, #tpu.memory_space<vmem>>[vector<16xi32>], vector<16xi32>,
      tpu.vector_store_idx %arg7[%add3A_1353], %broadcast_in_dim3A_1 {add = true} : memref<4112xi32, #tpu.memory_space<vmem>>[vector<16xi32>], vector<16xi32>,
      tpu.vector_store_idx %arg7[%add3A_1361], %broadcast_in_dim3A_1 {add = true} : memref<4112xi32, #tpu.memory_space<vmem>>[vector<16xi32>], vector<16xi32>,
      %scan3A_1362 = arith.constant 0 : i32
      scf.yield %scan3A_1362 : i32
    }
    %scan3A_941 = arith.constant 256 : i32
    %le3A_942 = arith.constant 7 : i32
    %le3A_943 = vector.broadcast %le3A_942 : i32 to vector<16xi32>
    %le3A_944 = arith.cmpi sle, %iota3A, %le3A_943 : vector<16xi32>
    %neg3A_945 = arith.constant 0 : i32
    %neg3A_946 = vector.broadcast %neg3A_945 : i32 to vector<16xi32>
    %neg3A_947 = arith.subi %neg3A_946, %broadcast_in_dim3A_1 : vector<16xi32>
    %select_n3A_948 = arith.select %le3A_944, %neg3A_947, %broadcast_in_dim3A_1 : vector<16xi1>, vector<16xi32>
    %le3A_949 = arith.constant 7 : i32
    %le3A_950 = vector.broadcast %le3A_949 : i32 to vector<16xi32>
    %le3A_951 = arith.cmpi sle, %iota3A, %le3A_950 : vector<16xi32>
    %mul3A_952 = arith.constant 256 : i32
    %mul3A_953 = vector.broadcast %mul3A_952 : i32 to vector<16xi32>
    %mul3A_954 = arith.muli %iota3A, %mul3A_953 : vector<16xi32>
    %sub3A_955 = arith.constant 2047 : i32
    %sub3A_956 = vector.broadcast %sub3A_955 : i32 to vector<16xi32>
    %sub3A_957 = arith.subi %sub3A_956, %mul3A_954 : vector<16xi32>
    %mul3A_958 = arith.constant 256 : i32
    %mul3A_959 = vector.broadcast %mul3A_958 : i32 to vector<16xi32>
    %mul3A_960 = arith.muli %iota3A, %mul3A_959 : vector<16xi32>
    %select_n3A_961 = arith.select %le3A_951, %sub3A_957, %mul3A_960 : vector<16xi1>, vector<16xi32>
    %shift_right_logical3A_962 = arith.constant 8 : i32
    %shift_right_logical3A_963 = vector.broadcast %shift_right_logical3A_962 : i32 to vector<16xi32>
    %shift_right_logical3A_964 = arith.shrui %select_n3A_961, %shift_right_logical3A_963 : vector<16xi32>
    %add3A_965 = arith.addi %select_n3A_961, %shift_right_logical3A_964 : vector<16xi32>
    %scan3A_966 = arith.constant 0 : i32
    %scan3A_967 = arith.constant 32 : i32
    %scan3A_968 = arith.addi %scan3A_966, %scan3A_967 : i32
    %scan3A_969 = arith.constant 1 : i32
    %scan3A_970:2 = scf.for %scan3A_1233 = %scan3A_966 to %scan3A_968 step %scan3A_969 iter_args(%scan3A_1234 = %broadcast_in_dim3A_3, %scan3A_1235 = %add3A_965) -> (vector<16xi32>, vector<16xi32>)  : i32 {
      %gather3A = tpu.vector_load_idx %arg7[%scan3A_1235] : memref<4112xi32, #tpu.memory_space<vmem>>[vector<16xi32>], vector<16xi32>,
      %add3A_1236 = arith.addi %scan3A_1234, %gather3A : vector<16xi32>
      %add3A_1237 = arith.addi %scan3A_1235, %select_n3A_948 : vector<16xi32>
      %gather3A_1238 = tpu.vector_load_idx %arg7[%add3A_1237] : memref<4112xi32, #tpu.memory_space<vmem>>[vector<16xi32>], vector<16xi32>,
      %add3A_1239 = arith.addi %add3A_1236, %gather3A_1238 : vector<16xi32>
      %add3A_1240 = arith.addi %add3A_1237, %select_n3A_948 : vector<16xi32>
      %gather3A_1241 = tpu.vector_load_idx %arg7[%add3A_1240] : memref<4112xi32, #tpu.memory_space<vmem>>[vector<16xi32>], vector<16xi32>,
      %add3A_1242 = arith.addi %add3A_1239, %gather3A_1241 : vector<16xi32>
      %add3A_1243 = arith.addi %add3A_1240, %select_n3A_948 : vector<16xi32>
      %gather3A_1244 = tpu.vector_load_idx %arg7[%add3A_1243] : memref<4112xi32, #tpu.memory_space<vmem>>[vector<16xi32>], vector<16xi32>,
      %add3A_1245 = arith.addi %add3A_1242, %gather3A_1244 : vector<16xi32>
      %add3A_1246 = arith.addi %add3A_1243, %select_n3A_948 : vector<16xi32>
      %gather3A_1247 = tpu.vector_load_idx %arg7[%add3A_1246] : memref<4112xi32, #tpu.memory_space<vmem>>[vector<16xi32>], vector<16xi32>,
      %add3A_1248 = arith.addi %add3A_1245, %gather3A_1247 : vector<16xi32>
      %add3A_1249 = arith.addi %add3A_1246, %select_n3A_948 : vector<16xi32>
      %gather3A_1250 = tpu.vector_load_idx %arg7[%add3A_1249] : memref<4112xi32, #tpu.memory_space<vmem>>[vector<16xi32>], vector<16xi32>,
      %add3A_1251 = arith.addi %add3A_1248, %gather3A_1250 : vector<16xi32>
      %add3A_1252 = arith.addi %add3A_1249, %select_n3A_948 : vector<16xi32>
      %gather3A_1253 = tpu.vector_load_idx %arg7[%add3A_1252] : memref<4112xi32, #tpu.memory_space<vmem>>[vector<16xi32>], vector<16xi32>,
      %add3A_1254 = arith.addi %add3A_1251, %gather3A_1253 : vector<16xi32>
      %add3A_1255 = arith.addi %add3A_1252, %select_n3A_948 : vector<16xi32>
      %gather3A_1256 = tpu.vector_load_idx %arg7[%add3A_1255] : memref<4112xi32, #tpu.memory_space<vmem>>[vector<16xi32>], vector<16xi32>,
      %add3A_1257 = arith.addi %add3A_1254, %gather3A_1256 : vector<16xi32>
      %add3A_1258 = arith.addi %add3A_1255, %select_n3A_948 : vector<16xi32>
      scf.yield %add3A_1257, %add3A_1258 : vector<16xi32>, vector<16xi32>
    }
    %scan3A_971 = arith.constant 32 : i32
    %broadcast_in_dim3A_972 = arith.constant true
    %broadcast_in_dim3A_973 = vector.broadcast %broadcast_in_dim3A_972 : i1 to vector<16xi1>
    %masked_cumsum3A_974 = tpu.scan <sum>, %scan3A_970#0 masked %broadcast_in_dim3A_973 : vector<16xi32>, vector<16xi1> -> vector<16xi32>
    %sub3A_975 = arith.subi %masked_cumsum3A_974, %scan3A_970#0 : vector<16xi32>
    %scan3A_976 = arith.constant 0 : i32
    %scan3A_977 = arith.constant 64 : i32
    %scan3A_978 = arith.addi %scan3A_976, %scan3A_977 : i32
    %scan3A_979 = arith.constant 1 : i32
    %scan3A_980:4 = scf.for %scan3A_1233 = %scan3A_976 to %scan3A_978 step %scan3A_979 iter_args(%scan3A_1234 = %broadcast_in_dim3A_3, %scan3A_1235 = %broadcast_in_dim3A_3, %scan3A_1236 = %broadcast_in_dim3A_3, %scan3A_1237 = %add3A_965) -> (vector<16xi32>, vector<16xi32>, vector<16xi32>, vector<16xi32>)  : i32 {
      %gather3A = tpu.vector_load_idx %arg7[%scan3A_1237] : memref<4112xi32, #tpu.memory_space<vmem>>[vector<16xi32>], vector<16xi32>,
      tpu.vector_store_idx %arg7[%scan3A_1237], %broadcast_in_dim3A_3 : memref<4112xi32, #tpu.memory_space<vmem>>[vector<16xi32>], vector<16xi32>,
      %add3A_1238 = arith.addi %scan3A_1237, %select_n3A_948 : vector<16xi32>
      %add3A_1239 = arith.addi %scan3A_1234, %gather3A : vector<16xi32>
      %add3A_1240 = arith.addi %sub3A_975, %add3A_1239 : vector<16xi32>
      %le3A_1241 = arith.constant 3276 : i32
      %le3A_1242 = vector.broadcast %le3A_1241 : i32 to vector<16xi32>
      %le3A_1243 = arith.cmpi sle, %add3A_1240, %le3A_1242 : vector<16xi32>
      %select_n3A_1244 = arith.select %le3A_1243, %broadcast_in_dim3A_1, %broadcast_in_dim3A_3 : vector<16xi1>, vector<16xi32>
      %add3A_1245 = arith.addi %scan3A_1235, %select_n3A_1244 : vector<16xi32>
      %le3A_1246 = arith.constant 3277 : i32
      %le3A_1247 = vector.broadcast %le3A_1246 : i32 to vector<16xi32>
      %le3A_1248 = arith.cmpi sle, %add3A_1240, %le3A_1247 : vector<16xi32>
      %select_n3A_1249 = arith.select %le3A_1248, %broadcast_in_dim3A_1, %broadcast_in_dim3A_3 : vector<16xi1>, vector<16xi32>
      %add3A_1250 = arith.addi %scan3A_1236, %select_n3A_1249 : vector<16xi32>
      %gather3A_1251 = tpu.vector_load_idx %arg7[%add3A_1238] : memref<4112xi32, #tpu.memory_space<vmem>>[vector<16xi32>], vector<16xi32>,
      tpu.vector_store_idx %arg7[%add3A_1238], %broadcast_in_dim3A_3 : memref<4112xi32, #tpu.memory_space<vmem>>[vector<16xi32>], vector<16xi32>,
      %add3A_1252 = arith.addi %add3A_1238, %select_n3A_948 : vector<16xi32>
      %add3A_1253 = arith.addi %add3A_1239, %gather3A_1251 : vector<16xi32>
      %add3A_1254 = arith.addi %sub3A_975, %add3A_1253 : vector<16xi32>
      %le3A_1255 = arith.constant 3276 : i32
      %le3A_1256 = vector.broadcast %le3A_1255 : i32 to vector<16xi32>
      %le3A_1257 = arith.cmpi sle, %add3A_1254, %le3A_1256 : vector<16xi32>
      %select_n3A_1258 = arith.select %le3A_1257, %broadcast_in_dim3A_1, %broadcast_in_dim3A_3 : vector<16xi1>, vector<16xi32>
      %add3A_1259 = arith.addi %add3A_1245, %select_n3A_1258 : vector<16xi32>
      %le3A_1260 = arith.constant 3277 : i32
      %le3A_1261 = vector.broadcast %le3A_1260 : i32 to vector<16xi32>
      %le3A_1262 = arith.cmpi sle, %add3A_1254, %le3A_1261 : vector<16xi32>
      %select_n3A_1263 = arith.select %le3A_1262, %broadcast_in_dim3A_1, %broadcast_in_dim3A_3 : vector<16xi1>, vector<16xi32>
      %add3A_1264 = arith.addi %add3A_1250, %select_n3A_1263 : vector<16xi32>
      %gather3A_1265 = tpu.vector_load_idx %arg7[%add3A_1252] : memref<4112xi32, #tpu.memory_space<vmem>>[vector<16xi32>], vector<16xi32>,
      tpu.vector_store_idx %arg7[%add3A_1252], %broadcast_in_dim3A_3 : memref<4112xi32, #tpu.memory_space<vmem>>[vector<16xi32>], vector<16xi32>,
      %add3A_1266 = arith.addi %add3A_1252, %select_n3A_948 : vector<16xi32>
      %add3A_1267 = arith.addi %add3A_1253, %gather3A_1265 : vector<16xi32>
      %add3A_1268 = arith.addi %sub3A_975, %add3A_1267 : vector<16xi32>
      %le3A_1269 = arith.constant 3276 : i32
      %le3A_1270 = vector.broadcast %le3A_1269 : i32 to vector<16xi32>
      %le3A_1271 = arith.cmpi sle, %add3A_1268, %le3A_1270 : vector<16xi32>
      %select_n3A_1272 = arith.select %le3A_1271, %broadcast_in_dim3A_1, %broadcast_in_dim3A_3 : vector<16xi1>, vector<16xi32>
      %add3A_1273 = arith.addi %add3A_1259, %select_n3A_1272 : vector<16xi32>
      %le3A_1274 = arith.constant 3277 : i32
      %le3A_1275 = vector.broadcast %le3A_1274 : i32 to vector<16xi32>
      %le3A_1276 = arith.cmpi sle, %add3A_1268, %le3A_1275 : vector<16xi32>
      %select_n3A_1277 = arith.select %le3A_1276, %broadcast_in_dim3A_1, %broadcast_in_dim3A_3 : vector<16xi1>, vector<16xi32>
      %add3A_1278 = arith.addi %add3A_1264, %select_n3A_1277 : vector<16xi32>
      %gather3A_1279 = tpu.vector_load_idx %arg7[%add3A_1266] : memref<4112xi32, #tpu.memory_space<vmem>>[vector<16xi32>], vector<16xi32>,
      tpu.vector_store_idx %arg7[%add3A_1266], %broadcast_in_dim3A_3 : memref<4112xi32, #tpu.memory_space<vmem>>[vector<16xi32>], vector<16xi32>,
      %add3A_1280 = arith.addi %add3A_1266, %select_n3A_948 : vector<16xi32>
      %add3A_1281 = arith.addi %add3A_1267, %gather3A_1279 : vector<16xi32>
      %add3A_1282 = arith.addi %sub3A_975, %add3A_1281 : vector<16xi32>
      %le3A_1283 = arith.constant 3276 : i32
      %le3A_1284 = vector.broadcast %le3A_1283 : i32 to vector<16xi32>
      %le3A_1285 = arith.cmpi sle, %add3A_1282, %le3A_1284 : vector<16xi32>
      %select_n3A_1286 = arith.select %le3A_1285, %broadcast_in_dim3A_1, %broadcast_in_dim3A_3 : vector<16xi1>, vector<16xi32>
      %add3A_1287 = arith.addi %add3A_1273, %select_n3A_1286 : vector<16xi32>
      %le3A_1288 = arith.constant 3277 : i32
      %le3A_1289 = vector.broadcast %le3A_1288 : i32 to vector<16xi32>
      %le3A_1290 = arith.cmpi sle, %add3A_1282, %le3A_1289 : vector<16xi32>
      %select_n3A_1291 = arith.select %le3A_1290, %broadcast_in_dim3A_1, %broadcast_in_dim3A_3 : vector<16xi1>, vector<16xi32>
      %add3A_1292 = arith.addi %add3A_1278, %select_n3A_1291 : vector<16xi32>
      scf.yield %add3A_1281, %add3A_1287, %add3A_1292, %add3A_1280 : vector<16xi32>, vector<16xi32>, vector<16xi32>, vector<16xi32>
    }
    %scan3A_981 = arith.constant 64 : i32
    %reduce_sum3A_982 = arith.constant true
    %reduce_sum3A_983 = vector.broadcast %reduce_sum3A_982 : i1 to vector<16xi1>
    %reduce_sum3A_984 = tpu.scan <sum>, %scan3A_980#1 masked %reduce_sum3A_983 : vector<16xi32>, vector<16xi1> -> vector<16xi32>
    %reduce_sum3A_985 = vector.extract %reduce_sum3A_984[15] : i32 from vector<16xi32>
    %reduce_sum3A_986 = arith.constant true
    %reduce_sum3A_987 = vector.broadcast %reduce_sum3A_986 : i1 to vector<16xi1>
    %reduce_sum3A_988 = tpu.scan <sum>, %scan3A_980#2 masked %reduce_sum3A_987 : vector<16xi32>, vector<16xi1> -> vector<16xi32>
    %reduce_sum3A_989 = vector.extract %reduce_sum3A_988[15] : i32 from vector<16xi32>
    %le3A_990 = arith.constant 2047 : i32
    %le3A_991 = arith.cmpi sle, %reduce_sum3A_985, %le3A_990 : i32
    %sub3A_992 = arith.constant 2047 : i32
    %sub3A_993 = arith.subi %sub3A_992, %reduce_sum3A_985 : i32
    %select_n3A_994 = arith.select %le3A_991, %sub3A_993, %reduce_sum3A_985 : i32
    %le3A_995 = arith.constant 2047 : i32
    %le3A_996 = arith.cmpi sle, %reduce_sum3A_989, %le3A_995 : i32
    %sub3A_997 = arith.constant 2047 : i32
    %sub3A_998 = arith.subi %sub3A_997, %reduce_sum3A_989 : i32
    %select_n3A_999 = arith.select %le3A_996, %sub3A_998, %reduce_sum3A_989 : i32
    %le3A_1000 = arith.constant 2047 : i32
    %le3A_1001 = arith.cmpi sle, %reduce_sum3A_985, %le3A_1000 : i32
    %shift_left3A_1002 = arith.constant 20 : i32
    %shift_left3A_1003 = arith.shli %select_n3A_994, %shift_left3A_1002 : i32
    %or3A_1004 = arith.constant 1048575 : i32
    %or3A_1005 = arith.ori %shift_left3A_1003, %or3A_1004 : i32
    %shift_left3A_1006 = arith.constant 20 : i32
    %shift_left3A_1007 = arith.shli %select_n3A_994, %shift_left3A_1006 : i32
    %select_n3A_1008 = arith.select %le3A_1001, %or3A_1005, %shift_left3A_1007 : i32
    %le3A_1009 = arith.constant 2047 : i32
    %le3A_1010 = arith.cmpi sle, %reduce_sum3A_989, %le3A_1009 : i32
    %shift_left3A_1011 = arith.constant 20 : i32
    %shift_left3A_1012 = arith.shli %select_n3A_999, %shift_left3A_1011 : i32
    %shift_left3A_1013 = arith.constant 20 : i32
    %shift_left3A_1014 = arith.shli %select_n3A_999, %shift_left3A_1013 : i32
    %or3A_1015 = arith.constant 1048575 : i32
    %or3A_1016 = arith.ori %shift_left3A_1014, %or3A_1015 : i32
    %select_n3A_1017 = arith.select %le3A_1010, %shift_left3A_1012, %or3A_1016 : i32
    %bitcast_convert_type3A_1018 = arith.bitcast %select_n3A_1008 : i32 to f32
    %bitcast_convert_type3A_1019 = arith.bitcast %select_n3A_1017 : i32 to f32
    %bitcast_convert_type3A_1020 = arith.bitcast %bitcast_convert_type3A_1019 : f32 to i32
    %ge3A_1021 = arith.constant -2147483648 : i32
    %ge3A_1022 = arith.cmpi uge, %bitcast_convert_type3A_1020, %ge3A_1021 : i32
    %not3A_1023 = arith.constant -1 : i32
    %not3A_1024 = arith.xori %bitcast_convert_type3A_1020, %not3A_1023 : i32
    %or3A_1025 = arith.constant -2147483648 : i32
    %or3A_1026 = arith.ori %bitcast_convert_type3A_1020, %or3A_1025 : i32
    %select_n3A_1027 = arith.select %ge3A_1022, %not3A_1024, %or3A_1026 : i32
    %bitcast_convert_type3A_1028 = arith.bitcast %bitcast_convert_type3A_1018 : f32 to i32
    %ge3A_1029 = arith.constant -2147483648 : i32
    %ge3A_1030 = arith.cmpi uge, %bitcast_convert_type3A_1028, %ge3A_1029 : i32
    %not3A_1031 = arith.constant -1 : i32
    %not3A_1032 = arith.xori %bitcast_convert_type3A_1028, %not3A_1031 : i32
    %or3A_1033 = arith.constant -2147483648 : i32
    %or3A_1034 = arith.ori %bitcast_convert_type3A_1028, %or3A_1033 : i32
    %select_n3A_1035 = arith.select %ge3A_1030, %not3A_1032, %or3A_1034 : i32
    %scan3A_1036 = arith.constant 0 : i32
    %scan3A_1037 = arith.constant 0 : i32
    %scan3A_1038 = arith.constant 256 : i32
    %scan3A_1039 = arith.addi %scan3A_1037, %scan3A_1038 : i32
    %scan3A_1040 = arith.constant 1 : i32
    %scan3A_1041:3 = scf.for %scan3A_1233 = %scan3A_1037 to %scan3A_1039 step %scan3A_1040 iter_args(%scan3A_1234 = %scan3A_1036, %scan3A_1235 = %broadcast_in_dim3A_3, %scan3A_1236 = %broadcast_in_dim3A_5) -> (i32, vector<16xi32>, vector<16xf32>)  : i32 {
      %mul3A_1237 = arith.constant 8 : i32
      %mul3A_1238 = arith.muli %scan3A_1233, %mul3A_1237 : i32
      %add3A_1239 = arith.constant 0 : i32
      %add3A_1240 = arith.addi %mul3A_1238, %add3A_1239 : i32
      %mul3A_1241 = arith.constant 16 : i32
      %mul3A_1242 = arith.muli %add3A_1240, %mul3A_1241 : i32
      %get3A = arith.index_cast %mul3A_1242 : i32 to index
      %get3A_1243 = tpu.vector_load %arg5[%get3A] {strides = array<i32>} : memref<32768xf32, #tpu.memory_space<vmem>>, vector<16xf32>,
      %mul3A_1244 = arith.constant 8 : i32
      %mul3A_1245 = arith.muli %scan3A_1233, %mul3A_1244 : i32
      %add3A_1246 = arith.constant 1 : i32
      %add3A_1247 = arith.addi %mul3A_1245, %add3A_1246 : i32
      %mul3A_1248 = arith.constant 16 : i32
      %mul3A_1249 = arith.muli %add3A_1247, %mul3A_1248 : i32
      %get3A_1250 = arith.index_cast %mul3A_1249 : i32 to index
      %get3A_1251 = tpu.vector_load %arg5[%get3A_1250] {strides = array<i32>} : memref<32768xf32, #tpu.memory_space<vmem>>, vector<16xf32>,
      %mul3A_1252 = arith.constant 8 : i32
      %mul3A_1253 = arith.muli %scan3A_1233, %mul3A_1252 : i32
      %add3A_1254 = arith.constant 2 : i32
      %add3A_1255 = arith.addi %mul3A_1253, %add3A_1254 : i32
      %mul3A_1256 = arith.constant 16 : i32
      %mul3A_1257 = arith.muli %add3A_1255, %mul3A_1256 : i32
      %get3A_1258 = arith.index_cast %mul3A_1257 : i32 to index
      %get3A_1259 = tpu.vector_load %arg5[%get3A_1258] {strides = array<i32>} : memref<32768xf32, #tpu.memory_space<vmem>>, vector<16xf32>,
      %mul3A_1260 = arith.constant 8 : i32
      %mul3A_1261 = arith.muli %scan3A_1233, %mul3A_1260 : i32
      %add3A_1262 = arith.constant 3 : i32
      %add3A_1263 = arith.addi %mul3A_1261, %add3A_1262 : i32
      %mul3A_1264 = arith.constant 16 : i32
      %mul3A_1265 = arith.muli %add3A_1263, %mul3A_1264 : i32
      %get3A_1266 = arith.index_cast %mul3A_1265 : i32 to index
      %get3A_1267 = tpu.vector_load %arg5[%get3A_1266] {strides = array<i32>} : memref<32768xf32, #tpu.memory_space<vmem>>, vector<16xf32>,
      %mul3A_1268 = arith.constant 8 : i32
      %mul3A_1269 = arith.muli %scan3A_1233, %mul3A_1268 : i32
      %add3A_1270 = arith.constant 4 : i32
      %add3A_1271 = arith.addi %mul3A_1269, %add3A_1270 : i32
      %mul3A_1272 = arith.constant 16 : i32
      %mul3A_1273 = arith.muli %add3A_1271, %mul3A_1272 : i32
      %get3A_1274 = arith.index_cast %mul3A_1273 : i32 to index
      %get3A_1275 = tpu.vector_load %arg5[%get3A_1274] {strides = array<i32>} : memref<32768xf32, #tpu.memory_space<vmem>>, vector<16xf32>,
      %mul3A_1276 = arith.constant 8 : i32
      %mul3A_1277 = arith.muli %scan3A_1233, %mul3A_1276 : i32
      %add3A_1278 = arith.constant 5 : i32
      %add3A_1279 = arith.addi %mul3A_1277, %add3A_1278 : i32
      %mul3A_1280 = arith.constant 16 : i32
      %mul3A_1281 = arith.muli %add3A_1279, %mul3A_1280 : i32
      %get3A_1282 = arith.index_cast %mul3A_1281 : i32 to index
      %get3A_1283 = tpu.vector_load %arg5[%get3A_1282] {strides = array<i32>} : memref<32768xf32, #tpu.memory_space<vmem>>, vector<16xf32>,
      %mul3A_1284 = arith.constant 8 : i32
      %mul3A_1285 = arith.muli %scan3A_1233, %mul3A_1284 : i32
      %add3A_1286 = arith.constant 6 : i32
      %add3A_1287 = arith.addi %mul3A_1285, %add3A_1286 : i32
      %mul3A_1288 = arith.constant 16 : i32
      %mul3A_1289 = arith.muli %add3A_1287, %mul3A_1288 : i32
      %get3A_1290 = arith.index_cast %mul3A_1289 : i32 to index
      %get3A_1291 = tpu.vector_load %arg5[%get3A_1290] {strides = array<i32>} : memref<32768xf32, #tpu.memory_space<vmem>>, vector<16xf32>,
      %mul3A_1292 = arith.constant 8 : i32
      %mul3A_1293 = arith.muli %scan3A_1233, %mul3A_1292 : i32
      %add3A_1294 = arith.constant 7 : i32
      %add3A_1295 = arith.addi %mul3A_1293, %add3A_1294 : i32
      %mul3A_1296 = arith.constant 16 : i32
      %mul3A_1297 = arith.muli %add3A_1295, %mul3A_1296 : i32
      %get3A_1298 = arith.index_cast %mul3A_1297 : i32 to index
      %get3A_1299 = tpu.vector_load %arg5[%get3A_1298] {strides = array<i32>} : memref<32768xf32, #tpu.memory_space<vmem>>, vector<16xf32>,
      %gt3A = vector.broadcast %bitcast_convert_type3A_1018 : f32 to vector<16xf32>
      %gt3A_1300 = arith.cmpf ogt, %get3A_1243, %gt3A : vector<16xf32>
      %gt3A_1301 = vector.broadcast %bitcast_convert_type3A_1018 : f32 to vector<16xf32>
      %gt3A_1302 = arith.cmpf ogt, %get3A_1251, %gt3A_1301 : vector<16xf32>
      %gt3A_1303 = vector.broadcast %bitcast_convert_type3A_1018 : f32 to vector<16xf32>
      %gt3A_1304 = arith.cmpf ogt, %get3A_1259, %gt3A_1303 : vector<16xf32>
      %gt3A_1305 = vector.broadcast %bitcast_convert_type3A_1018 : f32 to vector<16xf32>
      %gt3A_1306 = arith.cmpf ogt, %get3A_1267, %gt3A_1305 : vector<16xf32>
      %gt3A_1307 = vector.broadcast %bitcast_convert_type3A_1018 : f32 to vector<16xf32>
      %gt3A_1308 = arith.cmpf ogt, %get3A_1275, %gt3A_1307 : vector<16xf32>
      %gt3A_1309 = vector.broadcast %bitcast_convert_type3A_1018 : f32 to vector<16xf32>
      %gt3A_1310 = arith.cmpf ogt, %get3A_1283, %gt3A_1309 : vector<16xf32>
      %gt3A_1311 = vector.broadcast %bitcast_convert_type3A_1018 : f32 to vector<16xf32>
      %gt3A_1312 = arith.cmpf ogt, %get3A_1291, %gt3A_1311 : vector<16xf32>
      %gt3A_1313 = vector.broadcast %bitcast_convert_type3A_1018 : f32 to vector<16xf32>
      %gt3A_1314 = arith.cmpf ogt, %get3A_1299, %gt3A_1313 : vector<16xf32>
      %ge3A_1315 = vector.broadcast %bitcast_convert_type3A_1019 : f32 to vector<16xf32>
      %ge3A_1316 = arith.cmpf oge, %get3A_1243, %ge3A_1315 : vector<16xf32>
      %le3A_1317 = vector.broadcast %bitcast_convert_type3A_1018 : f32 to vector<16xf32>
      %le3A_1318 = arith.cmpf ole, %get3A_1243, %le3A_1317 : vector<16xf32>
      %and3A_1319 = arith.andi %ge3A_1316, %le3A_1318 : vector<16xi1>
      %ge3A_1320 = vector.broadcast %bitcast_convert_type3A_1019 : f32 to vector<16xf32>
      %ge3A_1321 = arith.cmpf oge, %get3A_1251, %ge3A_1320 : vector<16xf32>
      %le3A_1322 = vector.broadcast %bitcast_convert_type3A_1018 : f32 to vector<16xf32>
      %le3A_1323 = arith.cmpf ole, %get3A_1251, %le3A_1322 : vector<16xf32>
      %and3A_1324 = arith.andi %ge3A_1321, %le3A_1323 : vector<16xi1>
      %ge3A_1325 = vector.broadcast %bitcast_convert_type3A_1019 : f32 to vector<16xf32>
      %ge3A_1326 = arith.cmpf oge, %get3A_1259, %ge3A_1325 : vector<16xf32>
      %le3A_1327 = vector.broadcast %bitcast_convert_type3A_1018 : f32 to vector<16xf32>
      %le3A_1328 = arith.cmpf ole, %get3A_1259, %le3A_1327 : vector<16xf32>
      %and3A_1329 = arith.andi %ge3A_1326, %le3A_1328 : vector<16xi1>
      %ge3A_1330 = vector.broadcast %bitcast_convert_type3A_1019 : f32 to vector<16xf32>
      %ge3A_1331 = arith.cmpf oge, %get3A_1267, %ge3A_1330 : vector<16xf32>
      %le3A_1332 = vector.broadcast %bitcast_convert_type3A_1018 : f32 to vector<16xf32>
      %le3A_1333 = arith.cmpf ole, %get3A_1267, %le3A_1332 : vector<16xf32>
      %and3A_1334 = arith.andi %ge3A_1331, %le3A_1333 : vector<16xi1>
      %ge3A_1335 = vector.broadcast %bitcast_convert_type3A_1019 : f32 to vector<16xf32>
      %ge3A_1336 = arith.cmpf oge, %get3A_1275, %ge3A_1335 : vector<16xf32>
      %le3A_1337 = vector.broadcast %bitcast_convert_type3A_1018 : f32 to vector<16xf32>
      %le3A_1338 = arith.cmpf ole, %get3A_1275, %le3A_1337 : vector<16xf32>
      %and3A_1339 = arith.andi %ge3A_1336, %le3A_1338 : vector<16xi1>
      %ge3A_1340 = vector.broadcast %bitcast_convert_type3A_1019 : f32 to vector<16xf32>
      %ge3A_1341 = arith.cmpf oge, %get3A_1283, %ge3A_1340 : vector<16xf32>
      %le3A_1342 = vector.broadcast %bitcast_convert_type3A_1018 : f32 to vector<16xf32>
      %le3A_1343 = arith.cmpf ole, %get3A_1283, %le3A_1342 : vector<16xf32>
      %and3A_1344 = arith.andi %ge3A_1341, %le3A_1343 : vector<16xi1>
      %ge3A_1345 = vector.broadcast %bitcast_convert_type3A_1019 : f32 to vector<16xf32>
      %ge3A_1346 = arith.cmpf oge, %get3A_1291, %ge3A_1345 : vector<16xf32>
      %le3A_1347 = vector.broadcast %bitcast_convert_type3A_1018 : f32 to vector<16xf32>
      %le3A_1348 = arith.cmpf ole, %get3A_1291, %le3A_1347 : vector<16xf32>
      %and3A_1349 = arith.andi %ge3A_1346, %le3A_1348 : vector<16xi1>
      %ge3A_1350 = vector.broadcast %bitcast_convert_type3A_1019 : f32 to vector<16xf32>
      %ge3A_1351 = arith.cmpf oge, %get3A_1299, %ge3A_1350 : vector<16xf32>
      %le3A_1352 = vector.broadcast %bitcast_convert_type3A_1018 : f32 to vector<16xf32>
      %le3A_1353 = arith.cmpf ole, %get3A_1299, %le3A_1352 : vector<16xf32>
      %and3A_1354 = arith.andi %ge3A_1351, %le3A_1353 : vector<16xi1>
      %all_reduce_population_count3A = tpu.all_reduce %and3A_1319 {dim = 0 : i64, kind = #tpu.reduction_kind<sum>} : vector<16xi1> -> vector<16xi32>
      %all_reduce_population_count3A_1355 = tpu.all_reduce %and3A_1324 {dim = 0 : i64, kind = #tpu.reduction_kind<sum>} : vector<16xi1> -> vector<16xi32>
      %all_reduce_population_count3A_1356 = tpu.all_reduce %and3A_1329 {dim = 0 : i64, kind = #tpu.reduction_kind<sum>} : vector<16xi1> -> vector<16xi32>
      %all_reduce_population_count3A_1357 = tpu.all_reduce %and3A_1334 {dim = 0 : i64, kind = #tpu.reduction_kind<sum>} : vector<16xi1> -> vector<16xi32>
      %all_reduce_population_count3A_1358 = tpu.all_reduce %and3A_1339 {dim = 0 : i64, kind = #tpu.reduction_kind<sum>} : vector<16xi1> -> vector<16xi32>
      %all_reduce_population_count3A_1359 = tpu.all_reduce %and3A_1344 {dim = 0 : i64, kind = #tpu.reduction_kind<sum>} : vector<16xi1> -> vector<16xi32>
      %all_reduce_population_count3A_1360 = tpu.all_reduce %and3A_1349 {dim = 0 : i64, kind = #tpu.reduction_kind<sum>} : vector<16xi1> -> vector<16xi32>
      %all_reduce_population_count3A_1361 = tpu.all_reduce %and3A_1354 {dim = 0 : i64, kind = #tpu.reduction_kind<sum>} : vector<16xi1> -> vector<16xi32>
      %all_reduce_population_count3A_1362 = tpu.all_reduce %gt3A_1300 {dim = 0 : i64, kind = #tpu.reduction_kind<sum>} : vector<16xi1> -> vector<16xi32>
      %add3A_1363 = arith.addi %scan3A_1235, %all_reduce_population_count3A_1362 : vector<16xi32>
      %select_n3A_1364 = arith.select %gt3A_1300, %get3A_1243, %broadcast_in_dim3A_5 : vector<16xi1>, vector<16xf32>
      %add3A_1365 = arith.addf %scan3A_1236, %select_n3A_1364 : vector<16xf32>
      %all_reduce_population_count3A_1366 = tpu.all_reduce %gt3A_1302 {dim = 0 : i64, kind = #tpu.reduction_kind<sum>} : vector<16xi1> -> vector<16xi32>
      %add3A_1367 = arith.addi %add3A_1363, %all_reduce_population_count3A_1366 : vector<16xi32>
      %select_n3A_1368 = arith.select %gt3A_1302, %get3A_1251, %broadcast_in_dim3A_5 : vector<16xi1>, vector<16xf32>
      %add3A_1369 = arith.addf %add3A_1365, %select_n3A_1368 : vector<16xf32>
      %all_reduce_population_count3A_1370 = tpu.all_reduce %gt3A_1304 {dim = 0 : i64, kind = #tpu.reduction_kind<sum>} : vector<16xi1> -> vector<16xi32>
      %add3A_1371 = arith.addi %add3A_1367, %all_reduce_population_count3A_1370 : vector<16xi32>
      %select_n3A_1372 = arith.select %gt3A_1304, %get3A_1259, %broadcast_in_dim3A_5 : vector<16xi1>, vector<16xf32>
      %add3A_1373 = arith.addf %add3A_1369, %select_n3A_1372 : vector<16xf32>
      %all_reduce_population_count3A_1374 = tpu.all_reduce %gt3A_1306 {dim = 0 : i64, kind = #tpu.reduction_kind<sum>} : vector<16xi1> -> vector<16xi32>
      %add3A_1375 = arith.addi %add3A_1371, %all_reduce_population_count3A_1374 : vector<16xi32>
      %select_n3A_1376 = arith.select %gt3A_1306, %get3A_1267, %broadcast_in_dim3A_5 : vector<16xi1>, vector<16xf32>
      %add3A_1377 = arith.addf %add3A_1373, %select_n3A_1376 : vector<16xf32>
      %all_reduce_population_count3A_1378 = tpu.all_reduce %gt3A_1308 {dim = 0 : i64, kind = #tpu.reduction_kind<sum>} : vector<16xi1> -> vector<16xi32>
      %add3A_1379 = arith.addi %add3A_1375, %all_reduce_population_count3A_1378 : vector<16xi32>
      %select_n3A_1380 = arith.select %gt3A_1308, %get3A_1275, %broadcast_in_dim3A_5 : vector<16xi1>, vector<16xf32>
      %add3A_1381 = arith.addf %add3A_1377, %select_n3A_1380 : vector<16xf32>
      %all_reduce_population_count3A_1382 = tpu.all_reduce %gt3A_1310 {dim = 0 : i64, kind = #tpu.reduction_kind<sum>} : vector<16xi1> -> vector<16xi32>
      %add3A_1383 = arith.addi %add3A_1379, %all_reduce_population_count3A_1382 : vector<16xi32>
      %select_n3A_1384 = arith.select %gt3A_1310, %get3A_1283, %broadcast_in_dim3A_5 : vector<16xi1>, vector<16xf32>
      %add3A_1385 = arith.addf %add3A_1381, %select_n3A_1384 : vector<16xf32>
      %all_reduce_population_count3A_1386 = tpu.all_reduce %gt3A_1312 {dim = 0 : i64, kind = #tpu.reduction_kind<sum>} : vector<16xi1> -> vector<16xi32>
      %add3A_1387 = arith.addi %add3A_1383, %all_reduce_population_count3A_1386 : vector<16xi32>
      %select_n3A_1388 = arith.select %gt3A_1312, %get3A_1291, %broadcast_in_dim3A_5 : vector<16xi1>, vector<16xf32>
      %add3A_1389 = arith.addf %add3A_1385, %select_n3A_1388 : vector<16xf32>
      %all_reduce_population_count3A_1390 = tpu.all_reduce %gt3A_1314 {dim = 0 : i64, kind = #tpu.reduction_kind<sum>} : vector<16xi1> -> vector<16xi32>
      %add3A_1391 = arith.addi %add3A_1387, %all_reduce_population_count3A_1390 : vector<16xi32>
      %select_n3A_1392 = arith.select %gt3A_1314, %get3A_1299, %broadcast_in_dim3A_5 : vector<16xi1>, vector<16xf32>
      %add3A_1393 = arith.addf %add3A_1389, %select_n3A_1392 : vector<16xf32>
      %slice3A_1394 = vector.extract_strided_slice %all_reduce_population_count3A {offsets = [0], sizes = [1], strides = [1]} : vector<16xi32> to vector<1xi32>
      %squeeze3A_1395 = vector.extract %slice3A_1394[0] : i32 from vector<1xi32>
      %add3A_1396 = arith.addi %scan3A_1234, %squeeze3A_1395 : i32
      %slice3A_1397 = vector.extract_strided_slice %all_reduce_population_count3A_1355 {offsets = [0], sizes = [1], strides = [1]} : vector<16xi32> to vector<1xi32>
      %squeeze3A_1398 = vector.extract %slice3A_1397[0] : i32 from vector<1xi32>
      %add3A_1399 = arith.addi %add3A_1396, %squeeze3A_1398 : i32
      %slice3A_1400 = vector.extract_strided_slice %all_reduce_population_count3A_1356 {offsets = [0], sizes = [1], strides = [1]} : vector<16xi32> to vector<1xi32>
      %squeeze3A_1401 = vector.extract %slice3A_1400[0] : i32 from vector<1xi32>
      %add3A_1402 = arith.addi %add3A_1399, %squeeze3A_1401 : i32
      %slice3A_1403 = vector.extract_strided_slice %all_reduce_population_count3A_1357 {offsets = [0], sizes = [1], strides = [1]} : vector<16xi32> to vector<1xi32>
      %squeeze3A_1404 = vector.extract %slice3A_1403[0] : i32 from vector<1xi32>
      %add3A_1405 = arith.addi %add3A_1402, %squeeze3A_1404 : i32
      %slice3A_1406 = vector.extract_strided_slice %all_reduce_population_count3A_1358 {offsets = [0], sizes = [1], strides = [1]} : vector<16xi32> to vector<1xi32>
      %squeeze3A_1407 = vector.extract %slice3A_1406[0] : i32 from vector<1xi32>
      %add3A_1408 = arith.addi %add3A_1405, %squeeze3A_1407 : i32
      %slice3A_1409 = vector.extract_strided_slice %all_reduce_population_count3A_1359 {offsets = [0], sizes = [1], strides = [1]} : vector<16xi32> to vector<1xi32>
      %squeeze3A_1410 = vector.extract %slice3A_1409[0] : i32 from vector<1xi32>
      %add3A_1411 = arith.addi %add3A_1408, %squeeze3A_1410 : i32
      %slice3A_1412 = vector.extract_strided_slice %all_reduce_population_count3A_1360 {offsets = [0], sizes = [1], strides = [1]} : vector<16xi32> to vector<1xi32>
      %squeeze3A_1413 = vector.extract %slice3A_1412[0] : i32 from vector<1xi32>
      %add3A_1414 = arith.addi %add3A_1411, %squeeze3A_1413 : i32
      %slice3A_1415 = vector.extract_strided_slice %all_reduce_population_count3A_1361 {offsets = [0], sizes = [1], strides = [1]} : vector<16xi32> to vector<1xi32>
      %squeeze3A_1416 = vector.extract %slice3A_1415[0] : i32 from vector<1xi32>
      %add3A_1417 = arith.addi %add3A_1414, %squeeze3A_1416 : i32
      %swap3A_1418 = arith.index_cast %scan3A_1234 : i32 to index
      %swap3A_1419 = tpu.vector_load %arg6[%swap3A_1418] masked %and3A_1319 {strides = array<i32>} : memref<32832xf32, #tpu.memory_space<vmem>>, vector<16xf32>, vector<16xi1>
      tpu.vector_store %arg6[%swap3A_1418], %get3A_1243 masked %and3A_1319 {strides = array<i32>} : memref<32832xf32, #tpu.memory_space<vmem>>, vector<16xf32>, vector<16xi1>
      %swap3A_1420 = arith.index_cast %add3A_1396 : i32 to index
      %swap3A_1421 = tpu.vector_load %arg6[%swap3A_1420] masked %and3A_1324 {strides = array<i32>} : memref<32832xf32, #tpu.memory_space<vmem>>, vector<16xf32>, vector<16xi1>
      tpu.vector_store %arg6[%swap3A_1420], %get3A_1251 masked %and3A_1324 {strides = array<i32>} : memref<32832xf32, #tpu.memory_space<vmem>>, vector<16xf32>, vector<16xi1>
      %swap3A_1422 = arith.index_cast %add3A_1399 : i32 to index
      %swap3A_1423 = tpu.vector_load %arg6[%swap3A_1422] masked %and3A_1329 {strides = array<i32>} : memref<32832xf32, #tpu.memory_space<vmem>>, vector<16xf32>, vector<16xi1>
      tpu.vector_store %arg6[%swap3A_1422], %get3A_1259 masked %and3A_1329 {strides = array<i32>} : memref<32832xf32, #tpu.memory_space<vmem>>, vector<16xf32>, vector<16xi1>
      %swap3A_1424 = arith.index_cast %add3A_1402 : i32 to index
      %swap3A_1425 = tpu.vector_load %arg6[%swap3A_1424] masked %and3A_1334 {strides = array<i32>} : memref<32832xf32, #tpu.memory_space<vmem>>, vector<16xf32>, vector<16xi1>
      tpu.vector_store %arg6[%swap3A_1424], %get3A_1267 masked %and3A_1334 {strides = array<i32>} : memref<32832xf32, #tpu.memory_space<vmem>>, vector<16xf32>, vector<16xi1>
      %swap3A_1426 = arith.index_cast %add3A_1405 : i32 to index
      %swap3A_1427 = tpu.vector_load %arg6[%swap3A_1426] masked %and3A_1339 {strides = array<i32>} : memref<32832xf32, #tpu.memory_space<vmem>>, vector<16xf32>, vector<16xi1>
      tpu.vector_store %arg6[%swap3A_1426], %get3A_1275 masked %and3A_1339 {strides = array<i32>} : memref<32832xf32, #tpu.memory_space<vmem>>, vector<16xf32>, vector<16xi1>
      %swap3A_1428 = arith.index_cast %add3A_1408 : i32 to index
      %swap3A_1429 = tpu.vector_load %arg6[%swap3A_1428] masked %and3A_1344 {strides = array<i32>} : memref<32832xf32, #tpu.memory_space<vmem>>, vector<16xf32>, vector<16xi1>
      tpu.vector_store %arg6[%swap3A_1428], %get3A_1283 masked %and3A_1344 {strides = array<i32>} : memref<32832xf32, #tpu.memory_space<vmem>>, vector<16xf32>, vector<16xi1>
      %swap3A_1430 = arith.index_cast %add3A_1411 : i32 to index
      %swap3A_1431 = tpu.vector_load %arg6[%swap3A_1430] masked %and3A_1349 {strides = array<i32>} : memref<32832xf32, #tpu.memory_space<vmem>>, vector<16xf32>, vector<16xi1>
      tpu.vector_store %arg6[%swap3A_1430], %get3A_1291 masked %and3A_1349 {strides = array<i32>} : memref<32832xf32, #tpu.memory_space<vmem>>, vector<16xf32>, vector<16xi1>
      %swap3A_1432 = arith.index_cast %add3A_1414 : i32 to index
      %swap3A_1433 = tpu.vector_load %arg6[%swap3A_1432] masked %and3A_1354 {strides = array<i32>} : memref<32832xf32, #tpu.memory_space<vmem>>, vector<16xf32>, vector<16xi1>
      tpu.vector_store %arg6[%swap3A_1432], %get3A_1299 masked %and3A_1354 {strides = array<i32>} : memref<32832xf32, #tpu.memory_space<vmem>>, vector<16xf32>, vector<16xi1>
      scf.yield %add3A_1417, %add3A_1391, %add3A_1393 : i32, vector<16xi32>, vector<16xf32>
    }
    %scan3A_1042 = arith.constant 256 : i32
    %slice3A_1043 = vector.extract_strided_slice %scan3A_1041#1 {offsets = [0], sizes = [1], strides = [1]} : vector<16xi32> to vector<1xi32>
    %squeeze3A_1044 = vector.extract %slice3A_1043[0] : i32 from vector<1xi32>
    %reduce_sum3A_1045 = arith.constant true
    %reduce_sum3A_1046 = vector.broadcast %reduce_sum3A_1045 : i1 to vector<16xi1>
    %reduce_sum3A_1047 = tpu.scan <sum>, %scan3A_1041#2 masked %reduce_sum3A_1046 : vector<16xf32>, vector<16xi1> -> vector<16xf32>
    %reduce_sum3A_1048 = vector.extract %reduce_sum3A_1047[15] : f32 from vector<16xf32>
    %broadcast_in_dim3A_1049 = arith.constant 0xFF800000 : f32
    %broadcast_in_dim3A_1050 = vector.broadcast %broadcast_in_dim3A_1049 : f32 to vector<16xf32>
    %add3A_1051 = arith.constant 0 : i32
    %add3A_1052 = arith.addi %scan3A_1041#0, %add3A_1051 : i32
    %swap3A_1053 = arith.index_cast %add3A_1052 : i32 to index
    %swap3A_1054 = tpu.vector_load %arg6[%swap3A_1053] {strides = array<i32>} : memref<32832xf32, #tpu.memory_space<vmem>>, vector<16xf32>,
    tpu.vector_store %arg6[%swap3A_1053], %broadcast_in_dim3A_1050 {strides = array<i32>} : memref<32832xf32, #tpu.memory_space<vmem>>, vector<16xf32>,
    %broadcast_in_dim3A_1055 = arith.constant 0xFF800000 : f32
    %broadcast_in_dim3A_1056 = vector.broadcast %broadcast_in_dim3A_1055 : f32 to vector<16xf32>
    %add3A_1057 = arith.constant 16 : i32
    %add3A_1058 = arith.addi %scan3A_1041#0, %add3A_1057 : i32
    %swap3A_1059 = arith.index_cast %add3A_1058 : i32 to index
    %swap3A_1060 = tpu.vector_load %arg6[%swap3A_1059] {strides = array<i32>} : memref<32832xf32, #tpu.memory_space<vmem>>, vector<16xf32>,
    tpu.vector_store %arg6[%swap3A_1059], %broadcast_in_dim3A_1056 {strides = array<i32>} : memref<32832xf32, #tpu.memory_space<vmem>>, vector<16xf32>,
    %broadcast_in_dim3A_1061 = arith.constant 0xFF800000 : f32
    %broadcast_in_dim3A_1062 = vector.broadcast %broadcast_in_dim3A_1061 : f32 to vector<16xf32>
    %add3A_1063 = arith.constant 32 : i32
    %add3A_1064 = arith.addi %scan3A_1041#0, %add3A_1063 : i32
    %swap3A_1065 = arith.index_cast %add3A_1064 : i32 to index
    %swap3A_1066 = tpu.vector_load %arg6[%swap3A_1065] {strides = array<i32>} : memref<32832xf32, #tpu.memory_space<vmem>>, vector<16xf32>,
    tpu.vector_store %arg6[%swap3A_1065], %broadcast_in_dim3A_1062 {strides = array<i32>} : memref<32832xf32, #tpu.memory_space<vmem>>, vector<16xf32>,
    %broadcast_in_dim3A_1067 = arith.constant 0xFF800000 : f32
    %broadcast_in_dim3A_1068 = vector.broadcast %broadcast_in_dim3A_1067 : f32 to vector<16xf32>
    %add3A_1069 = arith.constant 48 : i32
    %add3A_1070 = arith.addi %scan3A_1041#0, %add3A_1069 : i32
    %swap3A_1071 = arith.index_cast %add3A_1070 : i32 to index
    %swap3A_1072 = tpu.vector_load %arg6[%swap3A_1071] {strides = array<i32>} : memref<32832xf32, #tpu.memory_space<vmem>>, vector<16xf32>,
    tpu.vector_store %arg6[%swap3A_1071], %broadcast_in_dim3A_1068 {strides = array<i32>} : memref<32832xf32, #tpu.memory_space<vmem>>, vector<16xf32>,
    %add3A_1073 = arith.constant 15 : i32
    %add3A_1074 = arith.addi %scan3A_1041#0, %add3A_1073 : i32
    %jit3A_1075 = arith.constant 16 : i32
    %div3A_1076 = arith.divsi %add3A_1074, %jit3A_1075 : i32
    %sign3A_1077 = arith.constant 0 : i32
    %sign3A_1078 = arith.cmpi sgt, %add3A_1074, %sign3A_1077 : i32
    %sign3A_1079 = arith.extui %sign3A_1078 : i1 to i32
    %sign3A_1080 = arith.constant 0 : i32
    %sign3A_1081 = arith.cmpi slt, %add3A_1074, %sign3A_1080 : i32
    %sign3A_1082 = arith.extui %sign3A_1081 : i1 to i32
    %sign3A_1083 = arith.subi %sign3A_1079, %sign3A_1082 : i32
    %sign3A_1084 = arith.constant 0 : i32
    %sign3A_1085 = arith.cmpi sgt, %jit3A_1075, %sign3A_1084 : i32
    %sign3A_1086 = arith.extui %sign3A_1085 : i1 to i32
    %sign3A_1087 = arith.constant 0 : i32
    %sign3A_1088 = arith.cmpi slt, %jit3A_1075, %sign3A_1087 : i32
    %sign3A_1089 = arith.extui %sign3A_1088 : i1 to i32
    %sign3A_1090 = arith.subi %sign3A_1086, %sign3A_1089 : i32
    %ne3A_1091 = arith.cmpi ne, %sign3A_1083, %sign3A_1090 : i32
    %rem3A_1092 = arith.remsi %add3A_1074, %jit3A_1075 : i32
    %ne3A_1093 = arith.constant 0 : i32
    %ne3A_1094 = arith.cmpi ne, %rem3A_1092, %ne3A_1093 : i32
    %and3A_1095 = arith.andi %ne3A_1091, %ne3A_1094 : i1
    %sub3A_1096 = arith.constant 1 : i32
    %sub3A_1097 = arith.subi %div3A_1076, %sub3A_1096 : i32
    %select_n3A_1098 = arith.select %and3A_1095, %sub3A_1097, %div3A_1076 : i32
    %add3A_1099 = arith.constant 63 : i32
    %add3A_1100 = arith.addi %scan3A_1041#0, %add3A_1099 : i32
    %jit3A_1101 = arith.constant 64 : i32
    %div3A_1102 = arith.divsi %add3A_1100, %jit3A_1101 : i32
    %sign3A_1103 = arith.constant 0 : i32
    %sign3A_1104 = arith.cmpi sgt, %add3A_1100, %sign3A_1103 : i32
    %sign3A_1105 = arith.extui %sign3A_1104 : i1 to i32
    %sign3A_1106 = arith.constant 0 : i32
    %sign3A_1107 = arith.cmpi slt, %add3A_1100, %sign3A_1106 : i32
    %sign3A_1108 = arith.extui %sign3A_1107 : i1 to i32
    %sign3A_1109 = arith.subi %sign3A_1105, %sign3A_1108 : i32
    %sign3A_1110 = arith.constant 0 : i32
    %sign3A_1111 = arith.cmpi sgt, %jit3A_1101, %sign3A_1110 : i32
    %sign3A_1112 = arith.extui %sign3A_1111 : i1 to i32
    %sign3A_1113 = arith.constant 0 : i32
    %sign3A_1114 = arith.cmpi slt, %jit3A_1101, %sign3A_1113 : i32
    %sign3A_1115 = arith.extui %sign3A_1114 : i1 to i32
    %sign3A_1116 = arith.subi %sign3A_1112, %sign3A_1115 : i32
    %ne3A_1117 = arith.cmpi ne, %sign3A_1109, %sign3A_1116 : i32
    %rem3A_1118 = arith.remsi %add3A_1100, %jit3A_1101 : i32
    %ne3A_1119 = arith.constant 0 : i32
    %ne3A_1120 = arith.cmpi ne, %rem3A_1118, %ne3A_1119 : i32
    %and3A_1121 = arith.andi %ne3A_1117, %ne3A_1120 : i1
    %sub3A_1122 = arith.constant 1 : i32
    %sub3A_1123 = arith.subi %div3A_1102, %sub3A_1122 : i32
    %select_n3A_1124 = arith.select %and3A_1121, %sub3A_1123, %div3A_1102 : i32
    %sub3A_1125 = arith.constant 3277 : i32
    %sub3A_1126 = arith.subi %sub3A_1125, %squeeze3A_1044 : i32
    %add3A_1127 = vector.broadcast %sub3A_1126 : i32 to vector<16xi32>
    %add3A_1128 = arith.addi %broadcast_in_dim3A_3, %add3A_1127 : vector<16xi32>
    %sub3A_1129 = arith.subi %select_n3A_1035, %select_n3A_1027 : i32
    %convert_element_type3A_1130 = arith.uitofp %sub3A_1129 : i32 to f32
    %bitcast_convert_type3A_1131 = arith.bitcast %convert_element_type3A_1130 : f32 to i32
    %shift_right_logical3A_1132 = arith.constant 23 : i32
    %shift_right_logical3A_1133 = arith.shrui %bitcast_convert_type3A_1131, %shift_right_logical3A_1132 : i32
    %and3A_1134 = arith.constant 255 : i32
    %and3A_1135 = arith.andi %shift_right_logical3A_1133, %and3A_1134 : i32
    %sub3A_1136 = arith.constant 126 : i32
    %sub3A_1137 = arith.subi %and3A_1135, %sub3A_1136 : i32
    %broadcast_in_dim3A_1138 = arith.constant 0 : i32
    %broadcast_in_dim3A_1139 = vector.broadcast %broadcast_in_dim3A_1138 : i32 to vector<16xi32>
    %add3A_1140 = vector.broadcast %select_n3A_1027 : i32 to vector<16xi32>
    %add3A_1141 = arith.addi %broadcast_in_dim3A_1139, %add3A_1140 : vector<16xi32>
    %broadcast_in_dim3A_1142 = arith.constant 0 : i32
    %broadcast_in_dim3A_1143 = vector.broadcast %broadcast_in_dim3A_1142 : i32 to vector<16xi32>
    %add3A_1144 = vector.broadcast %select_n3A_1035 : i32 to vector<16xi32>
    %add3A_1145 = arith.addi %broadcast_in_dim3A_1143, %add3A_1144 : vector<16xi32>
    %while3A_1146 = arith.constant 0 : i32
    %while3A_1147 = arith.subi %sub3A_1137, %while3A_1146 : i32
    %while3A_1148 = arith.addi %while3A_1146, %while3A_1147 : i32
    %while3A_1149 = arith.constant 1 : i32
    %while3A_1150 = arith.divsi %while3A_1147, %while3A_1149 : i32
    %while3A_1151 = arith.muli %while3A_1150, %while3A_1149 : i32
    %while3A_1152 = arith.addi %while3A_1146, %while3A_1151 : i32
    %while3A_1153 = arith.constant 1 : i32
    %while3A_1154:2 = scf.for %while3A_1233 = %while3A_1146 to %while3A_1152 step %while3A_1153 iter_args(%while3A_1234 = %add3A_1141, %while3A_1235 = %add3A_1145) -> (vector<16xi32>, vector<16xi32>)  : i32 {
      %sub3A_1236 = arith.subi %while3A_1235, %while3A_1234 : vector<16xi32>
      %shift_right_logical3A_1237 = arith.constant 1 : i32
      %shift_right_logical3A_1238 = vector.broadcast %shift_right_logical3A_1237 : i32 to vector<16xi32>
      %shift_right_logical3A_1239 = arith.shrui %sub3A_1236, %shift_right_logical3A_1238 : vector<16xi32>
      %add3A_1240 = arith.addi %while3A_1234, %shift_right_logical3A_1239 : vector<16xi32>
      %ge3A_1241 = arith.constant -2147483648 : i32
      %ge3A_1242 = vector.broadcast %ge3A_1241 : i32 to vector<16xi32>
      %ge3A_1243 = arith.cmpi uge, %add3A_1240, %ge3A_1242 : vector<16xi32>
      %and3A_1244 = arith.constant 2147483647 : i32
      %and3A_1245 = vector.broadcast %and3A_1244 : i32 to vector<16xi32>
      %and3A_1246 = arith.andi %add3A_1240, %and3A_1245 : vector<16xi32>
      %not3A_1247 = arith.constant dense<-1> : vector<16xi32>
      %not3A_1248 = arith.xori %add3A_1240, %not3A_1247 : vector<16xi32>
      %select_n3A_1249 = arith.select %ge3A_1243, %and3A_1246, %not3A_1248 : vector<16xi1>, vector<16xi32>
      %bitcast_convert_type3A_1250 = tpu.bitcast %select_n3A_1249 : vector<16xi32> -> vector<16xf32>
      %while3A_1251 = arith.constant 0 : i32
      %while3A_1252 = arith.subi %select_n3A_1124, %while3A_1251 : i32
      %while3A_1253 = arith.addi %while3A_1251, %while3A_1252 : i32
      %while3A_1254 = arith.constant 1 : i32
      %while3A_1255 = arith.divsi %while3A_1252, %while3A_1254 : i32
      %while3A_1256 = arith.muli %while3A_1255, %while3A_1254 : i32
      %while3A_1257 = arith.addi %while3A_1251, %while3A_1256 : i32
      %while3A_1258 = arith.constant 1 : i32
      %while3A_1259 = scf.for %while3A_1268 = %while3A_1251 to %while3A_1257 step %while3A_1258 iter_args(%while3A_1269 = %broadcast_in_dim3A_3) -> (vector<16xi32>)  : i32 {
        %mul3A_1270 = arith.constant 4 : i32
        %mul3A_1271 = arith.muli %while3A_1268, %mul3A_1270 : i32
        %add3A_1272 = arith.constant 0 : i32
        %add3A_1273 = arith.addi %mul3A_1271, %add3A_1272 : i32
        %mul3A_1274 = arith.constant 16 : i32
        %mul3A_1275 = arith.muli %add3A_1273, %mul3A_1274 : i32
        %get3A = arith.index_cast %mul3A_1275 : i32 to index
        %get3A_1276 = tpu.vector_load %arg6[%get3A] {strides = array<i32>} : memref<32832xf32, #tpu.memory_space<vmem>>, vector<16xf32>,
        %mul3A_1277 = arith.constant 4 : i32
        %mul3A_1278 = arith.muli %while3A_1268, %mul3A_1277 : i32
        %add3A_1279 = arith.constant 1 : i32
        %add3A_1280 = arith.addi %mul3A_1278, %add3A_1279 : i32
        %mul3A_1281 = arith.constant 16 : i32
        %mul3A_1282 = arith.muli %add3A_1280, %mul3A_1281 : i32
        %get3A_1283 = arith.index_cast %mul3A_1282 : i32 to index
        %get3A_1284 = tpu.vector_load %arg6[%get3A_1283] {strides = array<i32>} : memref<32832xf32, #tpu.memory_space<vmem>>, vector<16xf32>,
        %mul3A_1285 = arith.constant 4 : i32
        %mul3A_1286 = arith.muli %while3A_1268, %mul3A_1285 : i32
        %add3A_1287 = arith.constant 2 : i32
        %add3A_1288 = arith.addi %mul3A_1286, %add3A_1287 : i32
        %mul3A_1289 = arith.constant 16 : i32
        %mul3A_1290 = arith.muli %add3A_1288, %mul3A_1289 : i32
        %get3A_1291 = arith.index_cast %mul3A_1290 : i32 to index
        %get3A_1292 = tpu.vector_load %arg6[%get3A_1291] {strides = array<i32>} : memref<32832xf32, #tpu.memory_space<vmem>>, vector<16xf32>,
        %mul3A_1293 = arith.constant 4 : i32
        %mul3A_1294 = arith.muli %while3A_1268, %mul3A_1293 : i32
        %add3A_1295 = arith.constant 3 : i32
        %add3A_1296 = arith.addi %mul3A_1294, %add3A_1295 : i32
        %mul3A_1297 = arith.constant 16 : i32
        %mul3A_1298 = arith.muli %add3A_1296, %mul3A_1297 : i32
        %get3A_1299 = arith.index_cast %mul3A_1298 : i32 to index
        %get3A_1300 = tpu.vector_load %arg6[%get3A_1299] {strides = array<i32>} : memref<32832xf32, #tpu.memory_space<vmem>>, vector<16xf32>,
        %gt3A = arith.cmpf ogt, %get3A_1276, %bitcast_convert_type3A_1250 : vector<16xf32>
        %gt3A_1301 = arith.cmpf ogt, %get3A_1284, %bitcast_convert_type3A_1250 : vector<16xf32>
        %gt3A_1302 = arith.cmpf ogt, %get3A_1292, %bitcast_convert_type3A_1250 : vector<16xf32>
        %gt3A_1303 = arith.cmpf ogt, %get3A_1300, %bitcast_convert_type3A_1250 : vector<16xf32>
        %all_reduce_population_count3A = tpu.all_reduce %gt3A {dim = 0 : i64, kind = #tpu.reduction_kind<sum>} : vector<16xi1> -> vector<16xi32>
        %add3A_1304 = arith.addi %while3A_1269, %all_reduce_population_count3A : vector<16xi32>
        %all_reduce_population_count3A_1305 = tpu.all_reduce %gt3A_1301 {dim = 0 : i64, kind = #tpu.reduction_kind<sum>} : vector<16xi1> -> vector<16xi32>
        %add3A_1306 = arith.addi %add3A_1304, %all_reduce_population_count3A_1305 : vector<16xi32>
        %all_reduce_population_count3A_1307 = tpu.all_reduce %gt3A_1302 {dim = 0 : i64, kind = #tpu.reduction_kind<sum>} : vector<16xi1> -> vector<16xi32>
        %add3A_1308 = arith.addi %add3A_1306, %all_reduce_population_count3A_1307 : vector<16xi32>
        %all_reduce_population_count3A_1309 = tpu.all_reduce %gt3A_1303 {dim = 0 : i64, kind = #tpu.reduction_kind<sum>} : vector<16xi1> -> vector<16xi32>
        %add3A_1310 = arith.addi %add3A_1308, %all_reduce_population_count3A_1309 : vector<16xi32>
        scf.yield %add3A_1310 : vector<16xi32>
      }
      %while3A_1260 = arith.constant 1 : i32
      %while3A_1261 = scf.for %while3A_1268 = %while3A_1257 to %while3A_1253 step %while3A_1260 iter_args(%while3A_1269 = %while3A_1259) -> (vector<16xi32>)  : i32 {
        %mul3A_1270 = arith.constant 4 : i32
        %mul3A_1271 = arith.muli %while3A_1268, %mul3A_1270 : i32
        %add3A_1272 = arith.constant 0 : i32
        %add3A_1273 = arith.addi %mul3A_1271, %add3A_1272 : i32
        %mul3A_1274 = arith.constant 16 : i32
        %mul3A_1275 = arith.muli %add3A_1273, %mul3A_1274 : i32
        %get3A = arith.index_cast %mul3A_1275 : i32 to index
        %get3A_1276 = tpu.vector_load %arg6[%get3A] {strides = array<i32>} : memref<32832xf32, #tpu.memory_space<vmem>>, vector<16xf32>,
        %mul3A_1277 = arith.constant 4 : i32
        %mul3A_1278 = arith.muli %while3A_1268, %mul3A_1277 : i32
        %add3A_1279 = arith.constant 1 : i32
        %add3A_1280 = arith.addi %mul3A_1278, %add3A_1279 : i32
        %mul3A_1281 = arith.constant 16 : i32
        %mul3A_1282 = arith.muli %add3A_1280, %mul3A_1281 : i32
        %get3A_1283 = arith.index_cast %mul3A_1282 : i32 to index
        %get3A_1284 = tpu.vector_load %arg6[%get3A_1283] {strides = array<i32>} : memref<32832xf32, #tpu.memory_space<vmem>>, vector<16xf32>,
        %mul3A_1285 = arith.constant 4 : i32
        %mul3A_1286 = arith.muli %while3A_1268, %mul3A_1285 : i32
        %add3A_1287 = arith.constant 2 : i32
        %add3A_1288 = arith.addi %mul3A_1286, %add3A_1287 : i32
        %mul3A_1289 = arith.constant 16 : i32
        %mul3A_1290 = arith.muli %add3A_1288, %mul3A_1289 : i32
        %get3A_1291 = arith.index_cast %mul3A_1290 : i32 to index
        %get3A_1292 = tpu.vector_load %arg6[%get3A_1291] {strides = array<i32>} : memref<32832xf32, #tpu.memory_space<vmem>>, vector<16xf32>,
        %mul3A_1293 = arith.constant 4 : i32
        %mul3A_1294 = arith.muli %while3A_1268, %mul3A_1293 : i32
        %add3A_1295 = arith.constant 3 : i32
        %add3A_1296 = arith.addi %mul3A_1294, %add3A_1295 : i32
        %mul3A_1297 = arith.constant 16 : i32
        %mul3A_1298 = arith.muli %add3A_1296, %mul3A_1297 : i32
        %get3A_1299 = arith.index_cast %mul3A_1298 : i32 to index
        %get3A_1300 = tpu.vector_load %arg6[%get3A_1299] {strides = array<i32>} : memref<32832xf32, #tpu.memory_space<vmem>>, vector<16xf32>,
        %gt3A = arith.cmpf ogt, %get3A_1276, %bitcast_convert_type3A_1250 : vector<16xf32>
        %gt3A_1301 = arith.cmpf ogt, %get3A_1284, %bitcast_convert_type3A_1250 : vector<16xf32>
        %gt3A_1302 = arith.cmpf ogt, %get3A_1292, %bitcast_convert_type3A_1250 : vector<16xf32>
        %gt3A_1303 = arith.cmpf ogt, %get3A_1300, %bitcast_convert_type3A_1250 : vector<16xf32>
        %all_reduce_population_count3A = tpu.all_reduce %gt3A {dim = 0 : i64, kind = #tpu.reduction_kind<sum>} : vector<16xi1> -> vector<16xi32>
        %add3A_1304 = arith.addi %while3A_1269, %all_reduce_population_count3A : vector<16xi32>
        %all_reduce_population_count3A_1305 = tpu.all_reduce %gt3A_1301 {dim = 0 : i64, kind = #tpu.reduction_kind<sum>} : vector<16xi1> -> vector<16xi32>
        %add3A_1306 = arith.addi %add3A_1304, %all_reduce_population_count3A_1305 : vector<16xi32>
        %all_reduce_population_count3A_1307 = tpu.all_reduce %gt3A_1302 {dim = 0 : i64, kind = #tpu.reduction_kind<sum>} : vector<16xi1> -> vector<16xi32>
        %add3A_1308 = arith.addi %add3A_1306, %all_reduce_population_count3A_1307 : vector<16xi32>
        %all_reduce_population_count3A_1309 = tpu.all_reduce %gt3A_1303 {dim = 0 : i64, kind = #tpu.reduction_kind<sum>} : vector<16xi1> -> vector<16xi32>
        %add3A_1310 = arith.addi %add3A_1308, %all_reduce_population_count3A_1309 : vector<16xi32>
        scf.yield %add3A_1310 : vector<16xi32>
      }
      %le3A_1262 = arith.cmpi sle, %while3A_1261, %add3A_1128 : vector<16xi32>
      %add3A_1263 = arith.constant 1 : i32
      %add3A_1264 = vector.broadcast %add3A_1263 : i32 to vector<16xi32>
      %add3A_1265 = arith.addi %add3A_1240, %add3A_1264 : vector<16xi32>
      %select_n3A_1266 = arith.select %le3A_1262, %while3A_1234, %add3A_1265 : vector<16xi1>, vector<16xi32>
      %select_n3A_1267 = arith.select %le3A_1262, %add3A_1240, %while3A_1235 : vector<16xi1>, vector<16xi32>
      scf.yield %select_n3A_1266, %select_n3A_1267 : vector<16xi32>, vector<16xi32>
    }
    %while3A_1155 = arith.constant 1 : i32
    %while3A_1156:2 = scf.for %while3A_1233 = %while3A_1152 to %while3A_1148 step %while3A_1155 iter_args(%while3A_1234 = %while3A_1154#0, %while3A_1235 = %while3A_1154#1) -> (vector<16xi32>, vector<16xi32>)  : i32 {
      %sub3A_1236 = arith.subi %while3A_1235, %while3A_1234 : vector<16xi32>
      %shift_right_logical3A_1237 = arith.constant 1 : i32
      %shift_right_logical3A_1238 = vector.broadcast %shift_right_logical3A_1237 : i32 to vector<16xi32>
      %shift_right_logical3A_1239 = arith.shrui %sub3A_1236, %shift_right_logical3A_1238 : vector<16xi32>
      %add3A_1240 = arith.addi %while3A_1234, %shift_right_logical3A_1239 : vector<16xi32>
      %ge3A_1241 = arith.constant -2147483648 : i32
      %ge3A_1242 = vector.broadcast %ge3A_1241 : i32 to vector<16xi32>
      %ge3A_1243 = arith.cmpi uge, %add3A_1240, %ge3A_1242 : vector<16xi32>
      %and3A_1244 = arith.constant 2147483647 : i32
      %and3A_1245 = vector.broadcast %and3A_1244 : i32 to vector<16xi32>
      %and3A_1246 = arith.andi %add3A_1240, %and3A_1245 : vector<16xi32>
      %not3A_1247 = arith.constant dense<-1> : vector<16xi32>
      %not3A_1248 = arith.xori %add3A_1240, %not3A_1247 : vector<16xi32>
      %select_n3A_1249 = arith.select %ge3A_1243, %and3A_1246, %not3A_1248 : vector<16xi1>, vector<16xi32>
      %bitcast_convert_type3A_1250 = tpu.bitcast %select_n3A_1249 : vector<16xi32> -> vector<16xf32>
      %while3A_1251 = arith.constant 0 : i32
      %while3A_1252 = arith.subi %select_n3A_1124, %while3A_1251 : i32
      %while3A_1253 = arith.addi %while3A_1251, %while3A_1252 : i32
      %while3A_1254 = arith.constant 1 : i32
      %while3A_1255 = arith.divsi %while3A_1252, %while3A_1254 : i32
      %while3A_1256 = arith.muli %while3A_1255, %while3A_1254 : i32
      %while3A_1257 = arith.addi %while3A_1251, %while3A_1256 : i32
      %while3A_1258 = arith.constant 1 : i32
      %while3A_1259 = scf.for %while3A_1268 = %while3A_1251 to %while3A_1257 step %while3A_1258 iter_args(%while3A_1269 = %broadcast_in_dim3A_3) -> (vector<16xi32>)  : i32 {
        %mul3A_1270 = arith.constant 4 : i32
        %mul3A_1271 = arith.muli %while3A_1268, %mul3A_1270 : i32
        %add3A_1272 = arith.constant 0 : i32
        %add3A_1273 = arith.addi %mul3A_1271, %add3A_1272 : i32
        %mul3A_1274 = arith.constant 16 : i32
        %mul3A_1275 = arith.muli %add3A_1273, %mul3A_1274 : i32
        %get3A = arith.index_cast %mul3A_1275 : i32 to index
        %get3A_1276 = tpu.vector_load %arg6[%get3A] {strides = array<i32>} : memref<32832xf32, #tpu.memory_space<vmem>>, vector<16xf32>,
        %mul3A_1277 = arith.constant 4 : i32
        %mul3A_1278 = arith.muli %while3A_1268, %mul3A_1277 : i32
        %add3A_1279 = arith.constant 1 : i32
        %add3A_1280 = arith.addi %mul3A_1278, %add3A_1279 : i32
        %mul3A_1281 = arith.constant 16 : i32
        %mul3A_1282 = arith.muli %add3A_1280, %mul3A_1281 : i32
        %get3A_1283 = arith.index_cast %mul3A_1282 : i32 to index
        %get3A_1284 = tpu.vector_load %arg6[%get3A_1283] {strides = array<i32>} : memref<32832xf32, #tpu.memory_space<vmem>>, vector<16xf32>,
        %mul3A_1285 = arith.constant 4 : i32
        %mul3A_1286 = arith.muli %while3A_1268, %mul3A_1285 : i32
        %add3A_1287 = arith.constant 2 : i32
        %add3A_1288 = arith.addi %mul3A_1286, %add3A_1287 : i32
        %mul3A_1289 = arith.constant 16 : i32
        %mul3A_1290 = arith.muli %add3A_1288, %mul3A_1289 : i32
        %get3A_1291 = arith.index_cast %mul3A_1290 : i32 to index
        %get3A_1292 = tpu.vector_load %arg6[%get3A_1291] {strides = array<i32>} : memref<32832xf32, #tpu.memory_space<vmem>>, vector<16xf32>,
        %mul3A_1293 = arith.constant 4 : i32
        %mul3A_1294 = arith.muli %while3A_1268, %mul3A_1293 : i32
        %add3A_1295 = arith.constant 3 : i32
        %add3A_1296 = arith.addi %mul3A_1294, %add3A_1295 : i32
        %mul3A_1297 = arith.constant 16 : i32
        %mul3A_1298 = arith.muli %add3A_1296, %mul3A_1297 : i32
        %get3A_1299 = arith.index_cast %mul3A_1298 : i32 to index
        %get3A_1300 = tpu.vector_load %arg6[%get3A_1299] {strides = array<i32>} : memref<32832xf32, #tpu.memory_space<vmem>>, vector<16xf32>,
        %gt3A = arith.cmpf ogt, %get3A_1276, %bitcast_convert_type3A_1250 : vector<16xf32>
        %gt3A_1301 = arith.cmpf ogt, %get3A_1284, %bitcast_convert_type3A_1250 : vector<16xf32>
        %gt3A_1302 = arith.cmpf ogt, %get3A_1292, %bitcast_convert_type3A_1250 : vector<16xf32>
        %gt3A_1303 = arith.cmpf ogt, %get3A_1300, %bitcast_convert_type3A_1250 : vector<16xf32>
        %all_reduce_population_count3A = tpu.all_reduce %gt3A {dim = 0 : i64, kind = #tpu.reduction_kind<sum>} : vector<16xi1> -> vector<16xi32>
        %add3A_1304 = arith.addi %while3A_1269, %all_reduce_population_count3A : vector<16xi32>
        %all_reduce_population_count3A_1305 = tpu.all_reduce %gt3A_1301 {dim = 0 : i64, kind = #tpu.reduction_kind<sum>} : vector<16xi1> -> vector<16xi32>
        %add3A_1306 = arith.addi %add3A_1304, %all_reduce_population_count3A_1305 : vector<16xi32>
        %all_reduce_population_count3A_1307 = tpu.all_reduce %gt3A_1302 {dim = 0 : i64, kind = #tpu.reduction_kind<sum>} : vector<16xi1> -> vector<16xi32>
        %add3A_1308 = arith.addi %add3A_1306, %all_reduce_population_count3A_1307 : vector<16xi32>
        %all_reduce_population_count3A_1309 = tpu.all_reduce %gt3A_1303 {dim = 0 : i64, kind = #tpu.reduction_kind<sum>} : vector<16xi1> -> vector<16xi32>
        %add3A_1310 = arith.addi %add3A_1308, %all_reduce_population_count3A_1309 : vector<16xi32>
        scf.yield %add3A_1310 : vector<16xi32>
      }
      %while3A_1260 = arith.constant 1 : i32
      %while3A_1261 = scf.for %while3A_1268 = %while3A_1257 to %while3A_1253 step %while3A_1260 iter_args(%while3A_1269 = %while3A_1259) -> (vector<16xi32>)  : i32 {
        %mul3A_1270 = arith.constant 4 : i32
        %mul3A_1271 = arith.muli %while3A_1268, %mul3A_1270 : i32
        %add3A_1272 = arith.constant 0 : i32
        %add3A_1273 = arith.addi %mul3A_1271, %add3A_1272 : i32
        %mul3A_1274 = arith.constant 16 : i32
        %mul3A_1275 = arith.muli %add3A_1273, %mul3A_1274 : i32
        %get3A = arith.index_cast %mul3A_1275 : i32 to index
        %get3A_1276 = tpu.vector_load %arg6[%get3A] {strides = array<i32>} : memref<32832xf32, #tpu.memory_space<vmem>>, vector<16xf32>,
        %mul3A_1277 = arith.constant 4 : i32
        %mul3A_1278 = arith.muli %while3A_1268, %mul3A_1277 : i32
        %add3A_1279 = arith.constant 1 : i32
        %add3A_1280 = arith.addi %mul3A_1278, %add3A_1279 : i32
        %mul3A_1281 = arith.constant 16 : i32
        %mul3A_1282 = arith.muli %add3A_1280, %mul3A_1281 : i32
        %get3A_1283 = arith.index_cast %mul3A_1282 : i32 to index
        %get3A_1284 = tpu.vector_load %arg6[%get3A_1283] {strides = array<i32>} : memref<32832xf32, #tpu.memory_space<vmem>>, vector<16xf32>,
        %mul3A_1285 = arith.constant 4 : i32
        %mul3A_1286 = arith.muli %while3A_1268, %mul3A_1285 : i32
        %add3A_1287 = arith.constant 2 : i32
        %add3A_1288 = arith.addi %mul3A_1286, %add3A_1287 : i32
        %mul3A_1289 = arith.constant 16 : i32
        %mul3A_1290 = arith.muli %add3A_1288, %mul3A_1289 : i32
        %get3A_1291 = arith.index_cast %mul3A_1290 : i32 to index
        %get3A_1292 = tpu.vector_load %arg6[%get3A_1291] {strides = array<i32>} : memref<32832xf32, #tpu.memory_space<vmem>>, vector<16xf32>,
        %mul3A_1293 = arith.constant 4 : i32
        %mul3A_1294 = arith.muli %while3A_1268, %mul3A_1293 : i32
        %add3A_1295 = arith.constant 3 : i32
        %add3A_1296 = arith.addi %mul3A_1294, %add3A_1295 : i32
        %mul3A_1297 = arith.constant 16 : i32
        %mul3A_1298 = arith.muli %add3A_1296, %mul3A_1297 : i32
        %get3A_1299 = arith.index_cast %mul3A_1298 : i32 to index
        %get3A_1300 = tpu.vector_load %arg6[%get3A_1299] {strides = array<i32>} : memref<32832xf32, #tpu.memory_space<vmem>>, vector<16xf32>,
        %gt3A = arith.cmpf ogt, %get3A_1276, %bitcast_convert_type3A_1250 : vector<16xf32>
        %gt3A_1301 = arith.cmpf ogt, %get3A_1284, %bitcast_convert_type3A_1250 : vector<16xf32>
        %gt3A_1302 = arith.cmpf ogt, %get3A_1292, %bitcast_convert_type3A_1250 : vector<16xf32>
        %gt3A_1303 = arith.cmpf ogt, %get3A_1300, %bitcast_convert_type3A_1250 : vector<16xf32>
        %all_reduce_population_count3A = tpu.all_reduce %gt3A {dim = 0 : i64, kind = #tpu.reduction_kind<sum>} : vector<16xi1> -> vector<16xi32>
        %add3A_1304 = arith.addi %while3A_1269, %all_reduce_population_count3A : vector<16xi32>
        %all_reduce_population_count3A_1305 = tpu.all_reduce %gt3A_1301 {dim = 0 : i64, kind = #tpu.reduction_kind<sum>} : vector<16xi1> -> vector<16xi32>
        %add3A_1306 = arith.addi %add3A_1304, %all_reduce_population_count3A_1305 : vector<16xi32>
        %all_reduce_population_count3A_1307 = tpu.all_reduce %gt3A_1302 {dim = 0 : i64, kind = #tpu.reduction_kind<sum>} : vector<16xi1> -> vector<16xi32>
        %add3A_1308 = arith.addi %add3A_1306, %all_reduce_population_count3A_1307 : vector<16xi32>
        %all_reduce_population_count3A_1309 = tpu.all_reduce %gt3A_1303 {dim = 0 : i64, kind = #tpu.reduction_kind<sum>} : vector<16xi1> -> vector<16xi32>
        %add3A_1310 = arith.addi %add3A_1308, %all_reduce_population_count3A_1309 : vector<16xi32>
        scf.yield %add3A_1310 : vector<16xi32>
      }
      %le3A_1262 = arith.cmpi sle, %while3A_1261, %add3A_1128 : vector<16xi32>
      %add3A_1263 = arith.constant 1 : i32
      %add3A_1264 = vector.broadcast %add3A_1263 : i32 to vector<16xi32>
      %add3A_1265 = arith.addi %add3A_1240, %add3A_1264 : vector<16xi32>
      %select_n3A_1266 = arith.select %le3A_1262, %while3A_1234, %add3A_1265 : vector<16xi1>, vector<16xi32>
      %select_n3A_1267 = arith.select %le3A_1262, %add3A_1240, %while3A_1235 : vector<16xi1>, vector<16xi32>
      scf.yield %select_n3A_1266, %select_n3A_1267 : vector<16xi32>, vector<16xi32>
    }
    %ge3A_1157 = arith.constant -2147483648 : i32
    %ge3A_1158 = vector.broadcast %ge3A_1157 : i32 to vector<16xi32>
    %ge3A_1159 = arith.cmpi uge, %while3A_1156#0, %ge3A_1158 : vector<16xi32>
    %and3A_1160 = arith.constant 2147483647 : i32
    %and3A_1161 = vector.broadcast %and3A_1160 : i32 to vector<16xi32>
    %and3A_1162 = arith.andi %while3A_1156#0, %and3A_1161 : vector<16xi32>
    %not3A_1163 = arith.constant dense<-1> : vector<16xi32>
    %not3A_1164 = arith.xori %while3A_1156#0, %not3A_1163 : vector<16xi32>
    %select_n3A_1165 = arith.select %ge3A_1159, %and3A_1162, %not3A_1164 : vector<16xi1>, vector<16xi32>
    %bitcast_convert_type3A_1166 = tpu.bitcast %select_n3A_1165 : vector<16xi32> -> vector<16xf32>
    %broadcast_in_dim3A_1167 = arith.constant 0x7F800000 : f32
    %broadcast_in_dim3A_1168 = vector.broadcast %broadcast_in_dim3A_1167 : f32 to vector<16xf32>
    %while3A_1169 = arith.constant 0 : i32
    %while3A_1170 = arith.subi %select_n3A_1098, %while3A_1169 : i32
    %while3A_1171 = arith.addi %while3A_1169, %while3A_1170 : i32
    %while3A_1172 = arith.constant 1 : i32
    %while3A_1173 = arith.divsi %while3A_1170, %while3A_1172 : i32
    %while3A_1174 = arith.muli %while3A_1173, %while3A_1172 : i32
    %while3A_1175 = arith.addi %while3A_1169, %while3A_1174 : i32
    %while3A_1176 = arith.constant 1 : i32
    %while3A_1177:2 = scf.for %while3A_1233 = %while3A_1169 to %while3A_1175 step %while3A_1176 iter_args(%while3A_1234 = %broadcast_in_dim3A_3, %while3A_1235 = %broadcast_in_dim3A_1168) -> (vector<16xi32>, vector<16xf32>)  : i32 {
      %mul3A_1236 = arith.constant 16 : i32
      %mul3A_1237 = arith.muli %while3A_1233, %mul3A_1236 : i32
      %get3A = arith.index_cast %mul3A_1237 : i32 to index
      %get3A_1238 = tpu.vector_load %arg6[%get3A] {strides = array<i32>} : memref<32832xf32, #tpu.memory_space<vmem>>, vector<16xf32>,
      %gt3A = arith.cmpf ogt, %get3A_1238, %bitcast_convert_type3A_1166 : vector<16xf32>
      %all_reduce_population_count3A = tpu.all_reduce %gt3A {dim = 0 : i64, kind = #tpu.reduction_kind<sum>} : vector<16xi1> -> vector<16xi32>
      %add3A_1239 = arith.addi %while3A_1234, %all_reduce_population_count3A : vector<16xi32>
      %jit3A_1240 = arith.constant 0x7F800000 : f32
      %broadcast_in_dim3A_1241 = vector.broadcast %jit3A_1240 : f32 to vector<16xf32>
      %select_n3A_1242 = arith.select %gt3A, %get3A_1238, %broadcast_in_dim3A_1241 : vector<16xi1>, vector<16xf32>
      %min3A = arith.minimumf %while3A_1235, %select_n3A_1242 : vector<16xf32>
      scf.yield %add3A_1239, %min3A : vector<16xi32>, vector<16xf32>
    }
    %while3A_1178 = arith.constant 1 : i32
    %while3A_1179:2 = scf.for %while3A_1233 = %while3A_1175 to %while3A_1171 step %while3A_1178 iter_args(%while3A_1234 = %while3A_1177#0, %while3A_1235 = %while3A_1177#1) -> (vector<16xi32>, vector<16xf32>)  : i32 {
      %mul3A_1236 = arith.constant 16 : i32
      %mul3A_1237 = arith.muli %while3A_1233, %mul3A_1236 : i32
      %get3A = arith.index_cast %mul3A_1237 : i32 to index
      %get3A_1238 = tpu.vector_load %arg6[%get3A] {strides = array<i32>} : memref<32832xf32, #tpu.memory_space<vmem>>, vector<16xf32>,
      %gt3A = arith.cmpf ogt, %get3A_1238, %bitcast_convert_type3A_1166 : vector<16xf32>
      %all_reduce_population_count3A = tpu.all_reduce %gt3A {dim = 0 : i64, kind = #tpu.reduction_kind<sum>} : vector<16xi1> -> vector<16xi32>
      %add3A_1239 = arith.addi %while3A_1234, %all_reduce_population_count3A : vector<16xi32>
      %jit3A_1240 = arith.constant 0x7F800000 : f32
      %broadcast_in_dim3A_1241 = vector.broadcast %jit3A_1240 : f32 to vector<16xf32>
      %select_n3A_1242 = arith.select %gt3A, %get3A_1238, %broadcast_in_dim3A_1241 : vector<16xi1>, vector<16xf32>
      %min3A = arith.minimumf %while3A_1235, %select_n3A_1242 : vector<16xf32>
      scf.yield %add3A_1239, %min3A : vector<16xi32>, vector<16xf32>
    }
    %slice3A_1180 = vector.extract_strided_slice %while3A_1179#0 {offsets = [0], sizes = [1], strides = [1]} : vector<16xi32> to vector<1xi32>
    %squeeze3A_1181 = vector.extract %slice3A_1180[0] : i32 from vector<1xi32>
    %add3A_1182 = arith.addi %squeeze3A_1044, %squeeze3A_1181 : i32
    %ge3A_1183 = arith.constant 3277 : i32
    %ge3A_1184 = arith.cmpi sge, %add3A_1182, %ge3A_1183 : i32
    %reduce_min3A_1185 = arith.constant true
    %reduce_min3A_1186 = vector.broadcast %reduce_min3A_1185 : i1 to vector<16xi1>
    %reduce_min3A_1187 = tpu.scan <min>, %while3A_1179#1 masked %reduce_min3A_1186 : vector<16xf32>, vector<16xi1> -> vector<16xf32>
    %reduce_min3A_1188 = vector.extract %reduce_min3A_1187[15] : f32 from vector<16xf32>
    %broadcast_in_dim3A_1189 = vector.broadcast %reduce_min3A_1188 : f32 to vector<16xf32>
    %select_n3A_1190 = arith.select %ge3A_1184, %broadcast_in_dim3A_1189, %bitcast_convert_type3A_1166 : vector<16xf32>
    %mul3A_1191 = arith.constant 0.701171875 : f32
    %mul3A_1192 = vector.broadcast %mul3A_1191 : f32 to vector<16xf32>
    %mul3A_1193 = arith.mulf %bitcast_convert_type3A_1166, %mul3A_1192 : vector<16xf32>
    %mul3A_1194 = arith.constant 0.298828125 : f32
    %mul3A_1195 = vector.broadcast %mul3A_1194 : f32 to vector<16xf32>
    %mul3A_1196 = arith.mulf %select_n3A_1190, %mul3A_1195 : vector<16xf32>
    %add3A_1197 = arith.addf %mul3A_1193, %mul3A_1196 : vector<16xf32>
    %while3A_1198 = arith.constant 0 : i32
    %while3A_1199 = arith.subi %select_n3A_1098, %while3A_1198 : i32
    %while3A_1200 = arith.addi %while3A_1198, %while3A_1199 : i32
    %while3A_1201 = arith.constant 1 : i32
    %while3A_1202 = arith.divsi %while3A_1199, %while3A_1201 : i32
    %while3A_1203 = arith.muli %while3A_1202, %while3A_1201 : i32
    %while3A_1204 = arith.addi %while3A_1198, %while3A_1203 : i32
    %while3A_1205 = arith.constant 1 : i32
    %while3A_1206:2 = scf.for %while3A_1233 = %while3A_1198 to %while3A_1204 step %while3A_1205 iter_args(%while3A_1234 = %broadcast_in_dim3A_3, %while3A_1235 = %broadcast_in_dim3A_5) -> (vector<16xi32>, vector<16xf32>)  : i32 {
      %mul3A_1236 = arith.constant 16 : i32
      %mul3A_1237 = arith.muli %while3A_1233, %mul3A_1236 : i32
      %get3A = arith.index_cast %mul3A_1237 : i32 to index
      %get3A_1238 = tpu.vector_load %arg6[%get3A] {strides = array<i32>} : memref<32832xf32, #tpu.memory_space<vmem>>, vector<16xf32>,
      %gt3A = arith.cmpf ogt, %get3A_1238, %add3A_1197 : vector<16xf32>
      %all_reduce_population_count3A = tpu.all_reduce %gt3A {dim = 0 : i64, kind = #tpu.reduction_kind<sum>} : vector<16xi1> -> vector<16xi32>
      %add3A_1239 = arith.addi %while3A_1234, %all_reduce_population_count3A : vector<16xi32>
      %select_n3A_1240 = arith.select %gt3A, %get3A_1238, %broadcast_in_dim3A_5 : vector<16xi1>, vector<16xf32>
      %add3A_1241 = arith.addf %while3A_1235, %select_n3A_1240 : vector<16xf32>
      scf.yield %add3A_1239, %add3A_1241 : vector<16xi32>, vector<16xf32>
    }
    %while3A_1207 = arith.constant 1 : i32
    %while3A_1208:2 = scf.for %while3A_1233 = %while3A_1204 to %while3A_1200 step %while3A_1207 iter_args(%while3A_1234 = %while3A_1206#0, %while3A_1235 = %while3A_1206#1) -> (vector<16xi32>, vector<16xf32>)  : i32 {
      %mul3A_1236 = arith.constant 16 : i32
      %mul3A_1237 = arith.muli %while3A_1233, %mul3A_1236 : i32
      %get3A = arith.index_cast %mul3A_1237 : i32 to index
      %get3A_1238 = tpu.vector_load %arg6[%get3A] {strides = array<i32>} : memref<32832xf32, #tpu.memory_space<vmem>>, vector<16xf32>,
      %gt3A = arith.cmpf ogt, %get3A_1238, %add3A_1197 : vector<16xf32>
      %all_reduce_population_count3A = tpu.all_reduce %gt3A {dim = 0 : i64, kind = #tpu.reduction_kind<sum>} : vector<16xi1> -> vector<16xi32>
      %add3A_1239 = arith.addi %while3A_1234, %all_reduce_population_count3A : vector<16xi32>
      %select_n3A_1240 = arith.select %gt3A, %get3A_1238, %broadcast_in_dim3A_5 : vector<16xi1>, vector<16xf32>
      %add3A_1241 = arith.addf %while3A_1235, %select_n3A_1240 : vector<16xf32>
      scf.yield %add3A_1239, %add3A_1241 : vector<16xi32>, vector<16xf32>
    }
    %slice3A_1209 = vector.extract_strided_slice %while3A_1208#0 {offsets = [0], sizes = [1], strides = [1]} : vector<16xi32> to vector<1xi32>
    %squeeze3A_1210 = vector.extract %slice3A_1209[0] : i32 from vector<1xi32>
    %add3A_1211 = arith.addi %squeeze3A_1044, %squeeze3A_1210 : i32
    %max3A_1212 = arith.constant 1 : i32
    %max3A_1213 = arith.maxsi %add3A_1211, %max3A_1212 : i32
    %convert_element_type3A_1214 = arith.sitofp %max3A_1213 : i32 to f32
    %reduce_sum3A_1215 = arith.constant true
    %reduce_sum3A_1216 = vector.broadcast %reduce_sum3A_1215 : i1 to vector<16xi1>
    %reduce_sum3A_1217 = tpu.scan <sum>, %while3A_1208#1 masked %reduce_sum3A_1216 : vector<16xf32>, vector<16xi1> -> vector<16xf32>
    %reduce_sum3A_1218 = vector.extract %reduce_sum3A_1217[15] : f32 from vector<16xf32>
    %add3A_1219 = arith.addf %reduce_sum3A_1048, %reduce_sum3A_1218 : f32
    %eq3A_1220 = arith.constant 3 : i32
    %eq3A_1221 = vector.broadcast %eq3A_1220 : i32 to vector<16xi32>
    %eq3A_1222 = arith.cmpi eq, %iota3A, %eq3A_1221 : vector<16xi32>
    %broadcast_in_dim3A_1223 = vector.broadcast %add3A_1219 : f32 to vector<16xf32>
    %select_n3A_1224 = arith.select %eq3A_1222, %broadcast_in_dim3A_1223, %select_n3A_923 : vector<16xi1>, vector<16xf32>
    %eq3A_1225 = arith.constant 3 : i32
    %eq3A_1226 = vector.broadcast %eq3A_1225 : i32 to vector<16xi32>
    %eq3A_1227 = arith.cmpi eq, %iota3A, %eq3A_1226 : vector<16xi32>
    %broadcast_in_dim3A_1228 = vector.broadcast %convert_element_type3A_1214 : f32 to vector<16xf32>
    %select_n3A_1229 = arith.select %eq3A_1227, %broadcast_in_dim3A_1228, %select_n3A_928 : vector<16xi1>, vector<16xf32>
    %div3A_1230 = arith.divf %select_n3A_1224, %select_n3A_1229 : vector<16xf32>
    %swap3A_1231 = arith.constant 0 : index
    %swap3A_1232 = tpu.vector_load %arg8[%swap3A_1231] {strides = array<i32>} : memref<16xf32, #tpu.memory_space<vmem>>, vector<16xf32>,
    tpu.vector_store %arg8[%swap3A_1231], %div3A_1230 {strides = array<i32>} : memref<16xf32, #tpu.memory_space<vmem>>, vector<16xf32>,
    "tpu.region"() ({
      %run_scoped3A = tpu.sem_alloc : memref<!tpu.dma_semaphore, #tpu.memory_space<semaphore_mem>>
      %dma_start3A_1233 = arith.constant 0 : i32
      %dma_start3A_1234 = tpu.memref_slice %arg3[%add3A, %dma_start3A_1233] : memref<32x16xf32, #tpu.memory_space<hbm>> -> memref<1x16xf32, #tpu.memory_space<hbm>>
      %dma_start3A_1235 = tpu.memref_squeeze %dma_start3A_1234 : memref<1x16xf32, #tpu.memory_space<hbm>> -> memref<16xf32, #tpu.memory_space<hbm>>
      %dma_start3A_1236 = arith.constant 0 : i32
      %dma_start3A_1237 = tpu.memref_slice %arg3[%add3A, %dma_start3A_1236] : memref<32x16xf32, #tpu.memory_space<hbm>> -> memref<1x16xf32, #tpu.memory_space<hbm>>
      %dma_start3A_1238 = tpu.memref_squeeze %dma_start3A_1237 : memref<1x16xf32, #tpu.memory_space<hbm>> -> memref<16xf32, #tpu.memory_space<hbm>>
      tpu.enqueue_dma source(%arg8 : memref<16xf32, #tpu.memory_space<vmem>>) target(%dma_start3A_1238 : memref<16xf32, #tpu.memory_space<hbm>>) target_semaphore(%run_scoped3A : memref<!tpu.dma_semaphore, #tpu.memory_space<semaphore_mem>>)
      %dma_wait3A_1239 = arith.constant 0 : i32
      %dma_wait3A_1240 = tpu.memref_slice %arg3[%add3A, %dma_wait3A_1239] : memref<32x16xf32, #tpu.memory_space<hbm>> -> memref<1x16xf32, #tpu.memory_space<hbm>>
      %dma_wait3A_1241 = tpu.memref_squeeze %dma_wait3A_1240 : memref<1x16xf32, #tpu.memory_space<hbm>> -> memref<16xf32, #tpu.memory_space<hbm>>
      %dma_wait3A_1242 = arith.constant 0 : i32
      %dma_wait3A_1243 = tpu.memref_slice %arg3[%add3A, %dma_wait3A_1242] : memref<32x16xf32, #tpu.memory_space<hbm>> -> memref<1x16xf32, #tpu.memory_space<hbm>>
      %dma_wait3A_1244 = tpu.memref_squeeze %dma_wait3A_1243 : memref<1x16xf32, #tpu.memory_space<hbm>> -> memref<16xf32, #tpu.memory_space<hbm>>
      tpu.wait_dma2 semaphore(%run_scoped3A : memref<!tpu.dma_semaphore, #tpu.memory_space<semaphore_mem>>) src(%arg8 : memref<16xf32, #tpu.memory_space<vmem>>) dst(%dma_wait3A_1244 : memref<16xf32, #tpu.memory_space<hbm>>)
      tpu.yield
    }) : () -> ()
    return
  }
}

</mosaic_0001>

<sc_bundles>
// kernel: kernel.3.cloned.1.call-start
scs
__scs_entry_jumppad:
0x0: {  	(pc) =	sbr.rel $0x88, $3  }
0x1: {  	(tag) =	ssettag $0x0;
	lr =	simm.s32 $0x1  }
0x2: {  	[smem:$0x3FA0] =	sst lr;
	_ =	strace $0xD0000000  }
0x3: {  	_ = 	snop  }
0x4: {  	_ = 	snop  }
0x5: {  	_ = 	snop  }
0x6: {  	_ = 	snop  }
0x7: {  	_ = 	snop  }
__scs_overlays_trampoline_lowered:
0x8: {  	[smem:$0x3FAF] =	sst s0  }
0x9: {  	[smem:$0x3FB0] =	sst s1  }
0xa: {  	[smem:$0x3FB1] =	sst s2  }
0xb: {  	[smem:$0x3FB2] =	sst s3  }
0xc: {  	[smem:$0x3FB3] =	sst s4  }
0xd: {  	[smem:$0x3FB4] =	sst s5  }
0xe: {  	[smem:$0x3FB5] =	sst s6  }
0xf: {  	[smem:$0x3FB6] =	sst s7  }
0x10: {  	[smem:$0x3FB7] =	sst s8  }
0x11: {  	[smem:$0x3FB8] =	sst s9;
	s0 =	simm.s32 @!p0 $0x0  }
0x12: {  	s1 =	sld [smem:$0x3F9E];
	s0 =	simm.s32 @p0 $0x1  }
0x13: {  	[smem:$0x3FB9] =	sst s0;
	s0 =	simm.s32 @!p1 $0x0  }
0x14: {  	s2 =	sld [smem:$0x3F9D];
	s0 =	simm.s32 @p1 $0x1  }
0x15: {  	[smem:$0x3FBA] =	sst s0;
	s0 =	simm.s32 @!p2 $0x0  }
0x16: {  	s3 =	sld [smem:$0x3FDB];
	s0 =	simm.s32 @p2 $0x1  }
0x17: {  	s4 =	simm.s32 $0x1BF5;
	[smem:$0x3FBC] =	sst s0  }
0x18: {  	s0 =	sld [smem:$0x3F9F];
	_ =	swait.ge [sflag:s4], $0x0  }
0x19: {  	s7 =	sld [smem:$0x3FA0]  }
0x1a: {  	s8 =	sadd.s32 $0xFFFFE003, lr  }
0x1b: {  	s9 =	sadd.s32 $0xFFFFFEF7, lr;
	s5 =	simm.s32 $0xFFFFFFFF;
	p2 =	slt.u32 s8, $0xFFFFF086  }
0x1c: {  	p1 =	slt.u32 s9, $0xF7A;
	s5 =	simm.s32 @!p2 $0x0  }
0x1d: {  	s5 =	simm.s32 @p1 $0x1;
	p0 =	seq.s32 s7, s2  }
0x1e: {  	s7 =	smul.u32 @!p0 $0xF7A, s2;
	p2 =	seq.s32 @!p0 s5, $0x0  }
0x1f: {  	s9 =	smul.u32 $0xF7A, s1;
	s8 =	simm.s32 @!p0 $0x1BF5;
	p2 =	por !p2, p0  }
0x20: {  	[sflag:s8] =	ssyncset.s32 @!p0 $0xFFFFF086;
	s6 =	sadd.s32 @!p0 s3, s7;
	s7 =	simm.s32 @!p0 $0x108  }
0x21: {  	s3 =	sadd.s32 s3, s9;
	s6 =	sadd.s32 @!p0 $0x88, s6;
	s7 =	simm.s32 @p2 $0x1082  }
0x22: {  	[simem:s7], [sflag:s8] =	dma.local @!p0 [hbm:s6], $0xF7A  }
0x23: {  	s9 =	sor.u32 $0xD0000000, s2;
	s6 =	simm.s32 $0x108;
	_ =	swait.ge @!p0 [sflag:s8], $0x0  }
0x24: {  	s3 =	sadd.s32 $0x88, s3;
	s6 =	simm.s32 @!p1 $0x1082;
	[sflag:s4] =	ssyncset.s32 $0xFFFFF086  }
0x25: {  	[simem:s6], [sflag:s4] =	dma.local [hbm:s3], $0xF7A  }
0x26: {  	[smem:$0x3FA0] =	sst s1;
	(tag) =	ssettag s2;
	_ =	strace s9  }
0x27: {  	s1 =	sld [smem:$0x3FB0]  }
0x28: {  	s2 =	sld [smem:$0x3FB1]  }
0x29: {  	s4 =	sld [smem:$0x3FB3]  }
0x2a: {  	p0 =	seq.s32 s5, $0x0;
	s5 =	sld [smem:$0x3FB4]  }
0x2b: {  	s6 =	sld [smem:$0x3FB5]  }
0x2c: {  	s7 =	sld [smem:$0x3FB6]  }
0x2d: {  	s3 =	simm.s32 $0x108;
	s8 =	sld [smem:$0x3FB7]  }
0x2e: {  	s3 =	simm.s32 @!p0 $0x1082;
	s9 =	sld [smem:$0x3FB8]  }
0x2f: {  	lr =	sadd.s32 s0, s3;
	s0 =	sld [smem:$0x3FAF]  }
0x30: {  	s3 =	sld [smem:$0x3FB2]  }
0x31: {  	[smem:$0x3FBB] =	sst s10  }
0x32: {  	s10 =	sld [smem:$0x3FB9];
	_ =	sdelay $0x3  }
0x33: {  	p0 =	seq.s32 s10, $0x1;
	s10 =	sld [smem:$0x3FBB];
	_ =	sdelay $0x3  }
0x34: {  	[smem:$0x3FBB] =	sst s10  }
0x35: {  	s10 =	sld [smem:$0x3FBA];
	_ =	sdelay $0x3  }
0x36: {  	p1 =	seq.s32 s10, $0x1;
	s10 =	sld [smem:$0x3FBB];
	_ =	sdelay $0x3  }
0x37: {  	[smem:$0x3FBB] =	sst s10  }
0x38: {  	s10 =	sld [smem:$0x3FBC]  }
0x39: {  	_ = 	snop;
	(pc) =	sbr.ind lr, $3  }
0x3a: {  	_ = 	snop  }
0x3b: {  	_ = 	snop  }
0x3c: {  	p2 =	seq.s32 s10, $0x1;
	s10 =	sld [smem:$0x3FBB]  }
0x3d: {  	_ =	shalt  }
0x3e: {  	_ =	shalt  }
0x3f: {  	_ =	shalt  }
0x40: {  	_ =	shalt  }
0x41: {  	_ =	shalt  }
0x42: {  	_ =	shalt  }
0x43: {  	_ =	shalt  }
0x44: {  	_ =	shalt  }
0x45: {  	_ =	shalt  }
0x46: {  	_ =	shalt  }
0x47: {  	_ =	shalt  }
0x48: {  	_ =	shalt  }
0x49: {  	_ =	shalt  }
0x4a: {  	_ =	shalt  }
0x4b: {  	_ =	shalt  }
0x4c: {  	_ =	shalt  }
0x4d: {  	_ =	shalt  }
0x4e: {  	_ =	shalt  }
0x4f: {  	_ =	shalt  }
0x50: {  	_ =	shalt  }
0x51: {  	_ =	shalt  }
0x52: {  	_ =	shalt  }
0x53: {  	_ =	shalt  }
0x54: {  	_ =	shalt  }
0x55: {  	_ =	shalt  }
0x56: {  	_ =	shalt  }
0x57: {  	_ =	shalt  }
0x58: {  	_ =	shalt  }
0x59: {  	_ =	shalt  }
0x5a: {  	_ =	shalt  }
0x5b: {  	_ =	shalt  }
0x5c: {  	_ =	shalt  }
0x5d: {  	_ =	shalt  }
0x5e: {  	_ =	shalt  }
0x5f: {  	_ =	shalt  }
0x60: {  	_ =	shalt  }
0x61: {  	_ =	shalt  }
0x62: {  	_ =	shalt  }
0x63: {  	_ =	shalt  }
0x64: {  	_ =	shalt  }
0x65: {  	_ =	shalt  }
0x66: {  	_ =	shalt  }
0x67: {  	_ =	shalt  }
0x68: {  	_ =	shalt  }
0x69: {  	_ =	shalt  }
0x6a: {  	_ =	shalt  }
0x6b: {  	_ =	shalt  }
0x6c: {  	_ =	shalt  }
0x6d: {  	_ =	shalt  }
0x6e: {  	_ =	shalt  }
0x6f: {  	_ =	shalt  }
0x70: {  	_ =	shalt  }
0x71: {  	_ =	shalt  }
0x72: {  	_ =	shalt  }
0x73: {  	_ =	shalt  }
0x74: {  	_ =	shalt  }
0x75: {  	_ =	shalt  }
0x76: {  	_ =	shalt  }
0x77: {  	_ =	shalt  }
0x78: {  	_ =	shalt  }
0x79: {  	_ =	shalt  }
0x7a: {  	_ =	shalt  }
0x7b: {  	_ =	shalt  }
0x7c: {  	_ =	shalt  }
0x7d: {  	_ =	shalt  }
0x7e: {  	_ =	shalt  }
0x7f: {  	_ =	shalt  }
0x80: {  	_ =	shalt  }
0x81: {  	_ =	shalt  }
0x82: {  	_ =	shalt  }
0x83: {  	_ =	shalt  }
0x84: {  	_ =	shalt  }
0x85: {  	_ =	shalt  }
0x86: {  	_ =	shalt  }
0x87: {  	_ =	shalt  }
.Lfunc_end0:
.L_simem_size_0:
called_computation_lowered:
.L_overlay_start_0:
0x88: {  	s2 =	sld [smem:$0x3FD9]  }
0x89: {  	s3 =	sld [smem:$0x3FFE];
	_ =	sdelay $0x1  }
0x8a: {  	s1 =	srdreg.scid  }
0x8b: {  	s0 =	sand.u32 $0x1, s1  }
0x8c: {  	s17 =	sshll.u32 s0, $0xA;
	s2 =	sadd.s32 s3, s2  }
0x8d: {  	s2 =	sadd.s32 s2, s17  }
0x8e: {  	[smem:$0x3FC7] =	sst s2  }
0x8f: {  	_ = 	snop  }
0x90: {  	s2 =	sld [smem:$0x3FC9];
	(tm) =	ssettm $0x1  }
0x91: {  	s18 =	sld [smem:$0x3FFB];
	_ =	sdelay $0x3  }
0x92: {  	_ =	strace s18  }
0x93: {  	s3 =	sld [smem:$0x3FFC];
	_ =	sdelay $0x3  }
0x94: {  	_ =	strace s3  }
0x95: {  	s3 =	sld [smem:$0x3FFD];
	_ =	sdelay $0x3  }
0x96: {  	_ =	strace s3  }
0x97: {  	_ =	strace $0x8FFFFFFF  }
0x98: {  	s19 =	sld [smem:$0x3FDB];
	_ =	sdelay $0x1  }
0x99: {  	s4 =	simm.s32 $_scs_section_size  }
0x9a: {  	s5 =	simm.s32 $_size__tile_overlayer_lowered;
	s6 =	simm.s32 $_tile_overlayer_lowered  }
0x9b: {  	s22 =	simm.s32 $0x1BFF;
	s21 =	sshll.u32 s6, $0x1;
	s3 =	sadd.s32 s4, s19  }
0x9c: {  	s7 =	simm.s32 $0x0;
	s20 =	sshll.u32 s5, $0x1;
	s5 =	sadd.s32 s21, s3  }
0x9d: {  	[timem:s7], [sflag:s22] =	dma.local [hbm:s5], s20  }
0x9e: {  	_ =	swait.ge [sflag:s22], s20  }
0x9f: {  	s4 =	ssub.s32 $0x0, s20;
	[sflag:s22] =	ssyncset.done $0x0  }
0xa0: {  	[sflag:s22] =	ssyncadd.s32 s4;
	_ =	sdelay $0x1  }
0xa1: {  	s23 =	simm.s32 $0x1B8B  }
0xa2: {  	_ =	swait.ge [sflag:s23], $0x1  }
0xa3: {  	[sflag:s23] =	ssyncset.done $0x0  }
0xa4: {  	s25 =	simm.s32 $0x1B8E;
	s24 =	sld [smem:$0x3FFE];
	[sflag:s23] =	ssyncadd.s32 $0xFFFFFFFF  }
0xa5: {  	s26 =	simm.s32 $execute0_lowered;
	[smem:$0x3FD2] =	sst s25  }
0xa6: {  	s5 =	sshll.u32 s26, $0x1;
	_ =	strace $0x80000046;
	[dreg:$0x1] =	wrdreg $0xFFFFFFFF  }
0xa7: {  	s28 =	simm.s32 $_size_execute0_lowered;
	s3 =	sadd.s32 s3, s5;
	[dreg:$0x0] =	wrdreg $0x0  }
0xa8: {  	s5 =	sshll.u32 s28, $0x1;
	[dreg:$0x2] =	wrdreg s3  }
0xa9: {  	[dreg:$0x3] =	wrdreg s5  }
0xaa: {  	[dreg:$0x4] =	wrdreg $0xC0  }
0xab: {  	_ =	task [dreg:s7], $0x5FFFF  }
0xac: {  	[dreg:$0x1] =	wrdreg $0xFFFFFFFF  }
0xad: {  	[dreg:$0x0] =	wrdreg $0x60  }
0xae: {  	[dreg:$0x2] =	wrdreg s2  }
0xaf: {  	[dreg:$0x3] =	wrdreg s24  }
0xb0: {  	[dreg:$0x4] =	wrdreg $0x9  }
0xb1: {  	_ =	task.clear_ibuf [dreg:s7], $0x5FFFF;
	_ =	strace $0x90000046  }
0xb2: {  	s29 =	simm.s32 $0x9;
	_ =	strace $0x80000048  }
0xb3: {  	_ =	swait.ge [sflag:s29], $0x1  }
0xb4: {  	[sflag:s29] =	ssyncadd.s32 $0xFFFFFFFF  }
0xb5: {  	_ =	strace $0x90000048  }
0xb6: {  	_ =	sfence  }
0xb7: {  	s30 =	sld [smem:$0x0];
	_ =	sdelay $0x2  }
0xb8: {  	s31 =	sshll.u32 s1, $0xD;
	s1 =	sshrl.u32 s1, $0x2  }
0xb9: {  	s3 =	sand.u32 $0x4000, s31;
	s1 =	sadd.s32 s1, s30  }
0xba: {  	s0 =	sor.u32 s3, s0;
	s1 =	sshll.u32 s1, $0x11  }
0xbb: {  	s0 =	sor.u32 s1, s0  }
0xbc: {  	s0 =	sadd.s32 $0x8F2B, s0  }
0xbd: {  	[sflag:s0] =	ssyncadd.remote.s32 $0x1  }
0xbe: {  	_ =	sfence.sel $0xFFFF  }
0xbf: {  	[dreg:$0x0] =	wrdreg $0xFFFFFFFF;
	(pc) =	sbr.abs _section_cstart, $3  }
0xc0: {  	[dreg:$0x1] =	wrdreg $0xFFFFFFFF  }
0xc1: {  	_ =	task.clear_ibuf [dreg:s7], $0x2FFFF;
	_ =	strace $0x9FFFFFFF  }
0xc2: {  	(tm) =	ssettm $0x7FFFFFFF  }
0xc3: {  	_ =	shalt  }
tec
execute0_lowered:
.L_overlay_start_1:
0x0: {  	(tag) =	ssettag $0x1  }
0x1: {  	v0 =	vimm.s32 $0xF0F;
	vm0 =	vcmask $0x300  }
0x2: {  	vm1 =	vcmask $0x704;
	v0 =	vsel vm0, $0x806, v0  }
0x3: {  	v0 =	vsel vm1, $0x705, v0;
	vm1 =	vcmask $0xB08  }
0x4: {  	v0 =	vsel vm1, $0x604, v0;
	vm1 =	vcmask $0xF0C  }
0x5: {  	v0 =	vsel vm1, $0x503, v0;
	vm1 =	vcmask $0x1310  }
0x6: {  	v0 =	vsel vm1, $0x402, v0;
	vm1 =	vcmask $0x1714  }
0x7: {  	v0 =	vsel vm1, $0x301, v0;
	vm1 =	vcmask $0x1B18  }
0x8: {  	s3 =	rddreg [dreg:$0x0];
	v0 =	vsel vm1, $0x200, v0;
	vm1 =	vcmask $0x1F1C  }
0x9: {  	s4 =	rddreg [dreg:$0x1];
	v0 =	vsel vm1, $0xFF, v0;
	vm1 =	vcmask $0x2320  }
0xa: {  	s2 =	srdreg.scid;
	s0 =	rddreg [dreg:$0x2];
	v0 =	vsel vm1, $0x808, v0;
	vm1 =	vcmask $0x2724  }
0xb: {  	s1 =	simm.s32 $0x0;
	s10 =	simm.s32 $0x400;
	s11 =	simm.s32 $0x1;
	v0 =	vsel vm1, $0x909, v0;
	vm1 =	vcmask $0x2B28  }
0xc: {  	s12 =	simm.s32 $0x8000;
	s13 =	simm.s32 $0x18080;
	s14 =	simm.s32 $0x2;
	v0 =	vsel vm1, $0xA0A, v0;
	vm1 =	vcmask $0x2F2C  }
0xd: {  	s15 =	simm.s32 $0x19100;
	s16 =	simm.s32 $0x3;
	s17 =	simm.s32 $0x0;
	v0 =	vsel vm1, $0xB0B, v0;
	vm1 =	vcmask $0x3330  }
0xe: {  	s5 =	sand.u32 $0x1, s2;
	[smem:$0x7FF] =	sst s1;
	s2 =	stileid.u32;
	v1 =	vsel vm1, $0xC0C, v0;
	vm1 =	vcmask $0x3734  }
0xf: {  	v2 =	vimm.s32 $0x1;
	s6 =	sshll.u32 s5, $0x4;
	_ =	strace $0x80000047;
	s7 =	sshll.u32 s2, $0x4;
	v0 =	vlaneseq.u32;
	v3 =	vsel vm1, $0xD0D, v1  }
0x10: {  	s8 =	sshll.u32 s2, $0x6;
	s29 =	ssub.s32 $0x2, s5;
	s6 =	sor.u32 s2, s6;
	v7 =	vshrl.u32 v0, $0x3;
	vm1 =	vcmask $0x3B38;
	v1 =	vimm.s32 $0x0  }
0x11: {  	s7 =	sand.u32 $0x70, s7;
	s31 =	sshrl.u32 s29, $0x1;
	s9 =	sshll.u32 s6, $0xE;
	v4 =	vmul.u32 $0x2, v7;
	v5 =	vmul.u32 $0x4, v7;
	v3 =	vsel vm1, $0xE0E, v3  }
.Ltmp0:
0x12: {  	s7 =	sadd.s32 s7, s4;
	s6 =	sshll.u32 s6, $0x4;
	v6 =	vmul.u32 $0x6, v7;
	v8 =	vmul.u32 $0x8, v7;
	v9 =	vmul.u32 $0xA, v7;
	(pc) =	sbr.rel .LBB2_1-.Ltmp0, $4  }
0x13: {  	s30 =	sor.u32 s8, s9;
	s8 =	ssub.s32 s29, s31;
	s6 =	sand.u32 $0x180, s6;
	v10 =	vmul.u32 $0xC, v7;
	v11 =	vmul.u32 $0xE, v7;
	v12 =	vmul.u32 $0x10, v7  }
0x14: {  	s9 =	simm.s32 $0x80;
	s5 =	sand.u32 $0x78040, s30;
	s7 =	sadd.s32 s6, s7;
	v4 =	vadd.s32 $0xFFFFFFFF, v4;
	v5 =	vadd.s32 $0xFFFFFFFE, v5;
	v6 =	vadd.s32 $0xFFFFFFFD, v6  }
0x15: {  	s8 =	smax.u32 s8, $0x1;
	s3 =	sadd.s32 s3, s5;
	s7 =	sadd.s32 $0x400, s7;
	v7 =	vadd.s32 $0xFFFFFFFC, v8;
	v8 =	vadd.s32 $0xFFFFFFFB, v9;
	v9 =	vadd.s32 $0xFFFFFFFA, v10  }
0x16: {  	s4 =	sadd.s32 $0x10, s3;
	s5 =	sadd.s32 $0x20, s3;
	s6 =	sadd.s32 $0x30, s3;
	v10 =	vadd.s32 $0xFFFFFFF9, v11;
	v11 =	vadd.s32 $0xFFFFFFF8, v12;
	v12 =	vimm.f32 $-Inf  }
.LBB2_85:
0x17: {  	v15 =	vimm.f32 $0.0e+00  }
.LBB2_91:
0x18: {  	(v2sf) =	vpush v14, $0x0;
	_ =	sdelay $0x1  }
0x19: {  	(xrf2) =	vadd.scan.msk.f32 $0xffff, v15;
	_ =	sdelay $0x9  }
0x1a: {  	v13, _, _ =	vpop (xrf2)  }
0x1b: {  	(v2sf) =	vpush v13, $0xF;
	_ =	sdelay $0x1  }
0x1c: {  	s19 =	sadd.s32 s19, s22;
	s30 =	spop (v2sf)  }
0x1d: {  	p0 =	sgt.s32 s19, $0x1;
	s22 =	sadd.s32 s23, s30  }
0x1e: {  	s19 =	simm.s32 @!p0 $0x1;
	p0 =	sgt.s32 s22, $0x1  }
0x1f: {  	s19 =	scvt.s32.f32 s19;
	s22 =	simm.s32 @!p0 $0x1  }
0x20: {  	vm1 =	veq.s32 v0, $0x2;
	s22 =	scvt.s32.f32 s22  }
0x21: {  	vm2 =	veq.s32 v0, $0x3;
	v13 =	vsel vm1, s19, v25  }
0x22: {  	v13 =	vsel vm2, s22, v13  }
0x23: {  	(erf) = vrcp.f32 v13;
	_ =	sdelay $0x5  }
0x24: {  	s18 =	sadd.f32 s20, s18;
	s31 =	spop (v2sf)  }
0x25: {  	s19 =	sadd.f32 s31, s21  }
0x26: {  	v13 =	vsel vm1, s18, v24  }
0x27: {  	v13 =	vsel vm2, s19, v13;
	v14 =	vpop (erf)  }
0x28: {  	s17 =	sadd.s32 $0x1, s17;
	v13 =	vmul.f32 v14, v13  }
0x29: {  	p0 =	sne.s32 s17, s8  }
.Ltmp1:
0x2a: {  	[tilespmem:$0x19100] =	vst v13;
	(pc) =	sbr.rel @!p0 .LBB2_92-.Ltmp1, $4  }
0x2b: {  	[hbm4b:s7+s1] =	stream.linear.scatter [tilespmem:s15], [sflag:$0x3], $0x80, $0x38;
	[tilespmem:$0x19180] =	vst v63  }
0x2c: {  	_ =	swait.ge [sflag:s16], $0x80  }
0x2d: {  	[sflag:s16] =	ssyncset.done $0x0  }
0x2e: {  	[sflag:s16] =	ssyncadd.s32 $0xFFFFFF80  }
.LBB2_1:
0x2f: {  	[tilespmem:s1], [sflag:$0x1] =	stream.strided.gather [hbm4b:s3+s9], $0x8000, s10, s9, $0x38;
	[tilespmem:$0x19180] =	vst v63  }
0x30: {  	_ =	swait.ge [sflag:s11], $0x8000  }
0x31: {  	[sflag:s11] =	ssyncset.done $0x0  }
0x32: {  	s18 =	simm.s32 $0x0;
	s19 =	simm.s32 $0x200;
	[sflag:s11] =	ssyncadd.s32 $0xFFFF8000  }
0x33: {  	[tilespmem:s12], [sflag:$0x2] =	stream.strided.gather [hbm4b:s4+s9], $0x8000, s10, s9, $0x38;
	[tilespmem:$0x19180] =	vst v63  }
.LBB2_2:
0x34: {  	p0 =	sne.s32 s19, $0x3E00;
	[tilespmem:s18+$0x180F0] =	vst v1  }
0x35: {  	[tilespmem:s18+$0x18080] =	vst v1  }
0x36: {  	[tilespmem:s18+$0x18090] =	vst v1  }
.Ltmp2:
0x37: {  	[tilespmem:s18+$0x180A0] =	vst v1;
	(pc) =	sbr.rel @p0 .LBB2_2-.Ltmp2, $4  }
0x38: {  	[tilespmem:s18+$0x180B0] =	vst v1  }
0x39: {  	[tilespmem:s18+$0x180C0] =	vst v1  }
0x3a: {  	[tilespmem:s18+$0x180D0] =	vst v1  }
0x3b: {  	[tilespmem:s18+$0x180E0] =	vst v1;
	s18 =	sshra.s32 s19, $0x2;
	s19 =	sadd.s32 $0x200, s19  }
0x3c: {  	[tilespmem:s18+$0x180F0] =	vst v1  }
0x3d: {  	[tilespmem:s18+$0x18080] =	vst v1  }
0x3e: {  	[tilespmem:s18+$0x18090] =	vst v1  }
0x3f: {  	[tilespmem:s18+$0x180A0] =	vst v1  }
0x40: {  	[tilespmem:s18+$0x180B0] =	vst v1  }
0x41: {  	[tilespmem:s18+$0x180C0] =	vst v1  }
0x42: {  	[tilespmem:s18+$0x180D0] =	vst v1  }
0x43: {  	[tilespmem:s18+$0x180E0] =	vst v1  }
0x44: {  	s18 =	simm.s32 $0x0;
	[tilespmem:$0x19080] =	vst v1  }
.LBB2_4:
0x45: {  	s19 =	sshra.s32 s18, $0x2  }
0x46: {  	v13 =	vld [tilespmem:s19+$0x0]  }
0x47: {  	v14 =	vld [tilespmem:s19+$0x10]  }
0x48: {  	v15 =	vld [tilespmem:s19+$0x20]  }
0x49: {  	v16 =	vld [tilespmem:s19+$0x30]  }
0x4a: {  	v17 =	vld [tilespmem:s19+$0x40]  }
0x4b: {  	v18 =	vld [tilespmem:s19+$0x50];
	v19 =	vshrl.u32 v13, $0x14;
	v13 =	vshrl.u32 v13, $0x1C  }
0x4c: {  	v20 =	vld [tilespmem:s19+$0x60];
	v56 =	vshrl.u32 v14, $0x14;
	v14 =	vshrl.u32 v14, $0x1C;
	v13 =	vadd.s32 v13, v19  }
0x4d: {  	v21 =	vld [tilespmem:s19+$0x70];
	v57 =	vshrl.u32 v15, $0x14;
	v15 =	vshrl.u32 v15, $0x1C;
	v14 =	vadd.s32 v14, v56  }
0x4e: {  	v58 =	vshrl.u32 v16, $0x14;
	v16 =	vshrl.u32 v16, $0x1C;
	v15 =	vadd.s32 v15, v57  }
0x4f: {  	v59 =	vshrl.u32 v17, $0x14;
	v17 =	vshrl.u32 v17, $0x1C;
	v16 =	vadd.s32 v16, v58  }
0x50: {  	v60 =	vshrl.u32 v18, $0x14;
	v18 =	vshrl.u32 v18, $0x1C;
	v17 =	vadd.s32 v17, v59  }
0x51: {  	v61 =	vshrl.u32 v20, $0x14;
	v20 =	vshrl.u32 v20, $0x1C;
	v18 =	vadd.s32 v18, v60;
	[tilespmem:v13+s13+$0x0] =	vst.idx.add.s32.msk $0xffff, v2  }
0x52: {  	v62 =	vshrl.u32 v21, $0x14;
	v63 =	vshrl.u32 v21, $0x1C;
	v13 =	vadd.s32 v20, v61;
	[tilespmem:v14+s13+$0x0] =	vst.idx.add.s32.msk $0xffff, v2  }
0x53: {  	p0 =	sne.s32 s18, $0x1FE00;
	v14 =	vadd.s32 v63, v62;
	[tilespmem:v15+s13+$0x0] =	vst.idx.add.s32.msk $0xffff, v2  }
.Ltmp3:
0x54: {  	[tilespmem:v16+s13+$0x0] =	vst.idx.add.s32.msk $0xffff, v2;
	(pc) =	sbr.rel @p0 .LBB2_4-.Ltmp3, $4  }
0x55: {  	[tilespmem:v17+s13+$0x0] =	vst.idx.add.s32.msk $0xffff, v2  }
0x56: {  	[tilespmem:v18+s13+$0x0] =	vst.idx.add.s32.msk $0xffff, v2  }
0x57: {  	[tilespmem:v13+s13+$0x0] =	vst.idx.add.s32.msk $0xffff, v2  }
0x58: {  	s18 =	sadd.s32 $0x200, s18;
	[tilespmem:v14+s13+$0x0] =	vst.idx.add.s32.msk $0xffff, v2  }
0x59: {  	v15 =	vadd.s32 v4, v3  }
0x5a: {  	v14 =	vadd.s32 v5, v3  }
0x5b: {  	v13 =	vadd.s32 v6, v3  }
0x5c: {  	v24 =	vadd.s32 v7, v3  }
0x5d: {  	v17 =	vld.idx.msk [tilespmem:v3+s13+$0x0], $0xffff;
	v19 =	vadd.s32 v8, v3  }
0x5e: {  	v20 =	vadd.s32 v9, v3;
	v25 =	vld.idx.msk [tilespmem:v15+s13+$0x0], $0xffff  }
0x5f: {  	v21 =	vadd.s32 v10, v3;
	v26 =	vld.idx.msk [tilespmem:v14+s13+$0x0], $0xffff  }
0x60: {  	v16 =	vadd.s32 v11, v3;
	v27 =	vld.idx.msk [tilespmem:v13+s13+$0x0], $0xffff  }
0x61: {  	v22 =	vadd.s32 v4, v16;
	v31 =	vld.idx.msk [tilespmem:v24+s13+$0x0], $0xffff  }
0x62: {  	v28 =	vimm.s32 $0x0;
	v23 =	vadd.s32 v5, v16;
	v32 =	vld.idx.msk [tilespmem:v19+s13+$0x0], $0xffff  }
0x63: {  	v18 =	vadd.s32 v6, v16;
	v28 =	vadd.s32 v28, v17;
	v36 =	vld.idx.msk [tilespmem:v20+s13+$0x0], $0xffff  }
0x64: {  	v17 =	vadd.s32 v7, v16;
	v30 =	vld.idx.msk [tilespmem:v21+s13+$0x0], $0xffff;
	v25 =	vadd.s32 v25, v28  }
0x65: {  	v34 =	vadd.s32 v8, v16;
	v29 =	vld.idx.msk [tilespmem:v16+s13+$0x0], $0xffff;
	v25 =	vadd.s32 v26, v25  }
0x66: {  	v33 =	vadd.s32 v9, v16;
	v28 =	vld.idx.msk [tilespmem:v22+s13+$0x0], $0xffff;
	v25 =	vadd.s32 v27, v25  }
0x67: {  	v35 =	vadd.s32 v10, v16;
	v26 =	vld.idx.msk [tilespmem:v23+s13+$0x0], $0xffff;
	v31 =	vadd.s32 v31, v25  }
0x68: {  	v27 =	vld.idx.msk [tilespmem:v18+s13+$0x0], $0xffff;
	v25 =	vadd.s32 v11, v16;
	v37 =	vadd.s32 v32, v31  }
0x69: {  	s18 =	simm.s32 $0x1D;
	v32 =	vadd.s32 v4, v25;
	v31 =	vld.idx.msk [tilespmem:v17+s13+$0x0], $0xffff;
	v36 =	vadd.s32 v36, v37  }
.LBB2_6:
0x6a: {  	p0 =	sne.s32 s18, $0x1;
	v37 =	vadd.s32 v5, v25;
	v38 =	vld.idx.msk [tilespmem:v34+s13+$0x0], $0xffff;
	v30 =	vadd.s32 v30, v36  }
0x6b: {  	v36 =	vadd.s32 v6, v25;
	v29 =	vadd.s32 v30, v29;
	v39 =	vld.idx.msk [tilespmem:v33+s13+$0x0], $0xffff  }
0x6c: {  	v40 =	vadd.s32 v7, v25;
	v28 =	vadd.s32 v28, v29;
	v30 =	vld.idx.msk [tilespmem:v35+s13+$0x0], $0xffff  }
.Ltmp4:
0x6d: {  	v34 =	vadd.s32 v8, v25;
	v29 =	vld.idx.msk [tilespmem:v25+s13+$0x0], $0xffff;
	v26 =	vadd.s32 v26, v28;
	(pc) =	sbr.rel @p0 .LBB2_6-.Ltmp4, $4  }
0x6e: {  	v33 =	vadd.s32 v9, v25;
	v28 =	vld.idx.msk [tilespmem:v32+s13+$0x0], $0xffff;
	v27 =	vadd.s32 v27, v26  }
0x6f: {  	v35 =	vadd.s32 v10, v25;
	v26 =	vld.idx.msk [tilespmem:v37+s13+$0x0], $0xffff;
	v31 =	vadd.s32 v31, v27  }
0x70: {  	v25 =	vadd.s32 v11, v25;
	v27 =	vld.idx.msk [tilespmem:v36+s13+$0x0], $0xffff;
	v36 =	vadd.s32 v38, v31  }
0x71: {  	s18 =	sadd.s32 $0xFFFFFFFF, s18;
	v32 =	vadd.s32 v4, v25;
	v31 =	vld.idx.msk [tilespmem:v40+s13+$0x0], $0xffff;
	v36 =	vadd.s32 v39, v36  }
0x72: {  	_ =	sdelay $0x2  }
0x73: {  	v30 =	vadd.s32 v30, v36  }
0x74: {  	v56 =	vadd.s32 v5, v25;
	v34 =	vld.idx.msk [tilespmem:v34+s13+$0x0], $0xffff;
	v29 =	vadd.s32 v30, v29  }
0x75: {  	v33 =	vld.idx.msk [tilespmem:v33+s13+$0x0], $0xffff;
	v30 =	vadd.s32 v6, v25;
	v28 =	vadd.s32 v28, v29  }
0x76: {  	v35 =	vld.idx.msk [tilespmem:v35+s13+$0x0], $0xffff;
	v29 =	vadd.s32 v7, v25;
	v26 =	vadd.s32 v26, v28  }
0x77: {  	v37 =	vadd.s32 v8, v25;
	v28 =	vld.idx.msk [tilespmem:v25+s13+$0x0], $0xffff;
	v26 =	vadd.s32 v27, v26  }
0x78: {  	v57 =	vadd.s32 v9, v25;
	v27 =	vld.idx.msk [tilespmem:v32+s13+$0x0], $0xffff;
	v26 =	vadd.s32 v31, v26  }
0x79: {  	v25 =	vadd.s32 v10, v25;
	v31 =	vld.idx.msk [tilespmem:v56+s13+$0x0], $0xffff;
	v26 =	vadd.s32 v34, v26  }
0x7a: {  	v30 =	vld.idx.msk [tilespmem:v30+s13+$0x0], $0xffff;
	v26 =	vadd.s32 v33, v26  }
0x7b: {  	v29 =	vld.idx.msk [tilespmem:v29+s13+$0x0], $0xffff;
	v26 =	vadd.s32 v35, v26  }
0x7c: {  	v58 =	vld.idx.msk [tilespmem:v37+s13+$0x0], $0xffff;
	v26 =	vadd.s32 v26, v28  }
0x7d: {  	v28 =	vld.idx.msk [tilespmem:v57+s13+$0x0], $0xffff;
	v26 =	vadd.s32 v27, v26  }
0x7e: {  	v25 =	vld.idx.msk [tilespmem:v25+s13+$0x0], $0xffff;
	v26 =	vadd.s32 v31, v26  }
0x7f: {  	v26 =	vadd.s32 v30, v26  }
0x80: {  	v26 =	vadd.s32 v29, v26  }
0x81: {  	v26 =	vadd.s32 v58, v26  }
0x82: {  	v26 =	vadd.s32 v28, v26  }
0x83: {  	v25 =	vadd.s32 v25, v26  }
0x84: {  	v28 =	vld.idx.msk [tilespmem:v3+s13+$0x0], $0xffff;
	[tilespmem:v3+s13+$0x0] =	vst.idx.msk $0xffff, v1;
	(xrf0) =	vadd.scan.msk.s32 $0xffff, v25  }
0x85: {  	v29 =	vld.idx.msk [tilespmem:v15+s13+$0x0], $0xffff;
	[tilespmem:v15+s13+$0x0] =	vst.idx.msk $0xffff, v1  }
0x86: {  	v30 =	vld.idx.msk [tilespmem:v14+s13+$0x0], $0xffff  }
0x87: {  	[tilespmem:v14+s13+$0x0] =	vst.idx.msk $0xffff, v1  }
0x88: {  	v27 =	vimm.s32 $0x0;
	v59 =	vld.idx.msk [tilespmem:v13+s13+$0x0], $0xffff  }
0x89: {  	v31 =	vadd.s32 v27, v28  }
0x8a: {  	v61 =	vadd.s32 v4, v24;
	v29 =	vadd.s32 v31, v29;
	v26, _, _ =	vpop (xrf0)  }
0x8b: {  	v28 =	vadd.s32 v5, v24;
	v30 =	vadd.s32 v29, v30;
	v26 =	vsub.s32 v26, v25  }
0x8c: {  	v25 =	vadd.s32 v6, v24;
	v60 =	vadd.s32 v26, v31;
	v31 =	vadd.s32 v26, v29  }
0x8d: {  	v62 =	vadd.s32 v26, v30;
	v30 =	vadd.s32 v30, v59;
	vm3 =	vlt.s32 v60, $0xCCD  }
0x8e: {  	vm1 =	vlt.s32 v31, $0xCCD;
	vm2 =	vlt.s32 v31, $0xCCE;
	v63 =	vadd.s32 v26, v30  }
0x8f: {  	v31 =	vsel vm1, $0x1, v1;
	v33 =	vsel vm2, $0x1, v1;
	vm2 =	vlt.s32 v60, $0xCCE  }
0x90: {  	[tilespmem:v13+s13+$0x0] =	vst.idx.msk $0xffff, v1;
	vm1 =	vlt.s32 v62, $0xCCD;
	v36 =	vsel vm3, $0x1, v1;
	vm3 =	vlt.s32 v63, $0xCCD  }
0x91: {  	v29 =	vld.idx.msk [tilespmem:v24+s13+$0x0], $0xffff;
	[tilespmem:v24+s13+$0x0] =	vst.idx.msk $0xffff, v1;
	vm4 =	vlt.s32 v63, $0xCCE;
	v34 =	vsel vm2, $0x1, v1;
	vm2 =	vlt.s32 v62, $0xCCE  }
0x92: {  	s18 =	simm.s32 $0x3E;
	v32 =	vld.idx.msk [tilespmem:v61+s13+$0x0], $0xffff;
	[tilespmem:v61+s13+$0x0] =	vst.idx.msk $0xffff, v1;
	v35 =	vsel vm4, $0x1, v1;
	v37 =	vadd.s32 v34, v27;
	v34 =	vsel vm3, $0x1, v1  }
.LBB2_8:
0x93: {  	p0 =	sne.s32 s18, $0x1;
	s18 =	sadd.s32 $0xFFFFFFFF, s18;
	v38 =	vld.idx.msk [tilespmem:v28+s13+$0x0], $0xffff;
	v27 =	vadd.s32 v36, v27;
	v33 =	vadd.s32 v33, v37;
	v36 =	vsel vm2, $0x1, v1  }
0x94: {  	[tilespmem:v28+s13+$0x0] =	vst.idx.msk $0xffff, v1;
	v27 =	vadd.s32 v31, v27;
	v28 =	vsel vm1, $0x1, v1;
	v31 =	vadd.s32 v36, v33  }
0x95: {  	v24 =	vadd.s32 v7, v24;
	v36 =	vld.idx.msk [tilespmem:v25+s13+$0x0], $0xffff;
	v27 =	vadd.s32 v28, v27;
	v35 =	vadd.s32 v35, v31  }
0x96: {  	v29 =	vadd.s32 v30, v29;
	v31 =	vadd.s32 v6, v24;
	v27 =	vadd.s32 v34, v27  }
0x97: {  	v28 =	vadd.s32 v5, v24;
	v30 =	vadd.s32 v26, v29;
	v29 =	vadd.s32 v29, v32  }
0x98: {  	v34 =	vadd.s32 v4, v24;
	vm3 =	vlt.s32 v30, $0xCCD;
	v32 =	vadd.s32 v26, v29;
	[tilespmem:v25+s13+$0x0] =	vst.idx.msk $0xffff, v1  }
0x99: {  	vm1 =	vlt.s32 v32, $0xCCD;
	vm2 =	vlt.s32 v32, $0xCCE;
	v32 =	vadd.s32 v29, v38;
	v25 =	vmovc v31  }
.Ltmp5:
0x9a: {  	v31 =	vsel vm1, $0x1, v1;
	v33 =	vsel vm2, $0x1, v1;
	v37 =	vadd.s32 v26, v32;
	(pc) =	sbr.rel @p0 .LBB2_8-.Ltmp5, $4  }
0x9b: {  	vm2 =	vlt.s32 v30, $0xCCE;
	vm1 =	vlt.s32 v37, $0xCCD;
	v30 =	vadd.s32 v32, v36;
	v29 =	vld.idx.msk [tilespmem:v24+s13+$0x0], $0xffff  }
0x9c: {  	v38 =	vsel vm2, $0x1, v1;
	vm2 =	vlt.s32 v37, $0xCCE;
	v37 =	vadd.s32 v26, v30;
	[tilespmem:v24+s13+$0x0] =	vst.idx.msk $0xffff, v1  }
0x9d: {  	v36 =	vsel vm3, $0x1, v1;
	vm3 =	vlt.s32 v37, $0xCCD;
	vm4 =	vlt.s32 v37, $0xCCE;
	v32 =	vld.idx.msk [tilespmem:v34+s13+$0x0], $0xffff  }
0x9e: {  	v37 =	vadd.s32 v38, v35;
	v35 =	vsel vm4, $0x1, v1;
	[tilespmem:v34+s13+$0x0] =	vst.idx.msk $0xffff, v1;
	v34 =	vsel vm3, $0x1, v1  }
0x9f: {  	_ =	sdelay $0x2  }
0xa0: {  	v27 =	vadd.s32 v36, v27  }
0xa1: {  	v24 =	vld.idx.msk [tilespmem:v28+s13+$0x0], $0xffff;
	v33 =	vadd.s32 v33, v37;
	v61 =	vsel vm2, $0x1, v1;
	[tilespmem:v28+s13+$0x0] =	vst.idx.msk $0xffff, v1;
	v28 =	vsel vm1, $0x1, v1  }
0xa2: {  	v27 =	vadd.s32 v31, v27;
	v31 =	vadd.s32 v61, v33;
	v62 =	vld.idx.msk [tilespmem:v25+s13+$0x0], $0xffff;
	v29 =	vadd.s32 v30, v29  }
0xa3: {  	v27 =	vadd.s32 v28, v27;
	v28 =	vadd.s32 v35, v31;
	v30 =	vadd.s32 v29, v32  }
0xa4: {  	v27 =	vadd.s32 v34, v27;
	v29 =	vadd.s32 v26, v29;
	v31 =	vadd.s32 v26, v30  }
0xa5: {  	vm1 =	vlt.s32 v29, $0xCCD;
	vm2 =	vlt.s32 v31, $0xCCD;
	vm3 =	vlt.s32 v31, $0xCCE  }
0xa6: {  	v24 =	vadd.s32 v30, v24;
	v30 =	vsel vm2, $0x1, v1;
	v31 =	vsel vm3, $0x1, v1  }
0xa7: {  	v63 =	vadd.s32 v26, v24;
	vm2 =	vlt.s32 v29, $0xCCE;
	v24 =	vadd.s32 v24, v62  }
0xa8: {  	vm3 =	vlt.s32 v63, $0xCCD;
	v29 =	vsel vm2, $0x1, v1;
	v24 =	vadd.s32 v26, v24  }
0xa9: {  	vm2 =	vlt.s32 v63, $0xCCE;
	v26 =	vsel vm1, $0x1, v1;
	vm1 =	vlt.s32 v24, $0xCCD  }
0xaa: {  	vm4 =	vlt.s32 v24, $0xCCE;
	v24 =	vadd.s32 v29, v28;
	v26 =	vadd.s32 v26, v27  }
0xab: {  	v28 =	vsel vm3, $0x1, v1;
	v29 =	vsel vm2, $0x1, v1;
	v26 =	vadd.s32 v30, v26  }
0xac: {  	v27 =	vsel vm1, $0x1, v1;
	v24 =	vadd.s32 v31, v24;
	v26 =	vadd.s32 v28, v26  }
0xad: {  	v28 =	vsel vm4, $0x1, v1;
	v24 =	vadd.s32 v29, v24;
	v26 =	vadd.s32 v27, v26  }
0xae: {  	v24 =	vadd.s32 v28, v24;
	(xrf0) =	vadd.scan.msk.s32 $0xffff, v26  }
0xaf: {  	(xrf0) =	vadd.scan.msk.s32 $0xffff, v24;
	_ =	sdelay $0x4  }
0xb0: {  	v24, _, _ =	vpop (xrf0)  }
0xb1: {  	(v2sf) =	vpush v24, $0xF;
	v24, _, _ =	vpop (xrf0)  }
0xb2: {  	(v2sf) =	vpush v24, $0xF;
	_ =	sdelay $0xd  }
0xb3: {  	s31 =	simm.s32 $0x0;
	s18 =	spop (v2sf)  }
0xb4: {  	[tilespmem:v25+s13+$0x0] =	vst.idx.msk $0xffff, v1;
	s19 =	spop (v2sf);
	p0 =	slt.s32 s18, $0x800;
	s20 =	ssub.s32 $0x7FF, s18  }
0xb5: {  	v37 =	vld [tilespmem:s31+$0x0];
	p1 =	slt.s32 s19, $0x800;
	s21 =	ssub.s32 $0x7FF, s19;
	s18 =	smov.u32 @p0 s20  }
0xb6: {  	v30 =	vld [tilespmem:s31+$0x10];
	s19 =	smov.u32 @p1 s21;
	s18 =	sshll.u32 s18, $0x14  }
0xb7: {  	v27 =	vld [tilespmem:s31+$0x20];
	s20 =	sshll.u32 s19, $0x14;
	s22 =	sor.u32 $0xFFFFF, s18  }
0xb8: {  	v28 =	vld [tilespmem:s31+$0x30];
	s19 =	sor.u32 $0xFFFFF, s20;
	s18 =	smov.u32 @p0 s22  }
0xb9: {  	s19 =	smov.u32 @p1 s20;
	v24 =	vmov s18  }
0xba: {  	v25 =	vmov s19;
	v31 =	vbroadcast v24, $0x0  }
0xbb: {  	v33 =	vimm.s32 $0x0;
	v34 =	vimm.f32 $0.0e+00;
	v32 =	vbroadcast v25, $0x0  }
0xbc: {  	vm7 =	vgt.f32 v27, v31;
	vm2 =	vle.f32 v27, v31;
	vm8 =	vgt.f32 v30, v31  }
0xbd: {  	v26 =	vld [tilespmem:s31+$0x60];
	vm5 =	vle.f32 v28, v31;
	vm10 =	vgt.f32 v37, v31;
	vm6 =	vle.f32 v37, v31  }
0xbe: {  	v24 =	vld [tilespmem:s31+$0x50];
	vm1 =	vge.f32 v27, v32;
	v35 =	vnsel vm7, $0x0, v27;
	vm4 =	vge.f32 v37, v32  }
0xbf: {  	v25 =	vld [tilespmem:s31+$0x40];
	vm3 =	vge.f32 v28, v32;
	vm1 =	vmand vm1, vm2;
	vm6 =	vmand vm4, vm6  }
0xc0: {  	vm2 =	vle.f32 v30, v31;
	vm4 =	vge.f32 v30, v32;
	v29 =	vmpcnt.ones.xlane vm6  }
0xc1: {  	v36 =	vmpcnt.ones.xlane vm10;
	vm5 =	vmand vm3, vm5;
	vm4 =	vmand vm4, vm2  }
0xc2: {  	vm3 =	vle.f32 v26, v31;
	v38 =	vmpcnt.ones.xlane vm4;
	(v2sf) =	vpush v29, $0x0;
	v29 =	vld [tilespmem:s31+$0x70]  }
0xc3: {  	vm11 =	vge.f32 v24, v32;
	vm12 =	vle.f32 v24, v31;
	v39 =	vmpcnt.ones.xlane vm1  }
0xc4: {  	vm2 =	vge.f32 v26, v32;
	vm9 =	vge.f32 v25, v32;
	(v2sf) =	vpush v38, $0x0  }
0xc5: {  	s20 =	simm.s32 $0x0;
	vm2 =	vmand vm2, vm3;
	vm3 =	vle.f32 v25, v31;
	(v2sf) =	vpush v39, $0x0  }
0xc6: {  	s21 =	simm.s32 $0x200;
	[tilespmem:s20+$0x10000] =	vst.msk vm6, v37;
	vm6 =	vmand vm9, vm3;
	vm3 =	vmand vm11, vm12;
	v38 =	vmpcnt.ones.xlane vm5  }
.LBB2_10:
0xc7: {  	p0 =	sne.s32 s21, $0x1FE00;
	vm9 =	vge.f32 v29, v32;
	v39 =	vmpcnt.ones.xlane vm6;
	v40 =	vmpcnt.ones.xlane vm2;
	s22 =	smov.u32 s21;
	s21 =	sadd.s32 $0x200, s21  }
0xc8: {  	vm11 =	vle.f32 v29, v31;
	v41 =	vmpcnt.ones.xlane vm3;
	(v2sf) =	vpush v38, $0x0  }
0xc9: {  	v37 =	vnsel vm10, $0x0, v37;
	vm9 =	vmand vm9, vm11;
	(v2sf) =	vpush v39, $0x0  }
0xca: {  	v34 =	vadd.f32 v37, v34;
	v38 =	vmpcnt.ones.xlane vm9;
	(v2sf) =	vpush v41, $0x0  }
0xcb: {  	vm10 =	vgt.f32 v28, v31;
	v37 =	vnsel vm8, $0x0, v30;
	(v2sf) =	vpush v40, $0x0  }
0xcc: {  	s22 =	sshra.s32 s22, $0x2;
	v34 =	vadd.f32 v37, v34;
	v37 =	vnsel vm10, $0x0, v28;
	(v2sf) =	vpush v38, $0x0  }
0xcd: {  	v33 =	vadd.s32 v33, v36;
	vm11 =	vgt.f32 v24, v31;
	v36 =	vmpcnt.ones.xlane vm10  }
0xce: {  	v38 =	vmpcnt.ones.xlane vm8;
	v34 =	vadd.f32 v35, v34;
	v35 =	vnsel vm11, $0x0, v24  }
0xcf: {  	v39 =	vmpcnt.ones.xlane vm7;
	vm8 =	vgt.f32 v29, v31  }
0xd0: {  	vm7 =	vgt.f32 v25, v31;
	v33 =	vadd.s32 v38, v33;
	v34 =	vadd.f32 v37, v34  }
0xd1: {  	v37 =	vmpcnt.ones.xlane vm7;
	v38 =	vnsel vm7, $0x0, v25;
	v33 =	vadd.s32 v39, v33  }
0xd2: {  	v33 =	vadd.s32 v36, v33;
	v34 =	vadd.f32 v38, v34;
	v36 =	vnsel vm8, $0x0, v29;
	s23 =	spop (v2sf)  }
0xd3: {  	v33 =	vadd.s32 v37, v33;
	s20 =	sadd.s32 s20, s23;
	s23 =	spop (v2sf)  }
0xd4: {  	vm7 =	vgt.f32 v26, v31;
	v37 =	vmpcnt.ones.xlane vm11;
	v34 =	vadd.f32 v35, v34;
	s23 =	sadd.s32 s23, s20;
	[tilespmem:s20+$0x10000] =	vst.msk vm4, v30;
	s20 =	spop (v2sf)  }
0xd5: {  	v35 =	vnsel vm7, $0x0, v26;
	v30 =	vmpcnt.ones.xlane vm7;
	s20 =	sadd.s32 s20, s23;
	[tilespmem:s23+$0x10000] =	vst.msk vm1, v27  }
0xd6: {  	v34 =	vadd.f32 v35, v34;
	v27 =	vadd.s32 v37, v33;
	v33 =	vmpcnt.ones.xlane vm8;
	[tilespmem:s20+$0x10000] =	vst.msk vm5, v28  }
0xd7: {  	v27 =	vadd.s32 v30, v27;
	s23 =	spop (v2sf)  }
0xd8: {  	v34 =	vadd.f32 v36, v34;
	v33 =	vadd.s32 v33, v27;
	s20 =	sadd.s32 s23, s20;
	s23 =	spop (v2sf)  }
0xd9: {  	s23 =	sadd.s32 s23, s20;
	[tilespmem:s20+$0x10000] =	vst.msk vm6, v25;
	s20 =	spop (v2sf)  }
0xda: {  	s20 =	sadd.s32 s20, s23;
	[tilespmem:s23+$0x10000] =	vst.msk vm3, v24;
	s23 =	spop (v2sf)  }
0xdb: {  	s23 =	sadd.s32 s23, s20;
	[tilespmem:s20+$0x10000] =	vst.msk vm2, v26;
	s20 =	spop (v2sf)  }
0xdc: {  	s20 =	sadd.s32 s20, s23;
	[tilespmem:s23+$0x10000] =	vst.msk vm9, v29  }
0xdd: {  	v27 =	vld [tilespmem:s22+$0x20]  }
0xde: {  	v30 =	vld [tilespmem:s22+$0x10]  }
0xdf: {  	v28 =	vld [tilespmem:s22+$0x30]  }
0xe0: {  	v37 =	vld [tilespmem:s22+$0x0]  }
0xe1: {  	v24 =	vld [tilespmem:s22+$0x50]  }
0xe2: {  	v25 =	vld [tilespmem:s22+$0x40];
	vm7 =	vgt.f32 v27, v31;
	vm1 =	vge.f32 v27, v32;
	vm2 =	vle.f32 v27, v31  }
0xe3: {  	v29 =	vld [tilespmem:s22+$0x70];
	vm8 =	vgt.f32 v30, v31;
	vm1 =	vmand vm1, vm2;
	v35 =	vnsel vm7, $0x0, v27  }
0xe4: {  	vm2 =	vle.f32 v30, v31;
	v26 =	vld [tilespmem:s22+$0x60];
	vm3 =	vge.f32 v28, v32;
	vm5 =	vle.f32 v28, v31  }
0xe5: {  	vm10 =	vgt.f32 v37, v31;
	vm4 =	vge.f32 v37, v32;
	vm6 =	vle.f32 v37, v31  }
0xe6: {  	vm6 =	vmand vm4, vm6;
	vm4 =	vge.f32 v30, v32;
	v36 =	vmpcnt.ones.xlane vm10  }
0xe7: {  	vm4 =	vmand vm4, vm2;
	vm9 =	vge.f32 v25, v32;
	v38 =	vmpcnt.ones.xlane vm6;
	[tilespmem:s20+$0x10000] =	vst.msk vm6, v37  }
.Ltmp6:
0xe8: {  	vm11 =	vge.f32 v24, v32;
	vm12 =	vle.f32 v24, v31;
	v39 =	vmpcnt.ones.xlane vm4;
	(pc) =	sbr.rel @p0 .LBB2_10-.Ltmp6, $4  }
0xe9: {  	v40 =	vmpcnt.ones.xlane vm1;
	vm2 =	vge.f32 v26, v32;
	(v2sf) =	vpush v38, $0x0  }
0xea: {  	vm5 =	vmand vm3, vm5;
	vm3 =	vle.f32 v26, v31;
	(v2sf) =	vpush v39, $0x0  }
0xeb: {  	vm6 =	vle.f32 v25, v31;
	vm2 =	vmand vm2, vm3;
	(v2sf) =	vpush v40, $0x0  }
0xec: {  	vm6 =	vmand vm9, vm6;
	v38 =	vmpcnt.ones.xlane vm5;
	vm3 =	vmand vm11, vm12  }
0xed: {  	v37 =	vnsel vm10, $0x0, v37  }
0xee: {  	v34 =	vadd.f32 v37, v34  }
0xef: {  	v46 =	vnsel vm8, $0x0, v30  }
0xf0: {  	v34 =	vadd.f32 v46, v34;
	_ =	sdelay $0x1  }
0xf1: {  	vm10 =	vgt.f32 v28, v31;
	v34 =	vadd.f32 v35, v34  }
0xf2: {  	v47 =	vnsel vm10, $0x0, v28  }
0xf3: {  	vm11 =	vgt.f32 v25, v31;
	v34 =	vadd.f32 v47, v34  }
0xf4: {  	v48 =	vnsel vm11, $0x0, v25  }
0xf5: {  	vm12 =	vgt.f32 v24, v31;
	v34 =	vadd.f32 v48, v34  }
0xf6: {  	v49 =	vnsel vm12, $0x0, v24  }
0xf7: {  	vm13 =	vgt.f32 v26, v31;
	v34 =	vadd.f32 v49, v34  }
0xf8: {  	v50 =	vnsel vm13, $0x0, v26  }
0xf9: {  	vm14 =	vgt.f32 v29, v31;
	vm9 =	vge.f32 v29, v32;
	v34 =	vadd.f32 v50, v34  }
0xfa: {  	vm15 =	vle.f32 v29, v31;
	v55 =	vmpcnt.ones.xlane vm6;
	v51 =	vnsel vm14, $0x0, v29  }
0xfb: {  	v57 =	vmpcnt.ones.xlane vm3;
	(v2sf) =	vpush v38, $0x0;
	v34 =	vadd.f32 v51, v34  }
0xfc: {  	v56 =	vmpcnt.ones.xlane vm2;
	vm9 =	vmand vm9, vm15;
	(v2sf) =	vpush v55, $0x0  }
0xfd: {  	v58 =	vmpcnt.ones.xlane vm9;
	(v2sf) =	vpush v57, $0x0;
	(xrf2) =	vadd.scan.msk.f32 $0xffff, v34  }
0xfe: {  	v53 =	vmpcnt.ones.xlane vm8;
	(v2sf) =	vpush v56, $0x0  }
0xff: {  	v54 =	vmpcnt.ones.xlane vm7;
	v33 =	vadd.s32 v33, v36;
	(v2sf) =	vpush v58, $0x0  }
0x100: {  	v52 =	vmpcnt.ones.xlane vm10;
	v32 =	vadd.s32 v53, v33  }
0x101: {  	v59 =	vmpcnt.ones.xlane vm11;
	v32 =	vadd.s32 v54, v32  }
0x102: {  	v60 =	vmpcnt.ones.xlane vm12;
	v31 =	vadd.s32 v52, v32  }
0x103: {  	v61 =	vmpcnt.ones.xlane vm13;
	v31 =	vadd.s32 v59, v31  }
0x104: {  	p0 =	slt.s32 s19, $0x0;
	s24 =	sor.u32 $0x80000000, s19;
	v62 =	vmpcnt.ones.xlane vm14;
	v31 =	vadd.s32 v60, v31;
	s21 =	spop (v2sf)  }
0x105: {  	v31 =	vadd.s32 v61, v31;
	s22 =	spop (v2sf);
	s20 =	sadd.s32 s20, s21;
	s21 =	sxor.u32 $0xFFFFFFFF, s19  }
0x106: {  	v31 =	vadd.s32 v62, v31;
	s29 =	sadd.s32 s22, s20;
	s24 =	smov.u32 @p0 s21  }
0x107: {  	(v2sf) =	vpush v31, $0x0;
	p0 =	slt.s32 s18, $0x0;
	s21 =	sxor.u32 $0xFFFFFFFF, s18;
	s22 =	sor.u32 $0x80000000, s18;
	v63, _, _ =	vpop (xrf2)  }
0x108: {  	s22 =	smov.u32 @p0 s21;
	(v2sf) =	vpush v63, $0xF  }
0x109: {  	s23 =	spop (v2sf);
	[tilespmem:s20+$0x10000] =	vst.msk vm4, v30;
	s21 =	ssub.s32 s22, s24  }
0x10a: {  	s30 =	sadd.s32 s23, s29;
	[tilespmem:s29+$0x10000] =	vst.msk vm1, v27;
	s31 =	spop (v2sf);
	s26 =	sshrl.u32 s21, $0x1  }
0x10b: {  	[tilespmem:s30+$0x10000] =	vst.msk vm5, v28;
	s28 =	sand.u32 $0x1, s21;
	s23 =	sadd.s32 s31, s30;
	s25 =	spop (v2sf)  }
0x10c: {  	s20 =	sor.u32 s26, s28;
	s18 =	sadd.s32 s25, s23;
	[tilespmem:s23+$0x10000] =	vst.msk vm6, v25;
	s29 =	spop (v2sf)  }
0x10d: {  	s23 =	scvt.s32.f32 s20;
	s19 =	sadd.s32 s29, s18;
	[tilespmem:s18+$0x10000] =	vst.msk vm3, v24;
	s30 =	spop (v2sf)  }
0x10e: {  	s18 =	sadd.s32 s30, s19;
	[tilespmem:s19+$0x10000] =	vst.msk vm2, v26;
	s31 =	spop (v2sf)  }
0x10f: {  	s20 =	sadd.s32 s31, s18;
	[tilespmem:s18+$0x10000] =	vst.msk vm9, v29;
	s18 =	sadd.f32 s23, s23;
	s23 =	scvt.s32.f32 s21  }
0x110: {  	p0 =	slt.s32 s21, $0x0  }
0x111: {  	s23 =	smov.u32 @p0 s18  }
0x112: {  	p0 =	slt.u32 s23, $0x3F800000  }
.Ltmp7:
0x113: {  	_ = 	snop;
	(pc) =	sbr.rel @p0 .LBB2_18-.Ltmp7, $4  }
0x114: {  	[tilespmem:s20+$0x10000] =	vst v12  }
0x115: {  	[tilespmem:s20+$0x10010] =	vst v12  }
0x116: {  	[tilespmem:s20+$0x10020] =	vst v12;
	s19 =	spop (v2sf)  }
0x117: {  	v25 =	vmov s24;
	[tilespmem:s20+$0x10030] =	vst v12;
	s18 =	spop (v2sf)  }
0x118: {  	s21 =	sadd.s32 $0x3F, s20  }
0x119: {  	s24 =	sand.u32 $0x3F, s21  }
0x11a: {  	s30 =	sshra.s32 s21, $0x1F;
	p1 =	slt.s32 s21, $0x1;
	p0 =	sne.s32 s24, $0x0  }
.Ltmp8:
0x11b: {  	s24 =	sshrl.u32 s30, $0x1A;
	p0 =	por !p1, !p0;
	(pc) =	sbr.rel .LBB2_13-.Ltmp8, $4  }
0x11c: {  	s21 =	sadd.s32 s24, s21;
	s24 =	simm.s32 $0x1;
	p0 =	por !p0, !p0  }
0x11d: {  	s21 =	sshra.s32 s21, $0x6;
	s24 =	simm.s32 @!p0 $0x0  }
0x11e: {  	s31 =	ssub.s32 $0xCCD, s19;
	s23 =	sshrl.u32 s23, $0x17;
	s21 =	ssub.s32 s21, s24  }
0x11f: {  	v26 =	vmov s22;
	v24 =	vmov s31;
	s22 =	sadd.s32 $0xFFFFFF81, s23;
	s23 =	simm.s32 $0x0;
	p0 =	slt.s32 s21, $0x1  }
.LBB2_16:
0x120: {  	vm2 =	vgt.f32 v30, v29;
	v30 =	vmpcnt.ones.xlane vm1  }
0x121: {  	vm1 =	vgt.f32 v31, v29;
	v31 =	vmpcnt.ones.xlane vm2  }
0x122: {  	vm2 =	vgt.f32 v32, v29;
	v29 =	vmpcnt.ones.xlane vm1;
	v28 =	vadd.s32 v28, v30  }
0x123: {  	v30 =	vmpcnt.ones.xlane vm2;
	v28 =	vadd.s32 v31, v28  }
0x124: {  	v28 =	vadd.s32 v29, v28  }
0x125: {  	v28 =	vadd.s32 v30, v28  }
.LBB2_17:
0x126: {  	p1 =	sne.s32 s23, s22  }
.Ltmp9:
0x127: {  	_ = 	snop;
	(pc) =	sbr.rel @!p1 .LBB2_18-.Ltmp9, $3  }
0x128: {  	_ =	sdelay $0x1  }
0x129: {  	vm1 =	vgt.s32 v28, v24;
	v63 =	vadd.s32 $0x1, v27;
	s24 =	sadd.s32 $0x1, s23  }
0x12a: {  	v25 =	vsel vm1, v63, v25;
	v26 =	vsel vm1, v26, v27;
	s23 =	smov.u32 s24  }
.LBB2_13:
.Ltmp10:
0x12b: {  	(pc) =	sbr.rel @p0 .LBB2_17-.Ltmp10, $4  }
0x12c: {  	_ = 	snop  }
0x12d: {  	v27 =	vsub.s32 v26, v25  }
0x12e: {  	v27 =	vshrl.u32 v27, $0x1  }
0x12f: {  	v28 =	vimm.s32 $0x0;
	v27 =	vadd.s32 v25, v27  }
0x130: {  	s25 =	simm.s32 $0x10020  }
0x131: {  	p1 =	sne.s32 s21, $0x1;
	v33 =	vld [tilespmem:s25+$0xFFFFFFE0]  }
.Ltmp11:
0x132: {  	vm1 =	vlt.s32 v27, $0x0;
	v29 =	vand.u32 $0x7FFFFFFF, v27;
	v31 =	vxor.u32 $0xFFFFFFFF, v27;
	v30 =	vld [tilespmem:s25+$0xFFFFFFF0];
	(pc) =	sbr.rel @!p1 .LBB2_16-.Ltmp11, $3  }
0x133: {  	v29 =	vsel vm1, v29, v31;
	v31 =	vld [tilespmem:s25+$0x0]  }
0x134: {  	v32 =	vld [tilespmem:s25+$0x10];
	_ =	sdelay $0x1  }
0x135: {  	s24 =	sadd.s32 $0xFFFFFFFF, s21;
	s25 =	simm.s32 $0x10060;
	vm1 =	vgt.f32 v33, v29  }
.LBB2_15:
0x136: {  	v33 =	vld [tilespmem:s25+$0xFFFFFFE0];
	p1 =	sne.s32 s24, $0x1;
	s24 =	sadd.s32 $0xFFFFFFFF, s24;
	vm2 =	vgt.f32 v30, v29;
	v34 =	vmpcnt.ones.xlane vm1  }
.Ltmp12:
0x137: {  	vm1 =	vgt.f32 v31, v29;
	v30 =	vld [tilespmem:s25+$0xFFFFFFF0];
	v35 =	vmpcnt.ones.xlane vm2;
	(pc) =	sbr.rel @p1 .LBB2_15-.Ltmp12, $4  }
0x138: {  	vm2 =	vgt.f32 v32, v29;
	v31 =	vld [tilespmem:s25+$0x0];
	v28 =	vadd.s32 v28, v34;
	v34 =	vmpcnt.ones.xlane vm1  }
0x139: {  	v32 =	vld [tilespmem:s25+$0x10];
	v28 =	vadd.s32 v35, v28;
	v35 =	vmpcnt.ones.xlane vm2  }
0x13a: {  	v28 =	vadd.s32 v34, v28  }
0x13b: {  	s25 =	sadd.s32 $0x40, s25;
	vm1 =	vgt.f32 v33, v29;
	v28 =	vadd.s32 v35, v28  }
.Ltmp13:
0x13c: {  	_ = 	snop;
	(pc) =	sbr.rel .LBB2_16-.Ltmp13, $1  }
0x13d: {  	_ =	sdelay $0x3  }
.LBB2_18:
0x13e: {  	s20 =	sadd.s32 $0xF, s20  }
0x13f: {  	s21 =	sand.u32 $0xF, s20  }
0x140: {  	s22 =	sshra.s32 s20, $0x1F;
	p0 =	slt.s32 s20, $0x1;
	p1 =	sne.s32 s21, $0x0  }
0x141: {  	s31 =	sshrl.u32 s22, $0x1C;
	p0 =	por !p0, !p1  }
0x142: {  	s21 =	simm.s32 $0x1;
	s20 =	sadd.s32 s31, s20;
	p0 =	por !p0, !p0  }
0x143: {  	s20 =	sshra.s32 s20, $0x4;
	s21 =	simm.s32 @!p0 $0x0  }
0x144: {  	s20 =	ssub.s32 s20, s21  }
0x145: {  	p0 =	slt.s32 s20, $0x1  }
.Ltmp14:
0x146: {  	_ = 	snop;
	(pc) =	sbr.rel @p0 .LBB2_19-.Ltmp14, $2  }
0x147: {  	_ =	sdelay $0x2  }
0x148: {  	v24 =	vimm.s32 $0x0  }
0x149: {  	p0 =	sne.s32 s20, $0x1  }
.Ltmp15:
0x14a: {  	_ = 	snop;
	(pc) =	sbr.rel @!p0 .LBB2_22-.Ltmp15, $4  }
0x14b: {  	s21 =	simm.s32 $0x10000  }
0x14c: {  	v27 =	vld [tilespmem:s21+$0x0]  }
0x14d: {  	vm1 =	vlt.s32 v25, $0x0;
	v26 =	vand.u32 $0x7FFFFFFF, v25;
	v25 =	vxor.u32 $0xFFFFFFFF, v25  }
0x14e: {  	s22 =	sadd.s32 $0xFFFFFFFF, s20;
	s23 =	simm.s32 $0x10000;
	v25 =	vsel vm1, v26, v25;
	v26 =	vimm.f32 $+Inf  }
.LBB2_21:
0x14f: {  	p1 =	sne.s32 s22, $0x1  }
.Ltmp16:
0x150: {  	s22 =	sadd.s32 $0xFFFFFFFF, s22;
	(pc) =	sbr.rel @p1 .LBB2_21-.Ltmp16, $3  }
0x151: {  	s23 =	sadd.s32 $0x10, s23;
	vm1 =	vgt.f32 v27, v25;
	v28 =	vmin.f32 v26, v27  }
0x152: {  	v27 =	vld [tilespmem:s23+$0x0];
	v29 =	vmpcnt.ones.xlane vm1;
	v26 =	vsel vm1, v28, v26;
	_ =	sdelay $0x1  }
0x153: {  	v24 =	vadd.s32 v24, v29  }
.LBB2_22:
0x154: {  	_ =	sdelay $0x1  }
0x155: {  	vm1 =	vgt.f32 v27, v25  }
0x156: {  	v28 =	vmpcnt.ones.xlane vm1;
	_ =	sdelay $0x1  }
0x157: {  	v24 =	vadd.s32 v24, v28  }
0x158: {  	(v2sf) =	vpush v24, $0x0;
	_ =	sdelay $0x6  }
0x159: {  	v24 =	vmin.f32 v26, v27  }
0x15a: {  	v24 =	vsel vm1, v24, v26  }
0x15b: {  	(xrf0) =	vmin.scan.msk.f32 $0xffff, v24;
	_ =	sdelay $0x5  }
0x15c: {  	v24, _, _ =	vpop (xrf0);
	s22 =	spop (v2sf)  }
0x15d: {  	v24 =	vbroadcast v24, $0xF;
	s22 =	sadd.s32 s19, s22  }
0x15e: {  	p1 =	sgt.s32 s22, $0xCCC  }
0x15f: {  	v26 =	vpsel p1, v24, v25;
	v24 =	vld [tilespmem:s21+$0x0]  }
.Ltmp17:
0x160: {  	v25 =	vmul.f32 $7.011718750e-01, v25;
	v26 =	vmul.f32 $2.988281250e-01, v26;
	(pc) =	sbr.rel @!p0 .LBB2_24-.Ltmp17, $3  }
0x161: {  	_ = 	snop  }
0x162: {  	v27 =	vadd.f32 v26, v25;
	_ =	sdelay $0x1  }
0x163: {  	s20 =	sadd.s32 $0xFFFFFFFF, s20;
	s21 =	simm.s32 $0x10010;
	v26 =	vimm.s32 $0x0;
	v25 =	vimm.f32 $0.0e+00;
	vm1 =	vgt.f32 v24, v27  }
.LBB2_23:
0x164: {  	p0 =	sne.s32 s20, $0x1;
	s20 =	sadd.s32 $0xFFFFFFFF, s20;
	v28 =	vmpcnt.ones.xlane vm1;
	v29 =	vnsel vm1, $0x0, v24;
	v24 =	vld [tilespmem:s21+$0x0]  }
.Ltmp18:
0x165: {  	v25 =	vadd.f32 v29, v25;
	(pc) =	sbr.rel @p0 .LBB2_23-.Ltmp18, $2  }
0x166: {  	v26 =	vadd.s32 v26, v28;
	_ =	sdelay $0x2  }
0x167: {  	s21 =	sadd.s32 $0x10, s21;
	vm1 =	vgt.f32 v24, v27  }
.LBB2_24:
.Ltmp19:
0x168: {  	(pc) =	sbr.rel .LBB2_25-.Ltmp19, $4  }
0x169: {  	_ = 	snop  }
0x16a: {  	v27 =	vmpcnt.ones.xlane vm1  }
0x16b: {  	v24 =	vnsel vm1, $0x0, v24  }
0x16c: {  	v25 =	vadd.f32 v24, v25;
	v24 =	vadd.s32 v26, v27  }
.LBB2_19:
0x16d: {  	v25 =	vimm.f32 $0.0e+00  }
.LBB2_25:
0x16e: {  	_ =	swait.ge [sflag:s14], $0x8000  }
0x16f: {  	[sflag:s14] =	ssyncset.done $0x0  }
0x170: {  	s20 =	simm.s32 $0x0;
	[sflag:s14] =	ssyncadd.s32 $0xFFFF8000  }
0x171: {  	[tilespmem:s20], [sflag:$0x1] =	stream.strided.gather [hbm4b:s5+s9], $0x8000, s10, s9, $0x38;
	[tilespmem:$0x19180] =	vst v63  }
.LBB2_26:
0x172: {  	s21 =	sshra.s32 s20, $0x2  }
0x173: {  	v26 =	vld [tilespmem:s21+$0x8000]  }
0x174: {  	v27 =	vld [tilespmem:s21+$0x8010]  }
0x175: {  	v28 =	vld [tilespmem:s21+$0x8020]  }
0x176: {  	v29 =	vld [tilespmem:s21+$0x8030]  }
0x177: {  	v30 =	vld [tilespmem:s21+$0x8040]  }
0x178: {  	v31 =	vld [tilespmem:s21+$0x8050];
	v32 =	vshrl.u32 v26, $0x14;
	v26 =	vshrl.u32 v26, $0x1C  }
0x179: {  	v33 =	vld [tilespmem:s21+$0x8060];
	v56 =	vshrl.u32 v27, $0x14;
	v27 =	vshrl.u32 v27, $0x1C;
	v26 =	vadd.s32 v26, v32  }
0x17a: {  	v34 =	vld [tilespmem:s21+$0x8070];
	v57 =	vshrl.u32 v28, $0x14;
	v28 =	vshrl.u32 v28, $0x1C;
	v27 =	vadd.s32 v27, v56  }
0x17b: {  	v58 =	vshrl.u32 v29, $0x14;
	v29 =	vshrl.u32 v29, $0x1C;
	v28 =	vadd.s32 v28, v57  }
0x17c: {  	v59 =	vshrl.u32 v30, $0x14;
	v30 =	vshrl.u32 v30, $0x1C;
	v29 =	vadd.s32 v29, v58  }
0x17d: {  	v60 =	vshrl.u32 v31, $0x14;
	v31 =	vshrl.u32 v31, $0x1C;
	v30 =	vadd.s32 v30, v59  }
0x17e: {  	v61 =	vshrl.u32 v33, $0x14;
	v33 =	vshrl.u32 v33, $0x1C;
	v31 =	vadd.s32 v31, v60;
	[tilespmem:v26+s13+$0x0] =	vst.idx.add.s32.msk $0xffff, v2  }
0x17f: {  	v62 =	vshrl.u32 v34, $0x14;
	v63 =	vshrl.u32 v34, $0x1C;
	v26 =	vadd.s32 v33, v61;
	[tilespmem:v27+s13+$0x0] =	vst.idx.add.s32.msk $0xffff, v2  }
0x180: {  	p0 =	sne.s32 s20, $0x1FE00;
	v27 =	vadd.s32 v63, v62;
	[tilespmem:v28+s13+$0x0] =	vst.idx.add.s32.msk $0xffff, v2  }
.Ltmp20:
0x181: {  	[tilespmem:v29+s13+$0x0] =	vst.idx.add.s32.msk $0xffff, v2;
	(pc) =	sbr.rel @p0 .LBB2_26-.Ltmp20, $4  }
0x182: {  	[tilespmem:v30+s13+$0x0] =	vst.idx.add.s32.msk $0xffff, v2  }
0x183: {  	[tilespmem:v31+s13+$0x0] =	vst.idx.add.s32.msk $0xffff, v2  }
0x184: {  	[tilespmem:v26+s13+$0x0] =	vst.idx.add.s32.msk $0xffff, v2  }
0x185: {  	s20 =	sadd.s32 $0x200, s20;
	[tilespmem:v27+s13+$0x0] =	vst.idx.add.s32.msk $0xffff, v2  }
0x186: {  	_ =	sdelay $0x2  }
0x187: {  	v26 =	vadd.s32 v7, v3  }
0x188: {  	v27 =	vld.idx.msk [tilespmem:v3+s13+$0x0], $0xffff  }
0x189: {  	v28 =	vld.idx.msk [tilespmem:v15+s13+$0x0], $0xffff  }
0x18a: {  	v29 =	vld.idx.msk [tilespmem:v14+s13+$0x0], $0xffff  }
0x18b: {  	v33 =	vld.idx.msk [tilespmem:v13+s13+$0x0], $0xffff  }
0x18c: {  	v30 =	vimm.s32 $0x0;
	v34 =	vld.idx.msk [tilespmem:v26+s13+$0x0], $0xffff  }
0x18d: {  	v37 =	vld.idx.msk [tilespmem:v19+s13+$0x0], $0xffff;
	v27 =	vadd.s32 v30, v27  }
0x18e: {  	v38 =	vld.idx.msk [tilespmem:v20+s13+$0x0], $0xffff;
	v27 =	vadd.s32 v28, v27  }
0x18f: {  	v32 =	vld.idx.msk [tilespmem:v21+s13+$0x0], $0xffff;
	v27 =	vadd.s32 v29, v27  }
0x190: {  	v31 =	vld.idx.msk [tilespmem:v16+s13+$0x0], $0xffff;
	v36 =	vadd.s32 v8, v16;
	v27 =	vadd.s32 v33, v27  }
0x191: {  	v35 =	vadd.s32 v9, v16;
	v30 =	vld.idx.msk [tilespmem:v22+s13+$0x0], $0xffff;
	v33 =	vadd.s32 v34, v27  }
0x192: {  	v28 =	vld.idx.msk [tilespmem:v23+s13+$0x0], $0xffff;
	v39 =	vadd.s32 v37, v33;
	v37 =	vadd.s32 v10, v16  }
0x193: {  	v29 =	vld.idx.msk [tilespmem:v18+s13+$0x0], $0xffff;
	v27 =	vadd.s32 v11, v16  }
0x194: {  	s20 =	simm.s32 $0x1D;
	v34 =	vadd.s32 v4, v27;
	v33 =	vld.idx.msk [tilespmem:v17+s13+$0x0], $0xffff;
	v38 =	vadd.s32 v38, v39  }
.LBB2_28:
0x195: {  	p0 =	sne.s32 s20, $0x1;
	v39 =	vadd.s32 v5, v27;
	v40 =	vld.idx.msk [tilespmem:v36+s13+$0x0], $0xffff;
	v32 =	vadd.s32 v32, v38  }
0x196: {  	v38 =	vadd.s32 v6, v27;
	v31 =	vadd.s32 v32, v31;
	v41 =	vld.idx.msk [tilespmem:v35+s13+$0x0], $0xffff  }
0x197: {  	v42 =	vadd.s32 v7, v27;
	v30 =	vadd.s32 v30, v31;
	v32 =	vld.idx.msk [tilespmem:v37+s13+$0x0], $0xffff  }
.Ltmp21:
0x198: {  	v36 =	vadd.s32 v8, v27;
	v31 =	vld.idx.msk [tilespmem:v27+s13+$0x0], $0xffff;
	v28 =	vadd.s32 v28, v30;
	(pc) =	sbr.rel @p0 .LBB2_28-.Ltmp21, $4  }
0x199: {  	v35 =	vadd.s32 v9, v27;
	v30 =	vld.idx.msk [tilespmem:v34+s13+$0x0], $0xffff;
	v29 =	vadd.s32 v29, v28  }
0x19a: {  	v37 =	vadd.s32 v10, v27;
	v28 =	vld.idx.msk [tilespmem:v39+s13+$0x0], $0xffff;
	v33 =	vadd.s32 v33, v29  }
0x19b: {  	v27 =	vadd.s32 v11, v27;
	v29 =	vld.idx.msk [tilespmem:v38+s13+$0x0], $0xffff;
	v38 =	vadd.s32 v40, v33  }
0x19c: {  	s20 =	sadd.s32 $0xFFFFFFFF, s20;
	v34 =	vadd.s32 v4, v27;
	v33 =	vld.idx.msk [tilespmem:v42+s13+$0x0], $0xffff;
	v38 =	vadd.s32 v41, v38  }
0x19d: {  	_ =	sdelay $0x2  }
0x19e: {  	v32 =	vadd.s32 v32, v38  }
0x19f: {  	v52 =	vadd.s32 v5, v27;
	v36 =	vld.idx.msk [tilespmem:v36+s13+$0x0], $0xffff;
	v31 =	vadd.s32 v32, v31  }
0x1a0: {  	v53 =	vadd.s32 v6, v27;
	v35 =	vld.idx.msk [tilespmem:v35+s13+$0x0], $0xffff;
	v30 =	vadd.s32 v30, v31  }
0x1a1: {  	v37 =	vld.idx.msk [tilespmem:v37+s13+$0x0], $0xffff;
	v31 =	vadd.s32 v7, v27;
	v28 =	vadd.s32 v28, v30  }
0x1a2: {  	v39 =	vadd.s32 v8, v27;
	v30 =	vld.idx.msk [tilespmem:v27+s13+$0x0], $0xffff;
	v28 =	vadd.s32 v29, v28  }
0x1a3: {  	v54 =	vadd.s32 v9, v27;
	v29 =	vld.idx.msk [tilespmem:v34+s13+$0x0], $0xffff;
	v28 =	vadd.s32 v33, v28  }
0x1a4: {  	v27 =	vadd.s32 v10, v27;
	v55 =	vld.idx.msk [tilespmem:v52+s13+$0x0], $0xffff;
	v28 =	vadd.s32 v36, v28  }
0x1a5: {  	v32 =	vld.idx.msk [tilespmem:v53+s13+$0x0], $0xffff;
	v28 =	vadd.s32 v35, v28  }
0x1a6: {  	v31 =	vld.idx.msk [tilespmem:v31+s13+$0x0], $0xffff;
	v28 =	vadd.s32 v37, v28  }
0x1a7: {  	v56 =	vld.idx.msk [tilespmem:v39+s13+$0x0], $0xffff;
	v28 =	vadd.s32 v28, v30  }
0x1a8: {  	v30 =	vld.idx.msk [tilespmem:v54+s13+$0x0], $0xffff;
	v28 =	vadd.s32 v29, v28  }
0x1a9: {  	v27 =	vld.idx.msk [tilespmem:v27+s13+$0x0], $0xffff;
	v28 =	vadd.s32 v55, v28  }
0x1aa: {  	v28 =	vadd.s32 v32, v28  }
0x1ab: {  	v28 =	vadd.s32 v31, v28  }
0x1ac: {  	v28 =	vadd.s32 v56, v28  }
0x1ad: {  	v28 =	vadd.s32 v30, v28  }
0x1ae: {  	v27 =	vadd.s32 v27, v28  }
0x1af: {  	v30 =	vld.idx.msk [tilespmem:v3+s13+$0x0], $0xffff;
	[tilespmem:v3+s13+$0x0] =	vst.idx.msk $0xffff, v1;
	(xrf0) =	vadd.scan.msk.s32 $0xffff, v27  }
0x1b0: {  	v31 =	vld.idx.msk [tilespmem:v15+s13+$0x0], $0xffff;
	[tilespmem:v15+s13+$0x0] =	vst.idx.msk $0xffff, v1  }
0x1b1: {  	v57 =	vld.idx.msk [tilespmem:v14+s13+$0x0], $0xffff  }
0x1b2: {  	[tilespmem:v14+s13+$0x0] =	vst.idx.msk $0xffff, v1  }
0x1b3: {  	v29 =	vimm.s32 $0x0;
	v58 =	vld.idx.msk [tilespmem:v13+s13+$0x0], $0xffff  }
0x1b4: {  	v59 =	vadd.s32 v29, v30  }
0x1b5: {  	v61 =	vadd.s32 v4, v26;
	v31 =	vadd.s32 v59, v31;
	v28, _, _ =	vpop (xrf0)  }
0x1b6: {  	v30 =	vadd.s32 v5, v26;
	v32 =	vadd.s32 v31, v57;
	v28 =	vsub.s32 v28, v27  }
0x1b7: {  	v27 =	vadd.s32 v6, v26;
	v60 =	vadd.s32 v28, v59;
	v33 =	vadd.s32 v28, v31  }
0x1b8: {  	v62 =	vadd.s32 v28, v32;
	v32 =	vadd.s32 v32, v58;
	vm3 =	vlt.s32 v60, $0xCCD  }
0x1b9: {  	vm1 =	vlt.s32 v33, $0xCCD;
	vm2 =	vlt.s32 v33, $0xCCE;
	v63 =	vadd.s32 v28, v32  }
0x1ba: {  	v33 =	vsel vm1, $0x1, v1;
	v35 =	vsel vm2, $0x1, v1;
	vm2 =	vlt.s32 v60, $0xCCE  }
0x1bb: {  	[tilespmem:v13+s13+$0x0] =	vst.idx.msk $0xffff, v1;
	vm1 =	vlt.s32 v62, $0xCCD;
	v38 =	vsel vm3, $0x1, v1;
	vm3 =	vlt.s32 v63, $0xCCD  }
0x1bc: {  	v31 =	vld.idx.msk [tilespmem:v26+s13+$0x0], $0xffff;
	[tilespmem:v26+s13+$0x0] =	vst.idx.msk $0xffff, v1;
	vm4 =	vlt.s32 v63, $0xCCE;
	v36 =	vsel vm2, $0x1, v1;
	vm2 =	vlt.s32 v62, $0xCCE  }
0x1bd: {  	s20 =	simm.s32 $0x3E;
	v34 =	vld.idx.msk [tilespmem:v61+s13+$0x0], $0xffff;
	[tilespmem:v61+s13+$0x0] =	vst.idx.msk $0xffff, v1;
	v37 =	vsel vm4, $0x1, v1;
	v39 =	vadd.s32 v36, v29;
	v36 =	vsel vm3, $0x1, v1  }
.LBB2_30:
0x1be: {  	p0 =	sne.s32 s20, $0x1;
	s20 =	sadd.s32 $0xFFFFFFFF, s20;
	v40 =	vld.idx.msk [tilespmem:v30+s13+$0x0], $0xffff;
	v29 =	vadd.s32 v38, v29;
	v35 =	vadd.s32 v35, v39;
	v38 =	vsel vm2, $0x1, v1  }
0x1bf: {  	[tilespmem:v30+s13+$0x0] =	vst.idx.msk $0xffff, v1;
	v29 =	vadd.s32 v33, v29;
	v30 =	vsel vm1, $0x1, v1;
	v33 =	vadd.s32 v38, v35  }
0x1c0: {  	v26 =	vadd.s32 v7, v26;
	v38 =	vld.idx.msk [tilespmem:v27+s13+$0x0], $0xffff;
	v29 =	vadd.s32 v30, v29;
	v37 =	vadd.s32 v37, v33  }
0x1c1: {  	v31 =	vadd.s32 v32, v31;
	v33 =	vadd.s32 v6, v26;
	v29 =	vadd.s32 v36, v29  }
0x1c2: {  	v30 =	vadd.s32 v5, v26;
	v32 =	vadd.s32 v28, v31;
	v31 =	vadd.s32 v31, v34  }
0x1c3: {  	v36 =	vadd.s32 v4, v26;
	vm3 =	vlt.s32 v32, $0xCCD;
	v34 =	vadd.s32 v28, v31;
	[tilespmem:v27+s13+$0x0] =	vst.idx.msk $0xffff, v1  }
0x1c4: {  	vm1 =	vlt.s32 v34, $0xCCD;
	vm2 =	vlt.s32 v34, $0xCCE;
	v34 =	vadd.s32 v31, v40;
	v27 =	vmovc v33  }
.Ltmp22:
0x1c5: {  	v33 =	vsel vm1, $0x1, v1;
	v35 =	vsel vm2, $0x1, v1;
	v39 =	vadd.s32 v28, v34;
	(pc) =	sbr.rel @p0 .LBB2_30-.Ltmp22, $4  }
0x1c6: {  	vm2 =	vlt.s32 v32, $0xCCE;
	vm1 =	vlt.s32 v39, $0xCCD;
	v32 =	vadd.s32 v34, v38;
	v31 =	vld.idx.msk [tilespmem:v26+s13+$0x0], $0xffff  }
0x1c7: {  	v40 =	vsel vm2, $0x1, v1;
	vm2 =	vlt.s32 v39, $0xCCE;
	v39 =	vadd.s32 v28, v32;
	[tilespmem:v26+s13+$0x0] =	vst.idx.msk $0xffff, v1  }
0x1c8: {  	v38 =	vsel vm3, $0x1, v1;
	vm3 =	vlt.s32 v39, $0xCCD;
	vm4 =	vlt.s32 v39, $0xCCE;
	v34 =	vld.idx.msk [tilespmem:v36+s13+$0x0], $0xffff  }
0x1c9: {  	v39 =	vadd.s32 v40, v37;
	v37 =	vsel vm4, $0x1, v1;
	[tilespmem:v36+s13+$0x0] =	vst.idx.msk $0xffff, v1;
	v36 =	vsel vm3, $0x1, v1  }
0x1ca: {  	_ =	sdelay $0x2  }
0x1cb: {  	v29 =	vadd.s32 v38, v29  }
0x1cc: {  	v26 =	vld.idx.msk [tilespmem:v30+s13+$0x0], $0xffff;
	v35 =	vadd.s32 v35, v39;
	v58 =	vsel vm2, $0x1, v1;
	[tilespmem:v30+s13+$0x0] =	vst.idx.msk $0xffff, v1;
	v30 =	vsel vm1, $0x1, v1  }
0x1cd: {  	v29 =	vadd.s32 v33, v29;
	v59 =	vadd.s32 v58, v35;
	v60 =	vld.idx.msk [tilespmem:v27+s13+$0x0], $0xffff;
	v31 =	vadd.s32 v32, v31  }
0x1ce: {  	v29 =	vadd.s32 v30, v29;
	v30 =	vadd.s32 v37, v59;
	v32 =	vadd.s32 v31, v34  }
0x1cf: {  	v29 =	vadd.s32 v36, v29;
	v31 =	vadd.s32 v28, v31;
	v61 =	vadd.s32 v28, v32  }
0x1d0: {  	vm1 =	vlt.s32 v31, $0xCCD;
	vm2 =	vlt.s32 v61, $0xCCD;
	vm3 =	vlt.s32 v61, $0xCCE  }
0x1d1: {  	v26 =	vadd.s32 v32, v26;
	v62 =	vsel vm2, $0x1, v1;
	v33 =	vsel vm3, $0x1, v1  }
0x1d2: {  	v63 =	vadd.s32 v28, v26;
	vm2 =	vlt.s32 v31, $0xCCE;
	v26 =	vadd.s32 v26, v60  }
0x1d3: {  	vm3 =	vlt.s32 v63, $0xCCD;
	v31 =	vsel vm2, $0x1, v1;
	v26 =	vadd.s32 v28, v26  }
0x1d4: {  	vm2 =	vlt.s32 v63, $0xCCE;
	v28 =	vsel vm1, $0x1, v1;
	vm1 =	vlt.s32 v26, $0xCCD  }
0x1d5: {  	vm4 =	vlt.s32 v26, $0xCCE;
	v26 =	vadd.s32 v31, v30;
	v28 =	vadd.s32 v28, v29  }
0x1d6: {  	v30 =	vsel vm3, $0x1, v1;
	v31 =	vsel vm2, $0x1, v1;
	v28 =	vadd.s32 v62, v28  }
0x1d7: {  	v29 =	vsel vm1, $0x1, v1;
	v26 =	vadd.s32 v33, v26;
	v28 =	vadd.s32 v30, v28  }
0x1d8: {  	v30 =	vsel vm4, $0x1, v1;
	v26 =	vadd.s32 v31, v26;
	v28 =	vadd.s32 v29, v28  }
0x1d9: {  	v26 =	vadd.s32 v30, v26;
	(xrf0) =	vadd.scan.msk.s32 $0xffff, v28  }
0x1da: {  	(xrf0) =	vadd.scan.msk.s32 $0xffff, v26;
	_ =	sdelay $0x4  }
0x1db: {  	v26, _, _ =	vpop (xrf0)  }
0x1dc: {  	(v2sf) =	vpush v26, $0xF;
	v26, _, _ =	vpop (xrf0)  }
0x1dd: {  	(v2sf) =	vpush v26, $0xF;
	_ =	sdelay $0xd  }
0x1de: {  	s31 =	simm.s32 $0x0;
	s20 =	spop (v2sf)  }
0x1df: {  	[tilespmem:v27+s13+$0x0] =	vst.idx.msk $0xffff, v1;
	s21 =	spop (v2sf);
	p0 =	slt.s32 s20, $0x800;
	s22 =	ssub.s32 $0x7FF, s20  }
0x1e0: {  	v39 =	vld [tilespmem:s31+$0x8000];
	p1 =	slt.s32 s21, $0x800;
	s23 =	ssub.s32 $0x7FF, s21;
	s20 =	smov.u32 @p0 s22  }
0x1e1: {  	v32 =	vld [tilespmem:s31+$0x8010];
	s21 =	smov.u32 @p1 s23;
	s20 =	sshll.u32 s20, $0x14  }
0x1e2: {  	v29 =	vld [tilespmem:s31+$0x8020];
	s22 =	sshll.u32 s21, $0x14;
	s24 =	sor.u32 $0xFFFFF, s20  }
0x1e3: {  	v30 =	vld [tilespmem:s31+$0x8030];
	s21 =	sor.u32 $0xFFFFF, s22;
	s20 =	smov.u32 @p0 s24  }
0x1e4: {  	s21 =	smov.u32 @p1 s22;
	v26 =	vmov s20  }
0x1e5: {  	v27 =	vmov s21;
	v33 =	vbroadcast v26, $0x0  }
0x1e6: {  	v35 =	vimm.s32 $0x0;
	v36 =	vimm.f32 $0.0e+00;
	v34 =	vbroadcast v27, $0x0  }
0x1e7: {  	vm7 =	vgt.f32 v29, v33;
	vm2 =	vle.f32 v29, v33;
	vm8 =	vgt.f32 v32, v33  }
0x1e8: {  	v28 =	vld [tilespmem:s31+$0x8060];
	vm5 =	vle.f32 v30, v33;
	vm10 =	vgt.f32 v39, v33;
	vm6 =	vle.f32 v39, v33  }
0x1e9: {  	v26 =	vld [tilespmem:s31+$0x8050];
	vm1 =	vge.f32 v29, v34;
	v38 =	vnsel vm7, $0x0, v29;
	vm3 =	vge.f32 v39, v34  }
0x1ea: {  	v27 =	vld [tilespmem:s31+$0x8040];
	vm4 =	vge.f32 v30, v34;
	vm1 =	vmand vm1, vm2;
	vm6 =	vmand vm3, vm6  }
0x1eb: {  	vm2 =	vle.f32 v32, v33;
	vm3 =	vge.f32 v32, v34;
	v31 =	vmpcnt.ones.xlane vm6  }
0x1ec: {  	v37 =	vmpcnt.ones.xlane vm10;
	vm5 =	vmand vm4, vm5;
	vm3 =	vmand vm3, vm2  }
0x1ed: {  	vm4 =	vle.f32 v28, v33;
	v40 =	vmpcnt.ones.xlane vm3;
	(v2sf) =	vpush v31, $0x0;
	v31 =	vld [tilespmem:s31+$0x8070]  }
0x1ee: {  	vm11 =	vge.f32 v26, v34;
	vm12 =	vle.f32 v26, v33;
	v41 =	vmpcnt.ones.xlane vm1  }
0x1ef: {  	vm2 =	vge.f32 v28, v34;
	vm9 =	vge.f32 v27, v34;
	(v2sf) =	vpush v40, $0x0  }
0x1f0: {  	s22 =	simm.s32 $0x0;
	vm2 =	vmand vm2, vm4;
	vm4 =	vle.f32 v27, v33;
	(v2sf) =	vpush v41, $0x0  }
0x1f1: {  	s23 =	simm.s32 $0x200;
	[tilespmem:s22+$0x10000] =	vst.msk vm6, v39;
	vm6 =	vmand vm9, vm4;
	vm4 =	vmand vm11, vm12;
	v40 =	vmpcnt.ones.xlane vm5  }
.LBB2_32:
0x1f2: {  	p0 =	sne.s32 s23, $0x1FE00;
	vm9 =	vge.f32 v31, v34;
	v41 =	vmpcnt.ones.xlane vm6;
	v42 =	vmpcnt.ones.xlane vm2;
	s24 =	smov.u32 s23;
	s23 =	sadd.s32 $0x200, s23  }
0x1f3: {  	vm11 =	vle.f32 v31, v33;
	v43 =	vmpcnt.ones.xlane vm4;
	(v2sf) =	vpush v40, $0x0  }
0x1f4: {  	v39 =	vnsel vm10, $0x0, v39;
	vm9 =	vmand vm9, vm11;
	(v2sf) =	vpush v41, $0x0  }
0x1f5: {  	v36 =	vadd.f32 v39, v36;
	v40 =	vmpcnt.ones.xlane vm9;
	(v2sf) =	vpush v43, $0x0  }
0x1f6: {  	vm10 =	vgt.f32 v30, v33;
	v39 =	vnsel vm8, $0x0, v32;
	(v2sf) =	vpush v42, $0x0  }
0x1f7: {  	s24 =	sshra.s32 s24, $0x2;
	v36 =	vadd.f32 v39, v36;
	v39 =	vnsel vm10, $0x0, v30;
	(v2sf) =	vpush v40, $0x0  }
0x1f8: {  	v35 =	vadd.s32 v35, v37;
	vm11 =	vgt.f32 v26, v33;
	v37 =	vmpcnt.ones.xlane vm10  }
0x1f9: {  	v40 =	vmpcnt.ones.xlane vm8;
	v36 =	vadd.f32 v38, v36;
	v38 =	vnsel vm11, $0x0, v26  }
0x1fa: {  	v41 =	vmpcnt.ones.xlane vm7;
	vm8 =	vgt.f32 v31, v33  }
0x1fb: {  	vm7 =	vgt.f32 v27, v33;
	v35 =	vadd.s32 v40, v35;
	v36 =	vadd.f32 v39, v36  }
0x1fc: {  	v39 =	vmpcnt.ones.xlane vm7;
	v40 =	vnsel vm7, $0x0, v27;
	v35 =	vadd.s32 v41, v35  }
0x1fd: {  	v35 =	vadd.s32 v37, v35;
	v36 =	vadd.f32 v40, v36;
	v37 =	vnsel vm8, $0x0, v31;
	s25 =	spop (v2sf)  }
0x1fe: {  	v35 =	vadd.s32 v39, v35;
	s22 =	sadd.s32 s22, s25;
	s25 =	spop (v2sf)  }
0x1ff: {  	vm7 =	vgt.f32 v28, v33;
	v39 =	vmpcnt.ones.xlane vm11;
	v36 =	vadd.f32 v38, v36;
	s25 =	sadd.s32 s25, s22;
	[tilespmem:s22+$0x10000] =	vst.msk vm3, v32;
	s22 =	spop (v2sf)  }
0x200: {  	v38 =	vnsel vm7, $0x0, v28;
	v32 =	vmpcnt.ones.xlane vm7;
	s22 =	sadd.s32 s22, s25;
	[tilespmem:s25+$0x10000] =	vst.msk vm1, v29  }
0x201: {  	v36 =	vadd.f32 v38, v36;
	v29 =	vadd.s32 v39, v35;
	v35 =	vmpcnt.ones.xlane vm8;
	[tilespmem:s22+$0x10000] =	vst.msk vm5, v30  }
0x202: {  	v29 =	vadd.s32 v32, v29;
	s25 =	spop (v2sf)  }
0x203: {  	v36 =	vadd.f32 v37, v36;
	v35 =	vadd.s32 v35, v29;
	s22 =	sadd.s32 s25, s22;
	s25 =	spop (v2sf)  }
0x204: {  	s25 =	sadd.s32 s25, s22;
	[tilespmem:s22+$0x10000] =	vst.msk vm6, v27;
	s22 =	spop (v2sf)  }
0x205: {  	s22 =	sadd.s32 s22, s25;
	[tilespmem:s25+$0x10000] =	vst.msk vm4, v26;
	s25 =	spop (v2sf)  }
0x206: {  	s25 =	sadd.s32 s25, s22;
	[tilespmem:s22+$0x10000] =	vst.msk vm2, v28;
	s22 =	spop (v2sf)  }
0x207: {  	s22 =	sadd.s32 s22, s25;
	[tilespmem:s25+$0x10000] =	vst.msk vm9, v31  }
0x208: {  	v29 =	vld [tilespmem:s24+$0x8020]  }
0x209: {  	v32 =	vld [tilespmem:s24+$0x8010]  }
0x20a: {  	v30 =	vld [tilespmem:s24+$0x8030]  }
0x20b: {  	v39 =	vld [tilespmem:s24+$0x8000]  }
0x20c: {  	v26 =	vld [tilespmem:s24+$0x8050]  }
0x20d: {  	v27 =	vld [tilespmem:s24+$0x8040];
	vm7 =	vgt.f32 v29, v33;
	vm1 =	vge.f32 v29, v34;
	vm2 =	vle.f32 v29, v33  }
0x20e: {  	v31 =	vld [tilespmem:s24+$0x8070];
	vm8 =	vgt.f32 v32, v33;
	vm1 =	vmand vm1, vm2;
	v38 =	vnsel vm7, $0x0, v29  }
0x20f: {  	vm2 =	vle.f32 v32, v33;
	v28 =	vld [tilespmem:s24+$0x8060];
	vm4 =	vge.f32 v30, v34;
	vm5 =	vle.f32 v30, v33  }
0x210: {  	vm10 =	vgt.f32 v39, v33;
	vm3 =	vge.f32 v39, v34;
	vm6 =	vle.f32 v39, v33  }
0x211: {  	vm6 =	vmand vm3, vm6;
	vm3 =	vge.f32 v32, v34;
	v37 =	vmpcnt.ones.xlane vm10  }
0x212: {  	vm3 =	vmand vm3, vm2;
	vm9 =	vge.f32 v27, v34;
	v40 =	vmpcnt.ones.xlane vm6;
	[tilespmem:s22+$0x10000] =	vst.msk vm6, v39  }
.Ltmp23:
0x213: {  	vm11 =	vge.f32 v26, v34;
	vm12 =	vle.f32 v26, v33;
	v41 =	vmpcnt.ones.xlane vm3;
	(pc) =	sbr.rel @p0 .LBB2_32-.Ltmp23, $4  }
0x214: {  	v42 =	vmpcnt.ones.xlane vm1;
	vm2 =	vge.f32 v28, v34;
	(v2sf) =	vpush v40, $0x0  }
0x215: {  	vm5 =	vmand vm4, vm5;
	vm4 =	vle.f32 v28, v33;
	(v2sf) =	vpush v41, $0x0  }
0x216: {  	vm6 =	vle.f32 v27, v33;
	vm2 =	vmand vm2, vm4;
	(v2sf) =	vpush v42, $0x0  }
0x217: {  	vm6 =	vmand vm9, vm6;
	v40 =	vmpcnt.ones.xlane vm5;
	vm4 =	vmand vm11, vm12  }
0x218: {  	v39 =	vnsel vm10, $0x0, v39  }
0x219: {  	v36 =	vadd.f32 v39, v36  }
0x21a: {  	v47 =	vnsel vm8, $0x0, v32  }
0x21b: {  	v36 =	vadd.f32 v47, v36;
	_ =	sdelay $0x1  }
0x21c: {  	vm10 =	vgt.f32 v30, v33;
	v36 =	vadd.f32 v38, v36  }
0x21d: {  	v48 =	vnsel vm10, $0x0, v30  }
0x21e: {  	vm11 =	vgt.f32 v27, v33;
	v36 =	vadd.f32 v48, v36  }
0x21f: {  	v49 =	vnsel vm11, $0x0, v27  }
0x220: {  	vm12 =	vgt.f32 v26, v33;
	v36 =	vadd.f32 v49, v36  }
0x221: {  	v50 =	vnsel vm12, $0x0, v26  }
0x222: {  	vm13 =	vgt.f32 v28, v33;
	v36 =	vadd.f32 v50, v36  }
0x223: {  	v51 =	vnsel vm13, $0x0, v28  }
0x224: {  	vm14 =	vgt.f32 v31, v33;
	v36 =	vadd.f32 v51, v36  }
0x225: {  	vm9 =	vge.f32 v31, v34;
	v53 =	vmpcnt.ones.xlane vm8;
	v52 =	vnsel vm14, $0x0, v31  }
0x226: {  	(xrf2) =	vadd.scan.msk.f32 $0xffff, v25;
	v55 =	vmpcnt.ones.xlane vm6;
	(v2sf) =	vpush v40, $0x0;
	v36 =	vadd.f32 v52, v36  }
0x227: {  	vm15 =	vle.f32 v31, v33;
	v54 =	vmpcnt.ones.xlane vm7;
	v57 =	vmpcnt.ones.xlane vm4  }
0x228: {  	v56 =	vmpcnt.ones.xlane vm2;
	v35 =	vadd.s32 v35, v37;
	(v2sf) =	vpush v55, $0x0;
	(xrf2) =	vadd.scan.msk.f32 $0xffff, v36  }
0x229: {  	v25 =	vmpcnt.ones.xlane vm10;
	v33 =	vadd.s32 v53, v35;
	(v2sf) =	vpush v57, $0x0  }
0x22a: {  	v59 =	vmpcnt.ones.xlane vm11;
	v33 =	vadd.s32 v54, v33;
	(v2sf) =	vpush v56, $0x0  }
0x22b: {  	vm9 =	vmand vm9, vm15;
	v60 =	vmpcnt.ones.xlane vm12;
	v25 =	vadd.s32 v25, v33  }
0x22c: {  	v61 =	vmpcnt.ones.xlane vm13;
	v58 =	vmpcnt.ones.xlane vm9;
	v25 =	vadd.s32 v59, v25  }
0x22d: {  	v62 =	vmpcnt.ones.xlane vm14;
	v25 =	vadd.s32 v60, v25  }
0x22e: {  	(v2sf) =	vpush v58, $0x0;
	v25 =	vadd.s32 v61, v25  }
0x22f: {  	(v2sf) =	vpush v24, $0x0;
	v24 =	vadd.s32 v62, v25  }
0x230: {  	p0 =	slt.s32 s21, $0x0;
	v63, _, _ =	vpop (xrf2)  }
0x231: {  	s25 =	sor.u32 $0x80000000, s21;
	s26 =	sor.u32 $0x80000000, s20;
	(v2sf) =	vpush v63, $0xF;
	s23 =	spop (v2sf)  }
0x232: {  	(v2sf) =	vpush v24, $0x0;
	s24 =	spop (v2sf);
	s22 =	sadd.s32 s22, s23;
	s23 =	sxor.u32 $0xFFFFFFFF, s21;
	v24, _, _ =	vpop (xrf2)  }
0x233: {  	s25 =	smov.u32 @p0 s23;
	p0 =	slt.s32 s20, $0x0;
	s23 =	sxor.u32 $0xFFFFFFFF, s20;
	(v2sf) =	vpush v24, $0xF  }
0x234: {  	s30 =	spop (v2sf);
	s24 =	sadd.s32 s24, s22;
	s26 =	smov.u32 @p0 s23  }
0x235: {  	[tilespmem:s22+$0x10000] =	vst.msk vm3, v32;
	s21 =	sadd.s32 s30, s24;
	s22 =	ssub.s32 s26, s25;
	s31 =	spop (v2sf)  }
0x236: {  	[tilespmem:s24+$0x10000] =	vst.msk vm1, v29;
	s30 =	sshrl.u32 s22, $0x1;
	s20 =	sadd.s32 s31, s21;
	s31 =	sand.u32 $0x1, s22  }
0x237: {  	[tilespmem:s21+$0x10000] =	vst.msk vm5, v30;
	s29 =	spop (v2sf);
	s23 =	sor.u32 s30, s31  }
0x238: {  	s21 =	sadd.s32 s29, s20;
	[tilespmem:s20+$0x10000] =	vst.msk vm6, v27;
	s29 =	spop (v2sf);
	s23 =	scvt.s32.f32 s23  }
0x239: {  	s20 =	sadd.s32 s29, s21;
	[tilespmem:s21+$0x10000] =	vst.msk vm4, v26;
	s30 =	spop (v2sf)  }
0x23a: {  	s28 =	scvt.s32.f32 s22;
	s21 =	sadd.s32 s30, s20;
	[tilespmem:s20+$0x10000] =	vst.msk vm2, v28;
	s20 =	sadd.f32 s23, s23  }
0x23b: {  	p0 =	slt.s32 s22, $0x0  }
0x23c: {  	s28 =	smov.u32 @p0 s20  }
0x23d: {  	s31 =	spop (v2sf);
	p0 =	slt.u32 s28, $0x3F800000  }
.Ltmp24:
0x23e: {  	s24 =	sadd.s32 s31, s21;
	[tilespmem:s21+$0x10000] =	vst.msk vm9, v31;
	(pc) =	sbr.rel @p0 .LBB2_40-.Ltmp24, $4  }
0x23f: {  	s23 =	spop (v2sf);
	[tilespmem:s24+$0x10000] =	vst v12  }
0x240: {  	[tilespmem:s24+$0x10010] =	vst v12;
	s22 =	spop (v2sf)  }
0x241: {  	[tilespmem:s24+$0x10020] =	vst v12;
	s21 =	spop (v2sf)  }
0x242: {  	[tilespmem:s24+$0x10030] =	vst v12;
	v24 =	vmov s25;
	s20 =	spop (v2sf)  }
0x243: {  	s25 =	sadd.s32 $0x3F, s24  }
0x244: {  	s29 =	sand.u32 $0x3F, s25  }
0x245: {  	s30 =	sshra.s32 s25, $0x1F;
	p1 =	slt.s32 s25, $0x1;
	p0 =	sne.s32 s29, $0x0  }
.Ltmp25:
0x246: {  	s29 =	sshrl.u32 s30, $0x1A;
	p0 =	por !p1, !p0;
	(pc) =	sbr.rel .LBB2_35-.Ltmp25, $4  }
0x247: {  	s25 =	sadd.s32 s29, s25;
	s29 =	simm.s32 $0x1;
	p0 =	por !p0, !p0  }
0x248: {  	s25 =	sshra.s32 s25, $0x6;
	s29 =	simm.s32 @!p0 $0x0  }
0x249: {  	s31 =	ssub.s32 $0xCCD, s21;
	s28 =	sshrl.u32 s28, $0x17;
	s25 =	ssub.s32 s25, s29  }
0x24a: {  	v26 =	vmov s26;
	v25 =	vmov s31;
	s26 =	sadd.s32 $0xFFFFFF81, s28;
	s28 =	simm.s32 $0x0;
	p0 =	slt.s32 s25, $0x1  }
.LBB2_38:
0x24b: {  	vm2 =	vgt.f32 v30, v29;
	v30 =	vmpcnt.ones.xlane vm1  }
0x24c: {  	vm1 =	vgt.f32 v31, v29;
	v31 =	vmpcnt.ones.xlane vm2  }
0x24d: {  	vm2 =	vgt.f32 v32, v29;
	v29 =	vmpcnt.ones.xlane vm1;
	v28 =	vadd.s32 v28, v30  }
0x24e: {  	v30 =	vmpcnt.ones.xlane vm2;
	v28 =	vadd.s32 v31, v28  }
0x24f: {  	v28 =	vadd.s32 v29, v28  }
0x250: {  	v28 =	vadd.s32 v30, v28  }
.LBB2_39:
0x251: {  	p1 =	sne.s32 s28, s26  }
.Ltmp26:
0x252: {  	_ = 	snop;
	(pc) =	sbr.rel @!p1 .LBB2_40-.Ltmp26, $3  }
0x253: {  	_ =	sdelay $0x1  }
0x254: {  	vm1 =	vgt.s32 v28, v25;
	v63 =	vadd.s32 $0x1, v27;
	s29 =	sadd.s32 $0x1, s28  }
0x255: {  	v24 =	vsel vm1, v63, v24;
	v26 =	vsel vm1, v26, v27;
	s28 =	smov.u32 s29  }
.LBB2_35:
.Ltmp27:
0x256: {  	(pc) =	sbr.rel @p0 .LBB2_39-.Ltmp27, $4  }
0x257: {  	_ = 	snop  }
0x258: {  	v27 =	vsub.s32 v26, v24  }
0x259: {  	v27 =	vshrl.u32 v27, $0x1  }
0x25a: {  	v28 =	vimm.s32 $0x0;
	v27 =	vadd.s32 v24, v27  }
0x25b: {  	s30 =	simm.s32 $0x10020  }
0x25c: {  	p1 =	sne.s32 s25, $0x1;
	v33 =	vld [tilespmem:s30+$0xFFFFFFE0]  }
.Ltmp28:
0x25d: {  	vm1 =	vlt.s32 v27, $0x0;
	v29 =	vand.u32 $0x7FFFFFFF, v27;
	v31 =	vxor.u32 $0xFFFFFFFF, v27;
	v30 =	vld [tilespmem:s30+$0xFFFFFFF0];
	(pc) =	sbr.rel @!p1 .LBB2_38-.Ltmp28, $3  }
0x25e: {  	v29 =	vsel vm1, v29, v31;
	v31 =	vld [tilespmem:s30+$0x0]  }
0x25f: {  	v32 =	vld [tilespmem:s30+$0x10];
	_ =	sdelay $0x1  }
0x260: {  	s29 =	sadd.s32 $0xFFFFFFFF, s25;
	s30 =	simm.s32 $0x10060;
	vm1 =	vgt.f32 v33, v29  }
.LBB2_37:
0x261: {  	v33 =	vld [tilespmem:s30+$0xFFFFFFE0];
	p1 =	sne.s32 s29, $0x1;
	s29 =	sadd.s32 $0xFFFFFFFF, s29;
	vm2 =	vgt.f32 v30, v29;
	v34 =	vmpcnt.ones.xlane vm1  }
.Ltmp29:
0x262: {  	vm1 =	vgt.f32 v31, v29;
	v30 =	vld [tilespmem:s30+$0xFFFFFFF0];
	v35 =	vmpcnt.ones.xlane vm2;
	(pc) =	sbr.rel @p1 .LBB2_37-.Ltmp29, $4  }
0x263: {  	vm2 =	vgt.f32 v32, v29;
	v31 =	vld [tilespmem:s30+$0x0];
	v28 =	vadd.s32 v28, v34;
	v34 =	vmpcnt.ones.xlane vm1  }
0x264: {  	v32 =	vld [tilespmem:s30+$0x10];
	v28 =	vadd.s32 v35, v28;
	v35 =	vmpcnt.ones.xlane vm2  }
0x265: {  	v28 =	vadd.s32 v34, v28  }
0x266: {  	s30 =	sadd.s32 $0x40, s30;
	vm1 =	vgt.f32 v33, v29;
	v28 =	vadd.s32 v35, v28  }
.Ltmp30:
0x267: {  	_ = 	snop;
	(pc) =	sbr.rel .LBB2_38-.Ltmp30, $1  }
0x268: {  	_ =	sdelay $0x3  }
.LBB2_40:
0x269: {  	s24 =	sadd.s32 $0xF, s24  }
0x26a: {  	s25 =	sand.u32 $0xF, s24  }
0x26b: {  	s26 =	sshra.s32 s24, $0x1F;
	p0 =	slt.s32 s24, $0x1;
	p1 =	sne.s32 s25, $0x0  }
0x26c: {  	s31 =	sshrl.u32 s26, $0x1C;
	p0 =	por !p0, !p1  }
0x26d: {  	s25 =	simm.s32 $0x1;
	s24 =	sadd.s32 s31, s24;
	p0 =	por !p0, !p0  }
0x26e: {  	s24 =	sshra.s32 s24, $0x4;
	s25 =	simm.s32 @!p0 $0x0  }
0x26f: {  	s24 =	ssub.s32 s24, s25  }
0x270: {  	p0 =	slt.s32 s24, $0x1  }
.Ltmp31:
0x271: {  	_ = 	snop;
	(pc) =	sbr.rel @p0 .LBB2_41-.Ltmp31, $2  }
0x272: {  	_ =	sdelay $0x2  }
0x273: {  	v26 =	vimm.s32 $0x0  }
0x274: {  	p0 =	sne.s32 s24, $0x1  }
.Ltmp32:
0x275: {  	_ = 	snop;
	(pc) =	sbr.rel @!p0 .LBB2_44-.Ltmp32, $4  }
0x276: {  	s25 =	simm.s32 $0x10000  }
0x277: {  	v27 =	vld [tilespmem:s25+$0x0]  }
0x278: {  	vm1 =	vlt.s32 v24, $0x0;
	v25 =	vand.u32 $0x7FFFFFFF, v24;
	v24 =	vxor.u32 $0xFFFFFFFF, v24  }
0x279: {  	s26 =	sadd.s32 $0xFFFFFFFF, s24;
	s28 =	simm.s32 $0x10000;
	v24 =	vsel vm1, v25, v24;
	v25 =	vimm.f32 $+Inf  }
.LBB2_43:
0x27a: {  	p1 =	sne.s32 s26, $0x1  }
.Ltmp33:
0x27b: {  	s26 =	sadd.s32 $0xFFFFFFFF, s26;
	(pc) =	sbr.rel @p1 .LBB2_43-.Ltmp33, $3  }
0x27c: {  	s28 =	sadd.s32 $0x10, s28;
	vm1 =	vgt.f32 v27, v24;
	v28 =	vmin.f32 v25, v27  }
0x27d: {  	v27 =	vld [tilespmem:s28+$0x0];
	v29 =	vmpcnt.ones.xlane vm1;
	v25 =	vsel vm1, v28, v25;
	_ =	sdelay $0x1  }
0x27e: {  	v26 =	vadd.s32 v26, v29  }
.LBB2_44:
0x27f: {  	_ =	sdelay $0x1  }
0x280: {  	vm1 =	vgt.f32 v27, v24  }
0x281: {  	v28 =	vmpcnt.ones.xlane vm1;
	_ =	sdelay $0x1  }
0x282: {  	v26 =	vadd.s32 v26, v28  }
0x283: {  	(v2sf) =	vpush v26, $0x0;
	_ =	sdelay $0x6  }
0x284: {  	v26 =	vmin.f32 v25, v27  }
0x285: {  	v25 =	vsel vm1, v26, v25  }
0x286: {  	(xrf0) =	vmin.scan.msk.f32 $0xffff, v25;
	_ =	sdelay $0x5  }
0x287: {  	v25, _, _ =	vpop (xrf0);
	s26 =	spop (v2sf)  }
0x288: {  	v25 =	vbroadcast v25, $0xF;
	s26 =	sadd.s32 s21, s26  }
0x289: {  	p1 =	sgt.s32 s26, $0xCCC  }
0x28a: {  	v26 =	vpsel p1, v25, v24;
	v25 =	vld [tilespmem:s25+$0x0]  }
.Ltmp34:
0x28b: {  	v24 =	vmul.f32 $7.011718750e-01, v24;
	v26 =	vmul.f32 $2.988281250e-01, v26;
	(pc) =	sbr.rel @!p0 .LBB2_46-.Ltmp34, $3  }
0x28c: {  	_ = 	snop  }
0x28d: {  	v27 =	vadd.f32 v26, v24;
	_ =	sdelay $0x1  }
0x28e: {  	s24 =	sadd.s32 $0xFFFFFFFF, s24;
	s25 =	simm.s32 $0x10010;
	v24 =	vimm.s32 $0x0;
	v26 =	vimm.f32 $0.0e+00;
	vm1 =	vgt.f32 v25, v27  }
.LBB2_45:
0x28f: {  	p0 =	sne.s32 s24, $0x1;
	s24 =	sadd.s32 $0xFFFFFFFF, s24;
	v28 =	vmpcnt.ones.xlane vm1;
	v29 =	vnsel vm1, $0x0, v25;
	v25 =	vld [tilespmem:s25+$0x0]  }
.Ltmp35:
0x290: {  	v26 =	vadd.f32 v29, v26;
	(pc) =	sbr.rel @p0 .LBB2_45-.Ltmp35, $2  }
0x291: {  	v24 =	vadd.s32 v24, v28;
	_ =	sdelay $0x2  }
0x292: {  	s25 =	sadd.s32 $0x10, s25;
	vm1 =	vgt.f32 v25, v27  }
.LBB2_46:
.Ltmp36:
0x293: {  	(pc) =	sbr.rel .LBB2_47-.Ltmp36, $4  }
0x294: {  	_ = 	snop  }
0x295: {  	v28 =	vmpcnt.ones.xlane vm1  }
0x296: {  	v25 =	vnsel vm1, $0x0, v25  }
0x297: {  	v27 =	vadd.f32 v25, v26;
	v26 =	vadd.s32 v24, v28  }
.LBB2_41:
0x298: {  	v27 =	vimm.f32 $0.0e+00  }
.LBB2_47:
0x299: {  	s19 =	sadd.s32 s19, s23  }
0x29a: {  	p0 =	sgt.s32 s19, $0x1  }
0x29b: {  	s19 =	simm.s32 @!p0 $0x1  }
0x29c: {  	_ =	swait.ge [sflag:s11], $0x8000;
	s18 =	sadd.f32 s22, s18;
	s19 =	scvt.s32.f32 s19  }
0x29d: {  	[sflag:s11] =	ssyncset.done $0x0  }
0x29e: {  	[sflag:s11] =	ssyncadd.s32 $0xFFFF8000;
	v24 =	vmov s18;
	s18 =	simm.s32 $0x0;
	v25 =	vmov s19  }
0x29f: {  	[tilespmem:s12], [sflag:$0x2] =	stream.strided.gather [hbm4b:s6+s9], $0x8000, s10, s9, $0x38;
	v24 =	vnsel vm0, $0x0, v24;
	v25 =	vnsel vm0, $0x3F800000, v25;
	[tilespmem:$0x19180] =	vst v63  }
.LBB2_48:
0x2a0: {  	s19 =	sshra.s32 s18, $0x2  }
0x2a1: {  	v28 =	vld [tilespmem:s19+$0x0]  }
0x2a2: {  	v29 =	vld [tilespmem:s19+$0x10]  }
0x2a3: {  	v30 =	vld [tilespmem:s19+$0x20]  }
0x2a4: {  	v31 =	vld [tilespmem:s19+$0x30]  }
0x2a5: {  	v32 =	vld [tilespmem:s19+$0x40]  }
0x2a6: {  	v33 =	vld [tilespmem:s19+$0x50];
	v34 =	vshrl.u32 v28, $0x14;
	v28 =	vshrl.u32 v28, $0x1C  }
0x2a7: {  	v35 =	vld [tilespmem:s19+$0x60];
	v56 =	vshrl.u32 v29, $0x14;
	v29 =	vshrl.u32 v29, $0x1C;
	v28 =	vadd.s32 v28, v34  }
0x2a8: {  	v36 =	vld [tilespmem:s19+$0x70];
	v57 =	vshrl.u32 v30, $0x14;
	v30 =	vshrl.u32 v30, $0x1C;
	v29 =	vadd.s32 v29, v56  }
0x2a9: {  	v58 =	vshrl.u32 v31, $0x14;
	v31 =	vshrl.u32 v31, $0x1C;
	v30 =	vadd.s32 v30, v57  }
0x2aa: {  	v59 =	vshrl.u32 v32, $0x14;
	v32 =	vshrl.u32 v32, $0x1C;
	v31 =	vadd.s32 v31, v58  }
0x2ab: {  	v60 =	vshrl.u32 v33, $0x14;
	v33 =	vshrl.u32 v33, $0x1C;
	v32 =	vadd.s32 v32, v59  }
0x2ac: {  	v61 =	vshrl.u32 v35, $0x14;
	v35 =	vshrl.u32 v35, $0x1C;
	v33 =	vadd.s32 v33, v60;
	[tilespmem:v28+s13+$0x0] =	vst.idx.add.s32.msk $0xffff, v2  }
0x2ad: {  	v62 =	vshrl.u32 v36, $0x14;
	v63 =	vshrl.u32 v36, $0x1C;
	v28 =	vadd.s32 v35, v61;
	[tilespmem:v29+s13+$0x0] =	vst.idx.add.s32.msk $0xffff, v2  }
0x2ae: {  	p0 =	sne.s32 s18, $0x1FE00;
	v29 =	vadd.s32 v63, v62;
	[tilespmem:v30+s13+$0x0] =	vst.idx.add.s32.msk $0xffff, v2  }
.Ltmp37:
0x2af: {  	[tilespmem:v31+s13+$0x0] =	vst.idx.add.s32.msk $0xffff, v2;
	(pc) =	sbr.rel @p0 .LBB2_48-.Ltmp37, $4  }
0x2b0: {  	[tilespmem:v32+s13+$0x0] =	vst.idx.add.s32.msk $0xffff, v2  }
0x2b1: {  	[tilespmem:v33+s13+$0x0] =	vst.idx.add.s32.msk $0xffff, v2  }
0x2b2: {  	[tilespmem:v28+s13+$0x0] =	vst.idx.add.s32.msk $0xffff, v2  }
0x2b3: {  	s18 =	sadd.s32 $0x200, s18;
	[tilespmem:v29+s13+$0x0] =	vst.idx.add.s32.msk $0xffff, v2  }
0x2b4: {  	_ =	sdelay $0x2  }
0x2b5: {  	v28 =	vadd.s32 v7, v3  }
0x2b6: {  	v29 =	vld.idx.msk [tilespmem:v3+s13+$0x0], $0xffff  }
0x2b7: {  	v30 =	vld.idx.msk [tilespmem:v15+s13+$0x0], $0xffff  }
0x2b8: {  	v31 =	vld.idx.msk [tilespmem:v14+s13+$0x0], $0xffff  }
0x2b9: {  	v35 =	vld.idx.msk [tilespmem:v13+s13+$0x0], $0xffff  }
0x2ba: {  	v32 =	vimm.s32 $0x0;
	v36 =	vld.idx.msk [tilespmem:v28+s13+$0x0], $0xffff  }
0x2bb: {  	v39 =	vld.idx.msk [tilespmem:v19+s13+$0x0], $0xffff;
	v29 =	vadd.s32 v32, v29  }
0x2bc: {  	v40 =	vld.idx.msk [tilespmem:v20+s13+$0x0], $0xffff;
	v29 =	vadd.s32 v30, v29  }
0x2bd: {  	v34 =	vld.idx.msk [tilespmem:v21+s13+$0x0], $0xffff;
	v29 =	vadd.s32 v31, v29  }
0x2be: {  	v33 =	vld.idx.msk [tilespmem:v16+s13+$0x0], $0xffff;
	v38 =	vadd.s32 v8, v16;
	v29 =	vadd.s32 v35, v29  }
0x2bf: {  	v37 =	vadd.s32 v9, v16;
	v32 =	vld.idx.msk [tilespmem:v22+s13+$0x0], $0xffff;
	v35 =	vadd.s32 v36, v29  }
0x2c0: {  	v30 =	vld.idx.msk [tilespmem:v23+s13+$0x0], $0xffff;
	v41 =	vadd.s32 v39, v35;
	v39 =	vadd.s32 v10, v16  }
0x2c1: {  	v31 =	vld.idx.msk [tilespmem:v18+s13+$0x0], $0xffff;
	v29 =	vadd.s32 v11, v16  }
0x2c2: {  	s18 =	simm.s32 $0x1D;
	v36 =	vadd.s32 v4, v29;
	v35 =	vld.idx.msk [tilespmem:v17+s13+$0x0], $0xffff;
	v40 =	vadd.s32 v40, v41  }
.LBB2_50:
0x2c3: {  	p0 =	sne.s32 s18, $0x1;
	v41 =	vadd.s32 v5, v29;
	v42 =	vld.idx.msk [tilespmem:v38+s13+$0x0], $0xffff;
	v34 =	vadd.s32 v34, v40  }
0x2c4: {  	v40 =	vadd.s32 v6, v29;
	v33 =	vadd.s32 v34, v33;
	v43 =	vld.idx.msk [tilespmem:v37+s13+$0x0], $0xffff  }
0x2c5: {  	v44 =	vadd.s32 v7, v29;
	v32 =	vadd.s32 v32, v33;
	v34 =	vld.idx.msk [tilespmem:v39+s13+$0x0], $0xffff  }
.Ltmp38:
0x2c6: {  	v38 =	vadd.s32 v8, v29;
	v33 =	vld.idx.msk [tilespmem:v29+s13+$0x0], $0xffff;
	v30 =	vadd.s32 v30, v32;
	(pc) =	sbr.rel @p0 .LBB2_50-.Ltmp38, $4  }
0x2c7: {  	v37 =	vadd.s32 v9, v29;
	v32 =	vld.idx.msk [tilespmem:v36+s13+$0x0], $0xffff;
	v31 =	vadd.s32 v31, v30  }
0x2c8: {  	v39 =	vadd.s32 v10, v29;
	v30 =	vld.idx.msk [tilespmem:v41+s13+$0x0], $0xffff;
	v35 =	vadd.s32 v35, v31  }
0x2c9: {  	v29 =	vadd.s32 v11, v29;
	v31 =	vld.idx.msk [tilespmem:v40+s13+$0x0], $0xffff;
	v40 =	vadd.s32 v42, v35  }
0x2ca: {  	s18 =	sadd.s32 $0xFFFFFFFF, s18;
	v36 =	vadd.s32 v4, v29;
	v35 =	vld.idx.msk [tilespmem:v44+s13+$0x0], $0xffff;
	v40 =	vadd.s32 v43, v40  }
0x2cb: {  	_ =	sdelay $0x2  }
0x2cc: {  	v34 =	vadd.s32 v34, v40  }
0x2cd: {  	v47 =	vadd.s32 v5, v29;
	v38 =	vld.idx.msk [tilespmem:v38+s13+$0x0], $0xffff;
	v33 =	vadd.s32 v34, v33  }
0x2ce: {  	v48 =	vadd.s32 v6, v29;
	v37 =	vld.idx.msk [tilespmem:v37+s13+$0x0], $0xffff;
	v32 =	vadd.s32 v32, v33  }
0x2cf: {  	v49 =	vadd.s32 v7, v29;
	v39 =	vld.idx.msk [tilespmem:v39+s13+$0x0], $0xffff;
	v30 =	vadd.s32 v30, v32  }
0x2d0: {  	v50 =	vld.idx.msk [tilespmem:v29+s13+$0x0], $0xffff;
	v41 =	vadd.s32 v8, v29;
	v30 =	vadd.s32 v31, v30  }
0x2d1: {  	v51 =	vadd.s32 v9, v29;
	v31 =	vld.idx.msk [tilespmem:v36+s13+$0x0], $0xffff;
	v30 =	vadd.s32 v35, v30  }
0x2d2: {  	v29 =	vadd.s32 v10, v29;
	v52 =	vld.idx.msk [tilespmem:v47+s13+$0x0], $0xffff;
	v30 =	vadd.s32 v38, v30  }
0x2d3: {  	v34 =	vld.idx.msk [tilespmem:v48+s13+$0x0], $0xffff;
	v30 =	vadd.s32 v37, v30  }
0x2d4: {  	v33 =	vld.idx.msk [tilespmem:v49+s13+$0x0], $0xffff;
	v30 =	vadd.s32 v39, v30  }
0x2d5: {  	v53 =	vld.idx.msk [tilespmem:v41+s13+$0x0], $0xffff;
	v30 =	vadd.s32 v30, v50  }
0x2d6: {  	v54 =	vld.idx.msk [tilespmem:v51+s13+$0x0], $0xffff;
	v30 =	vadd.s32 v31, v30  }
0x2d7: {  	v29 =	vld.idx.msk [tilespmem:v29+s13+$0x0], $0xffff;
	v30 =	vadd.s32 v52, v30  }
0x2d8: {  	v30 =	vadd.s32 v34, v30  }
0x2d9: {  	v30 =	vadd.s32 v33, v30  }
0x2da: {  	v30 =	vadd.s32 v53, v30  }
0x2db: {  	v30 =	vadd.s32 v54, v30  }
0x2dc: {  	v29 =	vadd.s32 v29, v30  }
0x2dd: {  	v55 =	vld.idx.msk [tilespmem:v3+s13+$0x0], $0xffff;
	[tilespmem:v3+s13+$0x0] =	vst.idx.msk $0xffff, v1;
	(xrf0) =	vadd.scan.msk.s32 $0xffff, v29  }
0x2de: {  	v56 =	vld.idx.msk [tilespmem:v15+s13+$0x0], $0xffff;
	[tilespmem:v15+s13+$0x0] =	vst.idx.msk $0xffff, v1  }
0x2df: {  	v57 =	vld.idx.msk [tilespmem:v14+s13+$0x0], $0xffff  }
0x2e0: {  	[tilespmem:v14+s13+$0x0] =	vst.idx.msk $0xffff, v1  }
0x2e1: {  	v58 =	vld.idx.msk [tilespmem:v13+s13+$0x0], $0xffff;
	v31 =	vimm.s32 $0x0  }
0x2e2: {  	v59 =	vadd.s32 v31, v55  }
0x2e3: {  	v61 =	vadd.s32 v4, v28;
	v33 =	vadd.s32 v59, v56;
	v30, _, _ =	vpop (xrf0)  }
0x2e4: {  	v32 =	vadd.s32 v5, v28;
	v34 =	vadd.s32 v33, v57;
	v30 =	vsub.s32 v30, v29  }
0x2e5: {  	v29 =	vadd.s32 v6, v28;
	v60 =	vadd.s32 v30, v59;
	v35 =	vadd.s32 v30, v33  }
0x2e6: {  	v62 =	vadd.s32 v30, v34;
	v34 =	vadd.s32 v34, v58;
	vm3 =	vlt.s32 v60, $0xCCD  }
0x2e7: {  	vm1 =	vlt.s32 v35, $0xCCD;
	vm2 =	vlt.s32 v35, $0xCCE;
	v63 =	vadd.s32 v30, v34  }
0x2e8: {  	v35 =	vsel vm1, $0x1, v1;
	v37 =	vsel vm2, $0x1, v1;
	vm2 =	vlt.s32 v60, $0xCCE  }
0x2e9: {  	[tilespmem:v13+s13+$0x0] =	vst.idx.msk $0xffff, v1;
	vm1 =	vlt.s32 v62, $0xCCD;
	v40 =	vsel vm3, $0x1, v1;
	vm3 =	vlt.s32 v63, $0xCCD  }
0x2ea: {  	v33 =	vld.idx.msk [tilespmem:v28+s13+$0x0], $0xffff;
	[tilespmem:v28+s13+$0x0] =	vst.idx.msk $0xffff, v1;
	vm4 =	vlt.s32 v63, $0xCCE;
	v38 =	vsel vm2, $0x1, v1;
	vm2 =	vlt.s32 v62, $0xCCE  }
0x2eb: {  	s18 =	simm.s32 $0x3E;
	v36 =	vld.idx.msk [tilespmem:v61+s13+$0x0], $0xffff;
	[tilespmem:v61+s13+$0x0] =	vst.idx.msk $0xffff, v1;
	v39 =	vsel vm4, $0x1, v1;
	v41 =	vadd.s32 v38, v31;
	v38 =	vsel vm3, $0x1, v1  }
.LBB2_52:
0x2ec: {  	p0 =	sne.s32 s18, $0x1;
	s18 =	sadd.s32 $0xFFFFFFFF, s18;
	v42 =	vld.idx.msk [tilespmem:v32+s13+$0x0], $0xffff;
	v31 =	vadd.s32 v40, v31;
	v37 =	vadd.s32 v37, v41;
	v40 =	vsel vm2, $0x1, v1  }
0x2ed: {  	[tilespmem:v32+s13+$0x0] =	vst.idx.msk $0xffff, v1;
	v31 =	vadd.s32 v35, v31;
	v32 =	vsel vm1, $0x1, v1;
	v35 =	vadd.s32 v40, v37  }
0x2ee: {  	v28 =	vadd.s32 v7, v28;
	v40 =	vld.idx.msk [tilespmem:v29+s13+$0x0], $0xffff;
	v31 =	vadd.s32 v32, v31;
	v39 =	vadd.s32 v39, v35  }
0x2ef: {  	v33 =	vadd.s32 v34, v33;
	v35 =	vadd.s32 v6, v28;
	v31 =	vadd.s32 v38, v31  }
0x2f0: {  	v32 =	vadd.s32 v5, v28;
	v34 =	vadd.s32 v30, v33;
	v33 =	vadd.s32 v33, v36  }
0x2f1: {  	v38 =	vadd.s32 v4, v28;
	vm3 =	vlt.s32 v34, $0xCCD;
	v36 =	vadd.s32 v30, v33;
	[tilespmem:v29+s13+$0x0] =	vst.idx.msk $0xffff, v1  }
0x2f2: {  	vm1 =	vlt.s32 v36, $0xCCD;
	vm2 =	vlt.s32 v36, $0xCCE;
	v36 =	vadd.s32 v33, v42;
	v29 =	vmovc v35  }
.Ltmp39:
0x2f3: {  	v35 =	vsel vm1, $0x1, v1;
	v37 =	vsel vm2, $0x1, v1;
	v41 =	vadd.s32 v30, v36;
	(pc) =	sbr.rel @p0 .LBB2_52-.Ltmp39, $4  }
0x2f4: {  	vm2 =	vlt.s32 v34, $0xCCE;
	vm1 =	vlt.s32 v41, $0xCCD;
	v34 =	vadd.s32 v36, v40;
	v33 =	vld.idx.msk [tilespmem:v28+s13+$0x0], $0xffff  }
0x2f5: {  	v42 =	vsel vm2, $0x1, v1;
	vm2 =	vlt.s32 v41, $0xCCE;
	v41 =	vadd.s32 v30, v34;
	[tilespmem:v28+s13+$0x0] =	vst.idx.msk $0xffff, v1  }
0x2f6: {  	v40 =	vsel vm3, $0x1, v1;
	vm3 =	vlt.s32 v41, $0xCCD;
	vm4 =	vlt.s32 v41, $0xCCE;
	v36 =	vld.idx.msk [tilespmem:v38+s13+$0x0], $0xffff  }
0x2f7: {  	v41 =	vadd.s32 v42, v39;
	v39 =	vsel vm4, $0x1, v1;
	[tilespmem:v38+s13+$0x0] =	vst.idx.msk $0xffff, v1;
	v38 =	vsel vm3, $0x1, v1  }
0x2f8: {  	_ =	sdelay $0x2  }
0x2f9: {  	v31 =	vadd.s32 v40, v31  }
0x2fa: {  	v28 =	vld.idx.msk [tilespmem:v32+s13+$0x0], $0xffff;
	v37 =	vadd.s32 v37, v41;
	v52 =	vsel vm2, $0x1, v1;
	[tilespmem:v32+s13+$0x0] =	vst.idx.msk $0xffff, v1;
	v53 =	vsel vm1, $0x1, v1  }
0x2fb: {  	v31 =	vadd.s32 v35, v31;
	v54 =	vadd.s32 v52, v37;
	v55 =	vld.idx.msk [tilespmem:v29+s13+$0x0], $0xffff;
	v33 =	vadd.s32 v34, v33  }
0x2fc: {  	v31 =	vadd.s32 v53, v31;
	v56 =	vadd.s32 v39, v54;
	v34 =	vadd.s32 v33, v36  }
0x2fd: {  	v31 =	vadd.s32 v38, v31;
	v33 =	vadd.s32 v30, v33;
	v57 =	vadd.s32 v30, v34  }
0x2fe: {  	vm1 =	vlt.s32 v33, $0xCCD;
	vm2 =	vlt.s32 v57, $0xCCD;
	vm3 =	vlt.s32 v57, $0xCCE  }
0x2ff: {  	v28 =	vadd.s32 v34, v28;
	v58 =	vsel vm2, $0x1, v1;
	v35 =	vsel vm3, $0x1, v1  }
0x300: {  	v59 =	vadd.s32 v30, v28;
	vm2 =	vlt.s32 v33, $0xCCE;
	v28 =	vadd.s32 v28, v55  }
0x301: {  	vm3 =	vlt.s32 v59, $0xCCD;
	v33 =	vsel vm2, $0x1, v1;
	v28 =	vadd.s32 v30, v28  }
0x302: {  	vm2 =	vlt.s32 v59, $0xCCE;
	v30 =	vsel vm1, $0x1, v1;
	vm1 =	vlt.s32 v28, $0xCCD  }
0x303: {  	vm4 =	vlt.s32 v28, $0xCCE;
	v28 =	vadd.s32 v33, v56;
	v30 =	vadd.s32 v30, v31  }
0x304: {  	v60 =	vsel vm3, $0x1, v1;
	v61 =	vsel vm2, $0x1, v1;
	v30 =	vadd.s32 v58, v30  }
0x305: {  	v31 =	vsel vm1, $0x1, v1;
	v28 =	vadd.s32 v35, v28;
	v30 =	vadd.s32 v60, v30  }
0x306: {  	v62 =	vsel vm4, $0x1, v1;
	v28 =	vadd.s32 v61, v28;
	v30 =	vadd.s32 v31, v30  }
0x307: {  	v28 =	vadd.s32 v62, v28;
	(xrf0) =	vadd.scan.msk.s32 $0xffff, v30  }
0x308: {  	(xrf0) =	vadd.scan.msk.s32 $0xffff, v28;
	_ =	sdelay $0x4  }
0x309: {  	v28, _, _ =	vpop (xrf0)  }
0x30a: {  	(v2sf) =	vpush v28, $0xF;
	v28, _, _ =	vpop (xrf0)  }
0x30b: {  	(v2sf) =	vpush v28, $0xF;
	_ =	sdelay $0xd  }
0x30c: {  	s31 =	simm.s32 $0x0;
	s18 =	spop (v2sf)  }
0x30d: {  	[tilespmem:v29+s13+$0x0] =	vst.idx.msk $0xffff, v1;
	s19 =	spop (v2sf);
	p0 =	slt.s32 s18, $0x800;
	s22 =	ssub.s32 $0x7FF, s18  }
0x30e: {  	v32 =	vld [tilespmem:s31+$0x30];
	p1 =	slt.s32 s19, $0x800;
	s23 =	ssub.s32 $0x7FF, s19;
	s18 =	smov.u32 @p0 s22  }
0x30f: {  	v34 =	vld [tilespmem:s31+$0x10];
	s19 =	smov.u32 @p1 s23;
	s18 =	sshll.u32 s18, $0x14  }
0x310: {  	v31 =	vld [tilespmem:s31+$0x20];
	s22 =	sshll.u32 s19, $0x14;
	s24 =	sor.u32 $0xFFFFF, s18  }
0x311: {  	v41 =	vld [tilespmem:s31+$0x0];
	s19 =	sor.u32 $0xFFFFF, s22;
	s18 =	smov.u32 @p0 s24  }
0x312: {  	s19 =	smov.u32 @p1 s22;
	v28 =	vmov s18  }
0x313: {  	v29 =	vmov s19;
	v35 =	vbroadcast v28, $0x0  }
0x314: {  	v37 =	vimm.s32 $0x0;
	v38 =	vimm.f32 $0.0e+00;
	v36 =	vbroadcast v29, $0x0  }
0x315: {  	v30 =	vld [tilespmem:s31+$0x60];
	vm7 =	vgt.f32 v31, v35;
	vm2 =	vle.f32 v31, v35;
	vm8 =	vgt.f32 v34, v35  }
0x316: {  	v28 =	vld [tilespmem:s31+$0x50];
	vm5 =	vle.f32 v32, v35;
	vm10 =	vgt.f32 v41, v35;
	vm6 =	vle.f32 v41, v35  }
0x317: {  	vm1 =	vge.f32 v31, v36;
	v40 =	vnsel vm7, $0x0, v31;
	vm4 =	vge.f32 v32, v36  }
0x318: {  	v29 =	vld [tilespmem:s31+$0x40];
	vm3 =	vge.f32 v41, v36;
	v39 =	vmpcnt.ones.xlane vm10;
	vm1 =	vmand vm1, vm2  }
0x319: {  	vm2 =	vle.f32 v34, v35;
	vm6 =	vmand vm3, vm6;
	vm3 =	vge.f32 v34, v36  }
0x31a: {  	vm5 =	vmand vm4, vm5;
	vm3 =	vmand vm3, vm2;
	v63 =	vmpcnt.ones.xlane vm6  }
0x31b: {  	v33 =	vld [tilespmem:s31+$0x70];
	vm4 =	vle.f32 v30, v35;
	vm11 =	vge.f32 v28, v36;
	v42 =	vmpcnt.ones.xlane vm3  }
0x31c: {  	vm12 =	vle.f32 v28, v35;
	v43 =	vmpcnt.ones.xlane vm1;
	(v2sf) =	vpush v63, $0x0  }
0x31d: {  	vm2 =	vge.f32 v30, v36;
	vm9 =	vge.f32 v29, v36;
	(v2sf) =	vpush v42, $0x0  }
0x31e: {  	s22 =	simm.s32 $0x0;
	vm2 =	vmand vm2, vm4;
	vm4 =	vle.f32 v29, v35;
	(v2sf) =	vpush v43, $0x0  }
0x31f: {  	s23 =	simm.s32 $0x200;
	[tilespmem:s22+$0x10000] =	vst.msk vm6, v41;
	vm6 =	vmand vm9, vm4;
	vm4 =	vmand vm11, vm12;
	v42 =	vmpcnt.ones.xlane vm5  }
.LBB2_54:
0x320: {  	p0 =	sne.s32 s23, $0x1FE00;
	vm9 =	vge.f32 v33, v36;
	v43 =	vmpcnt.ones.xlane vm6;
	v44 =	vmpcnt.ones.xlane vm2;
	s24 =	smov.u32 s23;
	s23 =	sadd.s32 $0x200, s23  }
0x321: {  	vm11 =	vle.f32 v33, v35;
	v45 =	vmpcnt.ones.xlane vm4;
	(v2sf) =	vpush v42, $0x0  }
0x322: {  	v41 =	vnsel vm10, $0x0, v41;
	vm9 =	vmand vm9, vm11;
	(v2sf) =	vpush v43, $0x0  }
0x323: {  	v38 =	vadd.f32 v41, v38;
	v42 =	vmpcnt.ones.xlane vm9;
	(v2sf) =	vpush v45, $0x0  }
0x324: {  	vm10 =	vgt.f32 v32, v35;
	v41 =	vnsel vm8, $0x0, v34;
	(v2sf) =	vpush v44, $0x0  }
0x325: {  	s24 =	sshra.s32 s24, $0x2;
	v38 =	vadd.f32 v41, v38;
	v41 =	vnsel vm10, $0x0, v32;
	(v2sf) =	vpush v42, $0x0  }
0x326: {  	v37 =	vadd.s32 v37, v39;
	vm11 =	vgt.f32 v28, v35;
	v39 =	vmpcnt.ones.xlane vm10  }
0x327: {  	v42 =	vmpcnt.ones.xlane vm8;
	v38 =	vadd.f32 v40, v38;
	v40 =	vnsel vm11, $0x0, v28  }
0x328: {  	v43 =	vmpcnt.ones.xlane vm7;
	vm8 =	vgt.f32 v33, v35  }
0x329: {  	vm7 =	vgt.f32 v29, v35;
	v37 =	vadd.s32 v42, v37;
	v38 =	vadd.f32 v41, v38  }
0x32a: {  	v41 =	vmpcnt.ones.xlane vm7;
	v42 =	vnsel vm7, $0x0, v29;
	v37 =	vadd.s32 v43, v37  }
0x32b: {  	v37 =	vadd.s32 v39, v37;
	v38 =	vadd.f32 v42, v38;
	v39 =	vnsel vm8, $0x0, v33;
	s25 =	spop (v2sf)  }
0x32c: {  	v37 =	vadd.s32 v41, v37;
	s22 =	sadd.s32 s22, s25;
	s25 =	spop (v2sf)  }
0x32d: {  	vm7 =	vgt.f32 v30, v35;
	v41 =	vmpcnt.ones.xlane vm11;
	v38 =	vadd.f32 v40, v38;
	s25 =	sadd.s32 s25, s22;
	[tilespmem:s22+$0x10000] =	vst.msk vm3, v34;
	s22 =	spop (v2sf)  }
0x32e: {  	v40 =	vnsel vm7, $0x0, v30;
	v34 =	vmpcnt.ones.xlane vm7;
	s22 =	sadd.s32 s22, s25;
	[tilespmem:s25+$0x10000] =	vst.msk vm1, v31  }
0x32f: {  	v38 =	vadd.f32 v40, v38;
	v31 =	vadd.s32 v41, v37;
	v37 =	vmpcnt.ones.xlane vm8;
	[tilespmem:s22+$0x10000] =	vst.msk vm5, v32  }
0x330: {  	v31 =	vadd.s32 v34, v31;
	s25 =	spop (v2sf)  }
0x331: {  	v38 =	vadd.f32 v39, v38;
	v37 =	vadd.s32 v37, v31;
	s22 =	sadd.s32 s25, s22;
	s25 =	spop (v2sf)  }
0x332: {  	s25 =	sadd.s32 s25, s22;
	[tilespmem:s22+$0x10000] =	vst.msk vm6, v29;
	s22 =	spop (v2sf)  }
0x333: {  	s22 =	sadd.s32 s22, s25;
	[tilespmem:s25+$0x10000] =	vst.msk vm4, v28;
	s25 =	spop (v2sf)  }
0x334: {  	s25 =	sadd.s32 s25, s22;
	[tilespmem:s22+$0x10000] =	vst.msk vm2, v30;
	s22 =	spop (v2sf)  }
0x335: {  	s22 =	sadd.s32 s22, s25;
	[tilespmem:s25+$0x10000] =	vst.msk vm9, v33  }
0x336: {  	v31 =	vld [tilespmem:s24+$0x20]  }
0x337: {  	v34 =	vld [tilespmem:s24+$0x10]  }
0x338: {  	v32 =	vld [tilespmem:s24+$0x30]  }
0x339: {  	v41 =	vld [tilespmem:s24+$0x0]  }
0x33a: {  	v28 =	vld [tilespmem:s24+$0x50]  }
0x33b: {  	v29 =	vld [tilespmem:s24+$0x40];
	vm7 =	vgt.f32 v31, v35;
	vm1 =	vge.f32 v31, v36;
	vm2 =	vle.f32 v31, v35  }
0x33c: {  	v33 =	vld [tilespmem:s24+$0x70];
	vm8 =	vgt.f32 v34, v35;
	vm1 =	vmand vm1, vm2;
	v40 =	vnsel vm7, $0x0, v31  }
0x33d: {  	vm2 =	vle.f32 v34, v35;
	v30 =	vld [tilespmem:s24+$0x60];
	vm4 =	vge.f32 v32, v36;
	vm5 =	vle.f32 v32, v35  }
0x33e: {  	vm10 =	vgt.f32 v41, v35;
	vm3 =	vge.f32 v41, v36;
	vm6 =	vle.f32 v41, v35  }
0x33f: {  	vm6 =	vmand vm3, vm6;
	vm3 =	vge.f32 v34, v36;
	v39 =	vmpcnt.ones.xlane vm10  }
0x340: {  	vm3 =	vmand vm3, vm2;
	vm9 =	vge.f32 v29, v36;
	v42 =	vmpcnt.ones.xlane vm6;
	[tilespmem:s22+$0x10000] =	vst.msk vm6, v41  }
.Ltmp40:
0x341: {  	vm11 =	vge.f32 v28, v36;
	vm12 =	vle.f32 v28, v35;
	v43 =	vmpcnt.ones.xlane vm3;
	(pc) =	sbr.rel @p0 .LBB2_54-.Ltmp40, $4  }
0x342: {  	v44 =	vmpcnt.ones.xlane vm1;
	vm2 =	vge.f32 v30, v36;
	(v2sf) =	vpush v42, $0x0  }
0x343: {  	vm5 =	vmand vm4, vm5;
	vm4 =	vle.f32 v30, v35;
	(v2sf) =	vpush v43, $0x0  }
0x344: {  	vm6 =	vle.f32 v29, v35;
	vm2 =	vmand vm2, vm4;
	(v2sf) =	vpush v44, $0x0  }
0x345: {  	vm6 =	vmand vm9, vm6;
	v42 =	vmpcnt.ones.xlane vm5;
	vm4 =	vmand vm11, vm12  }
0x346: {  	v41 =	vnsel vm10, $0x0, v41  }
0x347: {  	v38 =	vadd.f32 v41, v38  }
0x348: {  	v47 =	vnsel vm8, $0x0, v34  }
0x349: {  	v38 =	vadd.f32 v47, v38;
	_ =	sdelay $0x1  }
0x34a: {  	vm10 =	vgt.f32 v32, v35;
	v38 =	vadd.f32 v40, v38  }
0x34b: {  	v48 =	vnsel vm10, $0x0, v32  }
0x34c: {  	vm11 =	vgt.f32 v29, v35;
	v38 =	vadd.f32 v48, v38  }
0x34d: {  	v49 =	vnsel vm11, $0x0, v29  }
0x34e: {  	vm12 =	vgt.f32 v28, v35;
	v38 =	vadd.f32 v49, v38  }
0x34f: {  	v50 =	vnsel vm12, $0x0, v28  }
0x350: {  	vm13 =	vgt.f32 v30, v35;
	v38 =	vadd.f32 v50, v38  }
0x351: {  	v51 =	vnsel vm13, $0x0, v30  }
0x352: {  	vm14 =	vgt.f32 v33, v35;
	v38 =	vadd.f32 v51, v38  }
0x353: {  	vm9 =	vge.f32 v33, v36;
	v53 =	vmpcnt.ones.xlane vm8;
	v52 =	vnsel vm14, $0x0, v33  }
0x354: {  	(xrf2) =	vadd.scan.msk.f32 $0xffff, v27;
	v55 =	vmpcnt.ones.xlane vm6;
	(v2sf) =	vpush v42, $0x0;
	v38 =	vadd.f32 v52, v38  }
0x355: {  	vm15 =	vle.f32 v33, v35;
	v54 =	vmpcnt.ones.xlane vm7;
	v57 =	vmpcnt.ones.xlane vm4  }
0x356: {  	v56 =	vmpcnt.ones.xlane vm2;
	v37 =	vadd.s32 v37, v39;
	(v2sf) =	vpush v55, $0x0;
	(xrf2) =	vadd.scan.msk.f32 $0xffff, v38  }
0x357: {  	v27 =	vmpcnt.ones.xlane vm10;
	v35 =	vadd.s32 v53, v37;
	(v2sf) =	vpush v57, $0x0  }
0x358: {  	v59 =	vmpcnt.ones.xlane vm11;
	v35 =	vadd.s32 v54, v35;
	(v2sf) =	vpush v56, $0x0  }
0x359: {  	vm9 =	vmand vm9, vm15;
	v60 =	vmpcnt.ones.xlane vm12;
	v27 =	vadd.s32 v27, v35  }
0x35a: {  	v61 =	vmpcnt.ones.xlane vm13;
	v58 =	vmpcnt.ones.xlane vm9;
	v27 =	vadd.s32 v59, v27  }
0x35b: {  	v62 =	vmpcnt.ones.xlane vm14;
	v27 =	vadd.s32 v60, v27  }
0x35c: {  	(v2sf) =	vpush v58, $0x0;
	v27 =	vadd.s32 v61, v27  }
0x35d: {  	(v2sf) =	vpush v26, $0x0;
	v26 =	vadd.s32 v62, v27  }
0x35e: {  	p0 =	slt.s32 s19, $0x0;
	v63, _, _ =	vpop (xrf2)  }
0x35f: {  	s25 =	sor.u32 $0x80000000, s19;
	s26 =	sor.u32 $0x80000000, s18;
	(v2sf) =	vpush v63, $0xF;
	s23 =	spop (v2sf)  }
0x360: {  	(v2sf) =	vpush v26, $0x0;
	s24 =	spop (v2sf);
	s22 =	sadd.s32 s22, s23;
	s23 =	sxor.u32 $0xFFFFFFFF, s19;
	v26, _, _ =	vpop (xrf2)  }
0x361: {  	s25 =	smov.u32 @p0 s23;
	p0 =	slt.s32 s18, $0x0;
	s23 =	sxor.u32 $0xFFFFFFFF, s18;
	(v2sf) =	vpush v26, $0xF  }
0x362: {  	s30 =	spop (v2sf);
	s24 =	sadd.s32 s24, s22;
	s26 =	smov.u32 @p0 s23  }
0x363: {  	[tilespmem:s22+$0x10000] =	vst.msk vm3, v34;
	s19 =	sadd.s32 s30, s24;
	s22 =	ssub.s32 s26, s25;
	s31 =	spop (v2sf)  }
0x364: {  	[tilespmem:s24+$0x10000] =	vst.msk vm1, v31;
	s30 =	sshrl.u32 s22, $0x1;
	s18 =	sadd.s32 s31, s19;
	s31 =	sand.u32 $0x1, s22  }
0x365: {  	[tilespmem:s19+$0x10000] =	vst.msk vm5, v32;
	s29 =	spop (v2sf);
	s23 =	sor.u32 s30, s31  }
0x366: {  	s19 =	sadd.s32 s29, s18;
	[tilespmem:s18+$0x10000] =	vst.msk vm6, v29;
	s29 =	spop (v2sf);
	s23 =	scvt.s32.f32 s23  }
0x367: {  	s18 =	sadd.s32 s29, s19;
	[tilespmem:s19+$0x10000] =	vst.msk vm4, v28;
	s30 =	spop (v2sf)  }
0x368: {  	s28 =	scvt.s32.f32 s22;
	s19 =	sadd.s32 s30, s18;
	[tilespmem:s18+$0x10000] =	vst.msk vm2, v30;
	s18 =	sadd.f32 s23, s23  }
0x369: {  	p0 =	slt.s32 s22, $0x0  }
0x36a: {  	s28 =	smov.u32 @p0 s18  }
0x36b: {  	s31 =	spop (v2sf);
	p0 =	slt.u32 s28, $0x3F800000  }
.Ltmp41:
0x36c: {  	s24 =	sadd.s32 s31, s19;
	[tilespmem:s19+$0x10000] =	vst.msk vm9, v33;
	(pc) =	sbr.rel @p0 .LBB2_62-.Ltmp41, $4  }
0x36d: {  	s23 =	spop (v2sf);
	[tilespmem:s24+$0x10000] =	vst v12  }
0x36e: {  	[tilespmem:s24+$0x10010] =	vst v12;
	s22 =	spop (v2sf)  }
0x36f: {  	[tilespmem:s24+$0x10020] =	vst v12;
	s19 =	spop (v2sf)  }
0x370: {  	v27 =	vmov s25;
	[tilespmem:s24+$0x10030] =	vst v12;
	s18 =	spop (v2sf)  }
0x371: {  	s25 =	sadd.s32 $0x3F, s24  }
0x372: {  	s29 =	sand.u32 $0x3F, s25  }
0x373: {  	s30 =	sshra.s32 s25, $0x1F;
	p1 =	slt.s32 s25, $0x1;
	p0 =	sne.s32 s29, $0x0  }
.Ltmp42:
0x374: {  	s29 =	sshrl.u32 s30, $0x1A;
	p0 =	por !p1, !p0;
	(pc) =	sbr.rel .LBB2_57-.Ltmp42, $4  }
0x375: {  	s25 =	sadd.s32 s29, s25;
	s29 =	simm.s32 $0x1;
	p0 =	por !p0, !p0  }
0x376: {  	s25 =	sshra.s32 s25, $0x6;
	s29 =	simm.s32 @!p0 $0x0  }
0x377: {  	s31 =	ssub.s32 $0xCCD, s19;
	s28 =	sshrl.u32 s28, $0x17;
	s25 =	ssub.s32 s25, s29  }
0x378: {  	v28 =	vmov s26;
	v26 =	vmov s31;
	s26 =	sadd.s32 $0xFFFFFF81, s28;
	s28 =	simm.s32 $0x0;
	p0 =	slt.s32 s25, $0x1  }
.LBB2_60:
0x379: {  	vm2 =	vgt.f32 v32, v31;
	v61 =	vmpcnt.ones.xlane vm1  }
0x37a: {  	vm1 =	vgt.f32 v33, v31;
	v62 =	vmpcnt.ones.xlane vm2  }
0x37b: {  	vm2 =	vgt.f32 v34, v31;
	v31 =	vmpcnt.ones.xlane vm1;
	v30 =	vadd.s32 v30, v61  }
0x37c: {  	v63 =	vmpcnt.ones.xlane vm2;
	v30 =	vadd.s32 v62, v30  }
0x37d: {  	v30 =	vadd.s32 v31, v30  }
0x37e: {  	v30 =	vadd.s32 v63, v30  }
.LBB2_61:
0x37f: {  	p1 =	sne.s32 s28, s26  }
.Ltmp43:
0x380: {  	_ = 	snop;
	(pc) =	sbr.rel @!p1 .LBB2_62-.Ltmp43, $3  }
0x381: {  	_ =	sdelay $0x1  }
0x382: {  	vm1 =	vgt.s32 v30, v26;
	v30 =	vadd.s32 $0x1, v29;
	s29 =	sadd.s32 $0x1, s28  }
0x383: {  	v27 =	vsel vm1, v30, v27;
	v28 =	vsel vm1, v28, v29;
	s28 =	smov.u32 s29  }
.LBB2_57:
.Ltmp44:
0x384: {  	(pc) =	sbr.rel @p0 .LBB2_61-.Ltmp44, $4  }
0x385: {  	_ = 	snop  }
0x386: {  	v29 =	vsub.s32 v28, v27  }
0x387: {  	v29 =	vshrl.u32 v29, $0x1  }
0x388: {  	v30 =	vimm.s32 $0x0;
	v29 =	vadd.s32 v27, v29  }
0x389: {  	s30 =	simm.s32 $0x10020  }
0x38a: {  	p1 =	sne.s32 s25, $0x1;
	v35 =	vld [tilespmem:s30+$0xFFFFFFE0]  }
.Ltmp45:
0x38b: {  	vm1 =	vlt.s32 v29, $0x0;
	v31 =	vand.u32 $0x7FFFFFFF, v29;
	v33 =	vxor.u32 $0xFFFFFFFF, v29;
	v32 =	vld [tilespmem:s30+$0xFFFFFFF0];
	(pc) =	sbr.rel @!p1 .LBB2_60-.Ltmp45, $3  }
0x38c: {  	v31 =	vsel vm1, v31, v33;
	v33 =	vld [tilespmem:s30+$0x0]  }
0x38d: {  	v34 =	vld [tilespmem:s30+$0x10];
	_ =	sdelay $0x1  }
0x38e: {  	s29 =	sadd.s32 $0xFFFFFFFF, s25;
	s30 =	simm.s32 $0x10060;
	vm1 =	vgt.f32 v35, v31  }
.LBB2_59:
0x38f: {  	v35 =	vld [tilespmem:s30+$0xFFFFFFE0];
	p1 =	sne.s32 s29, $0x1;
	s29 =	sadd.s32 $0xFFFFFFFF, s29;
	vm2 =	vgt.f32 v32, v31;
	v36 =	vmpcnt.ones.xlane vm1  }
.Ltmp46:
0x390: {  	vm1 =	vgt.f32 v33, v31;
	v32 =	vld [tilespmem:s30+$0xFFFFFFF0];
	v37 =	vmpcnt.ones.xlane vm2;
	(pc) =	sbr.rel @p1 .LBB2_59-.Ltmp46, $4  }
0x391: {  	vm2 =	vgt.f32 v34, v31;
	v33 =	vld [tilespmem:s30+$0x0];
	v30 =	vadd.s32 v30, v36;
	v36 =	vmpcnt.ones.xlane vm1  }
0x392: {  	v34 =	vld [tilespmem:s30+$0x10];
	v30 =	vadd.s32 v37, v30;
	v37 =	vmpcnt.ones.xlane vm2  }
0x393: {  	v30 =	vadd.s32 v36, v30  }
0x394: {  	s30 =	sadd.s32 $0x40, s30;
	vm1 =	vgt.f32 v35, v31;
	v30 =	vadd.s32 v37, v30  }
.Ltmp47:
0x395: {  	_ = 	snop;
	(pc) =	sbr.rel .LBB2_60-.Ltmp47, $1  }
0x396: {  	_ =	sdelay $0x3  }
.LBB2_62:
0x397: {  	s24 =	sadd.s32 $0xF, s24  }
0x398: {  	s25 =	sand.u32 $0xF, s24  }
0x399: {  	s26 =	sshra.s32 s24, $0x1F;
	p0 =	slt.s32 s24, $0x1;
	p1 =	sne.s32 s25, $0x0  }
0x39a: {  	s31 =	sshrl.u32 s26, $0x1C;
	p0 =	por !p0, !p1  }
0x39b: {  	s25 =	simm.s32 $0x1;
	s24 =	sadd.s32 s31, s24;
	p0 =	por !p0, !p0  }
0x39c: {  	s24 =	sshra.s32 s24, $0x4;
	s25 =	simm.s32 @!p0 $0x0  }
0x39d: {  	s24 =	ssub.s32 s24, s25  }
0x39e: {  	p0 =	slt.s32 s24, $0x1  }
.Ltmp48:
0x39f: {  	_ = 	snop;
	(pc) =	sbr.rel @p0 .LBB2_63-.Ltmp48, $2  }
0x3a0: {  	_ =	sdelay $0x2  }
0x3a1: {  	v26 =	vimm.s32 $0x0  }
0x3a2: {  	p0 =	sne.s32 s24, $0x1  }
.Ltmp49:
0x3a3: {  	_ = 	snop;
	(pc) =	sbr.rel @!p0 .LBB2_66-.Ltmp49, $4  }
0x3a4: {  	s25 =	simm.s32 $0x10000  }
0x3a5: {  	v29 =	vld [tilespmem:s25+$0x0]  }
0x3a6: {  	vm1 =	vlt.s32 v27, $0x0;
	v28 =	vand.u32 $0x7FFFFFFF, v27;
	v27 =	vxor.u32 $0xFFFFFFFF, v27  }
0x3a7: {  	s26 =	sadd.s32 $0xFFFFFFFF, s24;
	s28 =	simm.s32 $0x10000;
	v27 =	vsel vm1, v28, v27;
	v28 =	vimm.f32 $+Inf  }
.LBB2_65:
0x3a8: {  	p1 =	sne.s32 s26, $0x1  }
.Ltmp50:
0x3a9: {  	s26 =	sadd.s32 $0xFFFFFFFF, s26;
	(pc) =	sbr.rel @p1 .LBB2_65-.Ltmp50, $3  }
0x3aa: {  	s28 =	sadd.s32 $0x10, s28;
	vm1 =	vgt.f32 v29, v27;
	v30 =	vmin.f32 v28, v29  }
0x3ab: {  	v29 =	vld [tilespmem:s28+$0x0];
	v31 =	vmpcnt.ones.xlane vm1;
	v28 =	vsel vm1, v30, v28;
	_ =	sdelay $0x1  }
0x3ac: {  	v26 =	vadd.s32 v26, v31  }
.LBB2_66:
0x3ad: {  	_ =	sdelay $0x1  }
0x3ae: {  	vm1 =	vgt.f32 v29, v27  }
0x3af: {  	v30 =	vmpcnt.ones.xlane vm1;
	_ =	sdelay $0x1  }
0x3b0: {  	v26 =	vadd.s32 v26, v30  }
0x3b1: {  	(v2sf) =	vpush v26, $0x0;
	_ =	sdelay $0x6  }
0x3b2: {  	v26 =	vmin.f32 v28, v29  }
0x3b3: {  	v26 =	vsel vm1, v26, v28  }
0x3b4: {  	(xrf0) =	vmin.scan.msk.f32 $0xffff, v26;
	_ =	sdelay $0x5  }
0x3b5: {  	v26, _, _ =	vpop (xrf0);
	s26 =	spop (v2sf)  }
0x3b6: {  	v26 =	vbroadcast v26, $0xF;
	s26 =	sadd.s32 s19, s26  }
0x3b7: {  	p1 =	sgt.s32 s26, $0xCCC  }
0x3b8: {  	v28 =	vpsel p1, v26, v27;
	v26 =	vld [tilespmem:s25+$0x0]  }
.Ltmp51:
0x3b9: {  	v27 =	vmul.f32 $7.011718750e-01, v27;
	v28 =	vmul.f32 $2.988281250e-01, v28;
	(pc) =	sbr.rel @!p0 .LBB2_68-.Ltmp51, $3  }
0x3ba: {  	_ = 	snop  }
0x3bb: {  	v29 =	vadd.f32 v28, v27;
	_ =	sdelay $0x1  }
0x3bc: {  	s24 =	sadd.s32 $0xFFFFFFFF, s24;
	s25 =	simm.s32 $0x10010;
	v28 =	vimm.s32 $0x0;
	v27 =	vimm.f32 $0.0e+00;
	vm1 =	vgt.f32 v26, v29  }
.LBB2_67:
0x3bd: {  	p0 =	sne.s32 s24, $0x1;
	s24 =	sadd.s32 $0xFFFFFFFF, s24;
	v30 =	vmpcnt.ones.xlane vm1;
	v31 =	vnsel vm1, $0x0, v26;
	v26 =	vld [tilespmem:s25+$0x0]  }
.Ltmp52:
0x3be: {  	v27 =	vadd.f32 v31, v27;
	(pc) =	sbr.rel @p0 .LBB2_67-.Ltmp52, $2  }
0x3bf: {  	v28 =	vadd.s32 v28, v30;
	_ =	sdelay $0x2  }
0x3c0: {  	s25 =	sadd.s32 $0x10, s25;
	vm1 =	vgt.f32 v26, v29  }
.LBB2_68:
.Ltmp53:
0x3c1: {  	(pc) =	sbr.rel .LBB2_69-.Ltmp53, $4  }
0x3c2: {  	_ = 	snop  }
0x3c3: {  	v29 =	vmpcnt.ones.xlane vm1  }
0x3c4: {  	v26 =	vnsel vm1, $0x0, v26  }
0x3c5: {  	v27 =	vadd.f32 v26, v27;
	v26 =	vadd.s32 v28, v29  }
.LBB2_63:
0x3c6: {  	v27 =	vimm.f32 $0.0e+00  }
.LBB2_69:
0x3c7: {  	s21 =	sadd.s32 s21, s23  }
0x3c8: {  	p0 =	sgt.s32 s21, $0x1  }
0x3c9: {  	s21 =	simm.s32 @!p0 $0x1  }
0x3ca: {  	s20 =	sadd.f32 s22, s20;
	_ =	swait.ge [sflag:s14], $0x8000;
	s21 =	scvt.s32.f32 s21  }
0x3cb: {  	vm1 =	veq.s32 v0, $0x1;
	[sflag:s14] =	ssyncset.done $0x0  }
0x3cc: {  	v24 =	vsel vm1, s20, v24;
	[sflag:s14] =	ssyncadd.s32 $0xFFFF8000;
	s20 =	simm.s32 $0x0;
	v25 =	vsel vm1, s21, v25  }
.LBB2_70:
0x3cd: {  	s21 =	sshra.s32 s20, $0x2  }
0x3ce: {  	v28 =	vld [tilespmem:s21+$0x8000]  }
0x3cf: {  	v29 =	vld [tilespmem:s21+$0x8010]  }
0x3d0: {  	v30 =	vld [tilespmem:s21+$0x8020]  }
0x3d1: {  	v31 =	vld [tilespmem:s21+$0x8030]  }
0x3d2: {  	v32 =	vld [tilespmem:s21+$0x8040]  }
0x3d3: {  	v33 =	vld [tilespmem:s21+$0x8050];
	v34 =	vshrl.u32 v28, $0x14;
	v28 =	vshrl.u32 v28, $0x1C  }
0x3d4: {  	v35 =	vld [tilespmem:s21+$0x8060];
	v56 =	vshrl.u32 v29, $0x14;
	v29 =	vshrl.u32 v29, $0x1C;
	v28 =	vadd.s32 v28, v34  }
0x3d5: {  	v36 =	vld [tilespmem:s21+$0x8070];
	v57 =	vshrl.u32 v30, $0x14;
	v30 =	vshrl.u32 v30, $0x1C;
	v29 =	vadd.s32 v29, v56  }
0x3d6: {  	v58 =	vshrl.u32 v31, $0x14;
	v31 =	vshrl.u32 v31, $0x1C;
	v30 =	vadd.s32 v30, v57  }
0x3d7: {  	v59 =	vshrl.u32 v32, $0x14;
	v32 =	vshrl.u32 v32, $0x1C;
	v31 =	vadd.s32 v31, v58  }
0x3d8: {  	v60 =	vshrl.u32 v33, $0x14;
	v33 =	vshrl.u32 v33, $0x1C;
	v32 =	vadd.s32 v32, v59  }
0x3d9: {  	v61 =	vshrl.u32 v35, $0x14;
	v35 =	vshrl.u32 v35, $0x1C;
	v33 =	vadd.s32 v33, v60;
	[tilespmem:v28+s13+$0x0] =	vst.idx.add.s32.msk $0xffff, v2  }
0x3da: {  	v62 =	vshrl.u32 v36, $0x14;
	v63 =	vshrl.u32 v36, $0x1C;
	v28 =	vadd.s32 v35, v61;
	[tilespmem:v29+s13+$0x0] =	vst.idx.add.s32.msk $0xffff, v2  }
0x3db: {  	p0 =	sne.s32 s20, $0x1FE00;
	v29 =	vadd.s32 v63, v62;
	[tilespmem:v30+s13+$0x0] =	vst.idx.add.s32.msk $0xffff, v2  }
.Ltmp54:
0x3dc: {  	[tilespmem:v31+s13+$0x0] =	vst.idx.add.s32.msk $0xffff, v2;
	(pc) =	sbr.rel @p0 .LBB2_70-.Ltmp54, $4  }
0x3dd: {  	[tilespmem:v32+s13+$0x0] =	vst.idx.add.s32.msk $0xffff, v2  }
0x3de: {  	[tilespmem:v33+s13+$0x0] =	vst.idx.add.s32.msk $0xffff, v2  }
0x3df: {  	[tilespmem:v28+s13+$0x0] =	vst.idx.add.s32.msk $0xffff, v2  }
0x3e0: {  	s20 =	sadd.s32 $0x200, s20;
	[tilespmem:v29+s13+$0x0] =	vst.idx.add.s32.msk $0xffff, v2  }
0x3e1: {  	_ =	sdelay $0x3  }
0x3e2: {  	v28 =	vadd.s32 v7, v3;
	v29 =	vld.idx.msk [tilespmem:v3+s13+$0x0], $0xffff  }
0x3e3: {  	v30 =	vld.idx.msk [tilespmem:v15+s13+$0x0], $0xffff  }
0x3e4: {  	v31 =	vld.idx.msk [tilespmem:v14+s13+$0x0], $0xffff  }
0x3e5: {  	v32 =	vld.idx.msk [tilespmem:v13+s13+$0x0], $0xffff  }
0x3e6: {  	v35 =	vld.idx.msk [tilespmem:v19+s13+$0x0], $0xffff  }
0x3e7: {  	v34 =	vimm.s32 $0x0;
	v33 =	vld.idx.msk [tilespmem:v28+s13+$0x0], $0xffff  }
0x3e8: {  	v63 =	vld.idx.msk [tilespmem:v20+s13+$0x0], $0xffff;
	v19 =	vadd.s32 v34, v29  }
0x3e9: {  	v29 =	vld.idx.msk [tilespmem:v16+s13+$0x0], $0xffff;
	v19 =	vadd.s32 v30, v19  }
0x3ea: {  	v30 =	vld.idx.msk [tilespmem:v21+s13+$0x0], $0xffff;
	v19 =	vadd.s32 v31, v19;
	v31 =	vadd.s32 v8, v16  }
0x3eb: {  	v20 =	vadd.s32 v32, v19;
	v19 =	vld.idx.msk [tilespmem:v23+s13+$0x0], $0xffff;
	v23 =	vadd.s32 v9, v16  }
0x3ec: {  	v21 =	vld.idx.msk [tilespmem:v22+s13+$0x0], $0xffff;
	v32 =	vadd.s32 v10, v16;
	v22 =	vadd.s32 v33, v20  }
0x3ed: {  	v20 =	vld.idx.msk [tilespmem:v18+s13+$0x0], $0xffff;
	v18 =	vadd.s32 v11, v16;
	v33 =	vadd.s32 v35, v22  }
0x3ee: {  	s20 =	simm.s32 $0x1D;
	v16 =	vld.idx.msk [tilespmem:v17+s13+$0x0], $0xffff;
	v22 =	vadd.s32 v4, v18;
	v17 =	vadd.s32 v63, v33  }
.LBB2_72:
0x3ef: {  	p0 =	sne.s32 s20, $0x1;
	v33 =	vadd.s32 v5, v18;
	v34 =	vld.idx.msk [tilespmem:v31+s13+$0x0], $0xffff;
	v17 =	vadd.s32 v30, v17  }
0x3f0: {  	v35 =	vadd.s32 v6, v18;
	v17 =	vadd.s32 v17, v29;
	v36 =	vld.idx.msk [tilespmem:v23+s13+$0x0], $0xffff  }
0x3f1: {  	v37 =	vadd.s32 v7, v18;
	v17 =	vadd.s32 v21, v17;
	v30 =	vld.idx.msk [tilespmem:v32+s13+$0x0], $0xffff  }
.Ltmp55:
0x3f2: {  	v31 =	vadd.s32 v8, v18;
	v29 =	vld.idx.msk [tilespmem:v18+s13+$0x0], $0xffff;
	v17 =	vadd.s32 v19, v17;
	(pc) =	sbr.rel @p0 .LBB2_72-.Ltmp55, $4  }
0x3f3: {  	v23 =	vadd.s32 v9, v18;
	v21 =	vld.idx.msk [tilespmem:v22+s13+$0x0], $0xffff;
	v17 =	vadd.s32 v20, v17  }
0x3f4: {  	v32 =	vadd.s32 v10, v18;
	v19 =	vld.idx.msk [tilespmem:v33+s13+$0x0], $0xffff;
	v16 =	vadd.s32 v16, v17  }
0x3f5: {  	v18 =	vadd.s32 v11, v18;
	v20 =	vld.idx.msk [tilespmem:v35+s13+$0x0], $0xffff;
	v17 =	vadd.s32 v34, v16  }
0x3f6: {  	s20 =	sadd.s32 $0xFFFFFFFF, s20;
	v22 =	vadd.s32 v4, v18;
	v16 =	vld.idx.msk [tilespmem:v37+s13+$0x0], $0xffff;
	v17 =	vadd.s32 v36, v17  }
0x3f7: {  	_ =	sdelay $0x2  }
0x3f8: {  	v17 =	vadd.s32 v30, v17  }
0x3f9: {  	v30 =	vadd.s32 v5, v18;
	v31 =	vld.idx.msk [tilespmem:v31+s13+$0x0], $0xffff;
	v17 =	vadd.s32 v17, v29  }
0x3fa: {  	v23 =	vld.idx.msk [tilespmem:v23+s13+$0x0], $0xffff;
	v29 =	vadd.s32 v6, v18;
	v17 =	vadd.s32 v21, v17  }
0x3fb: {  	v32 =	vld.idx.msk [tilespmem:v32+s13+$0x0], $0xffff;
	v21 =	vadd.s32 v7, v18;
	v17 =	vadd.s32 v19, v17  }
0x3fc: {  	v33 =	vadd.s32 v8, v18;
	v19 =	vld.idx.msk [tilespmem:v18+s13+$0x0], $0xffff;
	v17 =	vadd.s32 v20, v17  }
0x3fd: {  	v20 =	vld.idx.msk [tilespmem:v22+s13+$0x0], $0xffff;
	v22 =	vadd.s32 v9, v18;
	v16 =	vadd.s32 v16, v17  }
0x3fe: {  	v18 =	vadd.s32 v10, v18;
	v17 =	vld.idx.msk [tilespmem:v30+s13+$0x0], $0xffff;
	v16 =	vadd.s32 v31, v16  }
0x3ff: {  	v29 =	vld.idx.msk [tilespmem:v29+s13+$0x0], $0xffff;
	v16 =	vadd.s32 v23, v16  }
0x400: {  	v21 =	vld.idx.msk [tilespmem:v21+s13+$0x0], $0xffff;
	v16 =	vadd.s32 v32, v16  }
0x401: {  	v23 =	vld.idx.msk [tilespmem:v33+s13+$0x0], $0xffff;
	v16 =	vadd.s32 v16, v19  }
0x402: {  	v19 =	vld.idx.msk [tilespmem:v22+s13+$0x0], $0xffff;
	v16 =	vadd.s32 v20, v16  }
0x403: {  	v18 =	vld.idx.msk [tilespmem:v18+s13+$0x0], $0xffff;
	v16 =	vadd.s32 v17, v16  }
0x404: {  	v16 =	vadd.s32 v29, v16  }
0x405: {  	v16 =	vadd.s32 v21, v16  }
0x406: {  	v16 =	vadd.s32 v23, v16  }
0x407: {  	v16 =	vadd.s32 v19, v16  }
0x408: {  	v17 =	vadd.s32 v18, v16  }
0x409: {  	(xrf0) =	vadd.scan.msk.s32 $0xffff, v17;
	_ =	sdelay $0x1  }
0x40a: {  	v18 =	vld.idx.msk [tilespmem:v3+s13+$0x0], $0xffff;
	[tilespmem:v3+s13+$0x0] =	vst.idx.msk $0xffff, v1  }
0x40b: {  	v19 =	vld.idx.msk [tilespmem:v15+s13+$0x0], $0xffff  }
0x40c: {  	[tilespmem:v15+s13+$0x0] =	vst.idx.msk $0xffff, v1  }
0x40d: {  	v20 =	vld.idx.msk [tilespmem:v14+s13+$0x0], $0xffff;
	[tilespmem:v14+s13+$0x0] =	vst.idx.msk $0xffff, v1  }
0x40e: {  	v16 =	vimm.s32 $0x0;
	v22 =	vld.idx.msk [tilespmem:v13+s13+$0x0], $0xffff;
	v15, _, _ =	vpop (xrf0)  }
0x40f: {  	v30 =	vadd.s32 v4, v28;
	v18 =	vadd.s32 v16, v18;
	v15 =	vsub.s32 v15, v17  }
0x410: {  	v14 =	vadd.s32 v6, v28;
	v23 =	vadd.s32 v15, v18;
	v18 =	vadd.s32 v18, v19  }
0x411: {  	v17 =	vadd.s32 v5, v28;
	vm3 =	vlt.s32 v23, $0xCCD;
	v19 =	vadd.s32 v15, v18  }
0x412: {  	v18 =	vadd.s32 v18, v20;
	vm1 =	vlt.s32 v19, $0xCCD;
	vm2 =	vlt.s32 v19, $0xCCE  }
0x413: {  	v20 =	vadd.s32 v15, v18;
	v18 =	vadd.s32 v18, v22;
	v29 =	vsel vm3, $0x1, v1  }
0x414: {  	v19 =	vsel vm1, $0x1, v1;
	v21 =	vsel vm2, $0x1, v1;
	vm2 =	vlt.s32 v23, $0xCCE  }
0x415: {  	[tilespmem:v13+s13+$0x0] =	vst.idx.msk $0xffff, v1;
	vm1 =	vlt.s32 v20, $0xCCD;
	v23 =	vadd.s32 v15, v18;
	v22 =	vsel vm2, $0x1, v1  }
0x416: {  	v13 =	vld.idx.msk [tilespmem:v28+s13+$0x0], $0xffff;
	[tilespmem:v28+s13+$0x0] =	vst.idx.msk $0xffff, v1;
	vm2 =	vlt.s32 v20, $0xCCE;
	vm3 =	vlt.s32 v23, $0xCCD;
	vm4 =	vlt.s32 v23, $0xCCE  }
0x417: {  	s20 =	simm.s32 $0x3E;
	v20 =	vld.idx.msk [tilespmem:v30+s13+$0x0], $0xffff;
	[tilespmem:v30+s13+$0x0] =	vst.idx.msk $0xffff, v1;
	v30 =	vadd.s32 v22, v16;
	v22 =	vsel vm3, $0x1, v1;
	v23 =	vsel vm4, $0x1, v1  }
.LBB2_74:
0x418: {  	p0 =	sne.s32 s20, $0x1;
	s20 =	sadd.s32 $0xFFFFFFFF, s20;
	v31 =	vld.idx.msk [tilespmem:v17+s13+$0x0], $0xffff;
	v16 =	vadd.s32 v29, v16;
	v21 =	vadd.s32 v21, v30;
	v29 =	vsel vm2, $0x1, v1  }
0x419: {  	[tilespmem:v17+s13+$0x0] =	vst.idx.msk $0xffff, v1;
	v16 =	vadd.s32 v19, v16;
	v17 =	vsel vm1, $0x1, v1;
	v19 =	vadd.s32 v29, v21  }
0x41a: {  	v28 =	vadd.s32 v7, v28;
	v29 =	vld.idx.msk [tilespmem:v14+s13+$0x0], $0xffff;
	v16 =	vadd.s32 v17, v16;
	v23 =	vadd.s32 v23, v19  }
0x41b: {  	v13 =	vadd.s32 v18, v13;
	v19 =	vadd.s32 v6, v28;
	v16 =	vadd.s32 v22, v16  }
0x41c: {  	v17 =	vadd.s32 v5, v28;
	v18 =	vadd.s32 v15, v13;
	v13 =	vadd.s32 v13, v20  }
0x41d: {  	v22 =	vadd.s32 v4, v28;
	vm3 =	vlt.s32 v18, $0xCCD;
	v20 =	vadd.s32 v15, v13;
	[tilespmem:v14+s13+$0x0] =	vst.idx.msk $0xffff, v1  }
0x41e: {  	vm1 =	vlt.s32 v20, $0xCCD;
	vm2 =	vlt.s32 v20, $0xCCE;
	v20 =	vadd.s32 v13, v31;
	v14 =	vmovc v19  }
.Ltmp56:
0x41f: {  	v19 =	vsel vm1, $0x1, v1;
	v21 =	vsel vm2, $0x1, v1;
	v30 =	vadd.s32 v15, v20;
	(pc) =	sbr.rel @p0 .LBB2_74-.Ltmp56, $4  }
0x420: {  	vm2 =	vlt.s32 v18, $0xCCE;
	vm1 =	vlt.s32 v30, $0xCCD;
	v18 =	vadd.s32 v20, v29;
	v13 =	vld.idx.msk [tilespmem:v28+s13+$0x0], $0xffff  }
0x421: {  	v31 =	vsel vm2, $0x1, v1;
	vm2 =	vlt.s32 v30, $0xCCE;
	v30 =	vadd.s32 v15, v18;
	[tilespmem:v28+s13+$0x0] =	vst.idx.msk $0xffff, v1  }
0x422: {  	v29 =	vsel vm3, $0x1, v1;
	vm3 =	vlt.s32 v30, $0xCCD;
	vm4 =	vlt.s32 v30, $0xCCE;
	v20 =	vld.idx.msk [tilespmem:v22+s13+$0x0], $0xffff  }
0x423: {  	v30 =	vadd.s32 v31, v23;
	v23 =	vsel vm4, $0x1, v1;
	[tilespmem:v22+s13+$0x0] =	vst.idx.msk $0xffff, v1;
	v22 =	vsel vm3, $0x1, v1  }
0x424: {  	_ =	sdelay $0x2  }
0x425: {  	v16 =	vadd.s32 v29, v16  }
0x426: {  	v28 =	vld.idx.msk [tilespmem:v17+s13+$0x0], $0xffff;
	v21 =	vadd.s32 v21, v30;
	v29 =	vsel vm2, $0x1, v1;
	[tilespmem:v17+s13+$0x0] =	vst.idx.msk $0xffff, v1;
	v17 =	vsel vm1, $0x1, v1  }
0x427: {  	v16 =	vadd.s32 v19, v16;
	v19 =	vadd.s32 v29, v21;
	v21 =	vld.idx.msk [tilespmem:v14+s13+$0x0], $0xffff;
	v13 =	vadd.s32 v18, v13  }
0x428: {  	v16 =	vadd.s32 v17, v16;
	v17 =	vadd.s32 v23, v19;
	v18 =	vadd.s32 v13, v20  }
0x429: {  	v16 =	vadd.s32 v22, v16;
	v13 =	vadd.s32 v15, v13;
	v19 =	vadd.s32 v15, v18  }
0x42a: {  	vm1 =	vlt.s32 v13, $0xCCD;
	vm2 =	vlt.s32 v19, $0xCCD;
	vm3 =	vlt.s32 v19, $0xCCE  }
0x42b: {  	v18 =	vadd.s32 v18, v28;
	v19 =	vsel vm2, $0x1, v1;
	v20 =	vsel vm3, $0x1, v1  }
0x42c: {  	v22 =	vadd.s32 v15, v18;
	vm2 =	vlt.s32 v13, $0xCCE;
	v13 =	vadd.s32 v18, v21  }
0x42d: {  	vm3 =	vlt.s32 v22, $0xCCD;
	v18 =	vsel vm2, $0x1, v1;
	v13 =	vadd.s32 v15, v13  }
0x42e: {  	vm2 =	vlt.s32 v22, $0xCCE;
	v15 =	vsel vm1, $0x1, v1;
	vm1 =	vlt.s32 v13, $0xCCD  }
0x42f: {  	vm4 =	vlt.s32 v13, $0xCCE;
	v13 =	vadd.s32 v18, v17;
	v15 =	vadd.s32 v15, v16  }
0x430: {  	v17 =	vsel vm3, $0x1, v1;
	v18 =	vsel vm2, $0x1, v1;
	v15 =	vadd.s32 v19, v15  }
0x431: {  	v16 =	vsel vm1, $0x1, v1;
	v13 =	vadd.s32 v20, v13;
	v15 =	vadd.s32 v17, v15  }
0x432: {  	v17 =	vsel vm4, $0x1, v1;
	v13 =	vadd.s32 v18, v13;
	v15 =	vadd.s32 v16, v15  }
0x433: {  	v13 =	vadd.s32 v17, v13;
	(xrf0) =	vadd.scan.msk.s32 $0xffff, v15  }
0x434: {  	(xrf0) =	vadd.scan.msk.s32 $0xffff, v13;
	_ =	sdelay $0x4  }
0x435: {  	v13, _, _ =	vpop (xrf0)  }
0x436: {  	(v2sf) =	vpush v13, $0xF;
	v13, _, _ =	vpop (xrf0)  }
0x437: {  	(v2sf) =	vpush v13, $0xF;
	_ =	sdelay $0xd  }
0x438: {  	s31 =	simm.s32 $0x0;
	s20 =	spop (v2sf)  }
0x439: {  	[tilespmem:v14+s13+$0x0] =	vst.idx.msk $0xffff, v1;
	s21 =	spop (v2sf);
	p0 =	slt.s32 s20, $0x800;
	s22 =	ssub.s32 $0x7FF, s20  }
0x43a: {  	v30 =	vld [tilespmem:s31+$0x8000];
	p1 =	slt.s32 s21, $0x800;
	s23 =	ssub.s32 $0x7FF, s21;
	s20 =	smov.u32 @p0 s22  }
0x43b: {  	v19 =	vld [tilespmem:s31+$0x8010];
	s21 =	smov.u32 @p1 s23;
	s20 =	sshll.u32 s20, $0x14  }
0x43c: {  	v16 =	vld [tilespmem:s31+$0x8020];
	s22 =	sshll.u32 s21, $0x14;
	s24 =	sor.u32 $0xFFFFF, s20  }
0x43d: {  	v17 =	vld [tilespmem:s31+$0x8030];
	s21 =	sor.u32 $0xFFFFF, s22;
	s20 =	smov.u32 @p0 s24  }
0x43e: {  	s21 =	smov.u32 @p1 s22;
	v13 =	vmov s20  }
0x43f: {  	v14 =	vmov s21;
	v20 =	vbroadcast v13, $0x0  }
0x440: {  	v23 =	vimm.f32 $0.0e+00;
	v22 =	vimm.s32 $0x0;
	v21 =	vbroadcast v14, $0x0  }
0x441: {  	vm7 =	vgt.f32 v16, v20;
	vm2 =	vle.f32 v16, v20;
	vm8 =	vgt.f32 v19, v20  }
0x442: {  	v15 =	vld [tilespmem:s31+$0x8060];
	vm5 =	vle.f32 v17, v20;
	vm10 =	vgt.f32 v30, v20;
	vm6 =	vle.f32 v30, v20  }
0x443: {  	v13 =	vld [tilespmem:s31+$0x8050];
	vm1 =	vge.f32 v16, v21;
	v29 =	vnsel vm7, $0x0, v16;
	vm3 =	vge.f32 v30, v21  }
0x444: {  	v14 =	vld [tilespmem:s31+$0x8040];
	vm4 =	vge.f32 v17, v21;
	vm1 =	vmand vm1, vm2;
	vm6 =	vmand vm3, vm6  }
0x445: {  	vm2 =	vle.f32 v19, v20;
	vm3 =	vge.f32 v19, v21;
	v18 =	vmpcnt.ones.xlane vm6  }
0x446: {  	v28 =	vmpcnt.ones.xlane vm10;
	vm5 =	vmand vm4, vm5;
	vm3 =	vmand vm3, vm2  }
0x447: {  	vm4 =	vle.f32 v15, v20;
	v31 =	vmpcnt.ones.xlane vm3;
	(v2sf) =	vpush v18, $0x0;
	v18 =	vld [tilespmem:s31+$0x8070]  }
0x448: {  	vm11 =	vge.f32 v13, v21;
	vm12 =	vle.f32 v13, v20;
	v32 =	vmpcnt.ones.xlane vm1  }
0x449: {  	vm2 =	vge.f32 v15, v21;
	vm9 =	vge.f32 v14, v21;
	(v2sf) =	vpush v31, $0x0  }
0x44a: {  	s22 =	simm.s32 $0x0;
	vm2 =	vmand vm2, vm4;
	vm4 =	vle.f32 v14, v20;
	(v2sf) =	vpush v32, $0x0  }
0x44b: {  	s23 =	simm.s32 $0x200;
	[tilespmem:s22+$0x10000] =	vst.msk vm6, v30;
	vm6 =	vmand vm9, vm4;
	vm4 =	vmand vm11, vm12;
	v31 =	vmpcnt.ones.xlane vm5  }
.LBB2_76:
0x44c: {  	p0 =	sne.s32 s23, $0x1FE00;
	vm9 =	vge.f32 v18, v21;
	v32 =	vmpcnt.ones.xlane vm6;
	v33 =	vmpcnt.ones.xlane vm2;
	s24 =	smov.u32 s23;
	s23 =	sadd.s32 $0x200, s23  }
0x44d: {  	vm11 =	vle.f32 v18, v20;
	v34 =	vmpcnt.ones.xlane vm4;
	(v2sf) =	vpush v31, $0x0  }
0x44e: {  	v30 =	vnsel vm10, $0x0, v30;
	vm9 =	vmand vm9, vm11;
	(v2sf) =	vpush v32, $0x0  }
0x44f: {  	v23 =	vadd.f32 v30, v23;
	v31 =	vmpcnt.ones.xlane vm9;
	(v2sf) =	vpush v34, $0x0  }
0x450: {  	vm10 =	vgt.f32 v17, v20;
	v30 =	vnsel vm8, $0x0, v19;
	(v2sf) =	vpush v33, $0x0  }
0x451: {  	s24 =	sshra.s32 s24, $0x2;
	v23 =	vadd.f32 v30, v23;
	v30 =	vnsel vm10, $0x0, v17;
	(v2sf) =	vpush v31, $0x0  }
0x452: {  	v22 =	vadd.s32 v22, v28;
	vm11 =	vgt.f32 v13, v20;
	v28 =	vmpcnt.ones.xlane vm10  }
0x453: {  	v31 =	vmpcnt.ones.xlane vm8;
	v23 =	vadd.f32 v29, v23;
	v29 =	vnsel vm11, $0x0, v13  }
0x454: {  	v32 =	vmpcnt.ones.xlane vm7;
	vm8 =	vgt.f32 v18, v20  }
0x455: {  	vm7 =	vgt.f32 v14, v20;
	v22 =	vadd.s32 v31, v22;
	v23 =	vadd.f32 v30, v23  }
0x456: {  	v30 =	vmpcnt.ones.xlane vm7;
	v31 =	vnsel vm7, $0x0, v14;
	v22 =	vadd.s32 v32, v22  }
0x457: {  	v22 =	vadd.s32 v28, v22;
	v23 =	vadd.f32 v31, v23;
	v28 =	vnsel vm8, $0x0, v18;
	s25 =	spop (v2sf)  }
0x458: {  	v22 =	vadd.s32 v30, v22;
	s22 =	sadd.s32 s22, s25;
	s25 =	spop (v2sf)  }
0x459: {  	vm7 =	vgt.f32 v15, v20;
	v30 =	vmpcnt.ones.xlane vm11;
	v23 =	vadd.f32 v29, v23;
	s25 =	sadd.s32 s25, s22;
	[tilespmem:s22+$0x10000] =	vst.msk vm3, v19;
	s22 =	spop (v2sf)  }
0x45a: {  	v29 =	vnsel vm7, $0x0, v15;
	v19 =	vmpcnt.ones.xlane vm7;
	s22 =	sadd.s32 s22, s25;
	[tilespmem:s25+$0x10000] =	vst.msk vm1, v16  }
0x45b: {  	v23 =	vadd.f32 v29, v23;
	v16 =	vadd.s32 v30, v22;
	v22 =	vmpcnt.ones.xlane vm8;
	[tilespmem:s22+$0x10000] =	vst.msk vm5, v17  }
0x45c: {  	v16 =	vadd.s32 v19, v16;
	s25 =	spop (v2sf)  }
0x45d: {  	v23 =	vadd.f32 v28, v23;
	v22 =	vadd.s32 v22, v16;
	s22 =	sadd.s32 s25, s22;
	s25 =	spop (v2sf)  }
0x45e: {  	s25 =	sadd.s32 s25, s22;
	[tilespmem:s22+$0x10000] =	vst.msk vm6, v14;
	s22 =	spop (v2sf)  }
0x45f: {  	s22 =	sadd.s32 s22, s25;
	[tilespmem:s25+$0x10000] =	vst.msk vm4, v13;
	s25 =	spop (v2sf)  }
0x460: {  	s25 =	sadd.s32 s25, s22;
	[tilespmem:s22+$0x10000] =	vst.msk vm2, v15;
	s22 =	spop (v2sf)  }
0x461: {  	s22 =	sadd.s32 s22, s25;
	[tilespmem:s25+$0x10000] =	vst.msk vm9, v18  }
0x462: {  	v16 =	vld [tilespmem:s24+$0x8020]  }
0x463: {  	v19 =	vld [tilespmem:s24+$0x8010]  }
0x464: {  	v17 =	vld [tilespmem:s24+$0x8030]  }
0x465: {  	v30 =	vld [tilespmem:s24+$0x8000]  }
0x466: {  	v13 =	vld [tilespmem:s24+$0x8050]  }
0x467: {  	v14 =	vld [tilespmem:s24+$0x8040];
	vm7 =	vgt.f32 v16, v20;
	vm1 =	vge.f32 v16, v21;
	vm2 =	vle.f32 v16, v20  }
0x468: {  	v18 =	vld [tilespmem:s24+$0x8070];
	vm8 =	vgt.f32 v19, v20;
	vm1 =	vmand vm1, vm2;
	v29 =	vnsel vm7, $0x0, v16  }
0x469: {  	vm2 =	vle.f32 v19, v20;
	v15 =	vld [tilespmem:s24+$0x8060];
	vm4 =	vge.f32 v17, v21;
	vm5 =	vle.f32 v17, v20  }
0x46a: {  	vm10 =	vgt.f32 v30, v20;
	vm3 =	vge.f32 v30, v21;
	vm6 =	vle.f32 v30, v20  }
0x46b: {  	vm6 =	vmand vm3, vm6;
	vm3 =	vge.f32 v19, v21;
	v28 =	vmpcnt.ones.xlane vm10  }
0x46c: {  	vm3 =	vmand vm3, vm2;
	vm9 =	vge.f32 v14, v21;
	v31 =	vmpcnt.ones.xlane vm6;
	[tilespmem:s22+$0x10000] =	vst.msk vm6, v30  }
.Ltmp57:
0x46d: {  	vm11 =	vge.f32 v13, v21;
	vm12 =	vle.f32 v13, v20;
	v32 =	vmpcnt.ones.xlane vm3;
	(pc) =	sbr.rel @p0 .LBB2_76-.Ltmp57, $4  }
0x46e: {  	v33 =	vmpcnt.ones.xlane vm1;
	vm2 =	vge.f32 v15, v21;
	(v2sf) =	vpush v31, $0x0  }
0x46f: {  	vm5 =	vmand vm4, vm5;
	vm4 =	vle.f32 v15, v20;
	(v2sf) =	vpush v32, $0x0  }
0x470: {  	vm6 =	vle.f32 v14, v20;
	vm2 =	vmand vm2, vm4;
	(v2sf) =	vpush v33, $0x0  }
0x471: {  	vm6 =	vmand vm9, vm6;
	v31 =	vmpcnt.ones.xlane vm5;
	vm4 =	vmand vm11, vm12  }
0x472: {  	v30 =	vnsel vm10, $0x0, v30  }
0x473: {  	v23 =	vadd.f32 v30, v23  }
0x474: {  	v47 =	vnsel vm8, $0x0, v19  }
0x475: {  	v23 =	vadd.f32 v47, v23;
	_ =	sdelay $0x1  }
0x476: {  	vm10 =	vgt.f32 v17, v20;
	v23 =	vadd.f32 v29, v23  }
0x477: {  	v48 =	vnsel vm10, $0x0, v17  }
0x478: {  	vm11 =	vgt.f32 v14, v20;
	v23 =	vadd.f32 v48, v23  }
0x479: {  	v49 =	vnsel vm11, $0x0, v14  }
0x47a: {  	vm12 =	vgt.f32 v13, v20;
	v23 =	vadd.f32 v49, v23  }
0x47b: {  	v50 =	vnsel vm12, $0x0, v13  }
0x47c: {  	vm13 =	vgt.f32 v15, v20;
	v23 =	vadd.f32 v50, v23  }
0x47d: {  	v51 =	vnsel vm13, $0x0, v15  }
0x47e: {  	vm14 =	vgt.f32 v18, v20;
	vm9 =	vge.f32 v18, v21;
	v23 =	vadd.f32 v51, v23  }
0x47f: {  	(xrf2) =	vadd.scan.msk.f32 $0xffff, v27;
	vm15 =	vle.f32 v18, v20;
	v27 =	vmpcnt.ones.xlane vm6;
	v52 =	vnsel vm14, $0x0, v18  }
0x480: {  	v57 =	vmpcnt.ones.xlane vm4;
	(v2sf) =	vpush v31, $0x0;
	v23 =	vadd.f32 v52, v23  }
0x481: {  	v56 =	vmpcnt.ones.xlane vm2;
	vm9 =	vmand vm9, vm15;
	(v2sf) =	vpush v27, $0x0  }
0x482: {  	v27 =	vmpcnt.ones.xlane vm9;
	(v2sf) =	vpush v57, $0x0;
	(xrf2) =	vadd.scan.msk.f32 $0xffff, v23  }
0x483: {  	v54 =	vmpcnt.ones.xlane vm8;
	(v2sf) =	vpush v56, $0x0  }
0x484: {  	v55 =	vmpcnt.ones.xlane vm7;
	v22 =	vadd.s32 v22, v28;
	(v2sf) =	vpush v27, $0x0  }
0x485: {  	v53 =	vmpcnt.ones.xlane vm10;
	v21 =	vadd.s32 v54, v22  }
0x486: {  	v58 =	vmpcnt.ones.xlane vm11;
	v21 =	vadd.s32 v55, v21  }
0x487: {  	v59 =	vmpcnt.ones.xlane vm12;
	v20 =	vadd.s32 v53, v21  }
0x488: {  	v60 =	vmpcnt.ones.xlane vm13;
	v20 =	vadd.s32 v58, v20  }
0x489: {  	v61 =	vmpcnt.ones.xlane vm14;
	v20 =	vadd.s32 v59, v20  }
0x48a: {  	p0 =	slt.s32 s21, $0x0;
	s25 =	sor.u32 $0x80000000, s21;
	(v2sf) =	vpush v26, $0x0;
	v20 =	vadd.s32 v60, v20;
	v62, _, _ =	vpop (xrf2);
	s23 =	spop (v2sf)  }
0x48b: {  	s26 =	sor.u32 $0x80000000, s20;
	v20 =	vadd.s32 v61, v20;
	(v2sf) =	vpush v62, $0xF;
	s22 =	sadd.s32 s22, s23;
	s23 =	sxor.u32 $0xFFFFFFFF, s21  }
0x48c: {  	(v2sf) =	vpush v20, $0x0;
	s25 =	smov.u32 @p0 s23;
	p0 =	slt.s32 s20, $0x0;
	s23 =	sxor.u32 $0xFFFFFFFF, s20;
	v63, _, _ =	vpop (xrf2)  }
0x48d: {  	s24 =	spop (v2sf);
	s26 =	smov.u32 @p0 s23;
	(v2sf) =	vpush v63, $0xF  }
0x48e: {  	s30 =	spop (v2sf);
	s24 =	sadd.s32 s24, s22;
	[tilespmem:s22+$0x10000] =	vst.msk vm3, v19;
	s23 =	ssub.s32 s26, s25  }
0x48f: {  	s21 =	sadd.s32 s30, s24;
	[tilespmem:s24+$0x10000] =	vst.msk vm1, v16;
	s31 =	spop (v2sf);
	s30 =	sshrl.u32 s23, $0x1  }
0x490: {  	[tilespmem:s21+$0x10000] =	vst.msk vm5, v17;
	s20 =	sadd.s32 s31, s21;
	s29 =	spop (v2sf);
	s31 =	sand.u32 $0x1, s23  }
0x491: {  	s21 =	sadd.s32 s29, s20;
	[tilespmem:s20+$0x10000] =	vst.msk vm6, v14;
	s29 =	spop (v2sf);
	s22 =	sor.u32 s30, s31  }
0x492: {  	s20 =	sadd.s32 s29, s21;
	[tilespmem:s21+$0x10000] =	vst.msk vm4, v13;
	s30 =	spop (v2sf);
	s22 =	scvt.s32.f32 s22  }
0x493: {  	s21 =	sadd.s32 s30, s20;
	[tilespmem:s20+$0x10000] =	vst.msk vm2, v15;
	s31 =	spop (v2sf)  }
0x494: {  	s28 =	scvt.s32.f32 s23;
	s24 =	sadd.s32 s31, s21;
	[tilespmem:s21+$0x10000] =	vst.msk vm9, v18;
	s21 =	sadd.f32 s22, s22  }
0x495: {  	p0 =	slt.s32 s23, $0x0  }
0x496: {  	s28 =	smov.u32 @p0 s21  }
0x497: {  	p0 =	slt.u32 s28, $0x3F800000  }
.Ltmp58:
0x498: {  	_ = 	snop;
	(pc) =	sbr.rel @p0 .LBB2_84-.Ltmp58, $4  }
0x499: {  	s22 =	spop (v2sf);
	[tilespmem:s24+$0x10000] =	vst v12  }
0x49a: {  	[tilespmem:s24+$0x10010] =	vst v12;
	s20 =	spop (v2sf)  }
0x49b: {  	[tilespmem:s24+$0x10020] =	vst v12;
	s23 =	spop (v2sf)  }
0x49c: {  	v13 =	vmov s25;
	[tilespmem:s24+$0x10030] =	vst v12;
	s21 =	spop (v2sf)  }
0x49d: {  	s25 =	sadd.s32 $0x3F, s24  }
0x49e: {  	s29 =	sand.u32 $0x3F, s25  }
0x49f: {  	s30 =	sshra.s32 s25, $0x1F;
	p1 =	slt.s32 s25, $0x1;
	p0 =	sne.s32 s29, $0x0  }
.Ltmp59:
0x4a0: {  	s29 =	sshrl.u32 s30, $0x1A;
	p0 =	por !p1, !p0;
	(pc) =	sbr.rel .LBB2_79-.Ltmp59, $4  }
0x4a1: {  	s25 =	sadd.s32 s29, s25;
	s29 =	simm.s32 $0x1;
	p0 =	por !p0, !p0  }
0x4a2: {  	s25 =	sshra.s32 s25, $0x6;
	s29 =	simm.s32 @!p0 $0x0  }
0x4a3: {  	s31 =	ssub.s32 $0xCCD, s23;
	s28 =	sshrl.u32 s28, $0x17;
	s25 =	ssub.s32 s25, s29  }
0x4a4: {  	v15 =	vmov s26;
	v14 =	vmov s31;
	s26 =	sadd.s32 $0xFFFFFF81, s28;
	s28 =	simm.s32 $0x0;
	p0 =	slt.s32 s25, $0x1  }
.LBB2_82:
0x4a5: {  	vm2 =	vgt.f32 v19, v18;
	v19 =	vmpcnt.ones.xlane vm1  }
0x4a6: {  	vm1 =	vgt.f32 v20, v18;
	v63 =	vmpcnt.ones.xlane vm2  }
0x4a7: {  	vm2 =	vgt.f32 v21, v18;
	v18 =	vmpcnt.ones.xlane vm1;
	v17 =	vadd.s32 v17, v19  }
0x4a8: {  	v19 =	vmpcnt.ones.xlane vm2;
	v17 =	vadd.s32 v63, v17  }
0x4a9: {  	v17 =	vadd.s32 v18, v17  }
0x4aa: {  	v17 =	vadd.s32 v19, v17  }
.LBB2_83:
0x4ab: {  	p1 =	sne.s32 s28, s26  }
.Ltmp60:
0x4ac: {  	_ = 	snop;
	(pc) =	sbr.rel @!p1 .LBB2_84-.Ltmp60, $3  }
0x4ad: {  	_ =	sdelay $0x1  }
0x4ae: {  	vm1 =	vgt.s32 v17, v14;
	v17 =	vadd.s32 $0x1, v16;
	s29 =	sadd.s32 $0x1, s28  }
0x4af: {  	v13 =	vsel vm1, v17, v13;
	v15 =	vsel vm1, v15, v16;
	s28 =	smov.u32 s29  }
.LBB2_79:
.Ltmp61:
0x4b0: {  	(pc) =	sbr.rel @p0 .LBB2_83-.Ltmp61, $4  }
0x4b1: {  	_ = 	snop  }
0x4b2: {  	v16 =	vsub.s32 v15, v13  }
0x4b3: {  	v16 =	vshrl.u32 v16, $0x1  }
0x4b4: {  	v17 =	vimm.s32 $0x0;
	v16 =	vadd.s32 v13, v16  }
0x4b5: {  	s30 =	simm.s32 $0x10020  }
0x4b6: {  	p1 =	sne.s32 s25, $0x1;
	v22 =	vld [tilespmem:s30+$0xFFFFFFE0]  }
.Ltmp62:
0x4b7: {  	vm1 =	vlt.s32 v16, $0x0;
	v18 =	vand.u32 $0x7FFFFFFF, v16;
	v20 =	vxor.u32 $0xFFFFFFFF, v16;
	v19 =	vld [tilespmem:s30+$0xFFFFFFF0];
	(pc) =	sbr.rel @!p1 .LBB2_82-.Ltmp62, $3  }
0x4b8: {  	v18 =	vsel vm1, v18, v20;
	v20 =	vld [tilespmem:s30+$0x0]  }
0x4b9: {  	v21 =	vld [tilespmem:s30+$0x10];
	_ =	sdelay $0x1  }
0x4ba: {  	s29 =	sadd.s32 $0xFFFFFFFF, s25;
	s30 =	simm.s32 $0x10060;
	vm1 =	vgt.f32 v22, v18  }
.LBB2_81:
0x4bb: {  	v22 =	vld [tilespmem:s30+$0xFFFFFFE0];
	p1 =	sne.s32 s29, $0x1;
	s29 =	sadd.s32 $0xFFFFFFFF, s29;
	vm2 =	vgt.f32 v19, v18;
	v23 =	vmpcnt.ones.xlane vm1  }
.Ltmp63:
0x4bc: {  	vm1 =	vgt.f32 v20, v18;
	v19 =	vld [tilespmem:s30+$0xFFFFFFF0];
	v26 =	vmpcnt.ones.xlane vm2;
	(pc) =	sbr.rel @p1 .LBB2_81-.Ltmp63, $4  }
0x4bd: {  	vm2 =	vgt.f32 v21, v18;
	v20 =	vld [tilespmem:s30+$0x0];
	v17 =	vadd.s32 v17, v23;
	v23 =	vmpcnt.ones.xlane vm1  }
0x4be: {  	v21 =	vld [tilespmem:s30+$0x10];
	v17 =	vadd.s32 v26, v17;
	v26 =	vmpcnt.ones.xlane vm2  }
0x4bf: {  	v17 =	vadd.s32 v23, v17  }
0x4c0: {  	s30 =	sadd.s32 $0x40, s30;
	vm1 =	vgt.f32 v22, v18;
	v17 =	vadd.s32 v26, v17  }
.Ltmp64:
0x4c1: {  	_ = 	snop;
	(pc) =	sbr.rel .LBB2_82-.Ltmp64, $1  }
0x4c2: {  	_ =	sdelay $0x3  }
.LBB2_84:
0x4c3: {  	s24 =	sadd.s32 $0xF, s24  }
0x4c4: {  	s25 =	sand.u32 $0xF, s24  }
0x4c5: {  	s26 =	sshra.s32 s24, $0x1F;
	p0 =	slt.s32 s24, $0x1;
	p1 =	sne.s32 s25, $0x0  }
0x4c6: {  	s31 =	sshrl.u32 s26, $0x1C;
	p0 =	por !p0, !p1  }
0x4c7: {  	s25 =	simm.s32 $0x1;
	s24 =	sadd.s32 s31, s24;
	p0 =	por !p0, !p0  }
0x4c8: {  	s24 =	sshra.s32 s24, $0x4;
	s25 =	simm.s32 @!p0 $0x0  }
0x4c9: {  	s24 =	ssub.s32 s24, s25  }
0x4ca: {  	p0 =	slt.s32 s24, $0x1  }
.Ltmp65:
0x4cb: {  	_ = 	snop;
	(pc) =	sbr.rel @p0 .LBB2_85-.Ltmp65, $2  }
0x4cc: {  	_ =	sdelay $0x2  }
0x4cd: {  	v14 =	vimm.s32 $0x0  }
0x4ce: {  	p0 =	sne.s32 s24, $0x1  }
.Ltmp66:
0x4cf: {  	_ = 	snop;
	(pc) =	sbr.rel @!p0 .LBB2_88-.Ltmp66, $4  }
0x4d0: {  	s25 =	simm.s32 $0x10000  }
0x4d1: {  	v16 =	vld [tilespmem:s25+$0x0]  }
0x4d2: {  	vm1 =	vlt.s32 v13, $0x0;
	v15 =	vand.u32 $0x7FFFFFFF, v13;
	v13 =	vxor.u32 $0xFFFFFFFF, v13  }
0x4d3: {  	s26 =	sadd.s32 $0xFFFFFFFF, s24;
	s28 =	simm.s32 $0x10000;
	v13 =	vsel vm1, v15, v13;
	v15 =	vimm.f32 $+Inf  }
.LBB2_87:
0x4d4: {  	p1 =	sne.s32 s26, $0x1  }
.Ltmp67:
0x4d5: {  	s26 =	sadd.s32 $0xFFFFFFFF, s26;
	(pc) =	sbr.rel @p1 .LBB2_87-.Ltmp67, $3  }
0x4d6: {  	s28 =	sadd.s32 $0x10, s28;
	vm1 =	vgt.f32 v16, v13;
	v17 =	vmin.f32 v15, v16  }
0x4d7: {  	v16 =	vld [tilespmem:s28+$0x0];
	v18 =	vmpcnt.ones.xlane vm1;
	v15 =	vsel vm1, v17, v15;
	_ =	sdelay $0x1  }
0x4d8: {  	v14 =	vadd.s32 v14, v18  }
.LBB2_88:
0x4d9: {  	_ =	sdelay $0x1  }
0x4da: {  	vm1 =	vgt.f32 v16, v13  }
0x4db: {  	v17 =	vmpcnt.ones.xlane vm1;
	_ =	sdelay $0x1  }
0x4dc: {  	v14 =	vadd.s32 v14, v17  }
0x4dd: {  	(v2sf) =	vpush v14, $0x0;
	_ =	sdelay $0x6  }
0x4de: {  	v14 =	vmin.f32 v15, v16  }
0x4df: {  	v14 =	vsel vm1, v14, v15  }
0x4e0: {  	(xrf0) =	vmin.scan.msk.f32 $0xffff, v14;
	_ =	sdelay $0x5  }
0x4e1: {  	v14, _, _ =	vpop (xrf0);
	s26 =	spop (v2sf)  }
0x4e2: {  	v14 =	vbroadcast v14, $0xF;
	s26 =	sadd.s32 s23, s26  }
0x4e3: {  	p1 =	sgt.s32 s26, $0xCCC  }
0x4e4: {  	v15 =	vpsel p1, v14, v13;
	v14 =	vld [tilespmem:s25+$0x0]  }
.Ltmp68:
0x4e5: {  	v13 =	vmul.f32 $7.011718750e-01, v13;
	v15 =	vmul.f32 $2.988281250e-01, v15;
	(pc) =	sbr.rel @!p0 .LBB2_90-.Ltmp68, $3  }
0x4e6: {  	_ = 	snop  }
0x4e7: {  	v16 =	vadd.f32 v15, v13;
	_ =	sdelay $0x1  }
0x4e8: {  	s24 =	sadd.s32 $0xFFFFFFFF, s24;
	s25 =	simm.s32 $0x10010;
	v13 =	vimm.s32 $0x0;
	v15 =	vimm.f32 $0.0e+00;
	vm1 =	vgt.f32 v14, v16  }
.LBB2_89:
0x4e9: {  	p0 =	sne.s32 s24, $0x1;
	s24 =	sadd.s32 $0xFFFFFFFF, s24;
	v17 =	vmpcnt.ones.xlane vm1;
	v18 =	vnsel vm1, $0x0, v14;
	v14 =	vld [tilespmem:s25+$0x0]  }
.Ltmp69:
0x4ea: {  	v15 =	vadd.f32 v18, v15;
	(pc) =	sbr.rel @p0 .LBB2_89-.Ltmp69, $2  }
0x4eb: {  	v13 =	vadd.s32 v13, v17;
	_ =	sdelay $0x2  }
0x4ec: {  	s25 =	sadd.s32 $0x10, s25;
	vm1 =	vgt.f32 v14, v16  }
.LBB2_90:
.Ltmp70:
0x4ed: {  	(pc) =	sbr.rel .LBB2_91-.Ltmp70, $4  }
0x4ee: {  	_ = 	snop  }
0x4ef: {  	v16 =	vmpcnt.ones.xlane vm1  }
0x4f0: {  	v14 =	vnsel vm1, $0x0, v14  }
0x4f1: {  	v15 =	vadd.f32 v14, v15;
	v14 =	vadd.s32 v13, v16  }
.LBB2_92:
0x4f2: {  	_ =	sfence.sel $0x180000  }
0x4f3: {  	[bflag:$0x0] =	sbarrier.arrive $0xFFFF  }
0x4f4: {  	p0 =	sne.s32 s2, $0x0;
	_ =	strace $0x90000047  }
0x4f5: {  	s0 =	sadd.s32 @!p0 $0x100000, s0;
	[bflag:$0x2] =	sbarrier.arrive $0xFFFF  }
0x4f6: {  	[sflag:s0] =	ssyncadd.tile.s32 @!p0 $0x1;
	_ =	shalt  }
.Lfunc_end2:
_tile_overlayer_lowered:
.L_overlay_start_2:
0x4f7: {  	(tag) =	ssettag $0x2  }
0x4f8: {  	s0 =	rddreg [dreg:$0x0];
	s2 =	stileid.u32  }
0x4f9: {  	s1 =	rddreg [dreg:$0x1];
	p0 =	sne.s32 s2, $0x0  }
0x4fa: {  	s3 =	rddreg [dreg:$0x2];
	[bflag:$0x3] =	sbarrier.arrive $0xFFFF;
	s2 =	simm.s32 @!p0 $0x1C03  }
0x4fb: {  	[timem:s3], [sflag:s2] =	dma.local @!p0 [hbm:s0], s1  }
0x4fc: {  	s0 =	simm.s32 @!p0 $0x3  }
0x4fd: {  	_ =	swait.ge @!p0 [sflag:s0], s1  }
0x4fe: {  	s1 =	ssub.s32 @!p0 $0x0, s1;
	[sflag:s0] =	ssyncset.done @!p0 $0x0  }
0x4ff: {  	[sflag:s0] =	ssyncadd.s32 @!p0 s1  }
0x500: {  	[bflag:$0x3] =	sbarrier.arrive $0xFFFF  }
0x501: {  	_ =	shalt  }

</sc_bundles>
